<compile_context>
chip_gen: v7x
topology: tpu7x:2x2x1
jax: 0.10.2.dev20260603
libtpu: 0.0.44.dev20260713+nightly
codegen_flags: <defaults>
</compile_context>

<pallas_src>
import functools

import jax
import jax.numpy as jnp
from jax import lax
from jax.experimental import pallas as pl
from jax.experimental.pallas import tpu as pltpu
from jax.experimental.pallas import tpu_sc as plsc

N_NODES = 10000
N_EDGES = 320000
N_GRAPHS = 32
D = 128
D_OUT = 64

NC = 2
NS = 16
NW = NC * NS

N_PAD = 10112
ROWS_PER_TILE = N_PAD // NS
CHUNK = 128
E_PAD = 327680
CHUNKS_PER_TILE = E_PAD // (NW * CHUNK)

_mesh = plsc.VectorSubcoreMesh(core_axis_name="c", subcore_axis_name="s",
                               num_cores=NC, num_subcores=NS)


KB = 8
GROUPS = CHUNKS_PER_TILE // KB


def _sc_agg_body(h_hbm, src_hbm, dst_hbm, zrow_hbm, out_hbm,
                 srcA, dstA, srcB, dstB, rows0, rows1, acc, semg, semi):
    c = lax.axis_index("c")
    s = lax.axis_index("s")
    wid = c * NS + s
    row0 = s * ROWS_PER_TILE
    pltpu.sync_copy(zrow_hbm, acc.at[pl.ds(row0, ROWS_PER_TILE)])
    pltpu.sync_copy(src_hbm.at[wid, pl.ds(0, KB)], srcA)
    pltpu.sync_copy(dst_hbm.at[wid, pl.ds(0, KB)], dstA)
    plsc.subcore_barrier()

    rows = (rows0, rows1)

    def process(srcv, dstv):
        pltpu.async_copy(h_hbm.at[srcv.at[0]], rows[0], semg)
        for b in range(KB):
            if b + 1 < KB:
                pltpu.async_copy(h_hbm.at[srcv.at[b + 1]], rows[(b + 1) % 2], semg)
            pltpu.make_async_copy(h_hbm.at[srcv.at[b]], rows[b % 2], semg).wait()
            pltpu.sync_copy(rows[b % 2], acc.at[dstv.at[b]], add=True)

    def stage(off, sv, dv):
        pltpu.async_copy(src_hbm.at[wid, pl.ds(off, KB)], sv, semi)
        pltpu.async_copy(dst_hbm.at[wid, pl.ds(off, KB)], dv, semi)

    def drain(off, sv, dv):
        pltpu.make_async_copy(src_hbm.at[wid, pl.ds(off, KB)], sv, semi).wait()
        pltpu.make_async_copy(dst_hbm.at[wid, pl.ds(off, KB)], dv, semi).wait()

    def step(i, carry):
        off1 = (2 * i + 1) * KB
        stage(off1, srcB, dstB)
        process(srcA, dstA)
        drain(off1, srcB, dstB)
        off2 = jnp.minimum(2 * i + 2, GROUPS - 1) * KB
        stage(off2, srcA, dstA)
        process(srcB, dstB)
        drain(off2, srcA, dstA)
        return carry

    lax.fori_loop(0, GROUPS // 2, step, 0)
    plsc.subcore_barrier()
    pltpu.sync_copy(acc.at[pl.ds(row0, ROWS_PER_TILE)],
                    out_hbm.at[c, pl.ds(row0, ROWS_PER_TILE)])


_sc_agg = pl.kernel(
    _sc_agg_body,
    out_type=jax.ShapeDtypeStruct((NC, N_PAD, D), jnp.float32),
    mesh=_mesh,
    scratch_types=[
        pltpu.VMEM((KB, CHUNK), jnp.int32),
        pltpu.VMEM((KB, CHUNK), jnp.int32),
        pltpu.VMEM((KB, CHUNK), jnp.int32),
        pltpu.VMEM((KB, CHUNK), jnp.int32),
        pltpu.VMEM((CHUNK, D), jnp.float32),
        pltpu.VMEM((CHUNK, D), jnp.float32),
        pltpu.VMEM_SHARED((N_PAD, D), jnp.float32),
        pltpu.SemaphoreType.DMA,
        pltpu.SemaphoreType.DMA,
    ],
)




def _sc_cnt_body(dst_hbm, zrow_hbm, ones_hbm, out_hbm,
                 dstA, dstB, onesv, acc, semi):
    c = lax.axis_index("c")
    s = lax.axis_index("s")
    wid = c * NS + s
    row0 = s * ROWS_PER_TILE
    pltpu.sync_copy(zrow_hbm, acc.at[pl.ds(row0, ROWS_PER_TILE)])
    pltpu.sync_copy(ones_hbm, onesv)
    pltpu.sync_copy(dst_hbm.at[wid, pl.ds(0, KB)], dstA)
    plsc.subcore_barrier()

    def process(dstv):
        for b in range(KB):
            pltpu.sync_copy(onesv, acc.at[dstv.at[b]], add=True)

    def step(i, carry):
        off1 = (2 * i + 1) * KB
        pltpu.async_copy(dst_hbm.at[wid, pl.ds(off1, KB)], dstB, semi)
        process(dstA)
        pltpu.make_async_copy(dst_hbm.at[wid, pl.ds(off1, KB)], dstB, semi).wait()
        off2 = jnp.minimum(2 * i + 2, GROUPS - 1) * KB
        pltpu.async_copy(dst_hbm.at[wid, pl.ds(off2, KB)], dstA, semi)
        process(dstB)
        pltpu.make_async_copy(dst_hbm.at[wid, pl.ds(off2, KB)], dstA, semi).wait()
        return carry

    lax.fori_loop(0, GROUPS // 2, step, 0)
    plsc.subcore_barrier()
    pltpu.sync_copy(acc.at[pl.ds(row0, ROWS_PER_TILE)],
                    out_hbm.at[c, pl.ds(row0, ROWS_PER_TILE)])


_sc_cnt = pl.kernel(
    _sc_cnt_body,
    out_type=jax.ShapeDtypeStruct((NC, N_PAD, D), jnp.float32),
    mesh=_mesh,
    scratch_types=[
        pltpu.VMEM((KB, CHUNK), jnp.int32),
        pltpu.VMEM((KB, CHUNK), jnp.int32),
        pltpu.VMEM((CHUNK, D), jnp.float32),
        pltpu.VMEM_SHARED((N_PAD, D), jnp.float32),
        pltpu.SemaphoreType.DMA,
    ],
)

R = 1000
GRID = N_NODES // R


def _tc_layer_body(relu, acc_ref, cnt_ref, h_ref, wr_ref, b_ref, wo_ref, o_ref):
    ssum = acc_ref[0] + acc_ref[1]
    cnt = cnt_ref[0][:, 0:1] + cnt_ref[1][:, 0:1]
    mean = ssum / jnp.maximum(cnt, 1.0)
    y = (jnp.dot(mean, wr_ref[...], preferred_element_type=jnp.float32)
         + jnp.dot(h_ref[...], wo_ref[...], preferred_element_type=jnp.float32)
         + b_ref[...])
    o_ref[...] = jnp.maximum(y, 0.0) if relu else y


def _make_tc_layer(relu):
    return pl.pallas_call(
        functools.partial(_tc_layer_body, relu),
        grid=(GRID,),
        in_specs=[
            pl.BlockSpec((2, R, D), lambda i: (0, i, 0)),
            pl.BlockSpec((2, R, D), lambda i: (0, i, 0)),
            pl.BlockSpec((R, D), lambda i: (i, 0)),
            pl.BlockSpec((D, D), lambda i: (0, 0)),
            pl.BlockSpec((1, D), lambda i: (0, 0)),
            pl.BlockSpec((D, D), lambda i: (0, 0)),
        ],
        out_specs=pl.BlockSpec((R, D), lambda i: (i, 0)),
        out_shape=jax.ShapeDtypeStruct((N_NODES, D), jnp.float32),
    )


_tc_layer_relu = _make_tc_layer(True)


def _tc_pool_body(acc_ref, cnt_ref, h_ref, wr_ref, b_ref, wo_ref, batch_ref,
                  wl_ref, bl_ref, o_ref, pooled, gcnt):
    i = pl.program_id(0)

    @pl.when(i == 0)
    def _():
        pooled[...] = jnp.zeros_like(pooled)
        gcnt[...] = jnp.zeros_like(gcnt)

    ssum = acc_ref[0] + acc_ref[1]
    cnt = cnt_ref[0][:, 0:1] + cnt_ref[1][:, 0:1]
    mean = ssum / jnp.maximum(cnt, 1.0)
    h3 = (jnp.dot(mean, wr_ref[...], preferred_element_type=jnp.float32)
          + jnp.dot(h_ref[...], wo_ref[...], preferred_element_type=jnp.float32)
          + b_ref[...])
    onehot = (batch_ref[...] ==
              lax.broadcasted_iota(jnp.int32, (R, N_GRAPHS), 1)).astype(jnp.float32)
    pooled[...] += lax.dot_general(onehot, h3, (((0,), (0,)), ((), ())),
                                   preferred_element_type=jnp.float32)
    gcnt[...] += jnp.broadcast_to(jnp.sum(onehot, axis=0)[:, None], (N_GRAPHS, D))

    @pl.when(i == GRID - 1)
    def _():
        pm = pooled[...] / jnp.maximum(gcnt[...], 1.0)
        o_ref[...] = (jnp.dot(pm, wl_ref[...], preferred_element_type=jnp.float32)
                      + bl_ref[...])


_tc_pool = pl.pallas_call(
    _tc_pool_body,
    grid=(GRID,),
    in_specs=[
        pl.BlockSpec((2, R, D), lambda i: (0, i, 0)),
        pl.BlockSpec((2, R, D), lambda i: (0, i, 0)),
        pl.BlockSpec((R, D), lambda i: (i, 0)),
        pl.BlockSpec((D, D), lambda i: (0, 0)),
        pl.BlockSpec((1, D), lambda i: (0, 0)),
        pl.BlockSpec((D, D), lambda i: (0, 0)),
        pl.BlockSpec((R, 1), lambda i: (i, 0)),
        pl.BlockSpec((D, D_OUT), lambda i: (0, 0)),
        pl.BlockSpec((1, D_OUT), lambda i: (0, 0)),
    ],
    out_specs=pl.BlockSpec((N_GRAPHS, D_OUT), lambda i: (0, 0)),
    out_shape=jax.ShapeDtypeStruct((N_GRAPHS, D_OUT), jnp.float32),
    scratch_shapes=[
        pltpu.VMEM((N_GRAPHS, D), jnp.float32),
        pltpu.VMEM((N_GRAPHS, D), jnp.float32),
    ],
)


def kernel(x, edge_index, batch,
           W_rel1, b_rel1, W_root1,
           W_rel2, b_rel2, W_root2,
           W_rel3, b_rel3, W_root3,
           W_lin, b_lin):
    src = edge_index[0].astype(jnp.int32)
    dst = edge_index[1].astype(jnp.int32)
    pad_e = E_PAD - N_EDGES
    pad_src = jnp.arange(pad_e, dtype=jnp.int32) % N_NODES
    pad_dst = N_NODES + (jnp.arange(pad_e, dtype=jnp.int32) % (N_PAD - N_NODES))
    src_p = jnp.concatenate([src, pad_src]).reshape(NW, CHUNKS_PER_TILE, CHUNK)
    dst_p = jnp.concatenate([dst, pad_dst]).reshape(NW, CHUNKS_PER_TILE, CHUNK)
    zrow = jnp.zeros((ROWS_PER_TILE, D), jnp.float32)
    ones_rows = jnp.ones((CHUNK, D), jnp.float32)
    batch2d = batch.astype(jnp.int32).reshape(N_NODES, 1)

    wr1t, wo1t = W_rel1.T, W_root1.T
    wr2t, wo2t = W_rel2.T, W_root2.T
    wr3t, wo3t = W_rel3.T, W_root3.T
    wlt = W_lin.T
    b1 = b_rel1.reshape(1, D)
    b2 = b_rel2.reshape(1, D)
    b3 = b_rel3.reshape(1, D)
    bl = b_lin.reshape(1, D_OUT)

    cnt = _sc_cnt(dst_p, zrow, ones_rows)
    acc1 = _sc_agg(x, src_p, dst_p, zrow)
    h1 = _tc_layer_relu(acc1, cnt, x, wr1t, b1, wo1t)
    acc2 = _sc_agg(h1, src_p, dst_p, zrow)
    h2 = _tc_layer_relu(acc2, cnt, h1, wr2t, b2, wo2t)
    acc3 = _sc_agg(h2, src_p, dst_p, zrow)
    return _tc_pool(acc3, cnt, h2, wr3t, b3, wo3t, batch2d, wlt, bl)

# --- scband reference (transcript-rebuilt; emitter-appended) ---
"""Pipeline reference for scband-gcn-20091857010810 (READ-ONLY COPY).

The authoritative reference and input builder live on the scoring server;
editing this copy changes nothing except your own understanding.
"""

import jax, jax.numpy as jnp
import numpy as np

N_NODES = 10000
N_EDGES = 320000
N_GRAPHS = 32
D_IN = 128
D_HID = 128
D_OUT = 64


def setup_inputs(seed: int = 0) -> dict:
    key = jax.random.key(seed)
    ks = jax.random.split(key, 16)
    x = jax.random.normal(ks[0], (N_NODES, D_IN), dtype=jnp.float32)
    edge_index = jax.random.randint(ks[1], (2, N_EDGES), 0, N_NODES, dtype=jnp.int64)
    batch = jnp.sort(jax.random.randint(ks[2], (N_NODES,), 0, N_GRAPHS, dtype=jnp.int64))
    def lin_w(k, fan_in, fan_out):
        bound = 1.0 / np.sqrt(fan_in)
        return jax.random.uniform(k, (fan_out, fan_in), jnp.float32, -bound, bound)
    def lin_b(k, fan_in, fan_out):
        bound = 1.0 / np.sqrt(fan_in)
        return jax.random.uniform(k, (fan_out,), jnp.float32, -bound, bound)
    return {
        "x": x, "edge_index": edge_index, "batch": batch,
        "W_rel1": lin_w(ks[3], D_IN, D_HID),  "b_rel1": lin_b(ks[4], D_IN, D_HID),  "W_root1": lin_w(ks[5], D_IN, D_HID),
        "W_rel2": lin_w(ks[6], D_HID, D_HID), "b_rel2": lin_b(ks[7], D_HID, D_HID), "W_root2": lin_w(ks[8], D_HID, D_HID),
        "W_rel3": lin_w(ks[9], D_HID, D_HID), "b_rel3": lin_b(ks[10], D_HID, D_HID), "W_root3": lin_w(ks[11], D_HID, D_HID),
        "W_lin": lin_w(ks[12], D_HID, D_OUT), "b_lin": lin_b(ks[13], D_HID, D_OUT),
    }


def _graph_conv_mean(x, edge_index, W_rel, b_rel, W_root):
    # PyG GraphConv: out = lin_rel(mean_{j in N(i)} x_j) + lin_root(x_i)
    src = edge_index[0]
    dst = edge_index[1]
    msg = jnp.take(x, src, axis=0)                                   # gather
    summed = jax.ops.segment_sum(msg, dst, num_segments=N_NODES)      # scatter-add
    cnt = jax.ops.segment_sum(jnp.ones((msg.shape[0],), x.dtype), dst, num_segments=N_NODES)
    mean = summed / jnp.clip(cnt, 1.0, None)[:, None]
    return mean @ W_rel.T + b_rel + x @ W_root.T


def reference(x, edge_index, batch,
              W_rel1, b_rel1, W_root1,
              W_rel2, b_rel2, W_root2,
              W_rel3, b_rel3, W_root3,
              W_lin, b_lin):
    h = _graph_conv_mean(x, edge_index, W_rel1, b_rel1, W_root1)
    h = jax.nn.relu(h)
    h = _graph_conv_mean(h, edge_index, W_rel2, b_rel2, W_root2)
    h = jax.nn.relu(h)
    h = _graph_conv_mean(h, edge_index, W_rel3, b_rel3, W_root3)
    # global_mean_pool over batch assignment (segment mean)
    pooled_sum = jax.ops.segment_sum(h, batch, num_segments=N_GRAPHS)
    gcnt = jax.ops.segment_sum(jnp.ones((h.shape[0],), h.dtype), batch, num_segments=N_GRAPHS)
    pooled = pooled_sum / jnp.clip(gcnt, 1.0, None)[:, None]
    # dropout p=0.5 is identity in eval mode (training=False)
    return pooled @ W_lin.T + b_lin

if __name__ == "__main__":
    import jax
    _d = setup_inputs()
    print(jax.jit(kernel)(*tuple(_d.values())))

</pallas_src>

<mosaic_0001>
#map = affine_map<(d0, d1) -> (0, 0)>
#map1 = affine_map<(d0, d1) -> (0, 0, 0)>
module attributes {stable_mosaic.version = 14 : i64} {
  func.func @_sc_agg_body(%arg0: i32, %arg1: i32, %arg2: memref<10000x128xf32, #tpu.memory_space<hbm>>, %arg3: memref<32x80x128xi32, #tpu.memory_space<hbm>>, %arg4: memref<32x80x128xi32, #tpu.memory_space<hbm>>, %arg5: memref<632x128xf32, #tpu.memory_space<hbm>>, %arg6: memref<2x10112x128xf32, #tpu.memory_space<hbm>>, %arg7: memref<8x128xi32, #tpu.memory_space<vmem>>, %arg8: memref<8x128xi32, #tpu.memory_space<vmem>>, %arg9: memref<8x128xi32, #tpu.memory_space<vmem>>, %arg10: memref<8x128xi32, #tpu.memory_space<vmem>>, %arg11: memref<128x128xf32, #tpu.memory_space<vmem>>, %arg12: memref<128x128xf32, #tpu.memory_space<vmem>>, %arg13: memref<10112x128xf32, #tpu.memory_space<vmem_shared>>, %arg14: memref<!tpu.dma_semaphore, #tpu.memory_space<semaphore_mem>>, %arg15: memref<!tpu.dma_semaphore, #tpu.memory_space<semaphore_mem>>) attributes {dimension_semantics = [#tpu.dimension_semantics<core_parallel>, #tpu.dimension_semantics<subcore_parallel>], iteration_bounds = array<i64: 2, 16>, scalar_prefetch = 0 : i64, scratch_operands = 9 : i64, tpu.core_type = #tpu.core_type<sc_vector_subcore>, window_params = [{transform_indices = #map}, {transform_indices = #map1}, {transform_indices = #map1}, {transform_indices = #map}, {transform_indices = #map1}]} {
    %mul3A = arith.constant 16 : i32
    %mul3A_0 = arith.muli %arg0, %mul3A : i32
    %add3A = arith.addi %mul3A_0, %arg1 : i32
    %mul3A_1 = arith.constant 632 : i32
    %mul3A_2 = arith.muli %arg1, %mul3A_1 : i32
    "tpu.region"() ({
      %run_scoped3A = tpu.sem_alloc : memref<!tpu.dma_semaphore, #tpu.memory_space<semaphore_mem>>
      %dma_start3A = arith.constant 0 : i32
      %dma_start3A_9 = tpu.memref_slice %arg13[%mul3A_2, %dma_start3A] : memref<10112x128xf32, #tpu.memory_space<vmem_shared>> -> memref<632x128xf32, #tpu.memory_space<vmem_shared>>
      tpu.enqueue_dma source(%arg5 : memref<632x128xf32, #tpu.memory_space<hbm>>) target(%dma_start3A_9 : memref<632x128xf32, #tpu.memory_space<vmem_shared>>) target_semaphore(%run_scoped3A : memref<!tpu.dma_semaphore, #tpu.memory_space<semaphore_mem>>)
      %dma_wait3A = arith.constant 0 : i32
      %dma_wait3A_10 = tpu.memref_slice %arg13[%mul3A_2, %dma_wait3A] : memref<10112x128xf32, #tpu.memory_space<vmem_shared>> -> memref<632x128xf32, #tpu.memory_space<vmem_shared>>
      tpu.wait_dma2 semaphore(%run_scoped3A : memref<!tpu.dma_semaphore, #tpu.memory_space<semaphore_mem>>) src(%arg5 : memref<632x128xf32, #tpu.memory_space<hbm>>) dst(%dma_wait3A_10 : memref<632x128xf32, #tpu.memory_space<vmem_shared>>)
      tpu.yield
    }) : () -> ()
    "tpu.region"() ({
      %run_scoped3A = tpu.sem_alloc : memref<!tpu.dma_semaphore, #tpu.memory_space<semaphore_mem>>
      %dma_start3A = arith.constant 0 : i32
      %dma_start3A_9 = arith.constant 0 : i32
      %dma_start3A_10 = tpu.memref_slice %arg3[%add3A, %dma_start3A, %dma_start3A_9] : memref<32x80x128xi32, #tpu.memory_space<hbm>> -> memref<1x8x128xi32, #tpu.memory_space<hbm>>
      %dma_start3A_11 = tpu.memref_squeeze %dma_start3A_10 : memref<1x8x128xi32, #tpu.memory_space<hbm>> -> memref<8x128xi32, #tpu.memory_space<hbm>>
      %dma_start3A_12 = arith.constant 0 : i32
      %dma_start3A_13 = arith.constant 0 : i32
      %dma_start3A_14 = tpu.memref_slice %arg3[%add3A, %dma_start3A_12, %dma_start3A_13] : memref<32x80x128xi32, #tpu.memory_space<hbm>> -> memref<1x8x128xi32, #tpu.memory_space<hbm>>
      %dma_start3A_15 = tpu.memref_squeeze %dma_start3A_14 : memref<1x8x128xi32, #tpu.memory_space<hbm>> -> memref<8x128xi32, #tpu.memory_space<hbm>>
      tpu.enqueue_dma source(%dma_start3A_15 : memref<8x128xi32, #tpu.memory_space<hbm>>) target(%arg7 : memref<8x128xi32, #tpu.memory_space<vmem>>) target_semaphore(%run_scoped3A : memref<!tpu.dma_semaphore, #tpu.memory_space<semaphore_mem>>)
      %dma_wait3A = arith.constant 0 : i32
      %dma_wait3A_16 = arith.constant 0 : i32
      %dma_wait3A_17 = tpu.memref_slice %arg3[%add3A, %dma_wait3A, %dma_wait3A_16] : memref<32x80x128xi32, #tpu.memory_space<hbm>> -> memref<1x8x128xi32, #tpu.memory_space<hbm>>
      %dma_wait3A_18 = tpu.memref_squeeze %dma_wait3A_17 : memref<1x8x128xi32, #tpu.memory_space<hbm>> -> memref<8x128xi32, #tpu.memory_space<hbm>>
      %dma_wait3A_19 = arith.constant 0 : i32
      %dma_wait3A_20 = arith.constant 0 : i32
      %dma_wait3A_21 = tpu.memref_slice %arg3[%add3A, %dma_wait3A_19, %dma_wait3A_20] : memref<32x80x128xi32, #tpu.memory_space<hbm>> -> memref<1x8x128xi32, #tpu.memory_space<hbm>>
      %dma_wait3A_22 = tpu.memref_squeeze %dma_wait3A_21 : memref<1x8x128xi32, #tpu.memory_space<hbm>> -> memref<8x128xi32, #tpu.memory_space<hbm>>
      tpu.wait_dma2 semaphore(%run_scoped3A : memref<!tpu.dma_semaphore, #tpu.memory_space<semaphore_mem>>) src(%dma_wait3A_22 : memref<8x128xi32, #tpu.memory_space<hbm>>) dst(%arg7 : memref<8x128xi32, #tpu.memory_space<vmem>>)
      tpu.yield
    }) : () -> ()
    "tpu.region"() ({
      %run_scoped3A = tpu.sem_alloc : memref<!tpu.dma_semaphore, #tpu.memory_space<semaphore_mem>>
      %dma_start3A = arith.constant 0 : i32
      %dma_start3A_9 = arith.constant 0 : i32
      %dma_start3A_10 = tpu.memref_slice %arg4[%add3A, %dma_start3A, %dma_start3A_9] : memref<32x80x128xi32, #tpu.memory_space<hbm>> -> memref<1x8x128xi32, #tpu.memory_space<hbm>>
      %dma_start3A_11 = tpu.memref_squeeze %dma_start3A_10 : memref<1x8x128xi32, #tpu.memory_space<hbm>> -> memref<8x128xi32, #tpu.memory_space<hbm>>
      %dma_start3A_12 = arith.constant 0 : i32
      %dma_start3A_13 = arith.constant 0 : i32
      %dma_start3A_14 = tpu.memref_slice %arg4[%add3A, %dma_start3A_12, %dma_start3A_13] : memref<32x80x128xi32, #tpu.memory_space<hbm>> -> memref<1x8x128xi32, #tpu.memory_space<hbm>>
      %dma_start3A_15 = tpu.memref_squeeze %dma_start3A_14 : memref<1x8x128xi32, #tpu.memory_space<hbm>> -> memref<8x128xi32, #tpu.memory_space<hbm>>
      tpu.enqueue_dma source(%dma_start3A_15 : memref<8x128xi32, #tpu.memory_space<hbm>>) target(%arg8 : memref<8x128xi32, #tpu.memory_space<vmem>>) target_semaphore(%run_scoped3A : memref<!tpu.dma_semaphore, #tpu.memory_space<semaphore_mem>>)
      %dma_wait3A = arith.constant 0 : i32
      %dma_wait3A_16 = arith.constant 0 : i32
      %dma_wait3A_17 = tpu.memref_slice %arg4[%add3A, %dma_wait3A, %dma_wait3A_16] : memref<32x80x128xi32, #tpu.memory_space<hbm>> -> memref<1x8x128xi32, #tpu.memory_space<hbm>>
      %dma_wait3A_18 = tpu.memref_squeeze %dma_wait3A_17 : memref<1x8x128xi32, #tpu.memory_space<hbm>> -> memref<8x128xi32, #tpu.memory_space<hbm>>
      %dma_wait3A_19 = arith.constant 0 : i32
      %dma_wait3A_20 = arith.constant 0 : i32
      %dma_wait3A_21 = tpu.memref_slice %arg4[%add3A, %dma_wait3A_19, %dma_wait3A_20] : memref<32x80x128xi32, #tpu.memory_space<hbm>> -> memref<1x8x128xi32, #tpu.memory_space<hbm>>
      %dma_wait3A_22 = tpu.memref_squeeze %dma_wait3A_21 : memref<1x8x128xi32, #tpu.memory_space<hbm>> -> memref<8x128xi32, #tpu.memory_space<hbm>>
      tpu.wait_dma2 semaphore(%run_scoped3A : memref<!tpu.dma_semaphore, #tpu.memory_space<semaphore_mem>>) src(%dma_wait3A_22 : memref<8x128xi32, #tpu.memory_space<hbm>>) dst(%arg8 : memref<8x128xi32, #tpu.memory_space<vmem>>)
      tpu.yield
    }) : () -> ()
    %barrier3A = arith.constant 0 : index
    tpu.barrier barrier_id(%barrier3A)
    %scan3A = arith.constant 0 : i32
    %scan3A_3 = arith.constant 0 : i32
    %scan3A_4 = arith.constant 5 : i32
    %scan3A_5 = arith.addi %scan3A_3, %scan3A_4 : i32
    %scan3A_6 = arith.constant 1 : i32
    scf.for %scan3A_9 = %scan3A_3 to %scan3A_5 step %scan3A_6  : i32 {
      %mul3A_10 = arith.constant 2 : i32
      %mul3A_11 = arith.muli %mul3A_10, %scan3A_9 : i32
      %add3A_12 = arith.constant 1 : i32
      %add3A_13 = arith.addi %mul3A_11, %add3A_12 : i32
      %mul3A_14 = arith.constant 8 : i32
      %mul3A_15 = arith.muli %add3A_13, %mul3A_14 : i32
      %dma_start3A = arith.constant 0 : i32
      %dma_start3A_16 = tpu.memref_slice %arg3[%add3A, %mul3A_15, %dma_start3A] : memref<32x80x128xi32, #tpu.memory_space<hbm>> -> memref<1x8x128xi32, #tpu.memory_space<hbm>>
      %dma_start3A_17 = tpu.memref_squeeze %dma_start3A_16 : memref<1x8x128xi32, #tpu.memory_space<hbm>> -> memref<8x128xi32, #tpu.memory_space<hbm>>
      %dma_start3A_18 = arith.constant 0 : i32
      %dma_start3A_19 = tpu.memref_slice %arg3[%add3A, %mul3A_15, %dma_start3A_18] : memref<32x80x128xi32, #tpu.memory_space<hbm>> -> memref<1x8x128xi32, #tpu.memory_space<hbm>>
      %dma_start3A_20 = tpu.memref_squeeze %dma_start3A_19 : memref<1x8x128xi32, #tpu.memory_space<hbm>> -> memref<8x128xi32, #tpu.memory_space<hbm>>
      tpu.enqueue_dma source(%dma_start3A_20 : memref<8x128xi32, #tpu.memory_space<hbm>>) target(%arg9 : memref<8x128xi32, #tpu.memory_space<vmem>>) target_semaphore(%arg15 : memref<!tpu.dma_semaphore, #tpu.memory_space<semaphore_mem>>)
      %dma_start3A_21 = arith.constant 0 : i32
      %dma_start3A_22 = tpu.memref_slice %arg4[%add3A, %mul3A_15, %dma_start3A_21] : memref<32x80x128xi32, #tpu.memory_space<hbm>> -> memref<1x8x128xi32, #tpu.memory_space<hbm>>
      %dma_start3A_23 = tpu.memref_squeeze %dma_start3A_22 : memref<1x8x128xi32, #tpu.memory_space<hbm>> -> memref<8x128xi32, #tpu.memory_space<hbm>>
      %dma_start3A_24 = arith.constant 0 : i32
      %dma_start3A_25 = tpu.memref_slice %arg4[%add3A, %mul3A_15, %dma_start3A_24] : memref<32x80x128xi32, #tpu.memory_space<hbm>> -> memref<1x8x128xi32, #tpu.memory_space<hbm>>
      %dma_start3A_26 = tpu.memref_squeeze %dma_start3A_25 : memref<1x8x128xi32, #tpu.memory_space<hbm>> -> memref<8x128xi32, #tpu.memory_space<hbm>>
      tpu.enqueue_dma source(%dma_start3A_26 : memref<8x128xi32, #tpu.memory_space<hbm>>) target(%arg10 : memref<8x128xi32, #tpu.memory_space<vmem>>) target_semaphore(%arg15 : memref<!tpu.dma_semaphore, #tpu.memory_space<semaphore_mem>>)
      %dma_start3A_27 = arith.constant 0 : i32
      %dma_start3A_28 = arith.constant 0 : i32
      %dma_start3A_29 = tpu.memref_slice %arg7[%dma_start3A_27, %dma_start3A_28] : memref<8x128xi32, #tpu.memory_space<vmem>> -> memref<1x128xi32, #tpu.memory_space<vmem>>
      %dma_start3A_30 = tpu.memref_squeeze %dma_start3A_29 : memref<1x128xi32, #tpu.memory_space<vmem>> -> memref<128xi32, #tpu.memory_space<vmem>>
      %dma_start3A_31 = arith.constant 0 : i32
      %dma_start3A_32 = arith.constant 0 : i32
      %dma_start3A_33 = tpu.memref_slice %arg2[%dma_start3A_31, %dma_start3A_32] : memref<10000x128xf32, #tpu.memory_space<hbm>> -> memref<10000x128xf32, #tpu.memory_space<hbm>>
      tpu.enqueue_indirect_dma source(%dma_start3A_33 : memref<10000x128xf32, #tpu.memory_space<hbm>>) target(%arg11 : memref<128x128xf32, #tpu.memory_space<vmem>>) offsets(%dma_start3A_30 : memref<128xi32, #tpu.memory_space<vmem>>) semaphore(%arg14 : memref<!tpu.dma_semaphore, #tpu.memory_space<semaphore_mem>>)
      %dma_start3A_34 = arith.constant 1 : i32
      %dma_start3A_35 = arith.constant 0 : i32
      %dma_start3A_36 = tpu.memref_slice %arg7[%dma_start3A_34, %dma_start3A_35] : memref<8x128xi32, #tpu.memory_space<vmem>> -> memref<1x128xi32, #tpu.memory_space<vmem>>
      %dma_start3A_37 = tpu.memref_squeeze %dma_start3A_36 : memref<1x128xi32, #tpu.memory_space<vmem>> -> memref<128xi32, #tpu.memory_space<vmem>>
      %dma_start3A_38 = arith.constant 0 : i32
      %dma_start3A_39 = arith.constant 0 : i32
      %dma_start3A_40 = tpu.memref_slice %arg2[%dma_start3A_38, %dma_start3A_39] : memref<10000x128xf32, #tpu.memory_space<hbm>> -> memref<10000x128xf32, #tpu.memory_space<hbm>>
      tpu.enqueue_indirect_dma source(%dma_start3A_40 : memref<10000x128xf32, #tpu.memory_space<hbm>>) target(%arg12 : memref<128x128xf32, #tpu.memory_space<vmem>>) offsets(%dma_start3A_37 : memref<128xi32, #tpu.memory_space<vmem>>) semaphore(%arg14 : memref<!tpu.dma_semaphore, #tpu.memory_space<semaphore_mem>>)
      %dma_wait3A = arith.constant 0 : i32
      %dma_wait3A_41 = arith.constant 0 : i32
      %dma_wait3A_42 = tpu.memref_slice %arg7[%dma_wait3A, %dma_wait3A_41] : memref<8x128xi32, #tpu.memory_space<vmem>> -> memref<1x128xi32, #tpu.memory_space<vmem>>
      %dma_wait3A_43 = tpu.memref_squeeze %dma_wait3A_42 : memref<1x128xi32, #tpu.memory_space<vmem>> -> memref<128xi32, #tpu.memory_space<vmem>>
      %dma_wait3A_44 = arith.constant 0 : i32
      %dma_wait3A_45 = arith.constant 0 : i32
      %dma_wait3A_46 = tpu.memref_slice %arg2[%dma_wait3A_44, %dma_wait3A_45] : memref<10000x128xf32, #tpu.memory_space<hbm>> -> memref<10000x128xf32, #tpu.memory_space<hbm>>
      tpu.wait_indirect_dma semaphore(%arg14 : memref<!tpu.dma_semaphore, #tpu.memory_space<semaphore_mem>>) src(%dma_wait3A_46 : memref<10000x128xf32, #tpu.memory_space<hbm>>) dst(%arg11 : memref<128x128xf32, #tpu.memory_space<vmem>>)
      %run_scoped3A = arith.constant 0 : i32
      "tpu.region"() ({
        %run_scoped3A_308 = tpu.sem_alloc : memref<!tpu.dma_semaphore, #tpu.memory_space<semaphore_mem>>
        %dma_start3A_309 = arith.constant 0 : i32
        %dma_start3A_310 = tpu.memref_slice %arg8[%run_scoped3A, %dma_start3A_309] : memref<8x128xi32, #tpu.memory_space<vmem>> -> memref<1x128xi32, #tpu.memory_space<vmem>>
        %dma_start3A_311 = tpu.memref_squeeze %dma_start3A_310 : memref<1x128xi32, #tpu.memory_space<vmem>> -> memref<128xi32, #tpu.memory_space<vmem>>
        %dma_start3A_312 = arith.constant 0 : i32
        %dma_start3A_313 = arith.constant 0 : i32
        %dma_start3A_314 = tpu.memref_slice %arg13[%dma_start3A_312, %dma_start3A_313] : memref<10112x128xf32, #tpu.memory_space<vmem_shared>> -> memref<10112x128xf32, #tpu.memory_space<vmem_shared>>
        tpu.enqueue_indirect_dma source(%arg11 : memref<128x128xf32, #tpu.memory_space<vmem>>) target(%dma_start3A_314 : memref<10112x128xf32, #tpu.memory_space<vmem_shared>>) offsets(%dma_start3A_311 : memref<128xi32, #tpu.memory_space<vmem>>) semaphore(%run_scoped3A_308 : memref<!tpu.dma_semaphore, #tpu.memory_space<semaphore_mem>>) {add = true}
        %dma_wait3A_315 = arith.constant 0 : i32
        %dma_wait3A_316 = tpu.memref_slice %arg8[%run_scoped3A, %dma_wait3A_315] : memref<8x128xi32, #tpu.memory_space<vmem>> -> memref<1x128xi32, #tpu.memory_space<vmem>>
        %dma_wait3A_317 = tpu.memref_squeeze %dma_wait3A_316 : memref<1x128xi32, #tpu.memory_space<vmem>> -> memref<128xi32, #tpu.memory_space<vmem>>
        %dma_wait3A_318 = arith.constant 0 : i32
        %dma_wait3A_319 = arith.constant 0 : i32
        %dma_wait3A_320 = tpu.memref_slice %arg13[%dma_wait3A_318, %dma_wait3A_319] : memref<10112x128xf32, #tpu.memory_space<vmem_shared>> -> memref<10112x128xf32, #tpu.memory_space<vmem_shared>>
        tpu.wait_indirect_dma semaphore(%run_scoped3A_308 : memref<!tpu.dma_semaphore, #tpu.memory_space<semaphore_mem>>) src(%arg11 : memref<128x128xf32, #tpu.memory_space<vmem>>) dst(%dma_wait3A_320 : memref<10112x128xf32, #tpu.memory_space<vmem_shared>>)
        tpu.yield
      }) : () -> ()
      %dma_start3A_47 = arith.constant 2 : i32
      %dma_start3A_48 = arith.constant 0 : i32
      %dma_start3A_49 = tpu.memref_slice %arg7[%dma_start3A_47, %dma_start3A_48] : memref<8x128xi32, #tpu.memory_space<vmem>> -> memref<1x128xi32, #tpu.memory_space<vmem>>
      %dma_start3A_50 = tpu.memref_squeeze %dma_start3A_49 : memref<1x128xi32, #tpu.memory_space<vmem>> -> memref<128xi32, #tpu.memory_space<vmem>>
      %dma_start3A_51 = arith.constant 0 : i32
      %dma_start3A_52 = arith.constant 0 : i32
      %dma_start3A_53 = tpu.memref_slice %arg2[%dma_start3A_51, %dma_start3A_52] : memref<10000x128xf32, #tpu.memory_space<hbm>> -> memref<10000x128xf32, #tpu.memory_space<hbm>>
      tpu.enqueue_indirect_dma source(%dma_start3A_53 : memref<10000x128xf32, #tpu.memory_space<hbm>>) target(%arg11 : memref<128x128xf32, #tpu.memory_space<vmem>>) offsets(%dma_start3A_50 : memref<128xi32, #tpu.memory_space<vmem>>) semaphore(%arg14 : memref<!tpu.dma_semaphore, #tpu.memory_space<semaphore_mem>>)
      %dma_wait3A_54 = arith.constant 1 : i32
      %dma_wait3A_55 = arith.constant 0 : i32
      %dma_wait3A_56 = tpu.memref_slice %arg7[%dma_wait3A_54, %dma_wait3A_55] : memref<8x128xi32, #tpu.memory_space<vmem>> -> memref<1x128xi32, #tpu.memory_space<vmem>>
      %dma_wait3A_57 = tpu.memref_squeeze %dma_wait3A_56 : memref<1x128xi32, #tpu.memory_space<vmem>> -> memref<128xi32, #tpu.memory_space<vmem>>
      %dma_wait3A_58 = arith.constant 0 : i32
      %dma_wait3A_59 = arith.constant 0 : i32
      %dma_wait3A_60 = tpu.memref_slice %arg2[%dma_wait3A_58, %dma_wait3A_59] : memref<10000x128xf32, #tpu.memory_space<hbm>> -> memref<10000x128xf32, #tpu.memory_space<hbm>>
      tpu.wait_indirect_dma semaphore(%arg14 : memref<!tpu.dma_semaphore, #tpu.memory_space<semaphore_mem>>) src(%dma_wait3A_60 : memref<10000x128xf32, #tpu.memory_space<hbm>>) dst(%arg12 : memref<128x128xf32, #tpu.memory_space<vmem>>)
      %run_scoped3A_61 = arith.constant 1 : i32
      "tpu.region"() ({
        %run_scoped3A_308 = tpu.sem_alloc : memref<!tpu.dma_semaphore, #tpu.memory_space<semaphore_mem>>
        %dma_start3A_309 = arith.constant 0 : i32
        %dma_start3A_310 = tpu.memref_slice %arg8[%run_scoped3A_61, %dma_start3A_309] : memref<8x128xi32, #tpu.memory_space<vmem>> -> memref<1x128xi32, #tpu.memory_space<vmem>>
        %dma_start3A_311 = tpu.memref_squeeze %dma_start3A_310 : memref<1x128xi32, #tpu.memory_space<vmem>> -> memref<128xi32, #tpu.memory_space<vmem>>
        %dma_start3A_312 = arith.constant 0 : i32
        %dma_start3A_313 = arith.constant 0 : i32
        %dma_start3A_314 = tpu.memref_slice %arg13[%dma_start3A_312, %dma_start3A_313] : memref<10112x128xf32, #tpu.memory_space<vmem_shared>> -> memref<10112x128xf32, #tpu.memory_space<vmem_shared>>
        tpu.enqueue_indirect_dma source(%arg12 : memref<128x128xf32, #tpu.memory_space<vmem>>) target(%dma_start3A_314 : memref<10112x128xf32, #tpu.memory_space<vmem_shared>>) offsets(%dma_start3A_311 : memref<128xi32, #tpu.memory_space<vmem>>) semaphore(%run_scoped3A_308 : memref<!tpu.dma_semaphore, #tpu.memory_space<semaphore_mem>>) {add = true}
        %dma_wait3A_315 = arith.constant 0 : i32
        %dma_wait3A_316 = tpu.memref_slice %arg8[%run_scoped3A_61, %dma_wait3A_315] : memref<8x128xi32, #tpu.memory_space<vmem>> -> memref<1x128xi32, #tpu.memory_space<vmem>>
        %dma_wait3A_317 = tpu.memref_squeeze %dma_wait3A_316 : memref<1x128xi32, #tpu.memory_space<vmem>> -> memref<128xi32, #tpu.memory_space<vmem>>
        %dma_wait3A_318 = arith.constant 0 : i32
        %dma_wait3A_319 = arith.constant 0 : i32
        %dma_wait3A_320 = tpu.memref_slice %arg13[%dma_wait3A_318, %dma_wait3A_319] : memref<10112x128xf32, #tpu.memory_space<vmem_shared>> -> memref<10112x128xf32, #tpu.memory_space<vmem_shared>>
        tpu.wait_indirect_dma semaphore(%run_scoped3A_308 : memref<!tpu.dma_semaphore, #tpu.memory_space<semaphore_mem>>) src(%arg12 : memref<128x128xf32, #tpu.memory_space<vmem>>) dst(%dma_wait3A_320 : memref<10112x128xf32, #tpu.memory_space<vmem_shared>>)
        tpu.yield
      }) : () -> ()
      %dma_start3A_62 = arith.constant 3 : i32
      %dma_start3A_63 = arith.constant 0 : i32
      %dma_start3A_64 = tpu.memref_slice %arg7[%dma_start3A_62, %dma_start3A_63] : memref<8x128xi32, #tpu.memory_space<vmem>> -> memref<1x128xi32, #tpu.memory_space<vmem>>
      %dma_start3A_65 = tpu.memref_squeeze %dma_start3A_64 : memref<1x128xi32, #tpu.memory_space<vmem>> -> memref<128xi32, #tpu.memory_space<vmem>>
      %dma_start3A_66 = arith.constant 0 : i32
      %dma_start3A_67 = arith.constant 0 : i32
      %dma_start3A_68 = tpu.memref_slice %arg2[%dma_start3A_66, %dma_start3A_67] : memref<10000x128xf32, #tpu.memory_space<hbm>> -> memref<10000x128xf32, #tpu.memory_space<hbm>>
      tpu.enqueue_indirect_dma source(%dma_start3A_68 : memref<10000x128xf32, #tpu.memory_space<hbm>>) target(%arg12 : memref<128x128xf32, #tpu.memory_space<vmem>>) offsets(%dma_start3A_65 : memref<128xi32, #tpu.memory_space<vmem>>) semaphore(%arg14 : memref<!tpu.dma_semaphore, #tpu.memory_space<semaphore_mem>>)
      %dma_wait3A_69 = arith.constant 2 : i32
      %dma_wait3A_70 = arith.constant 0 : i32
      %dma_wait3A_71 = tpu.memref_slice %arg7[%dma_wait3A_69, %dma_wait3A_70] : memref<8x128xi32, #tpu.memory_space<vmem>> -> memref<1x128xi32, #tpu.memory_space<vmem>>
      %dma_wait3A_72 = tpu.memref_squeeze %dma_wait3A_71 : memref<1x128xi32, #tpu.memory_space<vmem>> -> memref<128xi32, #tpu.memory_space<vmem>>
      %dma_wait3A_73 = arith.constant 0 : i32
      %dma_wait3A_74 = arith.constant 0 : i32
      %dma_wait3A_75 = tpu.memref_slice %arg2[%dma_wait3A_73, %dma_wait3A_74] : memref<10000x128xf32, #tpu.memory_space<hbm>> -> memref<10000x128xf32, #tpu.memory_space<hbm>>
      tpu.wait_indirect_dma semaphore(%arg14 : memref<!tpu.dma_semaphore, #tpu.memory_space<semaphore_mem>>) src(%dma_wait3A_75 : memref<10000x128xf32, #tpu.memory_space<hbm>>) dst(%arg11 : memref<128x128xf32, #tpu.memory_space<vmem>>)
      %run_scoped3A_76 = arith.constant 2 : i32
      "tpu.region"() ({
        %run_scoped3A_308 = tpu.sem_alloc : memref<!tpu.dma_semaphore, #tpu.memory_space<semaphore_mem>>
        %dma_start3A_309 = arith.constant 0 : i32
        %dma_start3A_310 = tpu.memref_slice %arg8[%run_scoped3A_76, %dma_start3A_309] : memref<8x128xi32, #tpu.memory_space<vmem>> -> memref<1x128xi32, #tpu.memory_space<vmem>>
        %dma_start3A_311 = tpu.memref_squeeze %dma_start3A_310 : memref<1x128xi32, #tpu.memory_space<vmem>> -> memref<128xi32, #tpu.memory_space<vmem>>
        %dma_start3A_312 = arith.constant 0 : i32
        %dma_start3A_313 = arith.constant 0 : i32
        %dma_start3A_314 = tpu.memref_slice %arg13[%dma_start3A_312, %dma_start3A_313] : memref<10112x128xf32, #tpu.memory_space<vmem_shared>> -> memref<10112x128xf32, #tpu.memory_space<vmem_shared>>
        tpu.enqueue_indirect_dma source(%arg11 : memref<128x128xf32, #tpu.memory_space<vmem>>) target(%dma_start3A_314 : memref<10112x128xf32, #tpu.memory_space<vmem_shared>>) offsets(%dma_start3A_311 : memref<128xi32, #tpu.memory_space<vmem>>) semaphore(%run_scoped3A_308 : memref<!tpu.dma_semaphore, #tpu.memory_space<semaphore_mem>>) {add = true}
        %dma_wait3A_315 = arith.constant 0 : i32
        %dma_wait3A_316 = tpu.memref_slice %arg8[%run_scoped3A_76, %dma_wait3A_315] : memref<8x128xi32, #tpu.memory_space<vmem>> -> memref<1x128xi32, #tpu.memory_space<vmem>>
        %dma_wait3A_317 = tpu.memref_squeeze %dma_wait3A_316 : memref<1x128xi32, #tpu.memory_space<vmem>> -> memref<128xi32, #tpu.memory_space<vmem>>
        %dma_wait3A_318 = arith.constant 0 : i32
        %dma_wait3A_319 = arith.constant 0 : i32
        %dma_wait3A_320 = tpu.memref_slice %arg13[%dma_wait3A_318, %dma_wait3A_319] : memref<10112x128xf32, #tpu.memory_space<vmem_shared>> -> memref<10112x128xf32, #tpu.memory_space<vmem_shared>>
        tpu.wait_indirect_dma semaphore(%run_scoped3A_308 : memref<!tpu.dma_semaphore, #tpu.memory_space<semaphore_mem>>) src(%arg11 : memref<128x128xf32, #tpu.memory_space<vmem>>) dst(%dma_wait3A_320 : memref<10112x128xf32, #tpu.memory_space<vmem_shared>>)
        tpu.yield
      }) : () -> ()
      %dma_start3A_77 = arith.constant 4 : i32
      %dma_start3A_78 = arith.constant 0 : i32
      %dma_start3A_79 = tpu.memref_slice %arg7[%dma_start3A_77, %dma_start3A_78] : memref<8x128xi32, #tpu.memory_space<vmem>> -> memref<1x128xi32, #tpu.memory_space<vmem>>
      %dma_start3A_80 = tpu.memref_squeeze %dma_start3A_79 : memref<1x128xi32, #tpu.memory_space<vmem>> -> memref<128xi32, #tpu.memory_space<vmem>>
      %dma_start3A_81 = arith.constant 0 : i32
      %dma_start3A_82 = arith.constant 0 : i32
      %dma_start3A_83 = tpu.memref_slice %arg2[%dma_start3A_81, %dma_start3A_82] : memref<10000x128xf32, #tpu.memory_space<hbm>> -> memref<10000x128xf32, #tpu.memory_space<hbm>>
      tpu.enqueue_indirect_dma source(%dma_start3A_83 : memref<10000x128xf32, #tpu.memory_space<hbm>>) target(%arg11 : memref<128x128xf32, #tpu.memory_space<vmem>>) offsets(%dma_start3A_80 : memref<128xi32, #tpu.memory_space<vmem>>) semaphore(%arg14 : memref<!tpu.dma_semaphore, #tpu.memory_space<semaphore_mem>>)
      %dma_wait3A_84 = arith.constant 3 : i32
      %dma_wait3A_85 = arith.constant 0 : i32
      %dma_wait3A_86 = tpu.memref_slice %arg7[%dma_wait3A_84, %dma_wait3A_85] : memref<8x128xi32, #tpu.memory_space<vmem>> -> memref<1x128xi32, #tpu.memory_space<vmem>>
      %dma_wait3A_87 = tpu.memref_squeeze %dma_wait3A_86 : memref<1x128xi32, #tpu.memory_space<vmem>> -> memref<128xi32, #tpu.memory_space<vmem>>
      %dma_wait3A_88 = arith.constant 0 : i32
      %dma_wait3A_89 = arith.constant 0 : i32
      %dma_wait3A_90 = tpu.memref_slice %arg2[%dma_wait3A_88, %dma_wait3A_89] : memref<10000x128xf32, #tpu.memory_space<hbm>> -> memref<10000x128xf32, #tpu.memory_space<hbm>>
      tpu.wait_indirect_dma semaphore(%arg14 : memref<!tpu.dma_semaphore, #tpu.memory_space<semaphore_mem>>) src(%dma_wait3A_90 : memref<10000x128xf32, #tpu.memory_space<hbm>>) dst(%arg12 : memref<128x128xf32, #tpu.memory_space<vmem>>)
      %run_scoped3A_91 = arith.constant 3 : i32
      "tpu.region"() ({
        %run_scoped3A_308 = tpu.sem_alloc : memref<!tpu.dma_semaphore, #tpu.memory_space<semaphore_mem>>
        %dma_start3A_309 = arith.constant 0 : i32
        %dma_start3A_310 = tpu.memref_slice %arg8[%run_scoped3A_91, %dma_start3A_309] : memref<8x128xi32, #tpu.memory_space<vmem>> -> memref<1x128xi32, #tpu.memory_space<vmem>>
        %dma_start3A_311 = tpu.memref_squeeze %dma_start3A_310 : memref<1x128xi32, #tpu.memory_space<vmem>> -> memref<128xi32, #tpu.memory_space<vmem>>
        %dma_start3A_312 = arith.constant 0 : i32
        %dma_start3A_313 = arith.constant 0 : i32
        %dma_start3A_314 = tpu.memref_slice %arg13[%dma_start3A_312, %dma_start3A_313] : memref<10112x128xf32, #tpu.memory_space<vmem_shared>> -> memref<10112x128xf32, #tpu.memory_space<vmem_shared>>
        tpu.enqueue_indirect_dma source(%arg12 : memref<128x128xf32, #tpu.memory_space<vmem>>) target(%dma_start3A_314 : memref<10112x128xf32, #tpu.memory_space<vmem_shared>>) offsets(%dma_start3A_311 : memref<128xi32, #tpu.memory_space<vmem>>) semaphore(%run_scoped3A_308 : memref<!tpu.dma_semaphore, #tpu.memory_space<semaphore_mem>>) {add = true}
        %dma_wait3A_315 = arith.constant 0 : i32
        %dma_wait3A_316 = tpu.memref_slice %arg8[%run_scoped3A_91, %dma_wait3A_315] : memref<8x128xi32, #tpu.memory_space<vmem>> -> memref<1x128xi32, #tpu.memory_space<vmem>>
        %dma_wait3A_317 = tpu.memref_squeeze %dma_wait3A_316 : memref<1x128xi32, #tpu.memory_space<vmem>> -> memref<128xi32, #tpu.memory_space<vmem>>
        %dma_wait3A_318 = arith.constant 0 : i32
        %dma_wait3A_319 = arith.constant 0 : i32
        %dma_wait3A_320 = tpu.memref_slice %arg13[%dma_wait3A_318, %dma_wait3A_319] : memref<10112x128xf32, #tpu.memory_space<vmem_shared>> -> memref<10112x128xf32, #tpu.memory_space<vmem_shared>>
        tpu.wait_indirect_dma semaphore(%run_scoped3A_308 : memref<!tpu.dma_semaphore, #tpu.memory_space<semaphore_mem>>) src(%arg12 : memref<128x128xf32, #tpu.memory_space<vmem>>) dst(%dma_wait3A_320 : memref<10112x128xf32, #tpu.memory_space<vmem_shared>>)
        tpu.yield
      }) : () -> ()
      %dma_start3A_92 = arith.constant 5 : i32
      %dma_start3A_93 = arith.constant 0 : i32
      %dma_start3A_94 = tpu.memref_slice %arg7[%dma_start3A_92, %dma_start3A_93] : memref<8x128xi32, #tpu.memory_space<vmem>> -> memref<1x128xi32, #tpu.memory_space<vmem>>
      %dma_start3A_95 = tpu.memref_squeeze %dma_start3A_94 : memref<1x128xi32, #tpu.memory_space<vmem>> -> memref<128xi32, #tpu.memory_space<vmem>>
      %dma_start3A_96 = arith.constant 0 : i32
      %dma_start3A_97 = arith.constant 0 : i32
      %dma_start3A_98 = tpu.memref_slice %arg2[%dma_start3A_96, %dma_start3A_97] : memref<10000x128xf32, #tpu.memory_space<hbm>> -> memref<10000x128xf32, #tpu.memory_space<hbm>>
      tpu.enqueue_indirect_dma source(%dma_start3A_98 : memref<10000x128xf32, #tpu.memory_space<hbm>>) target(%arg12 : memref<128x128xf32, #tpu.memory_space<vmem>>) offsets(%dma_start3A_95 : memref<128xi32, #tpu.memory_space<vmem>>) semaphore(%arg14 : memref<!tpu.dma_semaphore, #tpu.memory_space<semaphore_mem>>)
      %dma_wait3A_99 = arith.constant 4 : i32
      %dma_wait3A_100 = arith.constant 0 : i32
      %dma_wait3A_101 = tpu.memref_slice %arg7[%dma_wait3A_99, %dma_wait3A_100] : memref<8x128xi32, #tpu.memory_space<vmem>> -> memref<1x128xi32, #tpu.memory_space<vmem>>
      %dma_wait3A_102 = tpu.memref_squeeze %dma_wait3A_101 : memref<1x128xi32, #tpu.memory_space<vmem>> -> memref<128xi32, #tpu.memory_space<vmem>>
      %dma_wait3A_103 = arith.constant 0 : i32
      %dma_wait3A_104 = arith.constant 0 : i32
      %dma_wait3A_105 = tpu.memref_slice %arg2[%dma_wait3A_103, %dma_wait3A_104] : memref<10000x128xf32, #tpu.memory_space<hbm>> -> memref<10000x128xf32, #tpu.memory_space<hbm>>
      tpu.wait_indirect_dma semaphore(%arg14 : memref<!tpu.dma_semaphore, #tpu.memory_space<semaphore_mem>>) src(%dma_wait3A_105 : memref<10000x128xf32, #tpu.memory_space<hbm>>) dst(%arg11 : memref<128x128xf32, #tpu.memory_space<vmem>>)
      %run_scoped3A_106 = arith.constant 4 : i32
      "tpu.region"() ({
        %run_scoped3A_308 = tpu.sem_alloc : memref<!tpu.dma_semaphore, #tpu.memory_space<semaphore_mem>>
        %dma_start3A_309 = arith.constant 0 : i32
        %dma_start3A_310 = tpu.memref_slice %arg8[%run_scoped3A_106, %dma_start3A_309] : memref<8x128xi32, #tpu.memory_space<vmem>> -> memref<1x128xi32, #tpu.memory_space<vmem>>
        %dma_start3A_311 = tpu.memref_squeeze %dma_start3A_310 : memref<1x128xi32, #tpu.memory_space<vmem>> -> memref<128xi32, #tpu.memory_space<vmem>>
        %dma_start3A_312 = arith.constant 0 : i32
        %dma_start3A_313 = arith.constant 0 : i32
        %dma_start3A_314 = tpu.memref_slice %arg13[%dma_start3A_312, %dma_start3A_313] : memref<10112x128xf32, #tpu.memory_space<vmem_shared>> -> memref<10112x128xf32, #tpu.memory_space<vmem_shared>>
        tpu.enqueue_indirect_dma source(%arg11 : memref<128x128xf32, #tpu.memory_space<vmem>>) target(%dma_start3A_314 : memref<10112x128xf32, #tpu.memory_space<vmem_shared>>) offsets(%dma_start3A_311 : memref<128xi32, #tpu.memory_space<vmem>>) semaphore(%run_scoped3A_308 : memref<!tpu.dma_semaphore, #tpu.memory_space<semaphore_mem>>) {add = true}
        %dma_wait3A_315 = arith.constant 0 : i32
        %dma_wait3A_316 = tpu.memref_slice %arg8[%run_scoped3A_106, %dma_wait3A_315] : memref<8x128xi32, #tpu.memory_space<vmem>> -> memref<1x128xi32, #tpu.memory_space<vmem>>
        %dma_wait3A_317 = tpu.memref_squeeze %dma_wait3A_316 : memref<1x128xi32, #tpu.memory_space<vmem>> -> memref<128xi32, #tpu.memory_space<vmem>>
        %dma_wait3A_318 = arith.constant 0 : i32
        %dma_wait3A_319 = arith.constant 0 : i32
        %dma_wait3A_320 = tpu.memref_slice %arg13[%dma_wait3A_318, %dma_wait3A_319] : memref<10112x128xf32, #tpu.memory_space<vmem_shared>> -> memref<10112x128xf32, #tpu.memory_space<vmem_shared>>
        tpu.wait_indirect_dma semaphore(%run_scoped3A_308 : memref<!tpu.dma_semaphore, #tpu.memory_space<semaphore_mem>>) src(%arg11 : memref<128x128xf32, #tpu.memory_space<vmem>>) dst(%dma_wait3A_320 : memref<10112x128xf32, #tpu.memory_space<vmem_shared>>)
        tpu.yield
      }) : () -> ()
      %dma_start3A_107 = arith.constant 6 : i32
      %dma_start3A_108 = arith.constant 0 : i32
      %dma_start3A_109 = tpu.memref_slice %arg7[%dma_start3A_107, %dma_start3A_108] : memref<8x128xi32, #tpu.memory_space<vmem>> -> memref<1x128xi32, #tpu.memory_space<vmem>>
      %dma_start3A_110 = tpu.memref_squeeze %dma_start3A_109 : memref<1x128xi32, #tpu.memory_space<vmem>> -> memref<128xi32, #tpu.memory_space<vmem>>
      %dma_start3A_111 = arith.constant 0 : i32
      %dma_start3A_112 = arith.constant 0 : i32
      %dma_start3A_113 = tpu.memref_slice %arg2[%dma_start3A_111, %dma_start3A_112] : memref<10000x128xf32, #tpu.memory_space<hbm>> -> memref<10000x128xf32, #tpu.memory_space<hbm>>
      tpu.enqueue_indirect_dma source(%dma_start3A_113 : memref<10000x128xf32, #tpu.memory_space<hbm>>) target(%arg11 : memref<128x128xf32, #tpu.memory_space<vmem>>) offsets(%dma_start3A_110 : memref<128xi32, #tpu.memory_space<vmem>>) semaphore(%arg14 : memref<!tpu.dma_semaphore, #tpu.memory_space<semaphore_mem>>)
      %dma_wait3A_114 = arith.constant 5 : i32
      %dma_wait3A_115 = arith.constant 0 : i32
      %dma_wait3A_116 = tpu.memref_slice %arg7[%dma_wait3A_114, %dma_wait3A_115] : memref<8x128xi32, #tpu.memory_space<vmem>> -> memref<1x128xi32, #tpu.memory_space<vmem>>
      %dma_wait3A_117 = tpu.memref_squeeze %dma_wait3A_116 : memref<1x128xi32, #tpu.memory_space<vmem>> -> memref<128xi32, #tpu.memory_space<vmem>>
      %dma_wait3A_118 = arith.constant 0 : i32
      %dma_wait3A_119 = arith.constant 0 : i32
      %dma_wait3A_120 = tpu.memref_slice %arg2[%dma_wait3A_118, %dma_wait3A_119] : memref<10000x128xf32, #tpu.memory_space<hbm>> -> memref<10000x128xf32, #tpu.memory_space<hbm>>
      tpu.wait_indirect_dma semaphore(%arg14 : memref<!tpu.dma_semaphore, #tpu.memory_space<semaphore_mem>>) src(%dma_wait3A_120 : memref<10000x128xf32, #tpu.memory_space<hbm>>) dst(%arg12 : memref<128x128xf32, #tpu.memory_space<vmem>>)
      %run_scoped3A_121 = arith.constant 5 : i32
      "tpu.region"() ({
        %run_scoped3A_308 = tpu.sem_alloc : memref<!tpu.dma_semaphore, #tpu.memory_space<semaphore_mem>>
        %dma_start3A_309 = arith.constant 0 : i32
        %dma_start3A_310 = tpu.memref_slice %arg8[%run_scoped3A_121, %dma_start3A_309] : memref<8x128xi32, #tpu.memory_space<vmem>> -> memref<1x128xi32, #tpu.memory_space<vmem>>
        %dma_start3A_311 = tpu.memref_squeeze %dma_start3A_310 : memref<1x128xi32, #tpu.memory_space<vmem>> -> memref<128xi32, #tpu.memory_space<vmem>>
        %dma_start3A_312 = arith.constant 0 : i32
        %dma_start3A_313 = arith.constant 0 : i32
        %dma_start3A_314 = tpu.memref_slice %arg13[%dma_start3A_312, %dma_start3A_313] : memref<10112x128xf32, #tpu.memory_space<vmem_shared>> -> memref<10112x128xf32, #tpu.memory_space<vmem_shared>>
        tpu.enqueue_indirect_dma source(%arg12 : memref<128x128xf32, #tpu.memory_space<vmem>>) target(%dma_start3A_314 : memref<10112x128xf32, #tpu.memory_space<vmem_shared>>) offsets(%dma_start3A_311 : memref<128xi32, #tpu.memory_space<vmem>>) semaphore(%run_scoped3A_308 : memref<!tpu.dma_semaphore, #tpu.memory_space<semaphore_mem>>) {add = true}
        %dma_wait3A_315 = arith.constant 0 : i32
        %dma_wait3A_316 = tpu.memref_slice %arg8[%run_scoped3A_121, %dma_wait3A_315] : memref<8x128xi32, #tpu.memory_space<vmem>> -> memref<1x128xi32, #tpu.memory_space<vmem>>
        %dma_wait3A_317 = tpu.memref_squeeze %dma_wait3A_316 : memref<1x128xi32, #tpu.memory_space<vmem>> -> memref<128xi32, #tpu.memory_space<vmem>>
        %dma_wait3A_318 = arith.constant 0 : i32
        %dma_wait3A_319 = arith.constant 0 : i32
        %dma_wait3A_320 = tpu.memref_slice %arg13[%dma_wait3A_318, %dma_wait3A_319] : memref<10112x128xf32, #tpu.memory_space<vmem_shared>> -> memref<10112x128xf32, #tpu.memory_space<vmem_shared>>
        tpu.wait_indirect_dma semaphore(%run_scoped3A_308 : memref<!tpu.dma_semaphore, #tpu.memory_space<semaphore_mem>>) src(%arg12 : memref<128x128xf32, #tpu.memory_space<vmem>>) dst(%dma_wait3A_320 : memref<10112x128xf32, #tpu.memory_space<vmem_shared>>)
        tpu.yield
      }) : () -> ()
      %dma_start3A_122 = arith.constant 7 : i32
      %dma_start3A_123 = arith.constant 0 : i32
      %dma_start3A_124 = tpu.memref_slice %arg7[%dma_start3A_122, %dma_start3A_123] : memref<8x128xi32, #tpu.memory_space<vmem>> -> memref<1x128xi32, #tpu.memory_space<vmem>>
      %dma_start3A_125 = tpu.memref_squeeze %dma_start3A_124 : memref<1x128xi32, #tpu.memory_space<vmem>> -> memref<128xi32, #tpu.memory_space<vmem>>
      %dma_start3A_126 = arith.constant 0 : i32
      %dma_start3A_127 = arith.constant 0 : i32
      %dma_start3A_128 = tpu.memref_slice %arg2[%dma_start3A_126, %dma_start3A_127] : memref<10000x128xf32, #tpu.memory_space<hbm>> -> memref<10000x128xf32, #tpu.memory_space<hbm>>
      tpu.enqueue_indirect_dma source(%dma_start3A_128 : memref<10000x128xf32, #tpu.memory_space<hbm>>) target(%arg12 : memref<128x128xf32, #tpu.memory_space<vmem>>) offsets(%dma_start3A_125 : memref<128xi32, #tpu.memory_space<vmem>>) semaphore(%arg14 : memref<!tpu.dma_semaphore, #tpu.memory_space<semaphore_mem>>)
      %dma_wait3A_129 = arith.constant 6 : i32
      %dma_wait3A_130 = arith.constant 0 : i32
      %dma_wait3A_131 = tpu.memref_slice %arg7[%dma_wait3A_129, %dma_wait3A_130] : memref<8x128xi32, #tpu.memory_space<vmem>> -> memref<1x128xi32, #tpu.memory_space<vmem>>
      %dma_wait3A_132 = tpu.memref_squeeze %dma_wait3A_131 : memref<1x128xi32, #tpu.memory_space<vmem>> -> memref<128xi32, #tpu.memory_space<vmem>>
      %dma_wait3A_133 = arith.constant 0 : i32
      %dma_wait3A_134 = arith.constant 0 : i32
      %dma_wait3A_135 = tpu.memref_slice %arg2[%dma_wait3A_133, %dma_wait3A_134] : memref<10000x128xf32, #tpu.memory_space<hbm>> -> memref<10000x128xf32, #tpu.memory_space<hbm>>
      tpu.wait_indirect_dma semaphore(%arg14 : memref<!tpu.dma_semaphore, #tpu.memory_space<semaphore_mem>>) src(%dma_wait3A_135 : memref<10000x128xf32, #tpu.memory_space<hbm>>) dst(%arg11 : memref<128x128xf32, #tpu.memory_space<vmem>>)
      %run_scoped3A_136 = arith.constant 6 : i32
      "tpu.region"() ({
        %run_scoped3A_308 = tpu.sem_alloc : memref<!tpu.dma_semaphore, #tpu.memory_space<semaphore_mem>>
        %dma_start3A_309 = arith.constant 0 : i32
        %dma_start3A_310 = tpu.memref_slice %arg8[%run_scoped3A_136, %dma_start3A_309] : memref<8x128xi32, #tpu.memory_space<vmem>> -> memref<1x128xi32, #tpu.memory_space<vmem>>
        %dma_start3A_311 = tpu.memref_squeeze %dma_start3A_310 : memref<1x128xi32, #tpu.memory_space<vmem>> -> memref<128xi32, #tpu.memory_space<vmem>>
        %dma_start3A_312 = arith.constant 0 : i32
        %dma_start3A_313 = arith.constant 0 : i32
        %dma_start3A_314 = tpu.memref_slice %arg13[%dma_start3A_312, %dma_start3A_313] : memref<10112x128xf32, #tpu.memory_space<vmem_shared>> -> memref<10112x128xf32, #tpu.memory_space<vmem_shared>>
        tpu.enqueue_indirect_dma source(%arg11 : memref<128x128xf32, #tpu.memory_space<vmem>>) target(%dma_start3A_314 : memref<10112x128xf32, #tpu.memory_space<vmem_shared>>) offsets(%dma_start3A_311 : memref<128xi32, #tpu.memory_space<vmem>>) semaphore(%run_scoped3A_308 : memref<!tpu.dma_semaphore, #tpu.memory_space<semaphore_mem>>) {add = true}
        %dma_wait3A_315 = arith.constant 0 : i32
        %dma_wait3A_316 = tpu.memref_slice %arg8[%run_scoped3A_136, %dma_wait3A_315] : memref<8x128xi32, #tpu.memory_space<vmem>> -> memref<1x128xi32, #tpu.memory_space<vmem>>
        %dma_wait3A_317 = tpu.memref_squeeze %dma_wait3A_316 : memref<1x128xi32, #tpu.memory_space<vmem>> -> memref<128xi32, #tpu.memory_space<vmem>>
        %dma_wait3A_318 = arith.constant 0 : i32
        %dma_wait3A_319 = arith.constant 0 : i32
        %dma_wait3A_320 = tpu.memref_slice %arg13[%dma_wait3A_318, %dma_wait3A_319] : memref<10112x128xf32, #tpu.memory_space<vmem_shared>> -> memref<10112x128xf32, #tpu.memory_space<vmem_shared>>
        tpu.wait_indirect_dma semaphore(%run_scoped3A_308 : memref<!tpu.dma_semaphore, #tpu.memory_space<semaphore_mem>>) src(%arg11 : memref<128x128xf32, #tpu.memory_space<vmem>>) dst(%dma_wait3A_320 : memref<10112x128xf32, #tpu.memory_space<vmem_shared>>)
        tpu.yield
      }) : () -> ()
      %dma_wait3A_137 = arith.constant 7 : i32
      %dma_wait3A_138 = arith.constant 0 : i32
      %dma_wait3A_139 = tpu.memref_slice %arg7[%dma_wait3A_137, %dma_wait3A_138] : memref<8x128xi32, #tpu.memory_space<vmem>> -> memref<1x128xi32, #tpu.memory_space<vmem>>
      %dma_wait3A_140 = tpu.memref_squeeze %dma_wait3A_139 : memref<1x128xi32, #tpu.memory_space<vmem>> -> memref<128xi32, #tpu.memory_space<vmem>>
      %dma_wait3A_141 = arith.constant 0 : i32
      %dma_wait3A_142 = arith.constant 0 : i32
      %dma_wait3A_143 = tpu.memref_slice %arg2[%dma_wait3A_141, %dma_wait3A_142] : memref<10000x128xf32, #tpu.memory_space<hbm>> -> memref<10000x128xf32, #tpu.memory_space<hbm>>
      tpu.wait_indirect_dma semaphore(%arg14 : memref<!tpu.dma_semaphore, #tpu.memory_space<semaphore_mem>>) src(%dma_wait3A_143 : memref<10000x128xf32, #tpu.memory_space<hbm>>) dst(%arg12 : memref<128x128xf32, #tpu.memory_space<vmem>>)
      %run_scoped3A_144 = arith.constant 7 : i32
      "tpu.region"() ({
        %run_scoped3A_308 = tpu.sem_alloc : memref<!tpu.dma_semaphore, #tpu.memory_space<semaphore_mem>>
        %dma_start3A_309 = arith.constant 0 : i32
        %dma_start3A_310 = tpu.memref_slice %arg8[%run_scoped3A_144, %dma_start3A_309] : memref<8x128xi32, #tpu.memory_space<vmem>> -> memref<1x128xi32, #tpu.memory_space<vmem>>
        %dma_start3A_311 = tpu.memref_squeeze %dma_start3A_310 : memref<1x128xi32, #tpu.memory_space<vmem>> -> memref<128xi32, #tpu.memory_space<vmem>>
        %dma_start3A_312 = arith.constant 0 : i32
        %dma_start3A_313 = arith.constant 0 : i32
        %dma_start3A_314 = tpu.memref_slice %arg13[%dma_start3A_312, %dma_start3A_313] : memref<10112x128xf32, #tpu.memory_space<vmem_shared>> -> memref<10112x128xf32, #tpu.memory_space<vmem_shared>>
        tpu.enqueue_indirect_dma source(%arg12 : memref<128x128xf32, #tpu.memory_space<vmem>>) target(%dma_start3A_314 : memref<10112x128xf32, #tpu.memory_space<vmem_shared>>) offsets(%dma_start3A_311 : memref<128xi32, #tpu.memory_space<vmem>>) semaphore(%run_scoped3A_308 : memref<!tpu.dma_semaphore, #tpu.memory_space<semaphore_mem>>) {add = true}
        %dma_wait3A_315 = arith.constant 0 : i32
        %dma_wait3A_316 = tpu.memref_slice %arg8[%run_scoped3A_144, %dma_wait3A_315] : memref<8x128xi32, #tpu.memory_space<vmem>> -> memref<1x128xi32, #tpu.memory_space<vmem>>
        %dma_wait3A_317 = tpu.memref_squeeze %dma_wait3A_316 : memref<1x128xi32, #tpu.memory_space<vmem>> -> memref<128xi32, #tpu.memory_space<vmem>>
        %dma_wait3A_318 = arith.constant 0 : i32
        %dma_wait3A_319 = arith.constant 0 : i32
        %dma_wait3A_320 = tpu.memref_slice %arg13[%dma_wait3A_318, %dma_wait3A_319] : memref<10112x128xf32, #tpu.memory_space<vmem_shared>> -> memref<10112x128xf32, #tpu.memory_space<vmem_shared>>
        tpu.wait_indirect_dma semaphore(%run_scoped3A_308 : memref<!tpu.dma_semaphore, #tpu.memory_space<semaphore_mem>>) src(%arg12 : memref<128x128xf32, #tpu.memory_space<vmem>>) dst(%dma_wait3A_320 : memref<10112x128xf32, #tpu.memory_space<vmem_shared>>)
        tpu.yield
      }) : () -> ()
      %dma_wait3A_145 = arith.constant 0 : i32
      %dma_wait3A_146 = tpu.memref_slice %arg3[%add3A, %mul3A_15, %dma_wait3A_145] : memref<32x80x128xi32, #tpu.memory_space<hbm>> -> memref<1x8x128xi32, #tpu.memory_space<hbm>>
      %dma_wait3A_147 = tpu.memref_squeeze %dma_wait3A_146 : memref<1x8x128xi32, #tpu.memory_space<hbm>> -> memref<8x128xi32, #tpu.memory_space<hbm>>
      %dma_wait3A_148 = arith.constant 0 : i32
      %dma_wait3A_149 = tpu.memref_slice %arg3[%add3A, %mul3A_15, %dma_wait3A_148] : memref<32x80x128xi32, #tpu.memory_space<hbm>> -> memref<1x8x128xi32, #tpu.memory_space<hbm>>
      %dma_wait3A_150 = tpu.memref_squeeze %dma_wait3A_149 : memref<1x8x128xi32, #tpu.memory_space<hbm>> -> memref<8x128xi32, #tpu.memory_space<hbm>>
      tpu.wait_dma2 semaphore(%arg15 : memref<!tpu.dma_semaphore, #tpu.memory_space<semaphore_mem>>) src(%dma_wait3A_150 : memref<8x128xi32, #tpu.memory_space<hbm>>) dst(%arg9 : memref<8x128xi32, #tpu.memory_space<vmem>>)
      %dma_wait3A_151 = arith.constant 0 : i32
      %dma_wait3A_152 = tpu.memref_slice %arg4[%add3A, %mul3A_15, %dma_wait3A_151] : memref<32x80x128xi32, #tpu.memory_space<hbm>> -> memref<1x8x128xi32, #tpu.memory_space<hbm>>
      %dma_wait3A_153 = tpu.memref_squeeze %dma_wait3A_152 : memref<1x8x128xi32, #tpu.memory_space<hbm>> -> memref<8x128xi32, #tpu.memory_space<hbm>>
      %dma_wait3A_154 = arith.constant 0 : i32
      %dma_wait3A_155 = tpu.memref_slice %arg4[%add3A, %mul3A_15, %dma_wait3A_154] : memref<32x80x128xi32, #tpu.memory_space<hbm>> -> memref<1x8x128xi32, #tpu.memory_space<hbm>>
      %dma_wait3A_156 = tpu.memref_squeeze %dma_wait3A_155 : memref<1x8x128xi32, #tpu.memory_space<hbm>> -> memref<8x128xi32, #tpu.memory_space<hbm>>
      tpu.wait_dma2 semaphore(%arg15 : memref<!tpu.dma_semaphore, #tpu.memory_space<semaphore_mem>>) src(%dma_wait3A_156 : memref<8x128xi32, #tpu.memory_space<hbm>>) dst(%arg10 : memref<8x128xi32, #tpu.memory_space<vmem>>)
      %mul3A_157 = arith.constant 2 : i32
      %mul3A_158 = arith.muli %mul3A_157, %scan3A_9 : i32
      %add3A_159 = arith.constant 2 : i32
      %add3A_160 = arith.addi %mul3A_158, %add3A_159 : i32
      %min3A = arith.constant 9 : i32
      %min3A_161 = arith.minsi %add3A_160, %min3A : i32
      %mul3A_162 = arith.constant 8 : i32
      %mul3A_163 = arith.muli %min3A_161, %mul3A_162 : i32
      %dma_start3A_164 = arith.constant 0 : i32
      %dma_start3A_165 = tpu.memref_slice %arg3[%add3A, %mul3A_163, %dma_start3A_164] : memref<32x80x128xi32, #tpu.memory_space<hbm>> -> memref<1x8x128xi32, #tpu.memory_space<hbm>>
      %dma_start3A_166 = tpu.memref_squeeze %dma_start3A_165 : memref<1x8x128xi32, #tpu.memory_space<hbm>> -> memref<8x128xi32, #tpu.memory_space<hbm>>
      %dma_start3A_167 = arith.constant 0 : i32
      %dma_start3A_168 = tpu.memref_slice %arg3[%add3A, %mul3A_163, %dma_start3A_167] : memref<32x80x128xi32, #tpu.memory_space<hbm>> -> memref<1x8x128xi32, #tpu.memory_space<hbm>>
      %dma_start3A_169 = tpu.memref_squeeze %dma_start3A_168 : memref<1x8x128xi32, #tpu.memory_space<hbm>> -> memref<8x128xi32, #tpu.memory_space<hbm>>
      tpu.enqueue_dma source(%dma_start3A_169 : memref<8x128xi32, #tpu.memory_space<hbm>>) target(%arg7 : memref<8x128xi32, #tpu.memory_space<vmem>>) target_semaphore(%arg15 : memref<!tpu.dma_semaphore, #tpu.memory_space<semaphore_mem>>)
      %dma_start3A_170 = arith.constant 0 : i32
      %dma_start3A_171 = tpu.memref_slice %arg4[%add3A, %mul3A_163, %dma_start3A_170] : memref<32x80x128xi32, #tpu.memory_space<hbm>> -> memref<1x8x128xi32, #tpu.memory_space<hbm>>
      %dma_start3A_172 = tpu.memref_squeeze %dma_start3A_171 : memref<1x8x128xi32, #tpu.memory_space<hbm>> -> memref<8x128xi32, #tpu.memory_space<hbm>>
      %dma_start3A_173 = arith.constant 0 : i32
      %dma_start3A_174 = tpu.memref_slice %arg4[%add3A, %mul3A_163, %dma_start3A_173] : memref<32x80x128xi32, #tpu.memory_space<hbm>> -> memref<1x8x128xi32, #tpu.memory_space<hbm>>
      %dma_start3A_175 = tpu.memref_squeeze %dma_start3A_174 : memref<1x8x128xi32, #tpu.memory_space<hbm>> -> memref<8x128xi32, #tpu.memory_space<hbm>>
      tpu.enqueue_dma source(%dma_start3A_175 : memref<8x128xi32, #tpu.memory_space<hbm>>) target(%arg8 : memref<8x128xi32, #tpu.memory_space<vmem>>) target_semaphore(%arg15 : memref<!tpu.dma_semaphore, #tpu.memory_space<semaphore_mem>>)
      %dma_start3A_176 = arith.constant 0 : i32
      %dma_start3A_177 = arith.constant 0 : i32
      %dma_start3A_178 = tpu.memref_slice %arg9[%dma_start3A_176, %dma_start3A_177] : memref<8x128xi32, #tpu.memory_space<vmem>> -> memref<1x128xi32, #tpu.memory_space<vmem>>
      %dma_start3A_179 = tpu.memref_squeeze %dma_start3A_178 : memref<1x128xi32, #tpu.memory_space<vmem>> -> memref<128xi32, #tpu.memory_space<vmem>>
      %dma_start3A_180 = arith.constant 0 : i32
      %dma_start3A_181 = arith.constant 0 : i32
      %dma_start3A_182 = tpu.memref_slice %arg2[%dma_start3A_180, %dma_start3A_181] : memref<10000x128xf32, #tpu.memory_space<hbm>> -> memref<10000x128xf32, #tpu.memory_space<hbm>>
      tpu.enqueue_indirect_dma source(%dma_start3A_182 : memref<10000x128xf32, #tpu.memory_space<hbm>>) target(%arg11 : memref<128x128xf32, #tpu.memory_space<vmem>>) offsets(%dma_start3A_179 : memref<128xi32, #tpu.memory_space<vmem>>) semaphore(%arg14 : memref<!tpu.dma_semaphore, #tpu.memory_space<semaphore_mem>>)
      %dma_start3A_183 = arith.constant 1 : i32
      %dma_start3A_184 = arith.constant 0 : i32
      %dma_start3A_185 = tpu.memref_slice %arg9[%dma_start3A_183, %dma_start3A_184] : memref<8x128xi32, #tpu.memory_space<vmem>> -> memref<1x128xi32, #tpu.memory_space<vmem>>
      %dma_start3A_186 = tpu.memref_squeeze %dma_start3A_185 : memref<1x128xi32, #tpu.memory_space<vmem>> -> memref<128xi32, #tpu.memory_space<vmem>>
      %dma_start3A_187 = arith.constant 0 : i32
      %dma_start3A_188 = arith.constant 0 : i32
      %dma_start3A_189 = tpu.memref_slice %arg2[%dma_start3A_187, %dma_start3A_188] : memref<10000x128xf32, #tpu.memory_space<hbm>> -> memref<10000x128xf32, #tpu.memory_space<hbm>>
      tpu.enqueue_indirect_dma source(%dma_start3A_189 : memref<10000x128xf32, #tpu.memory_space<hbm>>) target(%arg12 : memref<128x128xf32, #tpu.memory_space<vmem>>) offsets(%dma_start3A_186 : memref<128xi32, #tpu.memory_space<vmem>>) semaphore(%arg14 : memref<!tpu.dma_semaphore, #tpu.memory_space<semaphore_mem>>)
      %dma_wait3A_190 = arith.constant 0 : i32
      %dma_wait3A_191 = arith.constant 0 : i32
      %dma_wait3A_192 = tpu.memref_slice %arg9[%dma_wait3A_190, %dma_wait3A_191] : memref<8x128xi32, #tpu.memory_space<vmem>> -> memref<1x128xi32, #tpu.memory_space<vmem>>
      %dma_wait3A_193 = tpu.memref_squeeze %dma_wait3A_192 : memref<1x128xi32, #tpu.memory_space<vmem>> -> memref<128xi32, #tpu.memory_space<vmem>>
      %dma_wait3A_194 = arith.constant 0 : i32
      %dma_wait3A_195 = arith.constant 0 : i32
      %dma_wait3A_196 = tpu.memref_slice %arg2[%dma_wait3A_194, %dma_wait3A_195] : memref<10000x128xf32, #tpu.memory_space<hbm>> -> memref<10000x128xf32, #tpu.memory_space<hbm>>
      tpu.wait_indirect_dma semaphore(%arg14 : memref<!tpu.dma_semaphore, #tpu.memory_space<semaphore_mem>>) src(%dma_wait3A_196 : memref<10000x128xf32, #tpu.memory_space<hbm>>) dst(%arg11 : memref<128x128xf32, #tpu.memory_space<vmem>>)
      %run_scoped3A_197 = arith.constant 0 : i32
      "tpu.region"() ({
        %run_scoped3A_308 = tpu.sem_alloc : memref<!tpu.dma_semaphore, #tpu.memory_space<semaphore_mem>>
        %dma_start3A_309 = arith.constant 0 : i32
        %dma_start3A_310 = tpu.memref_slice %arg10[%run_scoped3A_197, %dma_start3A_309] : memref<8x128xi32, #tpu.memory_space<vmem>> -> memref<1x128xi32, #tpu.memory_space<vmem>>
        %dma_start3A_311 = tpu.memref_squeeze %dma_start3A_310 : memref<1x128xi32, #tpu.memory_space<vmem>> -> memref<128xi32, #tpu.memory_space<vmem>>
        %dma_start3A_312 = arith.constant 0 : i32
        %dma_start3A_313 = arith.constant 0 : i32
        %dma_start3A_314 = tpu.memref_slice %arg13[%dma_start3A_312, %dma_start3A_313] : memref<10112x128xf32, #tpu.memory_space<vmem_shared>> -> memref<10112x128xf32, #tpu.memory_space<vmem_shared>>
        tpu.enqueue_indirect_dma source(%arg11 : memref<128x128xf32, #tpu.memory_space<vmem>>) target(%dma_start3A_314 : memref<10112x128xf32, #tpu.memory_space<vmem_shared>>) offsets(%dma_start3A_311 : memref<128xi32, #tpu.memory_space<vmem>>) semaphore(%run_scoped3A_308 : memref<!tpu.dma_semaphore, #tpu.memory_space<semaphore_mem>>) {add = true}
        %dma_wait3A_315 = arith.constant 0 : i32
        %dma_wait3A_316 = tpu.memref_slice %arg10[%run_scoped3A_197, %dma_wait3A_315] : memref<8x128xi32, #tpu.memory_space<vmem>> -> memref<1x128xi32, #tpu.memory_space<vmem>>
        %dma_wait3A_317 = tpu.memref_squeeze %dma_wait3A_316 : memref<1x128xi32, #tpu.memory_space<vmem>> -> memref<128xi32, #tpu.memory_space<vmem>>
        %dma_wait3A_318 = arith.constant 0 : i32
        %dma_wait3A_319 = arith.constant 0 : i32
        %dma_wait3A_320 = tpu.memref_slice %arg13[%dma_wait3A_318, %dma_wait3A_319] : memref<10112x128xf32, #tpu.memory_space<vmem_shared>> -> memref<10112x128xf32, #tpu.memory_space<vmem_shared>>
        tpu.wait_indirect_dma semaphore(%run_scoped3A_308 : memref<!tpu.dma_semaphore, #tpu.memory_space<semaphore_mem>>) src(%arg11 : memref<128x128xf32, #tpu.memory_space<vmem>>) dst(%dma_wait3A_320 : memref<10112x128xf32, #tpu.memory_space<vmem_shared>>)
        tpu.yield
      }) : () -> ()
      %dma_start3A_198 = arith.constant 2 : i32
      %dma_start3A_199 = arith.constant 0 : i32
      %dma_start3A_200 = tpu.memref_slice %arg9[%dma_start3A_198, %dma_start3A_199] : memref<8x128xi32, #tpu.memory_space<vmem>> -> memref<1x128xi32, #tpu.memory_space<vmem>>
      %dma_start3A_201 = tpu.memref_squeeze %dma_start3A_200 : memref<1x128xi32, #tpu.memory_space<vmem>> -> memref<128xi32, #tpu.memory_space<vmem>>
      %dma_start3A_202 = arith.constant 0 : i32
      %dma_start3A_203 = arith.constant 0 : i32
      %dma_start3A_204 = tpu.memref_slice %arg2[%dma_start3A_202, %dma_start3A_203] : memref<10000x128xf32, #tpu.memory_space<hbm>> -> memref<10000x128xf32, #tpu.memory_space<hbm>>
      tpu.enqueue_indirect_dma source(%dma_start3A_204 : memref<10000x128xf32, #tpu.memory_space<hbm>>) target(%arg11 : memref<128x128xf32, #tpu.memory_space<vmem>>) offsets(%dma_start3A_201 : memref<128xi32, #tpu.memory_space<vmem>>) semaphore(%arg14 : memref<!tpu.dma_semaphore, #tpu.memory_space<semaphore_mem>>)
      %dma_wait3A_205 = arith.constant 1 : i32
      %dma_wait3A_206 = arith.constant 0 : i32
      %dma_wait3A_207 = tpu.memref_slice %arg9[%dma_wait3A_205, %dma_wait3A_206] : memref<8x128xi32, #tpu.memory_space<vmem>> -> memref<1x128xi32, #tpu.memory_space<vmem>>
      %dma_wait3A_208 = tpu.memref_squeeze %dma_wait3A_207 : memref<1x128xi32, #tpu.memory_space<vmem>> -> memref<128xi32, #tpu.memory_space<vmem>>
      %dma_wait3A_209 = arith.constant 0 : i32
      %dma_wait3A_210 = arith.constant 0 : i32
      %dma_wait3A_211 = tpu.memref_slice %arg2[%dma_wait3A_209, %dma_wait3A_210] : memref<10000x128xf32, #tpu.memory_space<hbm>> -> memref<10000x128xf32, #tpu.memory_space<hbm>>
      tpu.wait_indirect_dma semaphore(%arg14 : memref<!tpu.dma_semaphore, #tpu.memory_space<semaphore_mem>>) src(%dma_wait3A_211 : memref<10000x128xf32, #tpu.memory_space<hbm>>) dst(%arg12 : memref<128x128xf32, #tpu.memory_space<vmem>>)
      %run_scoped3A_212 = arith.constant 1 : i32
      "tpu.region"() ({
        %run_scoped3A_308 = tpu.sem_alloc : memref<!tpu.dma_semaphore, #tpu.memory_space<semaphore_mem>>
        %dma_start3A_309 = arith.constant 0 : i32
        %dma_start3A_310 = tpu.memref_slice %arg10[%run_scoped3A_212, %dma_start3A_309] : memref<8x128xi32, #tpu.memory_space<vmem>> -> memref<1x128xi32, #tpu.memory_space<vmem>>
        %dma_start3A_311 = tpu.memref_squeeze %dma_start3A_310 : memref<1x128xi32, #tpu.memory_space<vmem>> -> memref<128xi32, #tpu.memory_space<vmem>>
        %dma_start3A_312 = arith.constant 0 : i32
        %dma_start3A_313 = arith.constant 0 : i32
        %dma_start3A_314 = tpu.memref_slice %arg13[%dma_start3A_312, %dma_start3A_313] : memref<10112x128xf32, #tpu.memory_space<vmem_shared>> -> memref<10112x128xf32, #tpu.memory_space<vmem_shared>>
        tpu.enqueue_indirect_dma source(%arg12 : memref<128x128xf32, #tpu.memory_space<vmem>>) target(%dma_start3A_314 : memref<10112x128xf32, #tpu.memory_space<vmem_shared>>) offsets(%dma_start3A_311 : memref<128xi32, #tpu.memory_space<vmem>>) semaphore(%run_scoped3A_308 : memref<!tpu.dma_semaphore, #tpu.memory_space<semaphore_mem>>) {add = true}
        %dma_wait3A_315 = arith.constant 0 : i32
        %dma_wait3A_316 = tpu.memref_slice %arg10[%run_scoped3A_212, %dma_wait3A_315] : memref<8x128xi32, #tpu.memory_space<vmem>> -> memref<1x128xi32, #tpu.memory_space<vmem>>
        %dma_wait3A_317 = tpu.memref_squeeze %dma_wait3A_316 : memref<1x128xi32, #tpu.memory_space<vmem>> -> memref<128xi32, #tpu.memory_space<vmem>>
        %dma_wait3A_318 = arith.constant 0 : i32
        %dma_wait3A_319 = arith.constant 0 : i32
        %dma_wait3A_320 = tpu.memref_slice %arg13[%dma_wait3A_318, %dma_wait3A_319] : memref<10112x128xf32, #tpu.memory_space<vmem_shared>> -> memref<10112x128xf32, #tpu.memory_space<vmem_shared>>
        tpu.wait_indirect_dma semaphore(%run_scoped3A_308 : memref<!tpu.dma_semaphore, #tpu.memory_space<semaphore_mem>>) src(%arg12 : memref<128x128xf32, #tpu.memory_space<vmem>>) dst(%dma_wait3A_320 : memref<10112x128xf32, #tpu.memory_space<vmem_shared>>)
        tpu.yield
      }) : () -> ()
      %dma_start3A_213 = arith.constant 3 : i32
      %dma_start3A_214 = arith.constant 0 : i32
      %dma_start3A_215 = tpu.memref_slice %arg9[%dma_start3A_213, %dma_start3A_214] : memref<8x128xi32, #tpu.memory_space<vmem>> -> memref<1x128xi32, #tpu.memory_space<vmem>>
      %dma_start3A_216 = tpu.memref_squeeze %dma_start3A_215 : memref<1x128xi32, #tpu.memory_space<vmem>> -> memref<128xi32, #tpu.memory_space<vmem>>
      %dma_start3A_217 = arith.constant 0 : i32
      %dma_start3A_218 = arith.constant 0 : i32
      %dma_start3A_219 = tpu.memref_slice %arg2[%dma_start3A_217, %dma_start3A_218] : memref<10000x128xf32, #tpu.memory_space<hbm>> -> memref<10000x128xf32, #tpu.memory_space<hbm>>
      tpu.enqueue_indirect_dma source(%dma_start3A_219 : memref<10000x128xf32, #tpu.memory_space<hbm>>) target(%arg12 : memref<128x128xf32, #tpu.memory_space<vmem>>) offsets(%dma_start3A_216 : memref<128xi32, #tpu.memory_space<vmem>>) semaphore(%arg14 : memref<!tpu.dma_semaphore, #tpu.memory_space<semaphore_mem>>)
      %dma_wait3A_220 = arith.constant 2 : i32
      %dma_wait3A_221 = arith.constant 0 : i32
      %dma_wait3A_222 = tpu.memref_slice %arg9[%dma_wait3A_220, %dma_wait3A_221] : memref<8x128xi32, #tpu.memory_space<vmem>> -> memref<1x128xi32, #tpu.memory_space<vmem>>
      %dma_wait3A_223 = tpu.memref_squeeze %dma_wait3A_222 : memref<1x128xi32, #tpu.memory_space<vmem>> -> memref<128xi32, #tpu.memory_space<vmem>>
      %dma_wait3A_224 = arith.constant 0 : i32
      %dma_wait3A_225 = arith.constant 0 : i32
      %dma_wait3A_226 = tpu.memref_slice %arg2[%dma_wait3A_224, %dma_wait3A_225] : memref<10000x128xf32, #tpu.memory_space<hbm>> -> memref<10000x128xf32, #tpu.memory_space<hbm>>
      tpu.wait_indirect_dma semaphore(%arg14 : memref<!tpu.dma_semaphore, #tpu.memory_space<semaphore_mem>>) src(%dma_wait3A_226 : memref<10000x128xf32, #tpu.memory_space<hbm>>) dst(%arg11 : memref<128x128xf32, #tpu.memory_space<vmem>>)
      %run_scoped3A_227 = arith.constant 2 : i32
      "tpu.region"() ({
        %run_scoped3A_308 = tpu.sem_alloc : memref<!tpu.dma_semaphore, #tpu.memory_space<semaphore_mem>>
        %dma_start3A_309 = arith.constant 0 : i32
        %dma_start3A_310 = tpu.memref_slice %arg10[%run_scoped3A_227, %dma_start3A_309] : memref<8x128xi32, #tpu.memory_space<vmem>> -> memref<1x128xi32, #tpu.memory_space<vmem>>
        %dma_start3A_311 = tpu.memref_squeeze %dma_start3A_310 : memref<1x128xi32, #tpu.memory_space<vmem>> -> memref<128xi32, #tpu.memory_space<vmem>>
        %dma_start3A_312 = arith.constant 0 : i32
        %dma_start3A_313 = arith.constant 0 : i32
        %dma_start3A_314 = tpu.memref_slice %arg13[%dma_start3A_312, %dma_start3A_313] : memref<10112x128xf32, #tpu.memory_space<vmem_shared>> -> memref<10112x128xf32, #tpu.memory_space<vmem_shared>>
        tpu.enqueue_indirect_dma source(%arg11 : memref<128x128xf32, #tpu.memory_space<vmem>>) target(%dma_start3A_314 : memref<10112x128xf32, #tpu.memory_space<vmem_shared>>) offsets(%dma_start3A_311 : memref<128xi32, #tpu.memory_space<vmem>>) semaphore(%run_scoped3A_308 : memref<!tpu.dma_semaphore, #tpu.memory_space<semaphore_mem>>) {add = true}
        %dma_wait3A_315 = arith.constant 0 : i32
        %dma_wait3A_316 = tpu.memref_slice %arg10[%run_scoped3A_227, %dma_wait3A_315] : memref<8x128xi32, #tpu.memory_space<vmem>> -> memref<1x128xi32, #tpu.memory_space<vmem>>
        %dma_wait3A_317 = tpu.memref_squeeze %dma_wait3A_316 : memref<1x128xi32, #tpu.memory_space<vmem>> -> memref<128xi32, #tpu.memory_space<vmem>>
        %dma_wait3A_318 = arith.constant 0 : i32
        %dma_wait3A_319 = arith.constant 0 : i32
        %dma_wait3A_320 = tpu.memref_slice %arg13[%dma_wait3A_318, %dma_wait3A_319] : memref<10112x128xf32, #tpu.memory_space<vmem_shared>> -> memref<10112x128xf32, #tpu.memory_space<vmem_shared>>
        tpu.wait_indirect_dma semaphore(%run_scoped3A_308 : memref<!tpu.dma_semaphore, #tpu.memory_space<semaphore_mem>>) src(%arg11 : memref<128x128xf32, #tpu.memory_space<vmem>>) dst(%dma_wait3A_320 : memref<10112x128xf32, #tpu.memory_space<vmem_shared>>)
        tpu.yield
      }) : () -> ()
      %dma_start3A_228 = arith.constant 4 : i32
      %dma_start3A_229 = arith.constant 0 : i32
      %dma_start3A_230 = tpu.memref_slice %arg9[%dma_start3A_228, %dma_start3A_229] : memref<8x128xi32, #tpu.memory_space<vmem>> -> memref<1x128xi32, #tpu.memory_space<vmem>>
      %dma_start3A_231 = tpu.memref_squeeze %dma_start3A_230 : memref<1x128xi32, #tpu.memory_space<vmem>> -> memref<128xi32, #tpu.memory_space<vmem>>
      %dma_start3A_232 = arith.constant 0 : i32
      %dma_start3A_233 = arith.constant 0 : i32
      %dma_start3A_234 = tpu.memref_slice %arg2[%dma_start3A_232, %dma_start3A_233] : memref<10000x128xf32, #tpu.memory_space<hbm>> -> memref<10000x128xf32, #tpu.memory_space<hbm>>
      tpu.enqueue_indirect_dma source(%dma_start3A_234 : memref<10000x128xf32, #tpu.memory_space<hbm>>) target(%arg11 : memref<128x128xf32, #tpu.memory_space<vmem>>) offsets(%dma_start3A_231 : memref<128xi32, #tpu.memory_space<vmem>>) semaphore(%arg14 : memref<!tpu.dma_semaphore, #tpu.memory_space<semaphore_mem>>)
      %dma_wait3A_235 = arith.constant 3 : i32
      %dma_wait3A_236 = arith.constant 0 : i32
      %dma_wait3A_237 = tpu.memref_slice %arg9[%dma_wait3A_235, %dma_wait3A_236] : memref<8x128xi32, #tpu.memory_space<vmem>> -> memref<1x128xi32, #tpu.memory_space<vmem>>
      %dma_wait3A_238 = tpu.memref_squeeze %dma_wait3A_237 : memref<1x128xi32, #tpu.memory_space<vmem>> -> memref<128xi32, #tpu.memory_space<vmem>>
      %dma_wait3A_239 = arith.constant 0 : i32
      %dma_wait3A_240 = arith.constant 0 : i32
      %dma_wait3A_241 = tpu.memref_slice %arg2[%dma_wait3A_239, %dma_wait3A_240] : memref<10000x128xf32, #tpu.memory_space<hbm>> -> memref<10000x128xf32, #tpu.memory_space<hbm>>
      tpu.wait_indirect_dma semaphore(%arg14 : memref<!tpu.dma_semaphore, #tpu.memory_space<semaphore_mem>>) src(%dma_wait3A_241 : memref<10000x128xf32, #tpu.memory_space<hbm>>) dst(%arg12 : memref<128x128xf32, #tpu.memory_space<vmem>>)
      %run_scoped3A_242 = arith.constant 3 : i32
      "tpu.region"() ({
        %run_scoped3A_308 = tpu.sem_alloc : memref<!tpu.dma_semaphore, #tpu.memory_space<semaphore_mem>>
        %dma_start3A_309 = arith.constant 0 : i32
        %dma_start3A_310 = tpu.memref_slice %arg10[%run_scoped3A_242, %dma_start3A_309] : memref<8x128xi32, #tpu.memory_space<vmem>> -> memref<1x128xi32, #tpu.memory_space<vmem>>
        %dma_start3A_311 = tpu.memref_squeeze %dma_start3A_310 : memref<1x128xi32, #tpu.memory_space<vmem>> -> memref<128xi32, #tpu.memory_space<vmem>>
        %dma_start3A_312 = arith.constant 0 : i32
        %dma_start3A_313 = arith.constant 0 : i32
        %dma_start3A_314 = tpu.memref_slice %arg13[%dma_start3A_312, %dma_start3A_313] : memref<10112x128xf32, #tpu.memory_space<vmem_shared>> -> memref<10112x128xf32, #tpu.memory_space<vmem_shared>>
        tpu.enqueue_indirect_dma source(%arg12 : memref<128x128xf32, #tpu.memory_space<vmem>>) target(%dma_start3A_314 : memref<10112x128xf32, #tpu.memory_space<vmem_shared>>) offsets(%dma_start3A_311 : memref<128xi32, #tpu.memory_space<vmem>>) semaphore(%run_scoped3A_308 : memref<!tpu.dma_semaphore, #tpu.memory_space<semaphore_mem>>) {add = true}
        %dma_wait3A_315 = arith.constant 0 : i32
        %dma_wait3A_316 = tpu.memref_slice %arg10[%run_scoped3A_242, %dma_wait3A_315] : memref<8x128xi32, #tpu.memory_space<vmem>> -> memref<1x128xi32, #tpu.memory_space<vmem>>
        %dma_wait3A_317 = tpu.memref_squeeze %dma_wait3A_316 : memref<1x128xi32, #tpu.memory_space<vmem>> -> memref<128xi32, #tpu.memory_space<vmem>>
        %dma_wait3A_318 = arith.constant 0 : i32
        %dma_wait3A_319 = arith.constant 0 : i32
        %dma_wait3A_320 = tpu.memref_slice %arg13[%dma_wait3A_318, %dma_wait3A_319] : memref<10112x128xf32, #tpu.memory_space<vmem_shared>> -> memref<10112x128xf32, #tpu.memory_space<vmem_shared>>
        tpu.wait_indirect_dma semaphore(%run_scoped3A_308 : memref<!tpu.dma_semaphore, #tpu.memory_space<semaphore_mem>>) src(%arg12 : memref<128x128xf32, #tpu.memory_space<vmem>>) dst(%dma_wait3A_320 : memref<10112x128xf32, #tpu.memory_space<vmem_shared>>)
        tpu.yield
      }) : () -> ()
      %dma_start3A_243 = arith.constant 5 : i32
      %dma_start3A_244 = arith.constant 0 : i32
      %dma_start3A_245 = tpu.memref_slice %arg9[%dma_start3A_243, %dma_start3A_244] : memref<8x128xi32, #tpu.memory_space<vmem>> -> memref<1x128xi32, #tpu.memory_space<vmem>>
      %dma_start3A_246 = tpu.memref_squeeze %dma_start3A_245 : memref<1x128xi32, #tpu.memory_space<vmem>> -> memref<128xi32, #tpu.memory_space<vmem>>
      %dma_start3A_247 = arith.constant 0 : i32
      %dma_start3A_248 = arith.constant 0 : i32
      %dma_start3A_249 = tpu.memref_slice %arg2[%dma_start3A_247, %dma_start3A_248] : memref<10000x128xf32, #tpu.memory_space<hbm>> -> memref<10000x128xf32, #tpu.memory_space<hbm>>
      tpu.enqueue_indirect_dma source(%dma_start3A_249 : memref<10000x128xf32, #tpu.memory_space<hbm>>) target(%arg12 : memref<128x128xf32, #tpu.memory_space<vmem>>) offsets(%dma_start3A_246 : memref<128xi32, #tpu.memory_space<vmem>>) semaphore(%arg14 : memref<!tpu.dma_semaphore, #tpu.memory_space<semaphore_mem>>)
      %dma_wait3A_250 = arith.constant 4 : i32
      %dma_wait3A_251 = arith.constant 0 : i32
      %dma_wait3A_252 = tpu.memref_slice %arg9[%dma_wait3A_250, %dma_wait3A_251] : memref<8x128xi32, #tpu.memory_space<vmem>> -> memref<1x128xi32, #tpu.memory_space<vmem>>
      %dma_wait3A_253 = tpu.memref_squeeze %dma_wait3A_252 : memref<1x128xi32, #tpu.memory_space<vmem>> -> memref<128xi32, #tpu.memory_space<vmem>>
      %dma_wait3A_254 = arith.constant 0 : i32
      %dma_wait3A_255 = arith.constant 0 : i32
      %dma_wait3A_256 = tpu.memref_slice %arg2[%dma_wait3A_254, %dma_wait3A_255] : memref<10000x128xf32, #tpu.memory_space<hbm>> -> memref<10000x128xf32, #tpu.memory_space<hbm>>
      tpu.wait_indirect_dma semaphore(%arg14 : memref<!tpu.dma_semaphore, #tpu.memory_space<semaphore_mem>>) src(%dma_wait3A_256 : memref<10000x128xf32, #tpu.memory_space<hbm>>) dst(%arg11 : memref<128x128xf32, #tpu.memory_space<vmem>>)
      %run_scoped3A_257 = arith.constant 4 : i32
      "tpu.region"() ({
        %run_scoped3A_308 = tpu.sem_alloc : memref<!tpu.dma_semaphore, #tpu.memory_space<semaphore_mem>>
        %dma_start3A_309 = arith.constant 0 : i32
        %dma_start3A_310 = tpu.memref_slice %arg10[%run_scoped3A_257, %dma_start3A_309] : memref<8x128xi32, #tpu.memory_space<vmem>> -> memref<1x128xi32, #tpu.memory_space<vmem>>
        %dma_start3A_311 = tpu.memref_squeeze %dma_start3A_310 : memref<1x128xi32, #tpu.memory_space<vmem>> -> memref<128xi32, #tpu.memory_space<vmem>>
        %dma_start3A_312 = arith.constant 0 : i32
        %dma_start3A_313 = arith.constant 0 : i32
        %dma_start3A_314 = tpu.memref_slice %arg13[%dma_start3A_312, %dma_start3A_313] : memref<10112x128xf32, #tpu.memory_space<vmem_shared>> -> memref<10112x128xf32, #tpu.memory_space<vmem_shared>>
        tpu.enqueue_indirect_dma source(%arg11 : memref<128x128xf32, #tpu.memory_space<vmem>>) target(%dma_start3A_314 : memref<10112x128xf32, #tpu.memory_space<vmem_shared>>) offsets(%dma_start3A_311 : memref<128xi32, #tpu.memory_space<vmem>>) semaphore(%run_scoped3A_308 : memref<!tpu.dma_semaphore, #tpu.memory_space<semaphore_mem>>) {add = true}
        %dma_wait3A_315 = arith.constant 0 : i32
        %dma_wait3A_316 = tpu.memref_slice %arg10[%run_scoped3A_257, %dma_wait3A_315] : memref<8x128xi32, #tpu.memory_space<vmem>> -> memref<1x128xi32, #tpu.memory_space<vmem>>
        %dma_wait3A_317 = tpu.memref_squeeze %dma_wait3A_316 : memref<1x128xi32, #tpu.memory_space<vmem>> -> memref<128xi32, #tpu.memory_space<vmem>>
        %dma_wait3A_318 = arith.constant 0 : i32
        %dma_wait3A_319 = arith.constant 0 : i32
        %dma_wait3A_320 = tpu.memref_slice %arg13[%dma_wait3A_318, %dma_wait3A_319] : memref<10112x128xf32, #tpu.memory_space<vmem_shared>> -> memref<10112x128xf32, #tpu.memory_space<vmem_shared>>
        tpu.wait_indirect_dma semaphore(%run_scoped3A_308 : memref<!tpu.dma_semaphore, #tpu.memory_space<semaphore_mem>>) src(%arg11 : memref<128x128xf32, #tpu.memory_space<vmem>>) dst(%dma_wait3A_320 : memref<10112x128xf32, #tpu.memory_space<vmem_shared>>)
        tpu.yield
      }) : () -> ()
      %dma_start3A_258 = arith.constant 6 : i32
      %dma_start3A_259 = arith.constant 0 : i32
      %dma_start3A_260 = tpu.memref_slice %arg9[%dma_start3A_258, %dma_start3A_259] : memref<8x128xi32, #tpu.memory_space<vmem>> -> memref<1x128xi32, #tpu.memory_space<vmem>>
      %dma_start3A_261 = tpu.memref_squeeze %dma_start3A_260 : memref<1x128xi32, #tpu.memory_space<vmem>> -> memref<128xi32, #tpu.memory_space<vmem>>
      %dma_start3A_262 = arith.constant 0 : i32
      %dma_start3A_263 = arith.constant 0 : i32
      %dma_start3A_264 = tpu.memref_slice %arg2[%dma_start3A_262, %dma_start3A_263] : memref<10000x128xf32, #tpu.memory_space<hbm>> -> memref<10000x128xf32, #tpu.memory_space<hbm>>
      tpu.enqueue_indirect_dma source(%dma_start3A_264 : memref<10000x128xf32, #tpu.memory_space<hbm>>) target(%arg11 : memref<128x128xf32, #tpu.memory_space<vmem>>) offsets(%dma_start3A_261 : memref<128xi32, #tpu.memory_space<vmem>>) semaphore(%arg14 : memref<!tpu.dma_semaphore, #tpu.memory_space<semaphore_mem>>)
      %dma_wait3A_265 = arith.constant 5 : i32
      %dma_wait3A_266 = arith.constant 0 : i32
      %dma_wait3A_267 = tpu.memref_slice %arg9[%dma_wait3A_265, %dma_wait3A_266] : memref<8x128xi32, #tpu.memory_space<vmem>> -> memref<1x128xi32, #tpu.memory_space<vmem>>
      %dma_wait3A_268 = tpu.memref_squeeze %dma_wait3A_267 : memref<1x128xi32, #tpu.memory_space<vmem>> -> memref<128xi32, #tpu.memory_space<vmem>>
      %dma_wait3A_269 = arith.constant 0 : i32
      %dma_wait3A_270 = arith.constant 0 : i32
      %dma_wait3A_271 = tpu.memref_slice %arg2[%dma_wait3A_269, %dma_wait3A_270] : memref<10000x128xf32, #tpu.memory_space<hbm>> -> memref<10000x128xf32, #tpu.memory_space<hbm>>
      tpu.wait_indirect_dma semaphore(%arg14 : memref<!tpu.dma_semaphore, #tpu.memory_space<semaphore_mem>>) src(%dma_wait3A_271 : memref<10000x128xf32, #tpu.memory_space<hbm>>) dst(%arg12 : memref<128x128xf32, #tpu.memory_space<vmem>>)
      %run_scoped3A_272 = arith.constant 5 : i32
      "tpu.region"() ({
        %run_scoped3A_308 = tpu.sem_alloc : memref<!tpu.dma_semaphore, #tpu.memory_space<semaphore_mem>>
        %dma_start3A_309 = arith.constant 0 : i32
        %dma_start3A_310 = tpu.memref_slice %arg10[%run_scoped3A_272, %dma_start3A_309] : memref<8x128xi32, #tpu.memory_space<vmem>> -> memref<1x128xi32, #tpu.memory_space<vmem>>
        %dma_start3A_311 = tpu.memref_squeeze %dma_start3A_310 : memref<1x128xi32, #tpu.memory_space<vmem>> -> memref<128xi32, #tpu.memory_space<vmem>>
        %dma_start3A_312 = arith.constant 0 : i32
        %dma_start3A_313 = arith.constant 0 : i32
        %dma_start3A_314 = tpu.memref_slice %arg13[%dma_start3A_312, %dma_start3A_313] : memref<10112x128xf32, #tpu.memory_space<vmem_shared>> -> memref<10112x128xf32, #tpu.memory_space<vmem_shared>>
        tpu.enqueue_indirect_dma source(%arg12 : memref<128x128xf32, #tpu.memory_space<vmem>>) target(%dma_start3A_314 : memref<10112x128xf32, #tpu.memory_space<vmem_shared>>) offsets(%dma_start3A_311 : memref<128xi32, #tpu.memory_space<vmem>>) semaphore(%run_scoped3A_308 : memref<!tpu.dma_semaphore, #tpu.memory_space<semaphore_mem>>) {add = true}
        %dma_wait3A_315 = arith.constant 0 : i32
        %dma_wait3A_316 = tpu.memref_slice %arg10[%run_scoped3A_272, %dma_wait3A_315] : memref<8x128xi32, #tpu.memory_space<vmem>> -> memref<1x128xi32, #tpu.memory_space<vmem>>
        %dma_wait3A_317 = tpu.memref_squeeze %dma_wait3A_316 : memref<1x128xi32, #tpu.memory_space<vmem>> -> memref<128xi32, #tpu.memory_space<vmem>>
        %dma_wait3A_318 = arith.constant 0 : i32
        %dma_wait3A_319 = arith.constant 0 : i32
        %dma_wait3A_320 = tpu.memref_slice %arg13[%dma_wait3A_318, %dma_wait3A_319] : memref<10112x128xf32, #tpu.memory_space<vmem_shared>> -> memref<10112x128xf32, #tpu.memory_space<vmem_shared>>
        tpu.wait_indirect_dma semaphore(%run_scoped3A_308 : memref<!tpu.dma_semaphore, #tpu.memory_space<semaphore_mem>>) src(%arg12 : memref<128x128xf32, #tpu.memory_space<vmem>>) dst(%dma_wait3A_320 : memref<10112x128xf32, #tpu.memory_space<vmem_shared>>)
        tpu.yield
      }) : () -> ()
      %dma_start3A_273 = arith.constant 7 : i32
      %dma_start3A_274 = arith.constant 0 : i32
      %dma_start3A_275 = tpu.memref_slice %arg9[%dma_start3A_273, %dma_start3A_274] : memref<8x128xi32, #tpu.memory_space<vmem>> -> memref<1x128xi32, #tpu.memory_space<vmem>>
      %dma_start3A_276 = tpu.memref_squeeze %dma_start3A_275 : memref<1x128xi32, #tpu.memory_space<vmem>> -> memref<128xi32, #tpu.memory_space<vmem>>
      %dma_start3A_277 = arith.constant 0 : i32
      %dma_start3A_278 = arith.constant 0 : i32
      %dma_start3A_279 = tpu.memref_slice %arg2[%dma_start3A_277, %dma_start3A_278] : memref<10000x128xf32, #tpu.memory_space<hbm>> -> memref<10000x128xf32, #tpu.memory_space<hbm>>
      tpu.enqueue_indirect_dma source(%dma_start3A_279 : memref<10000x128xf32, #tpu.memory_space<hbm>>) target(%arg12 : memref<128x128xf32, #tpu.memory_space<vmem>>) offsets(%dma_start3A_276 : memref<128xi32, #tpu.memory_space<vmem>>) semaphore(%arg14 : memref<!tpu.dma_semaphore, #tpu.memory_space<semaphore_mem>>)
      %dma_wait3A_280 = arith.constant 6 : i32
      %dma_wait3A_281 = arith.constant 0 : i32
      %dma_wait3A_282 = tpu.memref_slice %arg9[%dma_wait3A_280, %dma_wait3A_281] : memref<8x128xi32, #tpu.memory_space<vmem>> -> memref<1x128xi32, #tpu.memory_space<vmem>>
      %dma_wait3A_283 = tpu.memref_squeeze %dma_wait3A_282 : memref<1x128xi32, #tpu.memory_space<vmem>> -> memref<128xi32, #tpu.memory_space<vmem>>
      %dma_wait3A_284 = arith.constant 0 : i32
      %dma_wait3A_285 = arith.constant 0 : i32
      %dma_wait3A_286 = tpu.memref_slice %arg2[%dma_wait3A_284, %dma_wait3A_285] : memref<10000x128xf32, #tpu.memory_space<hbm>> -> memref<10000x128xf32, #tpu.memory_space<hbm>>
      tpu.wait_indirect_dma semaphore(%arg14 : memref<!tpu.dma_semaphore, #tpu.memory_space<semaphore_mem>>) src(%dma_wait3A_286 : memref<10000x128xf32, #tpu.memory_space<hbm>>) dst(%arg11 : memref<128x128xf32, #tpu.memory_space<vmem>>)
      %run_scoped3A_287 = arith.constant 6 : i32
      "tpu.region"() ({
        %run_scoped3A_308 = tpu.sem_alloc : memref<!tpu.dma_semaphore, #tpu.memory_space<semaphore_mem>>
        %dma_start3A_309 = arith.constant 0 : i32
        %dma_start3A_310 = tpu.memref_slice %arg10[%run_scoped3A_287, %dma_start3A_309] : memref<8x128xi32, #tpu.memory_space<vmem>> -> memref<1x128xi32, #tpu.memory_space<vmem>>
        %dma_start3A_311 = tpu.memref_squeeze %dma_start3A_310 : memref<1x128xi32, #tpu.memory_space<vmem>> -> memref<128xi32, #tpu.memory_space<vmem>>
        %dma_start3A_312 = arith.constant 0 : i32
        %dma_start3A_313 = arith.constant 0 : i32
        %dma_start3A_314 = tpu.memref_slice %arg13[%dma_start3A_312, %dma_start3A_313] : memref<10112x128xf32, #tpu.memory_space<vmem_shared>> -> memref<10112x128xf32, #tpu.memory_space<vmem_shared>>
        tpu.enqueue_indirect_dma source(%arg11 : memref<128x128xf32, #tpu.memory_space<vmem>>) target(%dma_start3A_314 : memref<10112x128xf32, #tpu.memory_space<vmem_shared>>) offsets(%dma_start3A_311 : memref<128xi32, #tpu.memory_space<vmem>>) semaphore(%run_scoped3A_308 : memref<!tpu.dma_semaphore, #tpu.memory_space<semaphore_mem>>) {add = true}
        %dma_wait3A_315 = arith.constant 0 : i32
        %dma_wait3A_316 = tpu.memref_slice %arg10[%run_scoped3A_287, %dma_wait3A_315] : memref<8x128xi32, #tpu.memory_space<vmem>> -> memref<1x128xi32, #tpu.memory_space<vmem>>
        %dma_wait3A_317 = tpu.memref_squeeze %dma_wait3A_316 : memref<1x128xi32, #tpu.memory_space<vmem>> -> memref<128xi32, #tpu.memory_space<vmem>>
        %dma_wait3A_318 = arith.constant 0 : i32
        %dma_wait3A_319 = arith.constant 0 : i32
        %dma_wait3A_320 = tpu.memref_slice %arg13[%dma_wait3A_318, %dma_wait3A_319] : memref<10112x128xf32, #tpu.memory_space<vmem_shared>> -> memref<10112x128xf32, #tpu.memory_space<vmem_shared>>
        tpu.wait_indirect_dma semaphore(%run_scoped3A_308 : memref<!tpu.dma_semaphore, #tpu.memory_space<semaphore_mem>>) src(%arg11 : memref<128x128xf32, #tpu.memory_space<vmem>>) dst(%dma_wait3A_320 : memref<10112x128xf32, #tpu.memory_space<vmem_shared>>)
        tpu.yield
      }) : () -> ()
      %dma_wait3A_288 = arith.constant 7 : i32
      %dma_wait3A_289 = arith.constant 0 : i32
      %dma_wait3A_290 = tpu.memref_slice %arg9[%dma_wait3A_288, %dma_wait3A_289] : memref<8x128xi32, #tpu.memory_space<vmem>> -> memref<1x128xi32, #tpu.memory_space<vmem>>
      %dma_wait3A_291 = tpu.memref_squeeze %dma_wait3A_290 : memref<1x128xi32, #tpu.memory_space<vmem>> -> memref<128xi32, #tpu.memory_space<vmem>>
      %dma_wait3A_292 = arith.constant 0 : i32
      %dma_wait3A_293 = arith.constant 0 : i32
      %dma_wait3A_294 = tpu.memref_slice %arg2[%dma_wait3A_292, %dma_wait3A_293] : memref<10000x128xf32, #tpu.memory_space<hbm>> -> memref<10000x128xf32, #tpu.memory_space<hbm>>
      tpu.wait_indirect_dma semaphore(%arg14 : memref<!tpu.dma_semaphore, #tpu.memory_space<semaphore_mem>>) src(%dma_wait3A_294 : memref<10000x128xf32, #tpu.memory_space<hbm>>) dst(%arg12 : memref<128x128xf32, #tpu.memory_space<vmem>>)
      %run_scoped3A_295 = arith.constant 7 : i32
      "tpu.region"() ({
        %run_scoped3A_308 = tpu.sem_alloc : memref<!tpu.dma_semaphore, #tpu.memory_space<semaphore_mem>>
        %dma_start3A_309 = arith.constant 0 : i32
        %dma_start3A_310 = tpu.memref_slice %arg10[%run_scoped3A_295, %dma_start3A_309] : memref<8x128xi32, #tpu.memory_space<vmem>> -> memref<1x128xi32, #tpu.memory_space<vmem>>
        %dma_start3A_311 = tpu.memref_squeeze %dma_start3A_310 : memref<1x128xi32, #tpu.memory_space<vmem>> -> memref<128xi32, #tpu.memory_space<vmem>>
        %dma_start3A_312 = arith.constant 0 : i32
        %dma_start3A_313 = arith.constant 0 : i32
        %dma_start3A_314 = tpu.memref_slice %arg13[%dma_start3A_312, %dma_start3A_313] : memref<10112x128xf32, #tpu.memory_space<vmem_shared>> -> memref<10112x128xf32, #tpu.memory_space<vmem_shared>>
        tpu.enqueue_indirect_dma source(%arg12 : memref<128x128xf32, #tpu.memory_space<vmem>>) target(%dma_start3A_314 : memref<10112x128xf32, #tpu.memory_space<vmem_shared>>) offsets(%dma_start3A_311 : memref<128xi32, #tpu.memory_space<vmem>>) semaphore(%run_scoped3A_308 : memref<!tpu.dma_semaphore, #tpu.memory_space<semaphore_mem>>) {add = true}
        %dma_wait3A_315 = arith.constant 0 : i32
        %dma_wait3A_316 = tpu.memref_slice %arg10[%run_scoped3A_295, %dma_wait3A_315] : memref<8x128xi32, #tpu.memory_space<vmem>> -> memref<1x128xi32, #tpu.memory_space<vmem>>
        %dma_wait3A_317 = tpu.memref_squeeze %dma_wait3A_316 : memref<1x128xi32, #tpu.memory_space<vmem>> -> memref<128xi32, #tpu.memory_space<vmem>>
        %dma_wait3A_318 = arith.constant 0 : i32
        %dma_wait3A_319 = arith.constant 0 : i32
        %dma_wait3A_320 = tpu.memref_slice %arg13[%dma_wait3A_318, %dma_wait3A_319] : memref<10112x128xf32, #tpu.memory_space<vmem_shared>> -> memref<10112x128xf32, #tpu.memory_space<vmem_shared>>
        tpu.wait_indirect_dma semaphore(%run_scoped3A_308 : memref<!tpu.dma_semaphore, #tpu.memory_space<semaphore_mem>>) src(%arg12 : memref<128x128xf32, #tpu.memory_space<vmem>>) dst(%dma_wait3A_320 : memref<10112x128xf32, #tpu.memory_space<vmem_shared>>)
        tpu.yield
      }) : () -> ()
      %dma_wait3A_296 = arith.constant 0 : i32
      %dma_wait3A_297 = tpu.memref_slice %arg3[%add3A, %mul3A_163, %dma_wait3A_296] : memref<32x80x128xi32, #tpu.memory_space<hbm>> -> memref<1x8x128xi32, #tpu.memory_space<hbm>>
      %dma_wait3A_298 = tpu.memref_squeeze %dma_wait3A_297 : memref<1x8x128xi32, #tpu.memory_space<hbm>> -> memref<8x128xi32, #tpu.memory_space<hbm>>
      %dma_wait3A_299 = arith.constant 0 : i32
      %dma_wait3A_300 = tpu.memref_slice %arg3[%add3A, %mul3A_163, %dma_wait3A_299] : memref<32x80x128xi32, #tpu.memory_space<hbm>> -> memref<1x8x128xi32, #tpu.memory_space<hbm>>
      %dma_wait3A_301 = tpu.memref_squeeze %dma_wait3A_300 : memref<1x8x128xi32, #tpu.memory_space<hbm>> -> memref<8x128xi32, #tpu.memory_space<hbm>>
      tpu.wait_dma2 semaphore(%arg15 : memref<!tpu.dma_semaphore, #tpu.memory_space<semaphore_mem>>) src(%dma_wait3A_301 : memref<8x128xi32, #tpu.memory_space<hbm>>) dst(%arg7 : memref<8x128xi32, #tpu.memory_space<vmem>>)
      %dma_wait3A_302 = arith.constant 0 : i32
      %dma_wait3A_303 = tpu.memref_slice %arg4[%add3A, %mul3A_163, %dma_wait3A_302] : memref<32x80x128xi32, #tpu.memory_space<hbm>> -> memref<1x8x128xi32, #tpu.memory_space<hbm>>
      %dma_wait3A_304 = tpu.memref_squeeze %dma_wait3A_303 : memref<1x8x128xi32, #tpu.memory_space<hbm>> -> memref<8x128xi32, #tpu.memory_space<hbm>>
      %dma_wait3A_305 = arith.constant 0 : i32
      %dma_wait3A_306 = tpu.memref_slice %arg4[%add3A, %mul3A_163, %dma_wait3A_305] : memref<32x80x128xi32, #tpu.memory_space<hbm>> -> memref<1x8x128xi32, #tpu.memory_space<hbm>>
      %dma_wait3A_307 = tpu.memref_squeeze %dma_wait3A_306 : memref<1x8x128xi32, #tpu.memory_space<hbm>> -> memref<8x128xi32, #tpu.memory_space<hbm>>
      tpu.wait_dma2 semaphore(%arg15 : memref<!tpu.dma_semaphore, #tpu.memory_space<semaphore_mem>>) src(%dma_wait3A_307 : memref<8x128xi32, #tpu.memory_space<hbm>>) dst(%arg8 : memref<8x128xi32, #tpu.memory_space<vmem>>)
    }
    %scan3A_7 = arith.constant 5 : i32
    %barrier3A_8 = arith.constant 0 : index
    tpu.barrier barrier_id(%barrier3A_8)
    "tpu.region"() ({
      %run_scoped3A = tpu.sem_alloc : memref<!tpu.dma_semaphore, #tpu.memory_space<semaphore_mem>>
      %dma_start3A = arith.constant 0 : i32
      %dma_start3A_9 = tpu.memref_slice %arg6[%arg0, %mul3A_2, %dma_start3A] : memref<2x10112x128xf32, #tpu.memory_space<hbm>> -> memref<1x632x128xf32, #tpu.memory_space<hbm>>
      %dma_start3A_10 = tpu.memref_squeeze %dma_start3A_9 : memref<1x632x128xf32, #tpu.memory_space<hbm>> -> memref<632x128xf32, #tpu.memory_space<hbm>>
      %dma_start3A_11 = arith.constant 0 : i32
      %dma_start3A_12 = tpu.memref_slice %arg13[%mul3A_2, %dma_start3A_11] : memref<10112x128xf32, #tpu.memory_space<vmem_shared>> -> memref<632x128xf32, #tpu.memory_space<vmem_shared>>
      tpu.enqueue_dma source(%dma_start3A_12 : memref<632x128xf32, #tpu.memory_space<vmem_shared>>) target(%dma_start3A_10 : memref<632x128xf32, #tpu.memory_space<hbm>>) target_semaphore(%run_scoped3A : memref<!tpu.dma_semaphore, #tpu.memory_space<semaphore_mem>>)
      %dma_wait3A = arith.constant 0 : i32
      %dma_wait3A_13 = tpu.memref_slice %arg6[%arg0, %mul3A_2, %dma_wait3A] : memref<2x10112x128xf32, #tpu.memory_space<hbm>> -> memref<1x632x128xf32, #tpu.memory_space<hbm>>
      %dma_wait3A_14 = tpu.memref_squeeze %dma_wait3A_13 : memref<1x632x128xf32, #tpu.memory_space<hbm>> -> memref<632x128xf32, #tpu.memory_space<hbm>>
      %dma_wait3A_15 = arith.constant 0 : i32
      %dma_wait3A_16 = tpu.memref_slice %arg13[%mul3A_2, %dma_wait3A_15] : memref<10112x128xf32, #tpu.memory_space<vmem_shared>> -> memref<632x128xf32, #tpu.memory_space<vmem_shared>>
      tpu.wait_dma2 semaphore(%run_scoped3A : memref<!tpu.dma_semaphore, #tpu.memory_space<semaphore_mem>>) src(%dma_wait3A_16 : memref<632x128xf32, #tpu.memory_space<vmem_shared>>) dst(%dma_wait3A_14 : memref<632x128xf32, #tpu.memory_space<hbm>>)
      tpu.yield
    }) : () -> ()
    return
  }
}

#map = affine_map<(d0, d1) -> (0, 0, 0)>
#map1 = affine_map<(d0, d1) -> (0, 0)>
module attributes {stable_mosaic.version = 14 : i64} {
  func.func @_sc_cnt_body(%arg0: i32, %arg1: i32, %arg2: memref<32x80x128xi32, #tpu.memory_space<hbm>>, %arg3: memref<632x128xf32, #tpu.memory_space<hbm>>, %arg4: memref<128x128xf32, #tpu.memory_space<hbm>>, %arg5: memref<2x10112x128xf32, #tpu.memory_space<hbm>>, %arg6: memref<8x128xi32, #tpu.memory_space<vmem>>, %arg7: memref<8x128xi32, #tpu.memory_space<vmem>>, %arg8: memref<128x128xf32, #tpu.memory_space<vmem>>, %arg9: memref<10112x128xf32, #tpu.memory_space<vmem_shared>>, %arg10: memref<!tpu.dma_semaphore, #tpu.memory_space<semaphore_mem>>) attributes {dimension_semantics = [#tpu.dimension_semantics<core_parallel>, #tpu.dimension_semantics<subcore_parallel>], iteration_bounds = array<i64: 2, 16>, scalar_prefetch = 0 : i64, scratch_operands = 5 : i64, tpu.core_type = #tpu.core_type<sc_vector_subcore>, window_params = [{transform_indices = #map}, {transform_indices = #map1}, {transform_indices = #map1}, {transform_indices = #map}]} {
    %mul3A = arith.constant 16 : i32
    %mul3A_0 = arith.muli %arg0, %mul3A : i32
    %add3A = arith.addi %mul3A_0, %arg1 : i32
    %mul3A_1 = arith.constant 632 : i32
    %mul3A_2 = arith.muli %arg1, %mul3A_1 : i32
    "tpu.region"() ({
      %run_scoped3A = tpu.sem_alloc : memref<!tpu.dma_semaphore, #tpu.memory_space<semaphore_mem>>
      %dma_start3A = arith.constant 0 : i32
      %dma_start3A_9 = tpu.memref_slice %arg9[%mul3A_2, %dma_start3A] : memref<10112x128xf32, #tpu.memory_space<vmem_shared>> -> memref<632x128xf32, #tpu.memory_space<vmem_shared>>
      tpu.enqueue_dma source(%arg3 : memref<632x128xf32, #tpu.memory_space<hbm>>) target(%dma_start3A_9 : memref<632x128xf32, #tpu.memory_space<vmem_shared>>) target_semaphore(%run_scoped3A : memref<!tpu.dma_semaphore, #tpu.memory_space<semaphore_mem>>)
      %dma_wait3A = arith.constant 0 : i32
      %dma_wait3A_10 = tpu.memref_slice %arg9[%mul3A_2, %dma_wait3A] : memref<10112x128xf32, #tpu.memory_space<vmem_shared>> -> memref<632x128xf32, #tpu.memory_space<vmem_shared>>
      tpu.wait_dma2 semaphore(%run_scoped3A : memref<!tpu.dma_semaphore, #tpu.memory_space<semaphore_mem>>) src(%arg3 : memref<632x128xf32, #tpu.memory_space<hbm>>) dst(%dma_wait3A_10 : memref<632x128xf32, #tpu.memory_space<vmem_shared>>)
      tpu.yield
    }) : () -> ()
    "tpu.region"() ({
      %run_scoped3A = tpu.sem_alloc : memref<!tpu.dma_semaphore, #tpu.memory_space<semaphore_mem>>
      tpu.enqueue_dma source(%arg4 : memref<128x128xf32, #tpu.memory_space<hbm>>) target(%arg8 : memref<128x128xf32, #tpu.memory_space<vmem>>) target_semaphore(%run_scoped3A : memref<!tpu.dma_semaphore, #tpu.memory_space<semaphore_mem>>)
      tpu.wait_dma2 semaphore(%run_scoped3A : memref<!tpu.dma_semaphore, #tpu.memory_space<semaphore_mem>>) src(%arg4 : memref<128x128xf32, #tpu.memory_space<hbm>>) dst(%arg8 : memref<128x128xf32, #tpu.memory_space<vmem>>)
      tpu.yield
    }) : () -> ()
    "tpu.region"() ({
      %run_scoped3A = tpu.sem_alloc : memref<!tpu.dma_semaphore, #tpu.memory_space<semaphore_mem>>
      %dma_start3A = arith.constant 0 : i32
      %dma_start3A_9 = arith.constant 0 : i32
      %dma_start3A_10 = tpu.memref_slice %arg2[%add3A, %dma_start3A, %dma_start3A_9] : memref<32x80x128xi32, #tpu.memory_space<hbm>> -> memref<1x8x128xi32, #tpu.memory_space<hbm>>
      %dma_start3A_11 = tpu.memref_squeeze %dma_start3A_10 : memref<1x8x128xi32, #tpu.memory_space<hbm>> -> memref<8x128xi32, #tpu.memory_space<hbm>>
      %dma_start3A_12 = arith.constant 0 : i32
      %dma_start3A_13 = arith.constant 0 : i32
      %dma_start3A_14 = tpu.memref_slice %arg2[%add3A, %dma_start3A_12, %dma_start3A_13] : memref<32x80x128xi32, #tpu.memory_space<hbm>> -> memref<1x8x128xi32, #tpu.memory_space<hbm>>
      %dma_start3A_15 = tpu.memref_squeeze %dma_start3A_14 : memref<1x8x128xi32, #tpu.memory_space<hbm>> -> memref<8x128xi32, #tpu.memory_space<hbm>>
      tpu.enqueue_dma source(%dma_start3A_15 : memref<8x128xi32, #tpu.memory_space<hbm>>) target(%arg6 : memref<8x128xi32, #tpu.memory_space<vmem>>) target_semaphore(%run_scoped3A : memref<!tpu.dma_semaphore, #tpu.memory_space<semaphore_mem>>)
      %dma_wait3A = arith.constant 0 : i32
      %dma_wait3A_16 = arith.constant 0 : i32
      %dma_wait3A_17 = tpu.memref_slice %arg2[%add3A, %dma_wait3A, %dma_wait3A_16] : memref<32x80x128xi32, #tpu.memory_space<hbm>> -> memref<1x8x128xi32, #tpu.memory_space<hbm>>
      %dma_wait3A_18 = tpu.memref_squeeze %dma_wait3A_17 : memref<1x8x128xi32, #tpu.memory_space<hbm>> -> memref<8x128xi32, #tpu.memory_space<hbm>>
      %dma_wait3A_19 = arith.constant 0 : i32
      %dma_wait3A_20 = arith.constant 0 : i32
      %dma_wait3A_21 = tpu.memref_slice %arg2[%add3A, %dma_wait3A_19, %dma_wait3A_20] : memref<32x80x128xi32, #tpu.memory_space<hbm>> -> memref<1x8x128xi32, #tpu.memory_space<hbm>>
      %dma_wait3A_22 = tpu.memref_squeeze %dma_wait3A_21 : memref<1x8x128xi32, #tpu.memory_space<hbm>> -> memref<8x128xi32, #tpu.memory_space<hbm>>
      tpu.wait_dma2 semaphore(%run_scoped3A : memref<!tpu.dma_semaphore, #tpu.memory_space<semaphore_mem>>) src(%dma_wait3A_22 : memref<8x128xi32, #tpu.memory_space<hbm>>) dst(%arg6 : memref<8x128xi32, #tpu.memory_space<vmem>>)
      tpu.yield
    }) : () -> ()
    %barrier3A = arith.constant 0 : index
    tpu.barrier barrier_id(%barrier3A)
    %scan3A = arith.constant 0 : i32
    %scan3A_3 = arith.constant 0 : i32
    %scan3A_4 = arith.constant 5 : i32
    %scan3A_5 = arith.addi %scan3A_3, %scan3A_4 : i32
    %scan3A_6 = arith.constant 1 : i32
    scf.for %scan3A_9 = %scan3A_3 to %scan3A_5 step %scan3A_6  : i32 {
      %mul3A_10 = arith.constant 2 : i32
      %mul3A_11 = arith.muli %mul3A_10, %scan3A_9 : i32
      %add3A_12 = arith.constant 1 : i32
      %add3A_13 = arith.addi %mul3A_11, %add3A_12 : i32
      %mul3A_14 = arith.constant 8 : i32
      %mul3A_15 = arith.muli %add3A_13, %mul3A_14 : i32
      %dma_start3A = arith.constant 0 : i32
      %dma_start3A_16 = tpu.memref_slice %arg2[%add3A, %mul3A_15, %dma_start3A] : memref<32x80x128xi32, #tpu.memory_space<hbm>> -> memref<1x8x128xi32, #tpu.memory_space<hbm>>
      %dma_start3A_17 = tpu.memref_squeeze %dma_start3A_16 : memref<1x8x128xi32, #tpu.memory_space<hbm>> -> memref<8x128xi32, #tpu.memory_space<hbm>>
      %dma_start3A_18 = arith.constant 0 : i32
      %dma_start3A_19 = tpu.memref_slice %arg2[%add3A, %mul3A_15, %dma_start3A_18] : memref<32x80x128xi32, #tpu.memory_space<hbm>> -> memref<1x8x128xi32, #tpu.memory_space<hbm>>
      %dma_start3A_20 = tpu.memref_squeeze %dma_start3A_19 : memref<1x8x128xi32, #tpu.memory_space<hbm>> -> memref<8x128xi32, #tpu.memory_space<hbm>>
      tpu.enqueue_dma source(%dma_start3A_20 : memref<8x128xi32, #tpu.memory_space<hbm>>) target(%arg7 : memref<8x128xi32, #tpu.memory_space<vmem>>) target_semaphore(%arg10 : memref<!tpu.dma_semaphore, #tpu.memory_space<semaphore_mem>>)
      %run_scoped3A = arith.constant 0 : i32
      "tpu.region"() ({
        %run_scoped3A_60 = tpu.sem_alloc : memref<!tpu.dma_semaphore, #tpu.memory_space<semaphore_mem>>
        %dma_start3A_61 = arith.constant 0 : i32
        %dma_start3A_62 = tpu.memref_slice %arg6[%run_scoped3A, %dma_start3A_61] : memref<8x128xi32, #tpu.memory_space<vmem>> -> memref<1x128xi32, #tpu.memory_space<vmem>>
        %dma_start3A_63 = tpu.memref_squeeze %dma_start3A_62 : memref<1x128xi32, #tpu.memory_space<vmem>> -> memref<128xi32, #tpu.memory_space<vmem>>
        %dma_start3A_64 = arith.constant 0 : i32
        %dma_start3A_65 = arith.constant 0 : i32
        %dma_start3A_66 = tpu.memref_slice %arg9[%dma_start3A_64, %dma_start3A_65] : memref<10112x128xf32, #tpu.memory_space<vmem_shared>> -> memref<10112x128xf32, #tpu.memory_space<vmem_shared>>
        tpu.enqueue_indirect_dma source(%arg8 : memref<128x128xf32, #tpu.memory_space<vmem>>) target(%dma_start3A_66 : memref<10112x128xf32, #tpu.memory_space<vmem_shared>>) offsets(%dma_start3A_63 : memref<128xi32, #tpu.memory_space<vmem>>) semaphore(%run_scoped3A_60 : memref<!tpu.dma_semaphore, #tpu.memory_space<semaphore_mem>>) {add = true}
        %dma_wait3A_67 = arith.constant 0 : i32
        %dma_wait3A_68 = tpu.memref_slice %arg6[%run_scoped3A, %dma_wait3A_67] : memref<8x128xi32, #tpu.memory_space<vmem>> -> memref<1x128xi32, #tpu.memory_space<vmem>>
        %dma_wait3A_69 = tpu.memref_squeeze %dma_wait3A_68 : memref<1x128xi32, #tpu.memory_space<vmem>> -> memref<128xi32, #tpu.memory_space<vmem>>
        %dma_wait3A_70 = arith.constant 0 : i32
        %dma_wait3A_71 = arith.constant 0 : i32
        %dma_wait3A_72 = tpu.memref_slice %arg9[%dma_wait3A_70, %dma_wait3A_71] : memref<10112x128xf32, #tpu.memory_space<vmem_shared>> -> memref<10112x128xf32, #tpu.memory_space<vmem_shared>>
        tpu.wait_indirect_dma semaphore(%run_scoped3A_60 : memref<!tpu.dma_semaphore, #tpu.memory_space<semaphore_mem>>) src(%arg8 : memref<128x128xf32, #tpu.memory_space<vmem>>) dst(%dma_wait3A_72 : memref<10112x128xf32, #tpu.memory_space<vmem_shared>>)
        tpu.yield
      }) : () -> ()
      %run_scoped3A_21 = arith.constant 1 : i32
      "tpu.region"() ({
        %run_scoped3A_60 = tpu.sem_alloc : memref<!tpu.dma_semaphore, #tpu.memory_space<semaphore_mem>>
        %dma_start3A_61 = arith.constant 0 : i32
        %dma_start3A_62 = tpu.memref_slice %arg6[%run_scoped3A_21, %dma_start3A_61] : memref<8x128xi32, #tpu.memory_space<vmem>> -> memref<1x128xi32, #tpu.memory_space<vmem>>
        %dma_start3A_63 = tpu.memref_squeeze %dma_start3A_62 : memref<1x128xi32, #tpu.memory_space<vmem>> -> memref<128xi32, #tpu.memory_space<vmem>>
        %dma_start3A_64 = arith.constant 0 : i32
        %dma_start3A_65 = arith.constant 0 : i32
        %dma_start3A_66 = tpu.memref_slice %arg9[%dma_start3A_64, %dma_start3A_65] : memref<10112x128xf32, #tpu.memory_space<vmem_shared>> -> memref<10112x128xf32, #tpu.memory_space<vmem_shared>>
        tpu.enqueue_indirect_dma source(%arg8 : memref<128x128xf32, #tpu.memory_space<vmem>>) target(%dma_start3A_66 : memref<10112x128xf32, #tpu.memory_space<vmem_shared>>) offsets(%dma_start3A_63 : memref<128xi32, #tpu.memory_space<vmem>>) semaphore(%run_scoped3A_60 : memref<!tpu.dma_semaphore, #tpu.memory_space<semaphore_mem>>) {add = true}
        %dma_wait3A_67 = arith.constant 0 : i32
        %dma_wait3A_68 = tpu.memref_slice %arg6[%run_scoped3A_21, %dma_wait3A_67] : memref<8x128xi32, #tpu.memory_space<vmem>> -> memref<1x128xi32, #tpu.memory_space<vmem>>
        %dma_wait3A_69 = tpu.memref_squeeze %dma_wait3A_68 : memref<1x128xi32, #tpu.memory_space<vmem>> -> memref<128xi32, #tpu.memory_space<vmem>>
        %dma_wait3A_70 = arith.constant 0 : i32
        %dma_wait3A_71 = arith.constant 0 : i32
        %dma_wait3A_72 = tpu.memref_slice %arg9[%dma_wait3A_70, %dma_wait3A_71] : memref<10112x128xf32, #tpu.memory_space<vmem_shared>> -> memref<10112x128xf32, #tpu.memory_space<vmem_shared>>
        tpu.wait_indirect_dma semaphore(%run_scoped3A_60 : memref<!tpu.dma_semaphore, #tpu.memory_space<semaphore_mem>>) src(%arg8 : memref<128x128xf32, #tpu.memory_space<vmem>>) dst(%dma_wait3A_72 : memref<10112x128xf32, #tpu.memory_space<vmem_shared>>)
        tpu.yield
      }) : () -> ()
      %run_scoped3A_22 = arith.constant 2 : i32
      "tpu.region"() ({
        %run_scoped3A_60 = tpu.sem_alloc : memref<!tpu.dma_semaphore, #tpu.memory_space<semaphore_mem>>
        %dma_start3A_61 = arith.constant 0 : i32
        %dma_start3A_62 = tpu.memref_slice %arg6[%run_scoped3A_22, %dma_start3A_61] : memref<8x128xi32, #tpu.memory_space<vmem>> -> memref<1x128xi32, #tpu.memory_space<vmem>>
        %dma_start3A_63 = tpu.memref_squeeze %dma_start3A_62 : memref<1x128xi32, #tpu.memory_space<vmem>> -> memref<128xi32, #tpu.memory_space<vmem>>
        %dma_start3A_64 = arith.constant 0 : i32
        %dma_start3A_65 = arith.constant 0 : i32
        %dma_start3A_66 = tpu.memref_slice %arg9[%dma_start3A_64, %dma_start3A_65] : memref<10112x128xf32, #tpu.memory_space<vmem_shared>> -> memref<10112x128xf32, #tpu.memory_space<vmem_shared>>
        tpu.enqueue_indirect_dma source(%arg8 : memref<128x128xf32, #tpu.memory_space<vmem>>) target(%dma_start3A_66 : memref<10112x128xf32, #tpu.memory_space<vmem_shared>>) offsets(%dma_start3A_63 : memref<128xi32, #tpu.memory_space<vmem>>) semaphore(%run_scoped3A_60 : memref<!tpu.dma_semaphore, #tpu.memory_space<semaphore_mem>>) {add = true}
        %dma_wait3A_67 = arith.constant 0 : i32
        %dma_wait3A_68 = tpu.memref_slice %arg6[%run_scoped3A_22, %dma_wait3A_67] : memref<8x128xi32, #tpu.memory_space<vmem>> -> memref<1x128xi32, #tpu.memory_space<vmem>>
        %dma_wait3A_69 = tpu.memref_squeeze %dma_wait3A_68 : memref<1x128xi32, #tpu.memory_space<vmem>> -> memref<128xi32, #tpu.memory_space<vmem>>
        %dma_wait3A_70 = arith.constant 0 : i32
        %dma_wait3A_71 = arith.constant 0 : i32
        %dma_wait3A_72 = tpu.memref_slice %arg9[%dma_wait3A_70, %dma_wait3A_71] : memref<10112x128xf32, #tpu.memory_space<vmem_shared>> -> memref<10112x128xf32, #tpu.memory_space<vmem_shared>>
        tpu.wait_indirect_dma semaphore(%run_scoped3A_60 : memref<!tpu.dma_semaphore, #tpu.memory_space<semaphore_mem>>) src(%arg8 : memref<128x128xf32, #tpu.memory_space<vmem>>) dst(%dma_wait3A_72 : memref<10112x128xf32, #tpu.memory_space<vmem_shared>>)
        tpu.yield
      }) : () -> ()
      %run_scoped3A_23 = arith.constant 3 : i32
      "tpu.region"() ({
        %run_scoped3A_60 = tpu.sem_alloc : memref<!tpu.dma_semaphore, #tpu.memory_space<semaphore_mem>>
        %dma_start3A_61 = arith.constant 0 : i32
        %dma_start3A_62 = tpu.memref_slice %arg6[%run_scoped3A_23, %dma_start3A_61] : memref<8x128xi32, #tpu.memory_space<vmem>> -> memref<1x128xi32, #tpu.memory_space<vmem>>
        %dma_start3A_63 = tpu.memref_squeeze %dma_start3A_62 : memref<1x128xi32, #tpu.memory_space<vmem>> -> memref<128xi32, #tpu.memory_space<vmem>>
        %dma_start3A_64 = arith.constant 0 : i32
        %dma_start3A_65 = arith.constant 0 : i32
        %dma_start3A_66 = tpu.memref_slice %arg9[%dma_start3A_64, %dma_start3A_65] : memref<10112x128xf32, #tpu.memory_space<vmem_shared>> -> memref<10112x128xf32, #tpu.memory_space<vmem_shared>>
        tpu.enqueue_indirect_dma source(%arg8 : memref<128x128xf32, #tpu.memory_space<vmem>>) target(%dma_start3A_66 : memref<10112x128xf32, #tpu.memory_space<vmem_shared>>) offsets(%dma_start3A_63 : memref<128xi32, #tpu.memory_space<vmem>>) semaphore(%run_scoped3A_60 : memref<!tpu.dma_semaphore, #tpu.memory_space<semaphore_mem>>) {add = true}
        %dma_wait3A_67 = arith.constant 0 : i32
        %dma_wait3A_68 = tpu.memref_slice %arg6[%run_scoped3A_23, %dma_wait3A_67] : memref<8x128xi32, #tpu.memory_space<vmem>> -> memref<1x128xi32, #tpu.memory_space<vmem>>
        %dma_wait3A_69 = tpu.memref_squeeze %dma_wait3A_68 : memref<1x128xi32, #tpu.memory_space<vmem>> -> memref<128xi32, #tpu.memory_space<vmem>>
        %dma_wait3A_70 = arith.constant 0 : i32
        %dma_wait3A_71 = arith.constant 0 : i32
        %dma_wait3A_72 = tpu.memref_slice %arg9[%dma_wait3A_70, %dma_wait3A_71] : memref<10112x128xf32, #tpu.memory_space<vmem_shared>> -> memref<10112x128xf32, #tpu.memory_space<vmem_shared>>
        tpu.wait_indirect_dma semaphore(%run_scoped3A_60 : memref<!tpu.dma_semaphore, #tpu.memory_space<semaphore_mem>>) src(%arg8 : memref<128x128xf32, #tpu.memory_space<vmem>>) dst(%dma_wait3A_72 : memref<10112x128xf32, #tpu.memory_space<vmem_shared>>)
        tpu.yield
      }) : () -> ()
      %run_scoped3A_24 = arith.constant 4 : i32
      "tpu.region"() ({
        %run_scoped3A_60 = tpu.sem_alloc : memref<!tpu.dma_semaphore, #tpu.memory_space<semaphore_mem>>
        %dma_start3A_61 = arith.constant 0 : i32
        %dma_start3A_62 = tpu.memref_slice %arg6[%run_scoped3A_24, %dma_start3A_61] : memref<8x128xi32, #tpu.memory_space<vmem>> -> memref<1x128xi32, #tpu.memory_space<vmem>>
        %dma_start3A_63 = tpu.memref_squeeze %dma_start3A_62 : memref<1x128xi32, #tpu.memory_space<vmem>> -> memref<128xi32, #tpu.memory_space<vmem>>
        %dma_start3A_64 = arith.constant 0 : i32
        %dma_start3A_65 = arith.constant 0 : i32
        %dma_start3A_66 = tpu.memref_slice %arg9[%dma_start3A_64, %dma_start3A_65] : memref<10112x128xf32, #tpu.memory_space<vmem_shared>> -> memref<10112x128xf32, #tpu.memory_space<vmem_shared>>
        tpu.enqueue_indirect_dma source(%arg8 : memref<128x128xf32, #tpu.memory_space<vmem>>) target(%dma_start3A_66 : memref<10112x128xf32, #tpu.memory_space<vmem_shared>>) offsets(%dma_start3A_63 : memref<128xi32, #tpu.memory_space<vmem>>) semaphore(%run_scoped3A_60 : memref<!tpu.dma_semaphore, #tpu.memory_space<semaphore_mem>>) {add = true}
        %dma_wait3A_67 = arith.constant 0 : i32
        %dma_wait3A_68 = tpu.memref_slice %arg6[%run_scoped3A_24, %dma_wait3A_67] : memref<8x128xi32, #tpu.memory_space<vmem>> -> memref<1x128xi32, #tpu.memory_space<vmem>>
        %dma_wait3A_69 = tpu.memref_squeeze %dma_wait3A_68 : memref<1x128xi32, #tpu.memory_space<vmem>> -> memref<128xi32, #tpu.memory_space<vmem>>
        %dma_wait3A_70 = arith.constant 0 : i32
        %dma_wait3A_71 = arith.constant 0 : i32
        %dma_wait3A_72 = tpu.memref_slice %arg9[%dma_wait3A_70, %dma_wait3A_71] : memref<10112x128xf32, #tpu.memory_space<vmem_shared>> -> memref<10112x128xf32, #tpu.memory_space<vmem_shared>>
        tpu.wait_indirect_dma semaphore(%run_scoped3A_60 : memref<!tpu.dma_semaphore, #tpu.memory_space<semaphore_mem>>) src(%arg8 : memref<128x128xf32, #tpu.memory_space<vmem>>) dst(%dma_wait3A_72 : memref<10112x128xf32, #tpu.memory_space<vmem_shared>>)
        tpu.yield
      }) : () -> ()
      %run_scoped3A_25 = arith.constant 5 : i32
      "tpu.region"() ({
        %run_scoped3A_60 = tpu.sem_alloc : memref<!tpu.dma_semaphore, #tpu.memory_space<semaphore_mem>>
        %dma_start3A_61 = arith.constant 0 : i32
        %dma_start3A_62 = tpu.memref_slice %arg6[%run_scoped3A_25, %dma_start3A_61] : memref<8x128xi32, #tpu.memory_space<vmem>> -> memref<1x128xi32, #tpu.memory_space<vmem>>
        %dma_start3A_63 = tpu.memref_squeeze %dma_start3A_62 : memref<1x128xi32, #tpu.memory_space<vmem>> -> memref<128xi32, #tpu.memory_space<vmem>>
        %dma_start3A_64 = arith.constant 0 : i32
        %dma_start3A_65 = arith.constant 0 : i32
        %dma_start3A_66 = tpu.memref_slice %arg9[%dma_start3A_64, %dma_start3A_65] : memref<10112x128xf32, #tpu.memory_space<vmem_shared>> -> memref<10112x128xf32, #tpu.memory_space<vmem_shared>>
        tpu.enqueue_indirect_dma source(%arg8 : memref<128x128xf32, #tpu.memory_space<vmem>>) target(%dma_start3A_66 : memref<10112x128xf32, #tpu.memory_space<vmem_shared>>) offsets(%dma_start3A_63 : memref<128xi32, #tpu.memory_space<vmem>>) semaphore(%run_scoped3A_60 : memref<!tpu.dma_semaphore, #tpu.memory_space<semaphore_mem>>) {add = true}
        %dma_wait3A_67 = arith.constant 0 : i32
        %dma_wait3A_68 = tpu.memref_slice %arg6[%run_scoped3A_25, %dma_wait3A_67] : memref<8x128xi32, #tpu.memory_space<vmem>> -> memref<1x128xi32, #tpu.memory_space<vmem>>
        %dma_wait3A_69 = tpu.memref_squeeze %dma_wait3A_68 : memref<1x128xi32, #tpu.memory_space<vmem>> -> memref<128xi32, #tpu.memory_space<vmem>>
        %dma_wait3A_70 = arith.constant 0 : i32
        %dma_wait3A_71 = arith.constant 0 : i32
        %dma_wait3A_72 = tpu.memref_slice %arg9[%dma_wait3A_70, %dma_wait3A_71] : memref<10112x128xf32, #tpu.memory_space<vmem_shared>> -> memref<10112x128xf32, #tpu.memory_space<vmem_shared>>
        tpu.wait_indirect_dma semaphore(%run_scoped3A_60 : memref<!tpu.dma_semaphore, #tpu.memory_space<semaphore_mem>>) src(%arg8 : memref<128x128xf32, #tpu.memory_space<vmem>>) dst(%dma_wait3A_72 : memref<10112x128xf32, #tpu.memory_space<vmem_shared>>)
        tpu.yield
      }) : () -> ()
      %run_scoped3A_26 = arith.constant 6 : i32
      "tpu.region"() ({
        %run_scoped3A_60 = tpu.sem_alloc : memref<!tpu.dma_semaphore, #tpu.memory_space<semaphore_mem>>
        %dma_start3A_61 = arith.constant 0 : i32
        %dma_start3A_62 = tpu.memref_slice %arg6[%run_scoped3A_26, %dma_start3A_61] : memref<8x128xi32, #tpu.memory_space<vmem>> -> memref<1x128xi32, #tpu.memory_space<vmem>>
        %dma_start3A_63 = tpu.memref_squeeze %dma_start3A_62 : memref<1x128xi32, #tpu.memory_space<vmem>> -> memref<128xi32, #tpu.memory_space<vmem>>
        %dma_start3A_64 = arith.constant 0 : i32
        %dma_start3A_65 = arith.constant 0 : i32
        %dma_start3A_66 = tpu.memref_slice %arg9[%dma_start3A_64, %dma_start3A_65] : memref<10112x128xf32, #tpu.memory_space<vmem_shared>> -> memref<10112x128xf32, #tpu.memory_space<vmem_shared>>
        tpu.enqueue_indirect_dma source(%arg8 : memref<128x128xf32, #tpu.memory_space<vmem>>) target(%dma_start3A_66 : memref<10112x128xf32, #tpu.memory_space<vmem_shared>>) offsets(%dma_start3A_63 : memref<128xi32, #tpu.memory_space<vmem>>) semaphore(%run_scoped3A_60 : memref<!tpu.dma_semaphore, #tpu.memory_space<semaphore_mem>>) {add = true}
        %dma_wait3A_67 = arith.constant 0 : i32
        %dma_wait3A_68 = tpu.memref_slice %arg6[%run_scoped3A_26, %dma_wait3A_67] : memref<8x128xi32, #tpu.memory_space<vmem>> -> memref<1x128xi32, #tpu.memory_space<vmem>>
        %dma_wait3A_69 = tpu.memref_squeeze %dma_wait3A_68 : memref<1x128xi32, #tpu.memory_space<vmem>> -> memref<128xi32, #tpu.memory_space<vmem>>
        %dma_wait3A_70 = arith.constant 0 : i32
        %dma_wait3A_71 = arith.constant 0 : i32
        %dma_wait3A_72 = tpu.memref_slice %arg9[%dma_wait3A_70, %dma_wait3A_71] : memref<10112x128xf32, #tpu.memory_space<vmem_shared>> -> memref<10112x128xf32, #tpu.memory_space<vmem_shared>>
        tpu.wait_indirect_dma semaphore(%run_scoped3A_60 : memref<!tpu.dma_semaphore, #tpu.memory_space<semaphore_mem>>) src(%arg8 : memref<128x128xf32, #tpu.memory_space<vmem>>) dst(%dma_wait3A_72 : memref<10112x128xf32, #tpu.memory_space<vmem_shared>>)
        tpu.yield
      }) : () -> ()
      %run_scoped3A_27 = arith.constant 7 : i32
      "tpu.region"() ({
        %run_scoped3A_60 = tpu.sem_alloc : memref<!tpu.dma_semaphore, #tpu.memory_space<semaphore_mem>>
        %dma_start3A_61 = arith.constant 0 : i32
        %dma_start3A_62 = tpu.memref_slice %arg6[%run_scoped3A_27, %dma_start3A_61] : memref<8x128xi32, #tpu.memory_space<vmem>> -> memref<1x128xi32, #tpu.memory_space<vmem>>
        %dma_start3A_63 = tpu.memref_squeeze %dma_start3A_62 : memref<1x128xi32, #tpu.memory_space<vmem>> -> memref<128xi32, #tpu.memory_space<vmem>>
        %dma_start3A_64 = arith.constant 0 : i32
        %dma_start3A_65 = arith.constant 0 : i32
        %dma_start3A_66 = tpu.memref_slice %arg9[%dma_start3A_64, %dma_start3A_65] : memref<10112x128xf32, #tpu.memory_space<vmem_shared>> -> memref<10112x128xf32, #tpu.memory_space<vmem_shared>>
        tpu.enqueue_indirect_dma source(%arg8 : memref<128x128xf32, #tpu.memory_space<vmem>>) target(%dma_start3A_66 : memref<10112x128xf32, #tpu.memory_space<vmem_shared>>) offsets(%dma_start3A_63 : memref<128xi32, #tpu.memory_space<vmem>>) semaphore(%run_scoped3A_60 : memref<!tpu.dma_semaphore, #tpu.memory_space<semaphore_mem>>) {add = true}
        %dma_wait3A_67 = arith.constant 0 : i32
        %dma_wait3A_68 = tpu.memref_slice %arg6[%run_scoped3A_27, %dma_wait3A_67] : memref<8x128xi32, #tpu.memory_space<vmem>> -> memref<1x128xi32, #tpu.memory_space<vmem>>
        %dma_wait3A_69 = tpu.memref_squeeze %dma_wait3A_68 : memref<1x128xi32, #tpu.memory_space<vmem>> -> memref<128xi32, #tpu.memory_space<vmem>>
        %dma_wait3A_70 = arith.constant 0 : i32
        %dma_wait3A_71 = arith.constant 0 : i32
        %dma_wait3A_72 = tpu.memref_slice %arg9[%dma_wait3A_70, %dma_wait3A_71] : memref<10112x128xf32, #tpu.memory_space<vmem_shared>> -> memref<10112x128xf32, #tpu.memory_space<vmem_shared>>
        tpu.wait_indirect_dma semaphore(%run_scoped3A_60 : memref<!tpu.dma_semaphore, #tpu.memory_space<semaphore_mem>>) src(%arg8 : memref<128x128xf32, #tpu.memory_space<vmem>>) dst(%dma_wait3A_72 : memref<10112x128xf32, #tpu.memory_space<vmem_shared>>)
        tpu.yield
      }) : () -> ()
      %dma_wait3A = arith.constant 0 : i32
      %dma_wait3A_28 = tpu.memref_slice %arg2[%add3A, %mul3A_15, %dma_wait3A] : memref<32x80x128xi32, #tpu.memory_space<hbm>> -> memref<1x8x128xi32, #tpu.memory_space<hbm>>
      %dma_wait3A_29 = tpu.memref_squeeze %dma_wait3A_28 : memref<1x8x128xi32, #tpu.memory_space<hbm>> -> memref<8x128xi32, #tpu.memory_space<hbm>>
      %dma_wait3A_30 = arith.constant 0 : i32
      %dma_wait3A_31 = tpu.memref_slice %arg2[%add3A, %mul3A_15, %dma_wait3A_30] : memref<32x80x128xi32, #tpu.memory_space<hbm>> -> memref<1x8x128xi32, #tpu.memory_space<hbm>>
      %dma_wait3A_32 = tpu.memref_squeeze %dma_wait3A_31 : memref<1x8x128xi32, #tpu.memory_space<hbm>> -> memref<8x128xi32, #tpu.memory_space<hbm>>
      tpu.wait_dma2 semaphore(%arg10 : memref<!tpu.dma_semaphore, #tpu.memory_space<semaphore_mem>>) src(%dma_wait3A_32 : memref<8x128xi32, #tpu.memory_space<hbm>>) dst(%arg7 : memref<8x128xi32, #tpu.memory_space<vmem>>)
      %mul3A_33 = arith.constant 2 : i32
      %mul3A_34 = arith.muli %mul3A_33, %scan3A_9 : i32
      %add3A_35 = arith.constant 2 : i32
      %add3A_36 = arith.addi %mul3A_34, %add3A_35 : i32
      %min3A = arith.constant 9 : i32
      %min3A_37 = arith.minsi %add3A_36, %min3A : i32
      %mul3A_38 = arith.constant 8 : i32
      %mul3A_39 = arith.muli %min3A_37, %mul3A_38 : i32
      %dma_start3A_40 = arith.constant 0 : i32
      %dma_start3A_41 = tpu.memref_slice %arg2[%add3A, %mul3A_39, %dma_start3A_40] : memref<32x80x128xi32, #tpu.memory_space<hbm>> -> memref<1x8x128xi32, #tpu.memory_space<hbm>>
      %dma_start3A_42 = tpu.memref_squeeze %dma_start3A_41 : memref<1x8x128xi32, #tpu.memory_space<hbm>> -> memref<8x128xi32, #tpu.memory_space<hbm>>
      %dma_start3A_43 = arith.constant 0 : i32
      %dma_start3A_44 = tpu.memref_slice %arg2[%add3A, %mul3A_39, %dma_start3A_43] : memref<32x80x128xi32, #tpu.memory_space<hbm>> -> memref<1x8x128xi32, #tpu.memory_space<hbm>>
      %dma_start3A_45 = tpu.memref_squeeze %dma_start3A_44 : memref<1x8x128xi32, #tpu.memory_space<hbm>> -> memref<8x128xi32, #tpu.memory_space<hbm>>
      tpu.enqueue_dma source(%dma_start3A_45 : memref<8x128xi32, #tpu.memory_space<hbm>>) target(%arg6 : memref<8x128xi32, #tpu.memory_space<vmem>>) target_semaphore(%arg10 : memref<!tpu.dma_semaphore, #tpu.memory_space<semaphore_mem>>)
      %run_scoped3A_46 = arith.constant 0 : i32
      "tpu.region"() ({
        %run_scoped3A_60 = tpu.sem_alloc : memref<!tpu.dma_semaphore, #tpu.memory_space<semaphore_mem>>
        %dma_start3A_61 = arith.constant 0 : i32
        %dma_start3A_62 = tpu.memref_slice %arg7[%run_scoped3A_46, %dma_start3A_61] : memref<8x128xi32, #tpu.memory_space<vmem>> -> memref<1x128xi32, #tpu.memory_space<vmem>>
        %dma_start3A_63 = tpu.memref_squeeze %dma_start3A_62 : memref<1x128xi32, #tpu.memory_space<vmem>> -> memref<128xi32, #tpu.memory_space<vmem>>
        %dma_start3A_64 = arith.constant 0 : i32
        %dma_start3A_65 = arith.constant 0 : i32
        %dma_start3A_66 = tpu.memref_slice %arg9[%dma_start3A_64, %dma_start3A_65] : memref<10112x128xf32, #tpu.memory_space<vmem_shared>> -> memref<10112x128xf32, #tpu.memory_space<vmem_shared>>
        tpu.enqueue_indirect_dma source(%arg8 : memref<128x128xf32, #tpu.memory_space<vmem>>) target(%dma_start3A_66 : memref<10112x128xf32, #tpu.memory_space<vmem_shared>>) offsets(%dma_start3A_63 : memref<128xi32, #tpu.memory_space<vmem>>) semaphore(%run_scoped3A_60 : memref<!tpu.dma_semaphore, #tpu.memory_space<semaphore_mem>>) {add = true}
        %dma_wait3A_67 = arith.constant 0 : i32
        %dma_wait3A_68 = tpu.memref_slice %arg7[%run_scoped3A_46, %dma_wait3A_67] : memref<8x128xi32, #tpu.memory_space<vmem>> -> memref<1x128xi32, #tpu.memory_space<vmem>>
        %dma_wait3A_69 = tpu.memref_squeeze %dma_wait3A_68 : memref<1x128xi32, #tpu.memory_space<vmem>> -> memref<128xi32, #tpu.memory_space<vmem>>
        %dma_wait3A_70 = arith.constant 0 : i32
        %dma_wait3A_71 = arith.constant 0 : i32
        %dma_wait3A_72 = tpu.memref_slice %arg9[%dma_wait3A_70, %dma_wait3A_71] : memref<10112x128xf32, #tpu.memory_space<vmem_shared>> -> memref<10112x128xf32, #tpu.memory_space<vmem_shared>>
        tpu.wait_indirect_dma semaphore(%run_scoped3A_60 : memref<!tpu.dma_semaphore, #tpu.memory_space<semaphore_mem>>) src(%arg8 : memref<128x128xf32, #tpu.memory_space<vmem>>) dst(%dma_wait3A_72 : memref<10112x128xf32, #tpu.memory_space<vmem_shared>>)
        tpu.yield
      }) : () -> ()
      %run_scoped3A_47 = arith.constant 1 : i32
      "tpu.region"() ({
        %run_scoped3A_60 = tpu.sem_alloc : memref<!tpu.dma_semaphore, #tpu.memory_space<semaphore_mem>>
        %dma_start3A_61 = arith.constant 0 : i32
        %dma_start3A_62 = tpu.memref_slice %arg7[%run_scoped3A_47, %dma_start3A_61] : memref<8x128xi32, #tpu.memory_space<vmem>> -> memref<1x128xi32, #tpu.memory_space<vmem>>
        %dma_start3A_63 = tpu.memref_squeeze %dma_start3A_62 : memref<1x128xi32, #tpu.memory_space<vmem>> -> memref<128xi32, #tpu.memory_space<vmem>>
        %dma_start3A_64 = arith.constant 0 : i32
        %dma_start3A_65 = arith.constant 0 : i32
        %dma_start3A_66 = tpu.memref_slice %arg9[%dma_start3A_64, %dma_start3A_65] : memref<10112x128xf32, #tpu.memory_space<vmem_shared>> -> memref<10112x128xf32, #tpu.memory_space<vmem_shared>>
        tpu.enqueue_indirect_dma source(%arg8 : memref<128x128xf32, #tpu.memory_space<vmem>>) target(%dma_start3A_66 : memref<10112x128xf32, #tpu.memory_space<vmem_shared>>) offsets(%dma_start3A_63 : memref<128xi32, #tpu.memory_space<vmem>>) semaphore(%run_scoped3A_60 : memref<!tpu.dma_semaphore, #tpu.memory_space<semaphore_mem>>) {add = true}
        %dma_wait3A_67 = arith.constant 0 : i32
        %dma_wait3A_68 = tpu.memref_slice %arg7[%run_scoped3A_47, %dma_wait3A_67] : memref<8x128xi32, #tpu.memory_space<vmem>> -> memref<1x128xi32, #tpu.memory_space<vmem>>
        %dma_wait3A_69 = tpu.memref_squeeze %dma_wait3A_68 : memref<1x128xi32, #tpu.memory_space<vmem>> -> memref<128xi32, #tpu.memory_space<vmem>>
        %dma_wait3A_70 = arith.constant 0 : i32
        %dma_wait3A_71 = arith.constant 0 : i32
        %dma_wait3A_72 = tpu.memref_slice %arg9[%dma_wait3A_70, %dma_wait3A_71] : memref<10112x128xf32, #tpu.memory_space<vmem_shared>> -> memref<10112x128xf32, #tpu.memory_space<vmem_shared>>
        tpu.wait_indirect_dma semaphore(%run_scoped3A_60 : memref<!tpu.dma_semaphore, #tpu.memory_space<semaphore_mem>>) src(%arg8 : memref<128x128xf32, #tpu.memory_space<vmem>>) dst(%dma_wait3A_72 : memref<10112x128xf32, #tpu.memory_space<vmem_shared>>)
        tpu.yield
      }) : () -> ()
      %run_scoped3A_48 = arith.constant 2 : i32
      "tpu.region"() ({
        %run_scoped3A_60 = tpu.sem_alloc : memref<!tpu.dma_semaphore, #tpu.memory_space<semaphore_mem>>
        %dma_start3A_61 = arith.constant 0 : i32
        %dma_start3A_62 = tpu.memref_slice %arg7[%run_scoped3A_48, %dma_start3A_61] : memref<8x128xi32, #tpu.memory_space<vmem>> -> memref<1x128xi32, #tpu.memory_space<vmem>>
        %dma_start3A_63 = tpu.memref_squeeze %dma_start3A_62 : memref<1x128xi32, #tpu.memory_space<vmem>> -> memref<128xi32, #tpu.memory_space<vmem>>
        %dma_start3A_64 = arith.constant 0 : i32
        %dma_start3A_65 = arith.constant 0 : i32
        %dma_start3A_66 = tpu.memref_slice %arg9[%dma_start3A_64, %dma_start3A_65] : memref<10112x128xf32, #tpu.memory_space<vmem_shared>> -> memref<10112x128xf32, #tpu.memory_space<vmem_shared>>
        tpu.enqueue_indirect_dma source(%arg8 : memref<128x128xf32, #tpu.memory_space<vmem>>) target(%dma_start3A_66 : memref<10112x128xf32, #tpu.memory_space<vmem_shared>>) offsets(%dma_start3A_63 : memref<128xi32, #tpu.memory_space<vmem>>) semaphore(%run_scoped3A_60 : memref<!tpu.dma_semaphore, #tpu.memory_space<semaphore_mem>>) {add = true}
        %dma_wait3A_67 = arith.constant 0 : i32
        %dma_wait3A_68 = tpu.memref_slice %arg7[%run_scoped3A_48, %dma_wait3A_67] : memref<8x128xi32, #tpu.memory_space<vmem>> -> memref<1x128xi32, #tpu.memory_space<vmem>>
        %dma_wait3A_69 = tpu.memref_squeeze %dma_wait3A_68 : memref<1x128xi32, #tpu.memory_space<vmem>> -> memref<128xi32, #tpu.memory_space<vmem>>
        %dma_wait3A_70 = arith.constant 0 : i32
        %dma_wait3A_71 = arith.constant 0 : i32
        %dma_wait3A_72 = tpu.memref_slice %arg9[%dma_wait3A_70, %dma_wait3A_71] : memref<10112x128xf32, #tpu.memory_space<vmem_shared>> -> memref<10112x128xf32, #tpu.memory_space<vmem_shared>>
        tpu.wait_indirect_dma semaphore(%run_scoped3A_60 : memref<!tpu.dma_semaphore, #tpu.memory_space<semaphore_mem>>) src(%arg8 : memref<128x128xf32, #tpu.memory_space<vmem>>) dst(%dma_wait3A_72 : memref<10112x128xf32, #tpu.memory_space<vmem_shared>>)
        tpu.yield
      }) : () -> ()
      %run_scoped3A_49 = arith.constant 3 : i32
      "tpu.region"() ({
        %run_scoped3A_60 = tpu.sem_alloc : memref<!tpu.dma_semaphore, #tpu.memory_space<semaphore_mem>>
        %dma_start3A_61 = arith.constant 0 : i32
        %dma_start3A_62 = tpu.memref_slice %arg7[%run_scoped3A_49, %dma_start3A_61] : memref<8x128xi32, #tpu.memory_space<vmem>> -> memref<1x128xi32, #tpu.memory_space<vmem>>
        %dma_start3A_63 = tpu.memref_squeeze %dma_start3A_62 : memref<1x128xi32, #tpu.memory_space<vmem>> -> memref<128xi32, #tpu.memory_space<vmem>>
        %dma_start3A_64 = arith.constant 0 : i32
        %dma_start3A_65 = arith.constant 0 : i32
        %dma_start3A_66 = tpu.memref_slice %arg9[%dma_start3A_64, %dma_start3A_65] : memref<10112x128xf32, #tpu.memory_space<vmem_shared>> -> memref<10112x128xf32, #tpu.memory_space<vmem_shared>>
        tpu.enqueue_indirect_dma source(%arg8 : memref<128x128xf32, #tpu.memory_space<vmem>>) target(%dma_start3A_66 : memref<10112x128xf32, #tpu.memory_space<vmem_shared>>) offsets(%dma_start3A_63 : memref<128xi32, #tpu.memory_space<vmem>>) semaphore(%run_scoped3A_60 : memref<!tpu.dma_semaphore, #tpu.memory_space<semaphore_mem>>) {add = true}
        %dma_wait3A_67 = arith.constant 0 : i32
        %dma_wait3A_68 = tpu.memref_slice %arg7[%run_scoped3A_49, %dma_wait3A_67] : memref<8x128xi32, #tpu.memory_space<vmem>> -> memref<1x128xi32, #tpu.memory_space<vmem>>
        %dma_wait3A_69 = tpu.memref_squeeze %dma_wait3A_68 : memref<1x128xi32, #tpu.memory_space<vmem>> -> memref<128xi32, #tpu.memory_space<vmem>>
        %dma_wait3A_70 = arith.constant 0 : i32
        %dma_wait3A_71 = arith.constant 0 : i32
        %dma_wait3A_72 = tpu.memref_slice %arg9[%dma_wait3A_70, %dma_wait3A_71] : memref<10112x128xf32, #tpu.memory_space<vmem_shared>> -> memref<10112x128xf32, #tpu.memory_space<vmem_shared>>
        tpu.wait_indirect_dma semaphore(%run_scoped3A_60 : memref<!tpu.dma_semaphore, #tpu.memory_space<semaphore_mem>>) src(%arg8 : memref<128x128xf32, #tpu.memory_space<vmem>>) dst(%dma_wait3A_72 : memref<10112x128xf32, #tpu.memory_space<vmem_shared>>)
        tpu.yield
      }) : () -> ()
      %run_scoped3A_50 = arith.constant 4 : i32
      "tpu.region"() ({
        %run_scoped3A_60 = tpu.sem_alloc : memref<!tpu.dma_semaphore, #tpu.memory_space<semaphore_mem>>
        %dma_start3A_61 = arith.constant 0 : i32
        %dma_start3A_62 = tpu.memref_slice %arg7[%run_scoped3A_50, %dma_start3A_61] : memref<8x128xi32, #tpu.memory_space<vmem>> -> memref<1x128xi32, #tpu.memory_space<vmem>>
        %dma_start3A_63 = tpu.memref_squeeze %dma_start3A_62 : memref<1x128xi32, #tpu.memory_space<vmem>> -> memref<128xi32, #tpu.memory_space<vmem>>
        %dma_start3A_64 = arith.constant 0 : i32
        %dma_start3A_65 = arith.constant 0 : i32
        %dma_start3A_66 = tpu.memref_slice %arg9[%dma_start3A_64, %dma_start3A_65] : memref<10112x128xf32, #tpu.memory_space<vmem_shared>> -> memref<10112x128xf32, #tpu.memory_space<vmem_shared>>
        tpu.enqueue_indirect_dma source(%arg8 : memref<128x128xf32, #tpu.memory_space<vmem>>) target(%dma_start3A_66 : memref<10112x128xf32, #tpu.memory_space<vmem_shared>>) offsets(%dma_start3A_63 : memref<128xi32, #tpu.memory_space<vmem>>) semaphore(%run_scoped3A_60 : memref<!tpu.dma_semaphore, #tpu.memory_space<semaphore_mem>>) {add = true}
        %dma_wait3A_67 = arith.constant 0 : i32
        %dma_wait3A_68 = tpu.memref_slice %arg7[%run_scoped3A_50, %dma_wait3A_67] : memref<8x128xi32, #tpu.memory_space<vmem>> -> memref<1x128xi32, #tpu.memory_space<vmem>>
        %dma_wait3A_69 = tpu.memref_squeeze %dma_wait3A_68 : memref<1x128xi32, #tpu.memory_space<vmem>> -> memref<128xi32, #tpu.memory_space<vmem>>
        %dma_wait3A_70 = arith.constant 0 : i32
        %dma_wait3A_71 = arith.constant 0 : i32
        %dma_wait3A_72 = tpu.memref_slice %arg9[%dma_wait3A_70, %dma_wait3A_71] : memref<10112x128xf32, #tpu.memory_space<vmem_shared>> -> memref<10112x128xf32, #tpu.memory_space<vmem_shared>>
        tpu.wait_indirect_dma semaphore(%run_scoped3A_60 : memref<!tpu.dma_semaphore, #tpu.memory_space<semaphore_mem>>) src(%arg8 : memref<128x128xf32, #tpu.memory_space<vmem>>) dst(%dma_wait3A_72 : memref<10112x128xf32, #tpu.memory_space<vmem_shared>>)
        tpu.yield
      }) : () -> ()
      %run_scoped3A_51 = arith.constant 5 : i32
      "tpu.region"() ({
        %run_scoped3A_60 = tpu.sem_alloc : memref<!tpu.dma_semaphore, #tpu.memory_space<semaphore_mem>>
        %dma_start3A_61 = arith.constant 0 : i32
        %dma_start3A_62 = tpu.memref_slice %arg7[%run_scoped3A_51, %dma_start3A_61] : memref<8x128xi32, #tpu.memory_space<vmem>> -> memref<1x128xi32, #tpu.memory_space<vmem>>
        %dma_start3A_63 = tpu.memref_squeeze %dma_start3A_62 : memref<1x128xi32, #tpu.memory_space<vmem>> -> memref<128xi32, #tpu.memory_space<vmem>>
        %dma_start3A_64 = arith.constant 0 : i32
        %dma_start3A_65 = arith.constant 0 : i32
        %dma_start3A_66 = tpu.memref_slice %arg9[%dma_start3A_64, %dma_start3A_65] : memref<10112x128xf32, #tpu.memory_space<vmem_shared>> -> memref<10112x128xf32, #tpu.memory_space<vmem_shared>>
        tpu.enqueue_indirect_dma source(%arg8 : memref<128x128xf32, #tpu.memory_space<vmem>>) target(%dma_start3A_66 : memref<10112x128xf32, #tpu.memory_space<vmem_shared>>) offsets(%dma_start3A_63 : memref<128xi32, #tpu.memory_space<vmem>>) semaphore(%run_scoped3A_60 : memref<!tpu.dma_semaphore, #tpu.memory_space<semaphore_mem>>) {add = true}
        %dma_wait3A_67 = arith.constant 0 : i32
        %dma_wait3A_68 = tpu.memref_slice %arg7[%run_scoped3A_51, %dma_wait3A_67] : memref<8x128xi32, #tpu.memory_space<vmem>> -> memref<1x128xi32, #tpu.memory_space<vmem>>
        %dma_wait3A_69 = tpu.memref_squeeze %dma_wait3A_68 : memref<1x128xi32, #tpu.memory_space<vmem>> -> memref<128xi32, #tpu.memory_space<vmem>>
        %dma_wait3A_70 = arith.constant 0 : i32
        %dma_wait3A_71 = arith.constant 0 : i32
        %dma_wait3A_72 = tpu.memref_slice %arg9[%dma_wait3A_70, %dma_wait3A_71] : memref<10112x128xf32, #tpu.memory_space<vmem_shared>> -> memref<10112x128xf32, #tpu.memory_space<vmem_shared>>
        tpu.wait_indirect_dma semaphore(%run_scoped3A_60 : memref<!tpu.dma_semaphore, #tpu.memory_space<semaphore_mem>>) src(%arg8 : memref<128x128xf32, #tpu.memory_space<vmem>>) dst(%dma_wait3A_72 : memref<10112x128xf32, #tpu.memory_space<vmem_shared>>)
        tpu.yield
      }) : () -> ()
      %run_scoped3A_52 = arith.constant 6 : i32
      "tpu.region"() ({
        %run_scoped3A_60 = tpu.sem_alloc : memref<!tpu.dma_semaphore, #tpu.memory_space<semaphore_mem>>
        %dma_start3A_61 = arith.constant 0 : i32
        %dma_start3A_62 = tpu.memref_slice %arg7[%run_scoped3A_52, %dma_start3A_61] : memref<8x128xi32, #tpu.memory_space<vmem>> -> memref<1x128xi32, #tpu.memory_space<vmem>>
        %dma_start3A_63 = tpu.memref_squeeze %dma_start3A_62 : memref<1x128xi32, #tpu.memory_space<vmem>> -> memref<128xi32, #tpu.memory_space<vmem>>
        %dma_start3A_64 = arith.constant 0 : i32
        %dma_start3A_65 = arith.constant 0 : i32
        %dma_start3A_66 = tpu.memref_slice %arg9[%dma_start3A_64, %dma_start3A_65] : memref<10112x128xf32, #tpu.memory_space<vmem_shared>> -> memref<10112x128xf32, #tpu.memory_space<vmem_shared>>
        tpu.enqueue_indirect_dma source(%arg8 : memref<128x128xf32, #tpu.memory_space<vmem>>) target(%dma_start3A_66 : memref<10112x128xf32, #tpu.memory_space<vmem_shared>>) offsets(%dma_start3A_63 : memref<128xi32, #tpu.memory_space<vmem>>) semaphore(%run_scoped3A_60 : memref<!tpu.dma_semaphore, #tpu.memory_space<semaphore_mem>>) {add = true}
        %dma_wait3A_67 = arith.constant 0 : i32
        %dma_wait3A_68 = tpu.memref_slice %arg7[%run_scoped3A_52, %dma_wait3A_67] : memref<8x128xi32, #tpu.memory_space<vmem>> -> memref<1x128xi32, #tpu.memory_space<vmem>>
        %dma_wait3A_69 = tpu.memref_squeeze %dma_wait3A_68 : memref<1x128xi32, #tpu.memory_space<vmem>> -> memref<128xi32, #tpu.memory_space<vmem>>
        %dma_wait3A_70 = arith.constant 0 : i32
        %dma_wait3A_71 = arith.constant 0 : i32
        %dma_wait3A_72 = tpu.memref_slice %arg9[%dma_wait3A_70, %dma_wait3A_71] : memref<10112x128xf32, #tpu.memory_space<vmem_shared>> -> memref<10112x128xf32, #tpu.memory_space<vmem_shared>>
        tpu.wait_indirect_dma semaphore(%run_scoped3A_60 : memref<!tpu.dma_semaphore, #tpu.memory_space<semaphore_mem>>) src(%arg8 : memref<128x128xf32, #tpu.memory_space<vmem>>) dst(%dma_wait3A_72 : memref<10112x128xf32, #tpu.memory_space<vmem_shared>>)
        tpu.yield
      }) : () -> ()
      %run_scoped3A_53 = arith.constant 7 : i32
      "tpu.region"() ({
        %run_scoped3A_60 = tpu.sem_alloc : memref<!tpu.dma_semaphore, #tpu.memory_space<semaphore_mem>>
        %dma_start3A_61 = arith.constant 0 : i32
        %dma_start3A_62 = tpu.memref_slice %arg7[%run_scoped3A_53, %dma_start3A_61] : memref<8x128xi32, #tpu.memory_space<vmem>> -> memref<1x128xi32, #tpu.memory_space<vmem>>
        %dma_start3A_63 = tpu.memref_squeeze %dma_start3A_62 : memref<1x128xi32, #tpu.memory_space<vmem>> -> memref<128xi32, #tpu.memory_space<vmem>>
        %dma_start3A_64 = arith.constant 0 : i32
        %dma_start3A_65 = arith.constant 0 : i32
        %dma_start3A_66 = tpu.memref_slice %arg9[%dma_start3A_64, %dma_start3A_65] : memref<10112x128xf32, #tpu.memory_space<vmem_shared>> -> memref<10112x128xf32, #tpu.memory_space<vmem_shared>>
        tpu.enqueue_indirect_dma source(%arg8 : memref<128x128xf32, #tpu.memory_space<vmem>>) target(%dma_start3A_66 : memref<10112x128xf32, #tpu.memory_space<vmem_shared>>) offsets(%dma_start3A_63 : memref<128xi32, #tpu.memory_space<vmem>>) semaphore(%run_scoped3A_60 : memref<!tpu.dma_semaphore, #tpu.memory_space<semaphore_mem>>) {add = true}
        %dma_wait3A_67 = arith.constant 0 : i32
        %dma_wait3A_68 = tpu.memref_slice %arg7[%run_scoped3A_53, %dma_wait3A_67] : memref<8x128xi32, #tpu.memory_space<vmem>> -> memref<1x128xi32, #tpu.memory_space<vmem>>
        %dma_wait3A_69 = tpu.memref_squeeze %dma_wait3A_68 : memref<1x128xi32, #tpu.memory_space<vmem>> -> memref<128xi32, #tpu.memory_space<vmem>>
        %dma_wait3A_70 = arith.constant 0 : i32
        %dma_wait3A_71 = arith.constant 0 : i32
        %dma_wait3A_72 = tpu.memref_slice %arg9[%dma_wait3A_70, %dma_wait3A_71] : memref<10112x128xf32, #tpu.memory_space<vmem_shared>> -> memref<10112x128xf32, #tpu.memory_space<vmem_shared>>
        tpu.wait_indirect_dma semaphore(%run_scoped3A_60 : memref<!tpu.dma_semaphore, #tpu.memory_space<semaphore_mem>>) src(%arg8 : memref<128x128xf32, #tpu.memory_space<vmem>>) dst(%dma_wait3A_72 : memref<10112x128xf32, #tpu.memory_space<vmem_shared>>)
        tpu.yield
      }) : () -> ()
      %dma_wait3A_54 = arith.constant 0 : i32
      %dma_wait3A_55 = tpu.memref_slice %arg2[%add3A, %mul3A_39, %dma_wait3A_54] : memref<32x80x128xi32, #tpu.memory_space<hbm>> -> memref<1x8x128xi32, #tpu.memory_space<hbm>>
      %dma_wait3A_56 = tpu.memref_squeeze %dma_wait3A_55 : memref<1x8x128xi32, #tpu.memory_space<hbm>> -> memref<8x128xi32, #tpu.memory_space<hbm>>
      %dma_wait3A_57 = arith.constant 0 : i32
      %dma_wait3A_58 = tpu.memref_slice %arg2[%add3A, %mul3A_39, %dma_wait3A_57] : memref<32x80x128xi32, #tpu.memory_space<hbm>> -> memref<1x8x128xi32, #tpu.memory_space<hbm>>
      %dma_wait3A_59 = tpu.memref_squeeze %dma_wait3A_58 : memref<1x8x128xi32, #tpu.memory_space<hbm>> -> memref<8x128xi32, #tpu.memory_space<hbm>>
      tpu.wait_dma2 semaphore(%arg10 : memref<!tpu.dma_semaphore, #tpu.memory_space<semaphore_mem>>) src(%dma_wait3A_59 : memref<8x128xi32, #tpu.memory_space<hbm>>) dst(%arg6 : memref<8x128xi32, #tpu.memory_space<vmem>>)
    }
    %scan3A_7 = arith.constant 5 : i32
    %barrier3A_8 = arith.constant 0 : index
    tpu.barrier barrier_id(%barrier3A_8)
    "tpu.region"() ({
      %run_scoped3A = tpu.sem_alloc : memref<!tpu.dma_semaphore, #tpu.memory_space<semaphore_mem>>
      %dma_start3A = arith.constant 0 : i32
      %dma_start3A_9 = tpu.memref_slice %arg5[%arg0, %mul3A_2, %dma_start3A] : memref<2x10112x128xf32, #tpu.memory_space<hbm>> -> memref<1x632x128xf32, #tpu.memory_space<hbm>>
      %dma_start3A_10 = tpu.memref_squeeze %dma_start3A_9 : memref<1x632x128xf32, #tpu.memory_space<hbm>> -> memref<632x128xf32, #tpu.memory_space<hbm>>
      %dma_start3A_11 = arith.constant 0 : i32
      %dma_start3A_12 = tpu.memref_slice %arg9[%mul3A_2, %dma_start3A_11] : memref<10112x128xf32, #tpu.memory_space<vmem_shared>> -> memref<632x128xf32, #tpu.memory_space<vmem_shared>>
      tpu.enqueue_dma source(%dma_start3A_12 : memref<632x128xf32, #tpu.memory_space<vmem_shared>>) target(%dma_start3A_10 : memref<632x128xf32, #tpu.memory_space<hbm>>) target_semaphore(%run_scoped3A : memref<!tpu.dma_semaphore, #tpu.memory_space<semaphore_mem>>)
      %dma_wait3A = arith.constant 0 : i32
      %dma_wait3A_13 = tpu.memref_slice %arg5[%arg0, %mul3A_2, %dma_wait3A] : memref<2x10112x128xf32, #tpu.memory_space<hbm>> -> memref<1x632x128xf32, #tpu.memory_space<hbm>>
      %dma_wait3A_14 = tpu.memref_squeeze %dma_wait3A_13 : memref<1x632x128xf32, #tpu.memory_space<hbm>> -> memref<632x128xf32, #tpu.memory_space<hbm>>
      %dma_wait3A_15 = arith.constant 0 : i32
      %dma_wait3A_16 = tpu.memref_slice %arg9[%mul3A_2, %dma_wait3A_15] : memref<10112x128xf32, #tpu.memory_space<vmem_shared>> -> memref<632x128xf32, #tpu.memory_space<vmem_shared>>
      tpu.wait_dma2 semaphore(%run_scoped3A : memref<!tpu.dma_semaphore, #tpu.memory_space<semaphore_mem>>) src(%dma_wait3A_16 : memref<632x128xf32, #tpu.memory_space<vmem_shared>>) dst(%dma_wait3A_14 : memref<632x128xf32, #tpu.memory_space<hbm>>)
      tpu.yield
    }) : () -> ()
    return
  }
}

#map = affine_map<(d0, d1) -> (0, 0)>
#map1 = affine_map<(d0, d1) -> (0, 0, 0)>
module attributes {stable_mosaic.version = 14 : i64} {
  func.func @_sc_agg_body(%arg0: i32, %arg1: i32, %arg2: memref<10000x128xf32, #tpu.memory_space<hbm>>, %arg3: memref<32x80x128xi32, #tpu.memory_space<hbm>>, %arg4: memref<32x80x128xi32, #tpu.memory_space<hbm>>, %arg5: memref<632x128xf32, #tpu.memory_space<hbm>>, %arg6: memref<2x10112x128xf32, #tpu.memory_space<hbm>>, %arg7: memref<8x128xi32, #tpu.memory_space<vmem>>, %arg8: memref<8x128xi32, #tpu.memory_space<vmem>>, %arg9: memref<8x128xi32, #tpu.memory_space<vmem>>, %arg10: memref<8x128xi32, #tpu.memory_space<vmem>>, %arg11: memref<128x128xf32, #tpu.memory_space<vmem>>, %arg12: memref<128x128xf32, #tpu.memory_space<vmem>>, %arg13: memref<10112x128xf32, #tpu.memory_space<vmem_shared>>, %arg14: memref<!tpu.dma_semaphore, #tpu.memory_space<semaphore_mem>>, %arg15: memref<!tpu.dma_semaphore, #tpu.memory_space<semaphore_mem>>) attributes {dimension_semantics = [#tpu.dimension_semantics<core_parallel>, #tpu.dimension_semantics<subcore_parallel>], iteration_bounds = array<i64: 2, 16>, scalar_prefetch = 0 : i64, scratch_operands = 9 : i64, tpu.core_type = #tpu.core_type<sc_vector_subcore>, window_params = [{transform_indices = #map}, {transform_indices = #map1}, {transform_indices = #map1}, {transform_indices = #map}, {transform_indices = #map1}]} {
    %mul3A = arith.constant 16 : i32
    %mul3A_0 = arith.muli %arg0, %mul3A : i32
    %add3A = arith.addi %mul3A_0, %arg1 : i32
    %mul3A_1 = arith.constant 632 : i32
    %mul3A_2 = arith.muli %arg1, %mul3A_1 : i32
    "tpu.region"() ({
      %run_scoped3A = tpu.sem_alloc : memref<!tpu.dma_semaphore, #tpu.memory_space<semaphore_mem>>
      %dma_start3A = arith.constant 0 : i32
      %dma_start3A_9 = tpu.memref_slice %arg13[%mul3A_2, %dma_start3A] : memref<10112x128xf32, #tpu.memory_space<vmem_shared>> -> memref<632x128xf32, #tpu.memory_space<vmem_shared>>
      tpu.enqueue_dma source(%arg5 : memref<632x128xf32, #tpu.memory_space<hbm>>) target(%dma_start3A_9 : memref<632x128xf32, #tpu.memory_space<vmem_shared>>) target_semaphore(%run_scoped3A : memref<!tpu.dma_semaphore, #tpu.memory_space<semaphore_mem>>)
      %dma_wait3A = arith.constant 0 : i32
      %dma_wait3A_10 = tpu.memref_slice %arg13[%mul3A_2, %dma_wait3A] : memref<10112x128xf32, #tpu.memory_space<vmem_shared>> -> memref<632x128xf32, #tpu.memory_space<vmem_shared>>
      tpu.wait_dma2 semaphore(%run_scoped3A : memref<!tpu.dma_semaphore, #tpu.memory_space<semaphore_mem>>) src(%arg5 : memref<632x128xf32, #tpu.memory_space<hbm>>) dst(%dma_wait3A_10 : memref<632x128xf32, #tpu.memory_space<vmem_shared>>)
      tpu.yield
    }) : () -> ()
    "tpu.region"() ({
      %run_scoped3A = tpu.sem_alloc : memref<!tpu.dma_semaphore, #tpu.memory_space<semaphore_mem>>
      %dma_start3A = arith.constant 0 : i32
      %dma_start3A_9 = arith.constant 0 : i32
      %dma_start3A_10 = tpu.memref_slice %arg3[%add3A, %dma_start3A, %dma_start3A_9] : memref<32x80x128xi32, #tpu.memory_space<hbm>> -> memref<1x8x128xi32, #tpu.memory_space<hbm>>
      %dma_start3A_11 = tpu.memref_squeeze %dma_start3A_10 : memref<1x8x128xi32, #tpu.memory_space<hbm>> -> memref<8x128xi32, #tpu.memory_space<hbm>>
      %dma_start3A_12 = arith.constant 0 : i32
      %dma_start3A_13 = arith.constant 0 : i32
      %dma_start3A_14 = tpu.memref_slice %arg3[%add3A, %dma_start3A_12, %dma_start3A_13] : memref<32x80x128xi32, #tpu.memory_space<hbm>> -> memref<1x8x128xi32, #tpu.memory_space<hbm>>
      %dma_start3A_15 = tpu.memref_squeeze %dma_start3A_14 : memref<1x8x128xi32, #tpu.memory_space<hbm>> -> memref<8x128xi32, #tpu.memory_space<hbm>>
      tpu.enqueue_dma source(%dma_start3A_15 : memref<8x128xi32, #tpu.memory_space<hbm>>) target(%arg7 : memref<8x128xi32, #tpu.memory_space<vmem>>) target_semaphore(%run_scoped3A : memref<!tpu.dma_semaphore, #tpu.memory_space<semaphore_mem>>)
      %dma_wait3A = arith.constant 0 : i32
      %dma_wait3A_16 = arith.constant 0 : i32
      %dma_wait3A_17 = tpu.memref_slice %arg3[%add3A, %dma_wait3A, %dma_wait3A_16] : memref<32x80x128xi32, #tpu.memory_space<hbm>> -> memref<1x8x128xi32, #tpu.memory_space<hbm>>
      %dma_wait3A_18 = tpu.memref_squeeze %dma_wait3A_17 : memref<1x8x128xi32, #tpu.memory_space<hbm>> -> memref<8x128xi32, #tpu.memory_space<hbm>>
      %dma_wait3A_19 = arith.constant 0 : i32
      %dma_wait3A_20 = arith.constant 0 : i32
      %dma_wait3A_21 = tpu.memref_slice %arg3[%add3A, %dma_wait3A_19, %dma_wait3A_20] : memref<32x80x128xi32, #tpu.memory_space<hbm>> -> memref<1x8x128xi32, #tpu.memory_space<hbm>>
      %dma_wait3A_22 = tpu.memref_squeeze %dma_wait3A_21 : memref<1x8x128xi32, #tpu.memory_space<hbm>> -> memref<8x128xi32, #tpu.memory_space<hbm>>
      tpu.wait_dma2 semaphore(%run_scoped3A : memref<!tpu.dma_semaphore, #tpu.memory_space<semaphore_mem>>) src(%dma_wait3A_22 : memref<8x128xi32, #tpu.memory_space<hbm>>) dst(%arg7 : memref<8x128xi32, #tpu.memory_space<vmem>>)
      tpu.yield
    }) : () -> ()
    "tpu.region"() ({
      %run_scoped3A = tpu.sem_alloc : memref<!tpu.dma_semaphore, #tpu.memory_space<semaphore_mem>>
      %dma_start3A = arith.constant 0 : i32
      %dma_start3A_9 = arith.constant 0 : i32
      %dma_start3A_10 = tpu.memref_slice %arg4[%add3A, %dma_start3A, %dma_start3A_9] : memref<32x80x128xi32, #tpu.memory_space<hbm>> -> memref<1x8x128xi32, #tpu.memory_space<hbm>>
      %dma_start3A_11 = tpu.memref_squeeze %dma_start3A_10 : memref<1x8x128xi32, #tpu.memory_space<hbm>> -> memref<8x128xi32, #tpu.memory_space<hbm>>
      %dma_start3A_12 = arith.constant 0 : i32
      %dma_start3A_13 = arith.constant 0 : i32
      %dma_start3A_14 = tpu.memref_slice %arg4[%add3A, %dma_start3A_12, %dma_start3A_13] : memref<32x80x128xi32, #tpu.memory_space<hbm>> -> memref<1x8x128xi32, #tpu.memory_space<hbm>>
      %dma_start3A_15 = tpu.memref_squeeze %dma_start3A_14 : memref<1x8x128xi32, #tpu.memory_space<hbm>> -> memref<8x128xi32, #tpu.memory_space<hbm>>
      tpu.enqueue_dma source(%dma_start3A_15 : memref<8x128xi32, #tpu.memory_space<hbm>>) target(%arg8 : memref<8x128xi32, #tpu.memory_space<vmem>>) target_semaphore(%run_scoped3A : memref<!tpu.dma_semaphore, #tpu.memory_space<semaphore_mem>>)
      %dma_wait3A = arith.constant 0 : i32
      %dma_wait3A_16 = arith.constant 0 : i32
      %dma_wait3A_17 = tpu.memref_slice %arg4[%add3A, %dma_wait3A, %dma_wait3A_16] : memref<32x80x128xi32, #tpu.memory_space<hbm>> -> memref<1x8x128xi32, #tpu.memory_space<hbm>>
      %dma_wait3A_18 = tpu.memref_squeeze %dma_wait3A_17 : memref<1x8x128xi32, #tpu.memory_space<hbm>> -> memref<8x128xi32, #tpu.memory_space<hbm>>
      %dma_wait3A_19 = arith.constant 0 : i32
      %dma_wait3A_20 = arith.constant 0 : i32
      %dma_wait3A_21 = tpu.memref_slice %arg4[%add3A, %dma_wait3A_19, %dma_wait3A_20] : memref<32x80x128xi32, #tpu.memory_space<hbm>> -> memref<1x8x128xi32, #tpu.memory_space<hbm>>
      %dma_wait3A_22 = tpu.memref_squeeze %dma_wait3A_21 : memref<1x8x128xi32, #tpu.memory_space<hbm>> -> memref<8x128xi32, #tpu.memory_space<hbm>>
      tpu.wait_dma2 semaphore(%run_scoped3A : memref<!tpu.dma_semaphore, #tpu.memory_space<semaphore_mem>>) src(%dma_wait3A_22 : memref<8x128xi32, #tpu.memory_space<hbm>>) dst(%arg8 : memref<8x128xi32, #tpu.memory_space<vmem>>)
      tpu.yield
    }) : () -> ()
    %barrier3A = arith.constant 0 : index
    tpu.barrier barrier_id(%barrier3A)
    %scan3A = arith.constant 0 : i32
    %scan3A_3 = arith.constant 0 : i32
    %scan3A_4 = arith.constant 5 : i32
    %scan3A_5 = arith.addi %scan3A_3, %scan3A_4 : i32
    %scan3A_6 = arith.constant 1 : i32
    scf.for %scan3A_9 = %scan3A_3 to %scan3A_5 step %scan3A_6  : i32 {
      %mul3A_10 = arith.constant 2 : i32
      %mul3A_11 = arith.muli %mul3A_10, %scan3A_9 : i32
      %add3A_12 = arith.constant 1 : i32
      %add3A_13 = arith.addi %mul3A_11, %add3A_12 : i32
      %mul3A_14 = arith.constant 8 : i32
      %mul3A_15 = arith.muli %add3A_13, %mul3A_14 : i32
      %dma_start3A = arith.constant 0 : i32
      %dma_start3A_16 = tpu.memref_slice %arg3[%add3A, %mul3A_15, %dma_start3A] : memref<32x80x128xi32, #tpu.memory_space<hbm>> -> memref<1x8x128xi32, #tpu.memory_space<hbm>>
      %dma_start3A_17 = tpu.memref_squeeze %dma_start3A_16 : memref<1x8x128xi32, #tpu.memory_space<hbm>> -> memref<8x128xi32, #tpu.memory_space<hbm>>
      %dma_start3A_18 = arith.constant 0 : i32
      %dma_start3A_19 = tpu.memref_slice %arg3[%add3A, %mul3A_15, %dma_start3A_18] : memref<32x80x128xi32, #tpu.memory_space<hbm>> -> memref<1x8x128xi32, #tpu.memory_space<hbm>>
      %dma_start3A_20 = tpu.memref_squeeze %dma_start3A_19 : memref<1x8x128xi32, #tpu.memory_space<hbm>> -> memref<8x128xi32, #tpu.memory_space<hbm>>
      tpu.enqueue_dma source(%dma_start3A_20 : memref<8x128xi32, #tpu.memory_space<hbm>>) target(%arg9 : memref<8x128xi32, #tpu.memory_space<vmem>>) target_semaphore(%arg15 : memref<!tpu.dma_semaphore, #tpu.memory_space<semaphore_mem>>)
      %dma_start3A_21 = arith.constant 0 : i32
      %dma_start3A_22 = tpu.memref_slice %arg4[%add3A, %mul3A_15, %dma_start3A_21] : memref<32x80x128xi32, #tpu.memory_space<hbm>> -> memref<1x8x128xi32, #tpu.memory_space<hbm>>
      %dma_start3A_23 = tpu.memref_squeeze %dma_start3A_22 : memref<1x8x128xi32, #tpu.memory_space<hbm>> -> memref<8x128xi32, #tpu.memory_space<hbm>>
      %dma_start3A_24 = arith.constant 0 : i32
      %dma_start3A_25 = tpu.memref_slice %arg4[%add3A, %mul3A_15, %dma_start3A_24] : memref<32x80x128xi32, #tpu.memory_space<hbm>> -> memref<1x8x128xi32, #tpu.memory_space<hbm>>
      %dma_start3A_26 = tpu.memref_squeeze %dma_start3A_25 : memref<1x8x128xi32, #tpu.memory_space<hbm>> -> memref<8x128xi32, #tpu.memory_space<hbm>>
      tpu.enqueue_dma source(%dma_start3A_26 : memref<8x128xi32, #tpu.memory_space<hbm>>) target(%arg10 : memref<8x128xi32, #tpu.memory_space<vmem>>) target_semaphore(%arg15 : memref<!tpu.dma_semaphore, #tpu.memory_space<semaphore_mem>>)
      %dma_start3A_27 = arith.constant 0 : i32
      %dma_start3A_28 = arith.constant 0 : i32
      %dma_start3A_29 = tpu.memref_slice %arg7[%dma_start3A_27, %dma_start3A_28] : memref<8x128xi32, #tpu.memory_space<vmem>> -> memref<1x128xi32, #tpu.memory_space<vmem>>
      %dma_start3A_30 = tpu.memref_squeeze %dma_start3A_29 : memref<1x128xi32, #tpu.memory_space<vmem>> -> memref<128xi32, #tpu.memory_space<vmem>>
      %dma_start3A_31 = arith.constant 0 : i32
      %dma_start3A_32 = arith.constant 0 : i32
      %dma_start3A_33 = tpu.memref_slice %arg2[%dma_start3A_31, %dma_start3A_32] : memref<10000x128xf32, #tpu.memory_space<hbm>> -> memref<10000x128xf32, #tpu.memory_space<hbm>>
      tpu.enqueue_indirect_dma source(%dma_start3A_33 : memref<10000x128xf32, #tpu.memory_space<hbm>>) target(%arg11 : memref<128x128xf32, #tpu.memory_space<vmem>>) offsets(%dma_start3A_30 : memref<128xi32, #tpu.memory_space<vmem>>) semaphore(%arg14 : memref<!tpu.dma_semaphore, #tpu.memory_space<semaphore_mem>>)
      %dma_start3A_34 = arith.constant 1 : i32
      %dma_start3A_35 = arith.constant 0 : i32
      %dma_start3A_36 = tpu.memref_slice %arg7[%dma_start3A_34, %dma_start3A_35] : memref<8x128xi32, #tpu.memory_space<vmem>> -> memref<1x128xi32, #tpu.memory_space<vmem>>
      %dma_start3A_37 = tpu.memref_squeeze %dma_start3A_36 : memref<1x128xi32, #tpu.memory_space<vmem>> -> memref<128xi32, #tpu.memory_space<vmem>>
      %dma_start3A_38 = arith.constant 0 : i32
      %dma_start3A_39 = arith.constant 0 : i32
      %dma_start3A_40 = tpu.memref_slice %arg2[%dma_start3A_38, %dma_start3A_39] : memref<10000x128xf32, #tpu.memory_space<hbm>> -> memref<10000x128xf32, #tpu.memory_space<hbm>>
      tpu.enqueue_indirect_dma source(%dma_start3A_40 : memref<10000x128xf32, #tpu.memory_space<hbm>>) target(%arg12 : memref<128x128xf32, #tpu.memory_space<vmem>>) offsets(%dma_start3A_37 : memref<128xi32, #tpu.memory_space<vmem>>) semaphore(%arg14 : memref<!tpu.dma_semaphore, #tpu.memory_space<semaphore_mem>>)
      %dma_wait3A = arith.constant 0 : i32
      %dma_wait3A_41 = arith.constant 0 : i32
      %dma_wait3A_42 = tpu.memref_slice %arg7[%dma_wait3A, %dma_wait3A_41] : memref<8x128xi32, #tpu.memory_space<vmem>> -> memref<1x128xi32, #tpu.memory_space<vmem>>
      %dma_wait3A_43 = tpu.memref_squeeze %dma_wait3A_42 : memref<1x128xi32, #tpu.memory_space<vmem>> -> memref<128xi32, #tpu.memory_space<vmem>>
      %dma_wait3A_44 = arith.constant 0 : i32
      %dma_wait3A_45 = arith.constant 0 : i32
      %dma_wait3A_46 = tpu.memref_slice %arg2[%dma_wait3A_44, %dma_wait3A_45] : memref<10000x128xf32, #tpu.memory_space<hbm>> -> memref<10000x128xf32, #tpu.memory_space<hbm>>
      tpu.wait_indirect_dma semaphore(%arg14 : memref<!tpu.dma_semaphore, #tpu.memory_space<semaphore_mem>>) src(%dma_wait3A_46 : memref<10000x128xf32, #tpu.memory_space<hbm>>) dst(%arg11 : memref<128x128xf32, #tpu.memory_space<vmem>>)
      %run_scoped3A = arith.constant 0 : i32
      "tpu.region"() ({
        %run_scoped3A_308 = tpu.sem_alloc : memref<!tpu.dma_semaphore, #tpu.memory_space<semaphore_mem>>
        %dma_start3A_309 = arith.constant 0 : i32
        %dma_start3A_310 = tpu.memref_slice %arg8[%run_scoped3A, %dma_start3A_309] : memref<8x128xi32, #tpu.memory_space<vmem>> -> memref<1x128xi32, #tpu.memory_space<vmem>>
        %dma_start3A_311 = tpu.memref_squeeze %dma_start3A_310 : memref<1x128xi32, #tpu.memory_space<vmem>> -> memref<128xi32, #tpu.memory_space<vmem>>
        %dma_start3A_312 = arith.constant 0 : i32
        %dma_start3A_313 = arith.constant 0 : i32
        %dma_start3A_314 = tpu.memref_slice %arg13[%dma_start3A_312, %dma_start3A_313] : memref<10112x128xf32, #tpu.memory_space<vmem_shared>> -> memref<10112x128xf32, #tpu.memory_space<vmem_shared>>
        tpu.enqueue_indirect_dma source(%arg11 : memref<128x128xf32, #tpu.memory_space<vmem>>) target(%dma_start3A_314 : memref<10112x128xf32, #tpu.memory_space<vmem_shared>>) offsets(%dma_start3A_311 : memref<128xi32, #tpu.memory_space<vmem>>) semaphore(%run_scoped3A_308 : memref<!tpu.dma_semaphore, #tpu.memory_space<semaphore_mem>>) {add = true}
        %dma_wait3A_315 = arith.constant 0 : i32
        %dma_wait3A_316 = tpu.memref_slice %arg8[%run_scoped3A, %dma_wait3A_315] : memref<8x128xi32, #tpu.memory_space<vmem>> -> memref<1x128xi32, #tpu.memory_space<vmem>>
        %dma_wait3A_317 = tpu.memref_squeeze %dma_wait3A_316 : memref<1x128xi32, #tpu.memory_space<vmem>> -> memref<128xi32, #tpu.memory_space<vmem>>
        %dma_wait3A_318 = arith.constant 0 : i32
        %dma_wait3A_319 = arith.constant 0 : i32
        %dma_wait3A_320 = tpu.memref_slice %arg13[%dma_wait3A_318, %dma_wait3A_319] : memref<10112x128xf32, #tpu.memory_space<vmem_shared>> -> memref<10112x128xf32, #tpu.memory_space<vmem_shared>>
        tpu.wait_indirect_dma semaphore(%run_scoped3A_308 : memref<!tpu.dma_semaphore, #tpu.memory_space<semaphore_mem>>) src(%arg11 : memref<128x128xf32, #tpu.memory_space<vmem>>) dst(%dma_wait3A_320 : memref<10112x128xf32, #tpu.memory_space<vmem_shared>>)
        tpu.yield
      }) : () -> ()
      %dma_start3A_47 = arith.constant 2 : i32
      %dma_start3A_48 = arith.constant 0 : i32
      %dma_start3A_49 = tpu.memref_slice %arg7[%dma_start3A_47, %dma_start3A_48] : memref<8x128xi32, #tpu.memory_space<vmem>> -> memref<1x128xi32, #tpu.memory_space<vmem>>
      %dma_start3A_50 = tpu.memref_squeeze %dma_start3A_49 : memref<1x128xi32, #tpu.memory_space<vmem>> -> memref<128xi32, #tpu.memory_space<vmem>>
      %dma_start3A_51 = arith.constant 0 : i32
      %dma_start3A_52 = arith.constant 0 : i32
      %dma_start3A_53 = tpu.memref_slice %arg2[%dma_start3A_51, %dma_start3A_52] : memref<10000x128xf32, #tpu.memory_space<hbm>> -> memref<10000x128xf32, #tpu.memory_space<hbm>>
      tpu.enqueue_indirect_dma source(%dma_start3A_53 : memref<10000x128xf32, #tpu.memory_space<hbm>>) target(%arg11 : memref<128x128xf32, #tpu.memory_space<vmem>>) offsets(%dma_start3A_50 : memref<128xi32, #tpu.memory_space<vmem>>) semaphore(%arg14 : memref<!tpu.dma_semaphore, #tpu.memory_space<semaphore_mem>>)
      %dma_wait3A_54 = arith.constant 1 : i32
      %dma_wait3A_55 = arith.constant 0 : i32
      %dma_wait3A_56 = tpu.memref_slice %arg7[%dma_wait3A_54, %dma_wait3A_55] : memref<8x128xi32, #tpu.memory_space<vmem>> -> memref<1x128xi32, #tpu.memory_space<vmem>>
      %dma_wait3A_57 = tpu.memref_squeeze %dma_wait3A_56 : memref<1x128xi32, #tpu.memory_space<vmem>> -> memref<128xi32, #tpu.memory_space<vmem>>
      %dma_wait3A_58 = arith.constant 0 : i32
      %dma_wait3A_59 = arith.constant 0 : i32
      %dma_wait3A_60 = tpu.memref_slice %arg2[%dma_wait3A_58, %dma_wait3A_59] : memref<10000x128xf32, #tpu.memory_space<hbm>> -> memref<10000x128xf32, #tpu.memory_space<hbm>>
      tpu.wait_indirect_dma semaphore(%arg14 : memref<!tpu.dma_semaphore, #tpu.memory_space<semaphore_mem>>) src(%dma_wait3A_60 : memref<10000x128xf32, #tpu.memory_space<hbm>>) dst(%arg12 : memref<128x128xf32, #tpu.memory_space<vmem>>)
      %run_scoped3A_61 = arith.constant 1 : i32
      "tpu.region"() ({
        %run_scoped3A_308 = tpu.sem_alloc : memref<!tpu.dma_semaphore, #tpu.memory_space<semaphore_mem>>
        %dma_start3A_309 = arith.constant 0 : i32
        %dma_start3A_310 = tpu.memref_slice %arg8[%run_scoped3A_61, %dma_start3A_309] : memref<8x128xi32, #tpu.memory_space<vmem>> -> memref<1x128xi32, #tpu.memory_space<vmem>>
        %dma_start3A_311 = tpu.memref_squeeze %dma_start3A_310 : memref<1x128xi32, #tpu.memory_space<vmem>> -> memref<128xi32, #tpu.memory_space<vmem>>
        %dma_start3A_312 = arith.constant 0 : i32
        %dma_start3A_313 = arith.constant 0 : i32
        %dma_start3A_314 = tpu.memref_slice %arg13[%dma_start3A_312, %dma_start3A_313] : memref<10112x128xf32, #tpu.memory_space<vmem_shared>> -> memref<10112x128xf32, #tpu.memory_space<vmem_shared>>
        tpu.enqueue_indirect_dma source(%arg12 : memref<128x128xf32, #tpu.memory_space<vmem>>) target(%dma_start3A_314 : memref<10112x128xf32, #tpu.memory_space<vmem_shared>>) offsets(%dma_start3A_311 : memref<128xi32, #tpu.memory_space<vmem>>) semaphore(%run_scoped3A_308 : memref<!tpu.dma_semaphore, #tpu.memory_space<semaphore_mem>>) {add = true}
        %dma_wait3A_315 = arith.constant 0 : i32
        %dma_wait3A_316 = tpu.memref_slice %arg8[%run_scoped3A_61, %dma_wait3A_315] : memref<8x128xi32, #tpu.memory_space<vmem>> -> memref<1x128xi32, #tpu.memory_space<vmem>>
        %dma_wait3A_317 = tpu.memref_squeeze %dma_wait3A_316 : memref<1x128xi32, #tpu.memory_space<vmem>> -> memref<128xi32, #tpu.memory_space<vmem>>
        %dma_wait3A_318 = arith.constant 0 : i32
        %dma_wait3A_319 = arith.constant 0 : i32
        %dma_wait3A_320 = tpu.memref_slice %arg13[%dma_wait3A_318, %dma_wait3A_319] : memref<10112x128xf32, #tpu.memory_space<vmem_shared>> -> memref<10112x128xf32, #tpu.memory_space<vmem_shared>>
        tpu.wait_indirect_dma semaphore(%run_scoped3A_308 : memref<!tpu.dma_semaphore, #tpu.memory_space<semaphore_mem>>) src(%arg12 : memref<128x128xf32, #tpu.memory_space<vmem>>) dst(%dma_wait3A_320 : memref<10112x128xf32, #tpu.memory_space<vmem_shared>>)
        tpu.yield
      }) : () -> ()
      %dma_start3A_62 = arith.constant 3 : i32
      %dma_start3A_63 = arith.constant 0 : i32
      %dma_start3A_64 = tpu.memref_slice %arg7[%dma_start3A_62, %dma_start3A_63] : memref<8x128xi32, #tpu.memory_space<vmem>> -> memref<1x128xi32, #tpu.memory_space<vmem>>
      %dma_start3A_65 = tpu.memref_squeeze %dma_start3A_64 : memref<1x128xi32, #tpu.memory_space<vmem>> -> memref<128xi32, #tpu.memory_space<vmem>>
      %dma_start3A_66 = arith.constant 0 : i32
      %dma_start3A_67 = arith.constant 0 : i32
      %dma_start3A_68 = tpu.memref_slice %arg2[%dma_start3A_66, %dma_start3A_67] : memref<10000x128xf32, #tpu.memory_space<hbm>> -> memref<10000x128xf32, #tpu.memory_space<hbm>>
      tpu.enqueue_indirect_dma source(%dma_start3A_68 : memref<10000x128xf32, #tpu.memory_space<hbm>>) target(%arg12 : memref<128x128xf32, #tpu.memory_space<vmem>>) offsets(%dma_start3A_65 : memref<128xi32, #tpu.memory_space<vmem>>) semaphore(%arg14 : memref<!tpu.dma_semaphore, #tpu.memory_space<semaphore_mem>>)
      %dma_wait3A_69 = arith.constant 2 : i32
      %dma_wait3A_70 = arith.constant 0 : i32
      %dma_wait3A_71 = tpu.memref_slice %arg7[%dma_wait3A_69, %dma_wait3A_70] : memref<8x128xi32, #tpu.memory_space<vmem>> -> memref<1x128xi32, #tpu.memory_space<vmem>>
      %dma_wait3A_72 = tpu.memref_squeeze %dma_wait3A_71 : memref<1x128xi32, #tpu.memory_space<vmem>> -> memref<128xi32, #tpu.memory_space<vmem>>
      %dma_wait3A_73 = arith.constant 0 : i32
      %dma_wait3A_74 = arith.constant 0 : i32
      %dma_wait3A_75 = tpu.memref_slice %arg2[%dma_wait3A_73, %dma_wait3A_74] : memref<10000x128xf32, #tpu.memory_space<hbm>> -> memref<10000x128xf32, #tpu.memory_space<hbm>>
      tpu.wait_indirect_dma semaphore(%arg14 : memref<!tpu.dma_semaphore, #tpu.memory_space<semaphore_mem>>) src(%dma_wait3A_75 : memref<10000x128xf32, #tpu.memory_space<hbm>>) dst(%arg11 : memref<128x128xf32, #tpu.memory_space<vmem>>)
      %run_scoped3A_76 = arith.constant 2 : i32
      "tpu.region"() ({
        %run_scoped3A_308 = tpu.sem_alloc : memref<!tpu.dma_semaphore, #tpu.memory_space<semaphore_mem>>
        %dma_start3A_309 = arith.constant 0 : i32
        %dma_start3A_310 = tpu.memref_slice %arg8[%run_scoped3A_76, %dma_start3A_309] : memref<8x128xi32, #tpu.memory_space<vmem>> -> memref<1x128xi32, #tpu.memory_space<vmem>>
        %dma_start3A_311 = tpu.memref_squeeze %dma_start3A_310 : memref<1x128xi32, #tpu.memory_space<vmem>> -> memref<128xi32, #tpu.memory_space<vmem>>
        %dma_start3A_312 = arith.constant 0 : i32
        %dma_start3A_313 = arith.constant 0 : i32
        %dma_start3A_314 = tpu.memref_slice %arg13[%dma_start3A_312, %dma_start3A_313] : memref<10112x128xf32, #tpu.memory_space<vmem_shared>> -> memref<10112x128xf32, #tpu.memory_space<vmem_shared>>
        tpu.enqueue_indirect_dma source(%arg11 : memref<128x128xf32, #tpu.memory_space<vmem>>) target(%dma_start3A_314 : memref<10112x128xf32, #tpu.memory_space<vmem_shared>>) offsets(%dma_start3A_311 : memref<128xi32, #tpu.memory_space<vmem>>) semaphore(%run_scoped3A_308 : memref<!tpu.dma_semaphore, #tpu.memory_space<semaphore_mem>>) {add = true}
        %dma_wait3A_315 = arith.constant 0 : i32
        %dma_wait3A_316 = tpu.memref_slice %arg8[%run_scoped3A_76, %dma_wait3A_315] : memref<8x128xi32, #tpu.memory_space<vmem>> -> memref<1x128xi32, #tpu.memory_space<vmem>>
        %dma_wait3A_317 = tpu.memref_squeeze %dma_wait3A_316 : memref<1x128xi32, #tpu.memory_space<vmem>> -> memref<128xi32, #tpu.memory_space<vmem>>
        %dma_wait3A_318 = arith.constant 0 : i32
        %dma_wait3A_319 = arith.constant 0 : i32
        %dma_wait3A_320 = tpu.memref_slice %arg13[%dma_wait3A_318, %dma_wait3A_319] : memref<10112x128xf32, #tpu.memory_space<vmem_shared>> -> memref<10112x128xf32, #tpu.memory_space<vmem_shared>>
        tpu.wait_indirect_dma semaphore(%run_scoped3A_308 : memref<!tpu.dma_semaphore, #tpu.memory_space<semaphore_mem>>) src(%arg11 : memref<128x128xf32, #tpu.memory_space<vmem>>) dst(%dma_wait3A_320 : memref<10112x128xf32, #tpu.memory_space<vmem_shared>>)
        tpu.yield
      }) : () -> ()
      %dma_start3A_77 = arith.constant 4 : i32
      %dma_start3A_78 = arith.constant 0 : i32
      %dma_start3A_79 = tpu.memref_slice %arg7[%dma_start3A_77, %dma_start3A_78] : memref<8x128xi32, #tpu.memory_space<vmem>> -> memref<1x128xi32, #tpu.memory_space<vmem>>
      %dma_start3A_80 = tpu.memref_squeeze %dma_start3A_79 : memref<1x128xi32, #tpu.memory_space<vmem>> -> memref<128xi32, #tpu.memory_space<vmem>>
      %dma_start3A_81 = arith.constant 0 : i32
      %dma_start3A_82 = arith.constant 0 : i32
      %dma_start3A_83 = tpu.memref_slice %arg2[%dma_start3A_81, %dma_start3A_82] : memref<10000x128xf32, #tpu.memory_space<hbm>> -> memref<10000x128xf32, #tpu.memory_space<hbm>>
      tpu.enqueue_indirect_dma source(%dma_start3A_83 : memref<10000x128xf32, #tpu.memory_space<hbm>>) target(%arg11 : memref<128x128xf32, #tpu.memory_space<vmem>>) offsets(%dma_start3A_80 : memref<128xi32, #tpu.memory_space<vmem>>) semaphore(%arg14 : memref<!tpu.dma_semaphore, #tpu.memory_space<semaphore_mem>>)
      %dma_wait3A_84 = arith.constant 3 : i32
      %dma_wait3A_85 = arith.constant 0 : i32
      %dma_wait3A_86 = tpu.memref_slice %arg7[%dma_wait3A_84, %dma_wait3A_85] : memref<8x128xi32, #tpu.memory_space<vmem>> -> memref<1x128xi32, #tpu.memory_space<vmem>>
      %dma_wait3A_87 = tpu.memref_squeeze %dma_wait3A_86 : memref<1x128xi32, #tpu.memory_space<vmem>> -> memref<128xi32, #tpu.memory_space<vmem>>
      %dma_wait3A_88 = arith.constant 0 : i32
      %dma_wait3A_89 = arith.constant 0 : i32
      %dma_wait3A_90 = tpu.memref_slice %arg2[%dma_wait3A_88, %dma_wait3A_89] : memref<10000x128xf32, #tpu.memory_space<hbm>> -> memref<10000x128xf32, #tpu.memory_space<hbm>>
      tpu.wait_indirect_dma semaphore(%arg14 : memref<!tpu.dma_semaphore, #tpu.memory_space<semaphore_mem>>) src(%dma_wait3A_90 : memref<10000x128xf32, #tpu.memory_space<hbm>>) dst(%arg12 : memref<128x128xf32, #tpu.memory_space<vmem>>)
      %run_scoped3A_91 = arith.constant 3 : i32
      "tpu.region"() ({
        %run_scoped3A_308 = tpu.sem_alloc : memref<!tpu.dma_semaphore, #tpu.memory_space<semaphore_mem>>
        %dma_start3A_309 = arith.constant 0 : i32
        %dma_start3A_310 = tpu.memref_slice %arg8[%run_scoped3A_91, %dma_start3A_309] : memref<8x128xi32, #tpu.memory_space<vmem>> -> memref<1x128xi32, #tpu.memory_space<vmem>>
        %dma_start3A_311 = tpu.memref_squeeze %dma_start3A_310 : memref<1x128xi32, #tpu.memory_space<vmem>> -> memref<128xi32, #tpu.memory_space<vmem>>
        %dma_start3A_312 = arith.constant 0 : i32
        %dma_start3A_313 = arith.constant 0 : i32
        %dma_start3A_314 = tpu.memref_slice %arg13[%dma_start3A_312, %dma_start3A_313] : memref<10112x128xf32, #tpu.memory_space<vmem_shared>> -> memref<10112x128xf32, #tpu.memory_space<vmem_shared>>
        tpu.enqueue_indirect_dma source(%arg12 : memref<128x128xf32, #tpu.memory_space<vmem>>) target(%dma_start3A_314 : memref<10112x128xf32, #tpu.memory_space<vmem_shared>>) offsets(%dma_start3A_311 : memref<128xi32, #tpu.memory_space<vmem>>) semaphore(%run_scoped3A_308 : memref<!tpu.dma_semaphore, #tpu.memory_space<semaphore_mem>>) {add = true}
        %dma_wait3A_315 = arith.constant 0 : i32
        %dma_wait3A_316 = tpu.memref_slice %arg8[%run_scoped3A_91, %dma_wait3A_315] : memref<8x128xi32, #tpu.memory_space<vmem>> -> memref<1x128xi32, #tpu.memory_space<vmem>>
        %dma_wait3A_317 = tpu.memref_squeeze %dma_wait3A_316 : memref<1x128xi32, #tpu.memory_space<vmem>> -> memref<128xi32, #tpu.memory_space<vmem>>
        %dma_wait3A_318 = arith.constant 0 : i32
        %dma_wait3A_319 = arith.constant 0 : i32
        %dma_wait3A_320 = tpu.memref_slice %arg13[%dma_wait3A_318, %dma_wait3A_319] : memref<10112x128xf32, #tpu.memory_space<vmem_shared>> -> memref<10112x128xf32, #tpu.memory_space<vmem_shared>>
        tpu.wait_indirect_dma semaphore(%run_scoped3A_308 : memref<!tpu.dma_semaphore, #tpu.memory_space<semaphore_mem>>) src(%arg12 : memref<128x128xf32, #tpu.memory_space<vmem>>) dst(%dma_wait3A_320 : memref<10112x128xf32, #tpu.memory_space<vmem_shared>>)
        tpu.yield
      }) : () -> ()
      %dma_start3A_92 = arith.constant 5 : i32
      %dma_start3A_93 = arith.constant 0 : i32
      %dma_start3A_94 = tpu.memref_slice %arg7[%dma_start3A_92, %dma_start3A_93] : memref<8x128xi32, #tpu.memory_space<vmem>> -> memref<1x128xi32, #tpu.memory_space<vmem>>
      %dma_start3A_95 = tpu.memref_squeeze %dma_start3A_94 : memref<1x128xi32, #tpu.memory_space<vmem>> -> memref<128xi32, #tpu.memory_space<vmem>>
      %dma_start3A_96 = arith.constant 0 : i32
      %dma_start3A_97 = arith.constant 0 : i32
      %dma_start3A_98 = tpu.memref_slice %arg2[%dma_start3A_96, %dma_start3A_97] : memref<10000x128xf32, #tpu.memory_space<hbm>> -> memref<10000x128xf32, #tpu.memory_space<hbm>>
      tpu.enqueue_indirect_dma source(%dma_start3A_98 : memref<10000x128xf32, #tpu.memory_space<hbm>>) target(%arg12 : memref<128x128xf32, #tpu.memory_space<vmem>>) offsets(%dma_start3A_95 : memref<128xi32, #tpu.memory_space<vmem>>) semaphore(%arg14 : memref<!tpu.dma_semaphore, #tpu.memory_space<semaphore_mem>>)
      %dma_wait3A_99 = arith.constant 4 : i32
      %dma_wait3A_100 = arith.constant 0 : i32
      %dma_wait3A_101 = tpu.memref_slice %arg7[%dma_wait3A_99, %dma_wait3A_100] : memref<8x128xi32, #tpu.memory_space<vmem>> -> memref<1x128xi32, #tpu.memory_space<vmem>>
      %dma_wait3A_102 = tpu.memref_squeeze %dma_wait3A_101 : memref<1x128xi32, #tpu.memory_space<vmem>> -> memref<128xi32, #tpu.memory_space<vmem>>
      %dma_wait3A_103 = arith.constant 0 : i32
      %dma_wait3A_104 = arith.constant 0 : i32
      %dma_wait3A_105 = tpu.memref_slice %arg2[%dma_wait3A_103, %dma_wait3A_104] : memref<10000x128xf32, #tpu.memory_space<hbm>> -> memref<10000x128xf32, #tpu.memory_space<hbm>>
      tpu.wait_indirect_dma semaphore(%arg14 : memref<!tpu.dma_semaphore, #tpu.memory_space<semaphore_mem>>) src(%dma_wait3A_105 : memref<10000x128xf32, #tpu.memory_space<hbm>>) dst(%arg11 : memref<128x128xf32, #tpu.memory_space<vmem>>)
      %run_scoped3A_106 = arith.constant 4 : i32
      "tpu.region"() ({
        %run_scoped3A_308 = tpu.sem_alloc : memref<!tpu.dma_semaphore, #tpu.memory_space<semaphore_mem>>
        %dma_start3A_309 = arith.constant 0 : i32
        %dma_start3A_310 = tpu.memref_slice %arg8[%run_scoped3A_106, %dma_start3A_309] : memref<8x128xi32, #tpu.memory_space<vmem>> -> memref<1x128xi32, #tpu.memory_space<vmem>>
        %dma_start3A_311 = tpu.memref_squeeze %dma_start3A_310 : memref<1x128xi32, #tpu.memory_space<vmem>> -> memref<128xi32, #tpu.memory_space<vmem>>
        %dma_start3A_312 = arith.constant 0 : i32
        %dma_start3A_313 = arith.constant 0 : i32
        %dma_start3A_314 = tpu.memref_slice %arg13[%dma_start3A_312, %dma_start3A_313] : memref<10112x128xf32, #tpu.memory_space<vmem_shared>> -> memref<10112x128xf32, #tpu.memory_space<vmem_shared>>
        tpu.enqueue_indirect_dma source(%arg11 : memref<128x128xf32, #tpu.memory_space<vmem>>) target(%dma_start3A_314 : memref<10112x128xf32, #tpu.memory_space<vmem_shared>>) offsets(%dma_start3A_311 : memref<128xi32, #tpu.memory_space<vmem>>) semaphore(%run_scoped3A_308 : memref<!tpu.dma_semaphore, #tpu.memory_space<semaphore_mem>>) {add = true}
        %dma_wait3A_315 = arith.constant 0 : i32
        %dma_wait3A_316 = tpu.memref_slice %arg8[%run_scoped3A_106, %dma_wait3A_315] : memref<8x128xi32, #tpu.memory_space<vmem>> -> memref<1x128xi32, #tpu.memory_space<vmem>>
        %dma_wait3A_317 = tpu.memref_squeeze %dma_wait3A_316 : memref<1x128xi32, #tpu.memory_space<vmem>> -> memref<128xi32, #tpu.memory_space<vmem>>
        %dma_wait3A_318 = arith.constant 0 : i32
        %dma_wait3A_319 = arith.constant 0 : i32
        %dma_wait3A_320 = tpu.memref_slice %arg13[%dma_wait3A_318, %dma_wait3A_319] : memref<10112x128xf32, #tpu.memory_space<vmem_shared>> -> memref<10112x128xf32, #tpu.memory_space<vmem_shared>>
        tpu.wait_indirect_dma semaphore(%run_scoped3A_308 : memref<!tpu.dma_semaphore, #tpu.memory_space<semaphore_mem>>) src(%arg11 : memref<128x128xf32, #tpu.memory_space<vmem>>) dst(%dma_wait3A_320 : memref<10112x128xf32, #tpu.memory_space<vmem_shared>>)
        tpu.yield
      }) : () -> ()
      %dma_start3A_107 = arith.constant 6 : i32
      %dma_start3A_108 = arith.constant 0 : i32
      %dma_start3A_109 = tpu.memref_slice %arg7[%dma_start3A_107, %dma_start3A_108] : memref<8x128xi32, #tpu.memory_space<vmem>> -> memref<1x128xi32, #tpu.memory_space<vmem>>
      %dma_start3A_110 = tpu.memref_squeeze %dma_start3A_109 : memref<1x128xi32, #tpu.memory_space<vmem>> -> memref<128xi32, #tpu.memory_space<vmem>>
      %dma_start3A_111 = arith.constant 0 : i32
      %dma_start3A_112 = arith.constant 0 : i32
      %dma_start3A_113 = tpu.memref_slice %arg2[%dma_start3A_111, %dma_start3A_112] : memref<10000x128xf32, #tpu.memory_space<hbm>> -> memref<10000x128xf32, #tpu.memory_space<hbm>>
      tpu.enqueue_indirect_dma source(%dma_start3A_113 : memref<10000x128xf32, #tpu.memory_space<hbm>>) target(%arg11 : memref<128x128xf32, #tpu.memory_space<vmem>>) offsets(%dma_start3A_110 : memref<128xi32, #tpu.memory_space<vmem>>) semaphore(%arg14 : memref<!tpu.dma_semaphore, #tpu.memory_space<semaphore_mem>>)
      %dma_wait3A_114 = arith.constant 5 : i32
      %dma_wait3A_115 = arith.constant 0 : i32
      %dma_wait3A_116 = tpu.memref_slice %arg7[%dma_wait3A_114, %dma_wait3A_115] : memref<8x128xi32, #tpu.memory_space<vmem>> -> memref<1x128xi32, #tpu.memory_space<vmem>>
      %dma_wait3A_117 = tpu.memref_squeeze %dma_wait3A_116 : memref<1x128xi32, #tpu.memory_space<vmem>> -> memref<128xi32, #tpu.memory_space<vmem>>
      %dma_wait3A_118 = arith.constant 0 : i32
      %dma_wait3A_119 = arith.constant 0 : i32
      %dma_wait3A_120 = tpu.memref_slice %arg2[%dma_wait3A_118, %dma_wait3A_119] : memref<10000x128xf32, #tpu.memory_space<hbm>> -> memref<10000x128xf32, #tpu.memory_space<hbm>>
      tpu.wait_indirect_dma semaphore(%arg14 : memref<!tpu.dma_semaphore, #tpu.memory_space<semaphore_mem>>) src(%dma_wait3A_120 : memref<10000x128xf32, #tpu.memory_space<hbm>>) dst(%arg12 : memref<128x128xf32, #tpu.memory_space<vmem>>)
      %run_scoped3A_121 = arith.constant 5 : i32
      "tpu.region"() ({
        %run_scoped3A_308 = tpu.sem_alloc : memref<!tpu.dma_semaphore, #tpu.memory_space<semaphore_mem>>
        %dma_start3A_309 = arith.constant 0 : i32
        %dma_start3A_310 = tpu.memref_slice %arg8[%run_scoped3A_121, %dma_start3A_309] : memref<8x128xi32, #tpu.memory_space<vmem>> -> memref<1x128xi32, #tpu.memory_space<vmem>>
        %dma_start3A_311 = tpu.memref_squeeze %dma_start3A_310 : memref<1x128xi32, #tpu.memory_space<vmem>> -> memref<128xi32, #tpu.memory_space<vmem>>
        %dma_start3A_312 = arith.constant 0 : i32
        %dma_start3A_313 = arith.constant 0 : i32
        %dma_start3A_314 = tpu.memref_slice %arg13[%dma_start3A_312, %dma_start3A_313] : memref<10112x128xf32, #tpu.memory_space<vmem_shared>> -> memref<10112x128xf32, #tpu.memory_space<vmem_shared>>
        tpu.enqueue_indirect_dma source(%arg12 : memref<128x128xf32, #tpu.memory_space<vmem>>) target(%dma_start3A_314 : memref<10112x128xf32, #tpu.memory_space<vmem_shared>>) offsets(%dma_start3A_311 : memref<128xi32, #tpu.memory_space<vmem>>) semaphore(%run_scoped3A_308 : memref<!tpu.dma_semaphore, #tpu.memory_space<semaphore_mem>>) {add = true}
        %dma_wait3A_315 = arith.constant 0 : i32
        %dma_wait3A_316 = tpu.memref_slice %arg8[%run_scoped3A_121, %dma_wait3A_315] : memref<8x128xi32, #tpu.memory_space<vmem>> -> memref<1x128xi32, #tpu.memory_space<vmem>>
        %dma_wait3A_317 = tpu.memref_squeeze %dma_wait3A_316 : memref<1x128xi32, #tpu.memory_space<vmem>> -> memref<128xi32, #tpu.memory_space<vmem>>
        %dma_wait3A_318 = arith.constant 0 : i32
        %dma_wait3A_319 = arith.constant 0 : i32
        %dma_wait3A_320 = tpu.memref_slice %arg13[%dma_wait3A_318, %dma_wait3A_319] : memref<10112x128xf32, #tpu.memory_space<vmem_shared>> -> memref<10112x128xf32, #tpu.memory_space<vmem_shared>>
        tpu.wait_indirect_dma semaphore(%run_scoped3A_308 : memref<!tpu.dma_semaphore, #tpu.memory_space<semaphore_mem>>) src(%arg12 : memref<128x128xf32, #tpu.memory_space<vmem>>) dst(%dma_wait3A_320 : memref<10112x128xf32, #tpu.memory_space<vmem_shared>>)
        tpu.yield
      }) : () -> ()
      %dma_start3A_122 = arith.constant 7 : i32
      %dma_start3A_123 = arith.constant 0 : i32
      %dma_start3A_124 = tpu.memref_slice %arg7[%dma_start3A_122, %dma_start3A_123] : memref<8x128xi32, #tpu.memory_space<vmem>> -> memref<1x128xi32, #tpu.memory_space<vmem>>
      %dma_start3A_125 = tpu.memref_squeeze %dma_start3A_124 : memref<1x128xi32, #tpu.memory_space<vmem>> -> memref<128xi32, #tpu.memory_space<vmem>>
      %dma_start3A_126 = arith.constant 0 : i32
      %dma_start3A_127 = arith.constant 0 : i32
      %dma_start3A_128 = tpu.memref_slice %arg2[%dma_start3A_126, %dma_start3A_127] : memref<10000x128xf32, #tpu.memory_space<hbm>> -> memref<10000x128xf32, #tpu.memory_space<hbm>>
      tpu.enqueue_indirect_dma source(%dma_start3A_128 : memref<10000x128xf32, #tpu.memory_space<hbm>>) target(%arg12 : memref<128x128xf32, #tpu.memory_space<vmem>>) offsets(%dma_start3A_125 : memref<128xi32, #tpu.memory_space<vmem>>) semaphore(%arg14 : memref<!tpu.dma_semaphore, #tpu.memory_space<semaphore_mem>>)
      %dma_wait3A_129 = arith.constant 6 : i32
      %dma_wait3A_130 = arith.constant 0 : i32
      %dma_wait3A_131 = tpu.memref_slice %arg7[%dma_wait3A_129, %dma_wait3A_130] : memref<8x128xi32, #tpu.memory_space<vmem>> -> memref<1x128xi32, #tpu.memory_space<vmem>>
      %dma_wait3A_132 = tpu.memref_squeeze %dma_wait3A_131 : memref<1x128xi32, #tpu.memory_space<vmem>> -> memref<128xi32, #tpu.memory_space<vmem>>
      %dma_wait3A_133 = arith.constant 0 : i32
      %dma_wait3A_134 = arith.constant 0 : i32
      %dma_wait3A_135 = tpu.memref_slice %arg2[%dma_wait3A_133, %dma_wait3A_134] : memref<10000x128xf32, #tpu.memory_space<hbm>> -> memref<10000x128xf32, #tpu.memory_space<hbm>>
      tpu.wait_indirect_dma semaphore(%arg14 : memref<!tpu.dma_semaphore, #tpu.memory_space<semaphore_mem>>) src(%dma_wait3A_135 : memref<10000x128xf32, #tpu.memory_space<hbm>>) dst(%arg11 : memref<128x128xf32, #tpu.memory_space<vmem>>)
      %run_scoped3A_136 = arith.constant 6 : i32
      "tpu.region"() ({
        %run_scoped3A_308 = tpu.sem_alloc : memref<!tpu.dma_semaphore, #tpu.memory_space<semaphore_mem>>
        %dma_start3A_309 = arith.constant 0 : i32
        %dma_start3A_310 = tpu.memref_slice %arg8[%run_scoped3A_136, %dma_start3A_309] : memref<8x128xi32, #tpu.memory_space<vmem>> -> memref<1x128xi32, #tpu.memory_space<vmem>>
        %dma_start3A_311 = tpu.memref_squeeze %dma_start3A_310 : memref<1x128xi32, #tpu.memory_space<vmem>> -> memref<128xi32, #tpu.memory_space<vmem>>
        %dma_start3A_312 = arith.constant 0 : i32
        %dma_start3A_313 = arith.constant 0 : i32
        %dma_start3A_314 = tpu.memref_slice %arg13[%dma_start3A_312, %dma_start3A_313] : memref<10112x128xf32, #tpu.memory_space<vmem_shared>> -> memref<10112x128xf32, #tpu.memory_space<vmem_shared>>
        tpu.enqueue_indirect_dma source(%arg11 : memref<128x128xf32, #tpu.memory_space<vmem>>) target(%dma_start3A_314 : memref<10112x128xf32, #tpu.memory_space<vmem_shared>>) offsets(%dma_start3A_311 : memref<128xi32, #tpu.memory_space<vmem>>) semaphore(%run_scoped3A_308 : memref<!tpu.dma_semaphore, #tpu.memory_space<semaphore_mem>>) {add = true}
        %dma_wait3A_315 = arith.constant 0 : i32
        %dma_wait3A_316 = tpu.memref_slice %arg8[%run_scoped3A_136, %dma_wait3A_315] : memref<8x128xi32, #tpu.memory_space<vmem>> -> memref<1x128xi32, #tpu.memory_space<vmem>>
        %dma_wait3A_317 = tpu.memref_squeeze %dma_wait3A_316 : memref<1x128xi32, #tpu.memory_space<vmem>> -> memref<128xi32, #tpu.memory_space<vmem>>
        %dma_wait3A_318 = arith.constant 0 : i32
        %dma_wait3A_319 = arith.constant 0 : i32
        %dma_wait3A_320 = tpu.memref_slice %arg13[%dma_wait3A_318, %dma_wait3A_319] : memref<10112x128xf32, #tpu.memory_space<vmem_shared>> -> memref<10112x128xf32, #tpu.memory_space<vmem_shared>>
        tpu.wait_indirect_dma semaphore(%run_scoped3A_308 : memref<!tpu.dma_semaphore, #tpu.memory_space<semaphore_mem>>) src(%arg11 : memref<128x128xf32, #tpu.memory_space<vmem>>) dst(%dma_wait3A_320 : memref<10112x128xf32, #tpu.memory_space<vmem_shared>>)
        tpu.yield
      }) : () -> ()
      %dma_wait3A_137 = arith.constant 7 : i32
      %dma_wait3A_138 = arith.constant 0 : i32
      %dma_wait3A_139 = tpu.memref_slice %arg7[%dma_wait3A_137, %dma_wait3A_138] : memref<8x128xi32, #tpu.memory_space<vmem>> -> memref<1x128xi32, #tpu.memory_space<vmem>>
      %dma_wait3A_140 = tpu.memref_squeeze %dma_wait3A_139 : memref<1x128xi32, #tpu.memory_space<vmem>> -> memref<128xi32, #tpu.memory_space<vmem>>
      %dma_wait3A_141 = arith.constant 0 : i32
      %dma_wait3A_142 = arith.constant 0 : i32
      %dma_wait3A_143 = tpu.memref_slice %arg2[%dma_wait3A_141, %dma_wait3A_142] : memref<10000x128xf32, #tpu.memory_space<hbm>> -> memref<10000x128xf32, #tpu.memory_space<hbm>>
      tpu.wait_indirect_dma semaphore(%arg14 : memref<!tpu.dma_semaphore, #tpu.memory_space<semaphore_mem>>) src(%dma_wait3A_143 : memref<10000x128xf32, #tpu.memory_space<hbm>>) dst(%arg12 : memref<128x128xf32, #tpu.memory_space<vmem>>)
      %run_scoped3A_144 = arith.constant 7 : i32
      "tpu.region"() ({
        %run_scoped3A_308 = tpu.sem_alloc : memref<!tpu.dma_semaphore, #tpu.memory_space<semaphore_mem>>
        %dma_start3A_309 = arith.constant 0 : i32
        %dma_start3A_310 = tpu.memref_slice %arg8[%run_scoped3A_144, %dma_start3A_309] : memref<8x128xi32, #tpu.memory_space<vmem>> -> memref<1x128xi32, #tpu.memory_space<vmem>>
        %dma_start3A_311 = tpu.memref_squeeze %dma_start3A_310 : memref<1x128xi32, #tpu.memory_space<vmem>> -> memref<128xi32, #tpu.memory_space<vmem>>
        %dma_start3A_312 = arith.constant 0 : i32
        %dma_start3A_313 = arith.constant 0 : i32
        %dma_start3A_314 = tpu.memref_slice %arg13[%dma_start3A_312, %dma_start3A_313] : memref<10112x128xf32, #tpu.memory_space<vmem_shared>> -> memref<10112x128xf32, #tpu.memory_space<vmem_shared>>
        tpu.enqueue_indirect_dma source(%arg12 : memref<128x128xf32, #tpu.memory_space<vmem>>) target(%dma_start3A_314 : memref<10112x128xf32, #tpu.memory_space<vmem_shared>>) offsets(%dma_start3A_311 : memref<128xi32, #tpu.memory_space<vmem>>) semaphore(%run_scoped3A_308 : memref<!tpu.dma_semaphore, #tpu.memory_space<semaphore_mem>>) {add = true}
        %dma_wait3A_315 = arith.constant 0 : i32
        %dma_wait3A_316 = tpu.memref_slice %arg8[%run_scoped3A_144, %dma_wait3A_315] : memref<8x128xi32, #tpu.memory_space<vmem>> -> memref<1x128xi32, #tpu.memory_space<vmem>>
        %dma_wait3A_317 = tpu.memref_squeeze %dma_wait3A_316 : memref<1x128xi32, #tpu.memory_space<vmem>> -> memref<128xi32, #tpu.memory_space<vmem>>
        %dma_wait3A_318 = arith.constant 0 : i32
        %dma_wait3A_319 = arith.constant 0 : i32
        %dma_wait3A_320 = tpu.memref_slice %arg13[%dma_wait3A_318, %dma_wait3A_319] : memref<10112x128xf32, #tpu.memory_space<vmem_shared>> -> memref<10112x128xf32, #tpu.memory_space<vmem_shared>>
        tpu.wait_indirect_dma semaphore(%run_scoped3A_308 : memref<!tpu.dma_semaphore, #tpu.memory_space<semaphore_mem>>) src(%arg12 : memref<128x128xf32, #tpu.memory_space<vmem>>) dst(%dma_wait3A_320 : memref<10112x128xf32, #tpu.memory_space<vmem_shared>>)
        tpu.yield
      }) : () -> ()
      %dma_wait3A_145 = arith.constant 0 : i32
      %dma_wait3A_146 = tpu.memref_slice %arg3[%add3A, %mul3A_15, %dma_wait3A_145] : memref<32x80x128xi32, #tpu.memory_space<hbm>> -> memref<1x8x128xi32, #tpu.memory_space<hbm>>
      %dma_wait3A_147 = tpu.memref_squeeze %dma_wait3A_146 : memref<1x8x128xi32, #tpu.memory_space<hbm>> -> memref<8x128xi32, #tpu.memory_space<hbm>>
      %dma_wait3A_148 = arith.constant 0 : i32
      %dma_wait3A_149 = tpu.memref_slice %arg3[%add3A, %mul3A_15, %dma_wait3A_148] : memref<32x80x128xi32, #tpu.memory_space<hbm>> -> memref<1x8x128xi32, #tpu.memory_space<hbm>>
      %dma_wait3A_150 = tpu.memref_squeeze %dma_wait3A_149 : memref<1x8x128xi32, #tpu.memory_space<hbm>> -> memref<8x128xi32, #tpu.memory_space<hbm>>
      tpu.wait_dma2 semaphore(%arg15 : memref<!tpu.dma_semaphore, #tpu.memory_space<semaphore_mem>>) src(%dma_wait3A_150 : memref<8x128xi32, #tpu.memory_space<hbm>>) dst(%arg9 : memref<8x128xi32, #tpu.memory_space<vmem>>)
      %dma_wait3A_151 = arith.constant 0 : i32
      %dma_wait3A_152 = tpu.memref_slice %arg4[%add3A, %mul3A_15, %dma_wait3A_151] : memref<32x80x128xi32, #tpu.memory_space<hbm>> -> memref<1x8x128xi32, #tpu.memory_space<hbm>>
      %dma_wait3A_153 = tpu.memref_squeeze %dma_wait3A_152 : memref<1x8x128xi32, #tpu.memory_space<hbm>> -> memref<8x128xi32, #tpu.memory_space<hbm>>
      %dma_wait3A_154 = arith.constant 0 : i32
      %dma_wait3A_155 = tpu.memref_slice %arg4[%add3A, %mul3A_15, %dma_wait3A_154] : memref<32x80x128xi32, #tpu.memory_space<hbm>> -> memref<1x8x128xi32, #tpu.memory_space<hbm>>
      %dma_wait3A_156 = tpu.memref_squeeze %dma_wait3A_155 : memref<1x8x128xi32, #tpu.memory_space<hbm>> -> memref<8x128xi32, #tpu.memory_space<hbm>>
      tpu.wait_dma2 semaphore(%arg15 : memref<!tpu.dma_semaphore, #tpu.memory_space<semaphore_mem>>) src(%dma_wait3A_156 : memref<8x128xi32, #tpu.memory_space<hbm>>) dst(%arg10 : memref<8x128xi32, #tpu.memory_space<vmem>>)
      %mul3A_157 = arith.constant 2 : i32
      %mul3A_158 = arith.muli %mul3A_157, %scan3A_9 : i32
      %add3A_159 = arith.constant 2 : i32
      %add3A_160 = arith.addi %mul3A_158, %add3A_159 : i32
      %min3A = arith.constant 9 : i32
      %min3A_161 = arith.minsi %add3A_160, %min3A : i32
      %mul3A_162 = arith.constant 8 : i32
      %mul3A_163 = arith.muli %min3A_161, %mul3A_162 : i32
      %dma_start3A_164 = arith.constant 0 : i32
      %dma_start3A_165 = tpu.memref_slice %arg3[%add3A, %mul3A_163, %dma_start3A_164] : memref<32x80x128xi32, #tpu.memory_space<hbm>> -> memref<1x8x128xi32, #tpu.memory_space<hbm>>
      %dma_start3A_166 = tpu.memref_squeeze %dma_start3A_165 : memref<1x8x128xi32, #tpu.memory_space<hbm>> -> memref<8x128xi32, #tpu.memory_space<hbm>>
      %dma_start3A_167 = arith.constant 0 : i32
      %dma_start3A_168 = tpu.memref_slice %arg3[%add3A, %mul3A_163, %dma_start3A_167] : memref<32x80x128xi32, #tpu.memory_space<hbm>> -> memref<1x8x128xi32, #tpu.memory_space<hbm>>
      %dma_start3A_169 = tpu.memref_squeeze %dma_start3A_168 : memref<1x8x128xi32, #tpu.memory_space<hbm>> -> memref<8x128xi32, #tpu.memory_space<hbm>>
      tpu.enqueue_dma source(%dma_start3A_169 : memref<8x128xi32, #tpu.memory_space<hbm>>) target(%arg7 : memref<8x128xi32, #tpu.memory_space<vmem>>) target_semaphore(%arg15 : memref<!tpu.dma_semaphore, #tpu.memory_space<semaphore_mem>>)
      %dma_start3A_170 = arith.constant 0 : i32
      %dma_start3A_171 = tpu.memref_slice %arg4[%add3A, %mul3A_163, %dma_start3A_170] : memref<32x80x128xi32, #tpu.memory_space<hbm>> -> memref<1x8x128xi32, #tpu.memory_space<hbm>>
      %dma_start3A_172 = tpu.memref_squeeze %dma_start3A_171 : memref<1x8x128xi32, #tpu.memory_space<hbm>> -> memref<8x128xi32, #tpu.memory_space<hbm>>
      %dma_start3A_173 = arith.constant 0 : i32
      %dma_start3A_174 = tpu.memref_slice %arg4[%add3A, %mul3A_163, %dma_start3A_173] : memref<32x80x128xi32, #tpu.memory_space<hbm>> -> memref<1x8x128xi32, #tpu.memory_space<hbm>>
      %dma_start3A_175 = tpu.memref_squeeze %dma_start3A_174 : memref<1x8x128xi32, #tpu.memory_space<hbm>> -> memref<8x128xi32, #tpu.memory_space<hbm>>
      tpu.enqueue_dma source(%dma_start3A_175 : memref<8x128xi32, #tpu.memory_space<hbm>>) target(%arg8 : memref<8x128xi32, #tpu.memory_space<vmem>>) target_semaphore(%arg15 : memref<!tpu.dma_semaphore, #tpu.memory_space<semaphore_mem>>)
      %dma_start3A_176 = arith.constant 0 : i32
      %dma_start3A_177 = arith.constant 0 : i32
      %dma_start3A_178 = tpu.memref_slice %arg9[%dma_start3A_176, %dma_start3A_177] : memref<8x128xi32, #tpu.memory_space<vmem>> -> memref<1x128xi32, #tpu.memory_space<vmem>>
      %dma_start3A_179 = tpu.memref_squeeze %dma_start3A_178 : memref<1x128xi32, #tpu.memory_space<vmem>> -> memref<128xi32, #tpu.memory_space<vmem>>
      %dma_start3A_180 = arith.constant 0 : i32
      %dma_start3A_181 = arith.constant 0 : i32
      %dma_start3A_182 = tpu.memref_slice %arg2[%dma_start3A_180, %dma_start3A_181] : memref<10000x128xf32, #tpu.memory_space<hbm>> -> memref<10000x128xf32, #tpu.memory_space<hbm>>
      tpu.enqueue_indirect_dma source(%dma_start3A_182 : memref<10000x128xf32, #tpu.memory_space<hbm>>) target(%arg11 : memref<128x128xf32, #tpu.memory_space<vmem>>) offsets(%dma_start3A_179 : memref<128xi32, #tpu.memory_space<vmem>>) semaphore(%arg14 : memref<!tpu.dma_semaphore, #tpu.memory_space<semaphore_mem>>)
      %dma_start3A_183 = arith.constant 1 : i32
      %dma_start3A_184 = arith.constant 0 : i32
      %dma_start3A_185 = tpu.memref_slice %arg9[%dma_start3A_183, %dma_start3A_184] : memref<8x128xi32, #tpu.memory_space<vmem>> -> memref<1x128xi32, #tpu.memory_space<vmem>>
      %dma_start3A_186 = tpu.memref_squeeze %dma_start3A_185 : memref<1x128xi32, #tpu.memory_space<vmem>> -> memref<128xi32, #tpu.memory_space<vmem>>
      %dma_start3A_187 = arith.constant 0 : i32
      %dma_start3A_188 = arith.constant 0 : i32
      %dma_start3A_189 = tpu.memref_slice %arg2[%dma_start3A_187, %dma_start3A_188] : memref<10000x128xf32, #tpu.memory_space<hbm>> -> memref<10000x128xf32, #tpu.memory_space<hbm>>
      tpu.enqueue_indirect_dma source(%dma_start3A_189 : memref<10000x128xf32, #tpu.memory_space<hbm>>) target(%arg12 : memref<128x128xf32, #tpu.memory_space<vmem>>) offsets(%dma_start3A_186 : memref<128xi32, #tpu.memory_space<vmem>>) semaphore(%arg14 : memref<!tpu.dma_semaphore, #tpu.memory_space<semaphore_mem>>)
      %dma_wait3A_190 = arith.constant 0 : i32
      %dma_wait3A_191 = arith.constant 0 : i32
      %dma_wait3A_192 = tpu.memref_slice %arg9[%dma_wait3A_190, %dma_wait3A_191] : memref<8x128xi32, #tpu.memory_space<vmem>> -> memref<1x128xi32, #tpu.memory_space<vmem>>
      %dma_wait3A_193 = tpu.memref_squeeze %dma_wait3A_192 : memref<1x128xi32, #tpu.memory_space<vmem>> -> memref<128xi32, #tpu.memory_space<vmem>>
      %dma_wait3A_194 = arith.constant 0 : i32
      %dma_wait3A_195 = arith.constant 0 : i32
      %dma_wait3A_196 = tpu.memref_slice %arg2[%dma_wait3A_194, %dma_wait3A_195] : memref<10000x128xf32, #tpu.memory_space<hbm>> -> memref<10000x128xf32, #tpu.memory_space<hbm>>
      tpu.wait_indirect_dma semaphore(%arg14 : memref<!tpu.dma_semaphore, #tpu.memory_space<semaphore_mem>>) src(%dma_wait3A_196 : memref<10000x128xf32, #tpu.memory_space<hbm>>) dst(%arg11 : memref<128x128xf32, #tpu.memory_space<vmem>>)
      %run_scoped3A_197 = arith.constant 0 : i32
      "tpu.region"() ({
        %run_scoped3A_308 = tpu.sem_alloc : memref<!tpu.dma_semaphore, #tpu.memory_space<semaphore_mem>>
        %dma_start3A_309 = arith.constant 0 : i32
        %dma_start3A_310 = tpu.memref_slice %arg10[%run_scoped3A_197, %dma_start3A_309] : memref<8x128xi32, #tpu.memory_space<vmem>> -> memref<1x128xi32, #tpu.memory_space<vmem>>
        %dma_start3A_311 = tpu.memref_squeeze %dma_start3A_310 : memref<1x128xi32, #tpu.memory_space<vmem>> -> memref<128xi32, #tpu.memory_space<vmem>>
        %dma_start3A_312 = arith.constant 0 : i32
        %dma_start3A_313 = arith.constant 0 : i32
        %dma_start3A_314 = tpu.memref_slice %arg13[%dma_start3A_312, %dma_start3A_313] : memref<10112x128xf32, #tpu.memory_space<vmem_shared>> -> memref<10112x128xf32, #tpu.memory_space<vmem_shared>>
        tpu.enqueue_indirect_dma source(%arg11 : memref<128x128xf32, #tpu.memory_space<vmem>>) target(%dma_start3A_314 : memref<10112x128xf32, #tpu.memory_space<vmem_shared>>) offsets(%dma_start3A_311 : memref<128xi32, #tpu.memory_space<vmem>>) semaphore(%run_scoped3A_308 : memref<!tpu.dma_semaphore, #tpu.memory_space<semaphore_mem>>) {add = true}
        %dma_wait3A_315 = arith.constant 0 : i32
        %dma_wait3A_316 = tpu.memref_slice %arg10[%run_scoped3A_197, %dma_wait3A_315] : memref<8x128xi32, #tpu.memory_space<vmem>> -> memref<1x128xi32, #tpu.memory_space<vmem>>
        %dma_wait3A_317 = tpu.memref_squeeze %dma_wait3A_316 : memref<1x128xi32, #tpu.memory_space<vmem>> -> memref<128xi32, #tpu.memory_space<vmem>>
        %dma_wait3A_318 = arith.constant 0 : i32
        %dma_wait3A_319 = arith.constant 0 : i32
        %dma_wait3A_320 = tpu.memref_slice %arg13[%dma_wait3A_318, %dma_wait3A_319] : memref<10112x128xf32, #tpu.memory_space<vmem_shared>> -> memref<10112x128xf32, #tpu.memory_space<vmem_shared>>
        tpu.wait_indirect_dma semaphore(%run_scoped3A_308 : memref<!tpu.dma_semaphore, #tpu.memory_space<semaphore_mem>>) src(%arg11 : memref<128x128xf32, #tpu.memory_space<vmem>>) dst(%dma_wait3A_320 : memref<10112x128xf32, #tpu.memory_space<vmem_shared>>)
        tpu.yield
      }) : () -> ()
      %dma_start3A_198 = arith.constant 2 : i32
      %dma_start3A_199 = arith.constant 0 : i32
      %dma_start3A_200 = tpu.memref_slice %arg9[%dma_start3A_198, %dma_start3A_199] : memref<8x128xi32, #tpu.memory_space<vmem>> -> memref<1x128xi32, #tpu.memory_space<vmem>>
      %dma_start3A_201 = tpu.memref_squeeze %dma_start3A_200 : memref<1x128xi32, #tpu.memory_space<vmem>> -> memref<128xi32, #tpu.memory_space<vmem>>
      %dma_start3A_202 = arith.constant 0 : i32
      %dma_start3A_203 = arith.constant 0 : i32
      %dma_start3A_204 = tpu.memref_slice %arg2[%dma_start3A_202, %dma_start3A_203] : memref<10000x128xf32, #tpu.memory_space<hbm>> -> memref<10000x128xf32, #tpu.memory_space<hbm>>
      tpu.enqueue_indirect_dma source(%dma_start3A_204 : memref<10000x128xf32, #tpu.memory_space<hbm>>) target(%arg11 : memref<128x128xf32, #tpu.memory_space<vmem>>) offsets(%dma_start3A_201 : memref<128xi32, #tpu.memory_space<vmem>>) semaphore(%arg14 : memref<!tpu.dma_semaphore, #tpu.memory_space<semaphore_mem>>)
      %dma_wait3A_205 = arith.constant 1 : i32
      %dma_wait3A_206 = arith.constant 0 : i32
      %dma_wait3A_207 = tpu.memref_slice %arg9[%dma_wait3A_205, %dma_wait3A_206] : memref<8x128xi32, #tpu.memory_space<vmem>> -> memref<1x128xi32, #tpu.memory_space<vmem>>
      %dma_wait3A_208 = tpu.memref_squeeze %dma_wait3A_207 : memref<1x128xi32, #tpu.memory_space<vmem>> -> memref<128xi32, #tpu.memory_space<vmem>>
      %dma_wait3A_209 = arith.constant 0 : i32
      %dma_wait3A_210 = arith.constant 0 : i32
      %dma_wait3A_211 = tpu.memref_slice %arg2[%dma_wait3A_209, %dma_wait3A_210] : memref<10000x128xf32, #tpu.memory_space<hbm>> -> memref<10000x128xf32, #tpu.memory_space<hbm>>
      tpu.wait_indirect_dma semaphore(%arg14 : memref<!tpu.dma_semaphore, #tpu.memory_space<semaphore_mem>>) src(%dma_wait3A_211 : memref<10000x128xf32, #tpu.memory_space<hbm>>) dst(%arg12 : memref<128x128xf32, #tpu.memory_space<vmem>>)
      %run_scoped3A_212 = arith.constant 1 : i32
      "tpu.region"() ({
        %run_scoped3A_308 = tpu.sem_alloc : memref<!tpu.dma_semaphore, #tpu.memory_space<semaphore_mem>>
        %dma_start3A_309 = arith.constant 0 : i32
        %dma_start3A_310 = tpu.memref_slice %arg10[%run_scoped3A_212, %dma_start3A_309] : memref<8x128xi32, #tpu.memory_space<vmem>> -> memref<1x128xi32, #tpu.memory_space<vmem>>
        %dma_start3A_311 = tpu.memref_squeeze %dma_start3A_310 : memref<1x128xi32, #tpu.memory_space<vmem>> -> memref<128xi32, #tpu.memory_space<vmem>>
        %dma_start3A_312 = arith.constant 0 : i32
        %dma_start3A_313 = arith.constant 0 : i32
        %dma_start3A_314 = tpu.memref_slice %arg13[%dma_start3A_312, %dma_start3A_313] : memref<10112x128xf32, #tpu.memory_space<vmem_shared>> -> memref<10112x128xf32, #tpu.memory_space<vmem_shared>>
        tpu.enqueue_indirect_dma source(%arg12 : memref<128x128xf32, #tpu.memory_space<vmem>>) target(%dma_start3A_314 : memref<10112x128xf32, #tpu.memory_space<vmem_shared>>) offsets(%dma_start3A_311 : memref<128xi32, #tpu.memory_space<vmem>>) semaphore(%run_scoped3A_308 : memref<!tpu.dma_semaphore, #tpu.memory_space<semaphore_mem>>) {add = true}
        %dma_wait3A_315 = arith.constant 0 : i32
        %dma_wait3A_316 = tpu.memref_slice %arg10[%run_scoped3A_212, %dma_wait3A_315] : memref<8x128xi32, #tpu.memory_space<vmem>> -> memref<1x128xi32, #tpu.memory_space<vmem>>
        %dma_wait3A_317 = tpu.memref_squeeze %dma_wait3A_316 : memref<1x128xi32, #tpu.memory_space<vmem>> -> memref<128xi32, #tpu.memory_space<vmem>>
        %dma_wait3A_318 = arith.constant 0 : i32
        %dma_wait3A_319 = arith.constant 0 : i32
        %dma_wait3A_320 = tpu.memref_slice %arg13[%dma_wait3A_318, %dma_wait3A_319] : memref<10112x128xf32, #tpu.memory_space<vmem_shared>> -> memref<10112x128xf32, #tpu.memory_space<vmem_shared>>
        tpu.wait_indirect_dma semaphore(%run_scoped3A_308 : memref<!tpu.dma_semaphore, #tpu.memory_space<semaphore_mem>>) src(%arg12 : memref<128x128xf32, #tpu.memory_space<vmem>>) dst(%dma_wait3A_320 : memref<10112x128xf32, #tpu.memory_space<vmem_shared>>)
        tpu.yield
      }) : () -> ()
      %dma_start3A_213 = arith.constant 3 : i32
      %dma_start3A_214 = arith.constant 0 : i32
      %dma_start3A_215 = tpu.memref_slice %arg9[%dma_start3A_213, %dma_start3A_214] : memref<8x128xi32, #tpu.memory_space<vmem>> -> memref<1x128xi32, #tpu.memory_space<vmem>>
      %dma_start3A_216 = tpu.memref_squeeze %dma_start3A_215 : memref<1x128xi32, #tpu.memory_space<vmem>> -> memref<128xi32, #tpu.memory_space<vmem>>
      %dma_start3A_217 = arith.constant 0 : i32
      %dma_start3A_218 = arith.constant 0 : i32
      %dma_start3A_219 = tpu.memref_slice %arg2[%dma_start3A_217, %dma_start3A_218] : memref<10000x128xf32, #tpu.memory_space<hbm>> -> memref<10000x128xf32, #tpu.memory_space<hbm>>
      tpu.enqueue_indirect_dma source(%dma_start3A_219 : memref<10000x128xf32, #tpu.memory_space<hbm>>) target(%arg12 : memref<128x128xf32, #tpu.memory_space<vmem>>) offsets(%dma_start3A_216 : memref<128xi32, #tpu.memory_space<vmem>>) semaphore(%arg14 : memref<!tpu.dma_semaphore, #tpu.memory_space<semaphore_mem>>)
      %dma_wait3A_220 = arith.constant 2 : i32
      %dma_wait3A_221 = arith.constant 0 : i32
      %dma_wait3A_222 = tpu.memref_slice %arg9[%dma_wait3A_220, %dma_wait3A_221] : memref<8x128xi32, #tpu.memory_space<vmem>> -> memref<1x128xi32, #tpu.memory_space<vmem>>
      %dma_wait3A_223 = tpu.memref_squeeze %dma_wait3A_222 : memref<1x128xi32, #tpu.memory_space<vmem>> -> memref<128xi32, #tpu.memory_space<vmem>>
      %dma_wait3A_224 = arith.constant 0 : i32
      %dma_wait3A_225 = arith.constant 0 : i32
      %dma_wait3A_226 = tpu.memref_slice %arg2[%dma_wait3A_224, %dma_wait3A_225] : memref<10000x128xf32, #tpu.memory_space<hbm>> -> memref<10000x128xf32, #tpu.memory_space<hbm>>
      tpu.wait_indirect_dma semaphore(%arg14 : memref<!tpu.dma_semaphore, #tpu.memory_space<semaphore_mem>>) src(%dma_wait3A_226 : memref<10000x128xf32, #tpu.memory_space<hbm>>) dst(%arg11 : memref<128x128xf32, #tpu.memory_space<vmem>>)
      %run_scoped3A_227 = arith.constant 2 : i32
      "tpu.region"() ({
        %run_scoped3A_308 = tpu.sem_alloc : memref<!tpu.dma_semaphore, #tpu.memory_space<semaphore_mem>>
        %dma_start3A_309 = arith.constant 0 : i32
        %dma_start3A_310 = tpu.memref_slice %arg10[%run_scoped3A_227, %dma_start3A_309] : memref<8x128xi32, #tpu.memory_space<vmem>> -> memref<1x128xi32, #tpu.memory_space<vmem>>
        %dma_start3A_311 = tpu.memref_squeeze %dma_start3A_310 : memref<1x128xi32, #tpu.memory_space<vmem>> -> memref<128xi32, #tpu.memory_space<vmem>>
        %dma_start3A_312 = arith.constant 0 : i32
        %dma_start3A_313 = arith.constant 0 : i32
        %dma_start3A_314 = tpu.memref_slice %arg13[%dma_start3A_312, %dma_start3A_313] : memref<10112x128xf32, #tpu.memory_space<vmem_shared>> -> memref<10112x128xf32, #tpu.memory_space<vmem_shared>>
        tpu.enqueue_indirect_dma source(%arg11 : memref<128x128xf32, #tpu.memory_space<vmem>>) target(%dma_start3A_314 : memref<10112x128xf32, #tpu.memory_space<vmem_shared>>) offsets(%dma_start3A_311 : memref<128xi32, #tpu.memory_space<vmem>>) semaphore(%run_scoped3A_308 : memref<!tpu.dma_semaphore, #tpu.memory_space<semaphore_mem>>) {add = true}
        %dma_wait3A_315 = arith.constant 0 : i32
        %dma_wait3A_316 = tpu.memref_slice %arg10[%run_scoped3A_227, %dma_wait3A_315] : memref<8x128xi32, #tpu.memory_space<vmem>> -> memref<1x128xi32, #tpu.memory_space<vmem>>
        %dma_wait3A_317 = tpu.memref_squeeze %dma_wait3A_316 : memref<1x128xi32, #tpu.memory_space<vmem>> -> memref<128xi32, #tpu.memory_space<vmem>>
        %dma_wait3A_318 = arith.constant 0 : i32
        %dma_wait3A_319 = arith.constant 0 : i32
        %dma_wait3A_320 = tpu.memref_slice %arg13[%dma_wait3A_318, %dma_wait3A_319] : memref<10112x128xf32, #tpu.memory_space<vmem_shared>> -> memref<10112x128xf32, #tpu.memory_space<vmem_shared>>
        tpu.wait_indirect_dma semaphore(%run_scoped3A_308 : memref<!tpu.dma_semaphore, #tpu.memory_space<semaphore_mem>>) src(%arg11 : memref<128x128xf32, #tpu.memory_space<vmem>>) dst(%dma_wait3A_320 : memref<10112x128xf32, #tpu.memory_space<vmem_shared>>)
        tpu.yield
      }) : () -> ()
      %dma_start3A_228 = arith.constant 4 : i32
      %dma_start3A_229 = arith.constant 0 : i32
      %dma_start3A_230 = tpu.memref_slice %arg9[%dma_start3A_228, %dma_start3A_229] : memref<8x128xi32, #tpu.memory_space<vmem>> -> memref<1x128xi32, #tpu.memory_space<vmem>>
      %dma_start3A_231 = tpu.memref_squeeze %dma_start3A_230 : memref<1x128xi32, #tpu.memory_space<vmem>> -> memref<128xi32, #tpu.memory_space<vmem>>
      %dma_start3A_232 = arith.constant 0 : i32
      %dma_start3A_233 = arith.constant 0 : i32
      %dma_start3A_234 = tpu.memref_slice %arg2[%dma_start3A_232, %dma_start3A_233] : memref<10000x128xf32, #tpu.memory_space<hbm>> -> memref<10000x128xf32, #tpu.memory_space<hbm>>
      tpu.enqueue_indirect_dma source(%dma_start3A_234 : memref<10000x128xf32, #tpu.memory_space<hbm>>) target(%arg11 : memref<128x128xf32, #tpu.memory_space<vmem>>) offsets(%dma_start3A_231 : memref<128xi32, #tpu.memory_space<vmem>>) semaphore(%arg14 : memref<!tpu.dma_semaphore, #tpu.memory_space<semaphore_mem>>)
      %dma_wait3A_235 = arith.constant 3 : i32
      %dma_wait3A_236 = arith.constant 0 : i32
      %dma_wait3A_237 = tpu.memref_slice %arg9[%dma_wait3A_235, %dma_wait3A_236] : memref<8x128xi32, #tpu.memory_space<vmem>> -> memref<1x128xi32, #tpu.memory_space<vmem>>
      %dma_wait3A_238 = tpu.memref_squeeze %dma_wait3A_237 : memref<1x128xi32, #tpu.memory_space<vmem>> -> memref<128xi32, #tpu.memory_space<vmem>>
      %dma_wait3A_239 = arith.constant 0 : i32
      %dma_wait3A_240 = arith.constant 0 : i32
      %dma_wait3A_241 = tpu.memref_slice %arg2[%dma_wait3A_239, %dma_wait3A_240] : memref<10000x128xf32, #tpu.memory_space<hbm>> -> memref<10000x128xf32, #tpu.memory_space<hbm>>
      tpu.wait_indirect_dma semaphore(%arg14 : memref<!tpu.dma_semaphore, #tpu.memory_space<semaphore_mem>>) src(%dma_wait3A_241 : memref<10000x128xf32, #tpu.memory_space<hbm>>) dst(%arg12 : memref<128x128xf32, #tpu.memory_space<vmem>>)
      %run_scoped3A_242 = arith.constant 3 : i32
      "tpu.region"() ({
        %run_scoped3A_308 = tpu.sem_alloc : memref<!tpu.dma_semaphore, #tpu.memory_space<semaphore_mem>>
        %dma_start3A_309 = arith.constant 0 : i32
        %dma_start3A_310 = tpu.memref_slice %arg10[%run_scoped3A_242, %dma_start3A_309] : memref<8x128xi32, #tpu.memory_space<vmem>> -> memref<1x128xi32, #tpu.memory_space<vmem>>
        %dma_start3A_311 = tpu.memref_squeeze %dma_start3A_310 : memref<1x128xi32, #tpu.memory_space<vmem>> -> memref<128xi32, #tpu.memory_space<vmem>>
        %dma_start3A_312 = arith.constant 0 : i32
        %dma_start3A_313 = arith.constant 0 : i32
        %dma_start3A_314 = tpu.memref_slice %arg13[%dma_start3A_312, %dma_start3A_313] : memref<10112x128xf32, #tpu.memory_space<vmem_shared>> -> memref<10112x128xf32, #tpu.memory_space<vmem_shared>>
        tpu.enqueue_indirect_dma source(%arg12 : memref<128x128xf32, #tpu.memory_space<vmem>>) target(%dma_start3A_314 : memref<10112x128xf32, #tpu.memory_space<vmem_shared>>) offsets(%dma_start3A_311 : memref<128xi32, #tpu.memory_space<vmem>>) semaphore(%run_scoped3A_308 : memref<!tpu.dma_semaphore, #tpu.memory_space<semaphore_mem>>) {add = true}
        %dma_wait3A_315 = arith.constant 0 : i32
        %dma_wait3A_316 = tpu.memref_slice %arg10[%run_scoped3A_242, %dma_wait3A_315] : memref<8x128xi32, #tpu.memory_space<vmem>> -> memref<1x128xi32, #tpu.memory_space<vmem>>
        %dma_wait3A_317 = tpu.memref_squeeze %dma_wait3A_316 : memref<1x128xi32, #tpu.memory_space<vmem>> -> memref<128xi32, #tpu.memory_space<vmem>>
        %dma_wait3A_318 = arith.constant 0 : i32
        %dma_wait3A_319 = arith.constant 0 : i32
        %dma_wait3A_320 = tpu.memref_slice %arg13[%dma_wait3A_318, %dma_wait3A_319] : memref<10112x128xf32, #tpu.memory_space<vmem_shared>> -> memref<10112x128xf32, #tpu.memory_space<vmem_shared>>
        tpu.wait_indirect_dma semaphore(%run_scoped3A_308 : memref<!tpu.dma_semaphore, #tpu.memory_space<semaphore_mem>>) src(%arg12 : memref<128x128xf32, #tpu.memory_space<vmem>>) dst(%dma_wait3A_320 : memref<10112x128xf32, #tpu.memory_space<vmem_shared>>)
        tpu.yield
      }) : () -> ()
      %dma_start3A_243 = arith.constant 5 : i32
      %dma_start3A_244 = arith.constant 0 : i32
      %dma_start3A_245 = tpu.memref_slice %arg9[%dma_start3A_243, %dma_start3A_244] : memref<8x128xi32, #tpu.memory_space<vmem>> -> memref<1x128xi32, #tpu.memory_space<vmem>>
      %dma_start3A_246 = tpu.memref_squeeze %dma_start3A_245 : memref<1x128xi32, #tpu.memory_space<vmem>> -> memref<128xi32, #tpu.memory_space<vmem>>
      %dma_start3A_247 = arith.constant 0 : i32
      %dma_start3A_248 = arith.constant 0 : i32
      %dma_start3A_249 = tpu.memref_slice %arg2[%dma_start3A_247, %dma_start3A_248] : memref<10000x128xf32, #tpu.memory_space<hbm>> -> memref<10000x128xf32, #tpu.memory_space<hbm>>
      tpu.enqueue_indirect_dma source(%dma_start3A_249 : memref<10000x128xf32, #tpu.memory_space<hbm>>) target(%arg12 : memref<128x128xf32, #tpu.memory_space<vmem>>) offsets(%dma_start3A_246 : memref<128xi32, #tpu.memory_space<vmem>>) semaphore(%arg14 : memref<!tpu.dma_semaphore, #tpu.memory_space<semaphore_mem>>)
      %dma_wait3A_250 = arith.constant 4 : i32
      %dma_wait3A_251 = arith.constant 0 : i32
      %dma_wait3A_252 = tpu.memref_slice %arg9[%dma_wait3A_250, %dma_wait3A_251] : memref<8x128xi32, #tpu.memory_space<vmem>> -> memref<1x128xi32, #tpu.memory_space<vmem>>
      %dma_wait3A_253 = tpu.memref_squeeze %dma_wait3A_252 : memref<1x128xi32, #tpu.memory_space<vmem>> -> memref<128xi32, #tpu.memory_space<vmem>>
      %dma_wait3A_254 = arith.constant 0 : i32
      %dma_wait3A_255 = arith.constant 0 : i32
      %dma_wait3A_256 = tpu.memref_slice %arg2[%dma_wait3A_254, %dma_wait3A_255] : memref<10000x128xf32, #tpu.memory_space<hbm>> -> memref<10000x128xf32, #tpu.memory_space<hbm>>
      tpu.wait_indirect_dma semaphore(%arg14 : memref<!tpu.dma_semaphore, #tpu.memory_space<semaphore_mem>>) src(%dma_wait3A_256 : memref<10000x128xf32, #tpu.memory_space<hbm>>) dst(%arg11 : memref<128x128xf32, #tpu.memory_space<vmem>>)
      %run_scoped3A_257 = arith.constant 4 : i32
      "tpu.region"() ({
        %run_scoped3A_308 = tpu.sem_alloc : memref<!tpu.dma_semaphore, #tpu.memory_space<semaphore_mem>>
        %dma_start3A_309 = arith.constant 0 : i32
        %dma_start3A_310 = tpu.memref_slice %arg10[%run_scoped3A_257, %dma_start3A_309] : memref<8x128xi32, #tpu.memory_space<vmem>> -> memref<1x128xi32, #tpu.memory_space<vmem>>
        %dma_start3A_311 = tpu.memref_squeeze %dma_start3A_310 : memref<1x128xi32, #tpu.memory_space<vmem>> -> memref<128xi32, #tpu.memory_space<vmem>>
        %dma_start3A_312 = arith.constant 0 : i32
        %dma_start3A_313 = arith.constant 0 : i32
        %dma_start3A_314 = tpu.memref_slice %arg13[%dma_start3A_312, %dma_start3A_313] : memref<10112x128xf32, #tpu.memory_space<vmem_shared>> -> memref<10112x128xf32, #tpu.memory_space<vmem_shared>>
        tpu.enqueue_indirect_dma source(%arg11 : memref<128x128xf32, #tpu.memory_space<vmem>>) target(%dma_start3A_314 : memref<10112x128xf32, #tpu.memory_space<vmem_shared>>) offsets(%dma_start3A_311 : memref<128xi32, #tpu.memory_space<vmem>>) semaphore(%run_scoped3A_308 : memref<!tpu.dma_semaphore, #tpu.memory_space<semaphore_mem>>) {add = true}
        %dma_wait3A_315 = arith.constant 0 : i32
        %dma_wait3A_316 = tpu.memref_slice %arg10[%run_scoped3A_257, %dma_wait3A_315] : memref<8x128xi32, #tpu.memory_space<vmem>> -> memref<1x128xi32, #tpu.memory_space<vmem>>
        %dma_wait3A_317 = tpu.memref_squeeze %dma_wait3A_316 : memref<1x128xi32, #tpu.memory_space<vmem>> -> memref<128xi32, #tpu.memory_space<vmem>>
        %dma_wait3A_318 = arith.constant 0 : i32
        %dma_wait3A_319 = arith.constant 0 : i32
        %dma_wait3A_320 = tpu.memref_slice %arg13[%dma_wait3A_318, %dma_wait3A_319] : memref<10112x128xf32, #tpu.memory_space<vmem_shared>> -> memref<10112x128xf32, #tpu.memory_space<vmem_shared>>
        tpu.wait_indirect_dma semaphore(%run_scoped3A_308 : memref<!tpu.dma_semaphore, #tpu.memory_space<semaphore_mem>>) src(%arg11 : memref<128x128xf32, #tpu.memory_space<vmem>>) dst(%dma_wait3A_320 : memref<10112x128xf32, #tpu.memory_space<vmem_shared>>)
        tpu.yield
      }) : () -> ()
      %dma_start3A_258 = arith.constant 6 : i32
      %dma_start3A_259 = arith.constant 0 : i32
      %dma_start3A_260 = tpu.memref_slice %arg9[%dma_start3A_258, %dma_start3A_259] : memref<8x128xi32, #tpu.memory_space<vmem>> -> memref<1x128xi32, #tpu.memory_space<vmem>>
      %dma_start3A_261 = tpu.memref_squeeze %dma_start3A_260 : memref<1x128xi32, #tpu.memory_space<vmem>> -> memref<128xi32, #tpu.memory_space<vmem>>
      %dma_start3A_262 = arith.constant 0 : i32
      %dma_start3A_263 = arith.constant 0 : i32
      %dma_start3A_264 = tpu.memref_slice %arg2[%dma_start3A_262, %dma_start3A_263] : memref<10000x128xf32, #tpu.memory_space<hbm>> -> memref<10000x128xf32, #tpu.memory_space<hbm>>
      tpu.enqueue_indirect_dma source(%dma_start3A_264 : memref<10000x128xf32, #tpu.memory_space<hbm>>) target(%arg11 : memref<128x128xf32, #tpu.memory_space<vmem>>) offsets(%dma_start3A_261 : memref<128xi32, #tpu.memory_space<vmem>>) semaphore(%arg14 : memref<!tpu.dma_semaphore, #tpu.memory_space<semaphore_mem>>)
      %dma_wait3A_265 = arith.constant 5 : i32
      %dma_wait3A_266 = arith.constant 0 : i32
      %dma_wait3A_267 = tpu.memref_slice %arg9[%dma_wait3A_265, %dma_wait3A_266] : memref<8x128xi32, #tpu.memory_space<vmem>> -> memref<1x128xi32, #tpu.memory_space<vmem>>
      %dma_wait3A_268 = tpu.memref_squeeze %dma_wait3A_267 : memref<1x128xi32, #tpu.memory_space<vmem>> -> memref<128xi32, #tpu.memory_space<vmem>>
      %dma_wait3A_269 = arith.constant 0 : i32
      %dma_wait3A_270 = arith.constant 0 : i32
      %dma_wait3A_271 = tpu.memref_slice %arg2[%dma_wait3A_269, %dma_wait3A_270] : memref<10000x128xf32, #tpu.memory_space<hbm>> -> memref<10000x128xf32, #tpu.memory_space<hbm>>
      tpu.wait_indirect_dma semaphore(%arg14 : memref<!tpu.dma_semaphore, #tpu.memory_space<semaphore_mem>>) src(%dma_wait3A_271 : memref<10000x128xf32, #tpu.memory_space<hbm>>) dst(%arg12 : memref<128x128xf32, #tpu.memory_space<vmem>>)
      %run_scoped3A_272 = arith.constant 5 : i32
      "tpu.region"() ({
        %run_scoped3A_308 = tpu.sem_alloc : memref<!tpu.dma_semaphore, #tpu.memory_space<semaphore_mem>>
        %dma_start3A_309 = arith.constant 0 : i32
        %dma_start3A_310 = tpu.memref_slice %arg10[%run_scoped3A_272, %dma_start3A_309] : memref<8x128xi32, #tpu.memory_space<vmem>> -> memref<1x128xi32, #tpu.memory_space<vmem>>
        %dma_start3A_311 = tpu.memref_squeeze %dma_start3A_310 : memref<1x128xi32, #tpu.memory_space<vmem>> -> memref<128xi32, #tpu.memory_space<vmem>>
        %dma_start3A_312 = arith.constant 0 : i32
        %dma_start3A_313 = arith.constant 0 : i32
        %dma_start3A_314 = tpu.memref_slice %arg13[%dma_start3A_312, %dma_start3A_313] : memref<10112x128xf32, #tpu.memory_space<vmem_shared>> -> memref<10112x128xf32, #tpu.memory_space<vmem_shared>>
        tpu.enqueue_indirect_dma source(%arg12 : memref<128x128xf32, #tpu.memory_space<vmem>>) target(%dma_start3A_314 : memref<10112x128xf32, #tpu.memory_space<vmem_shared>>) offsets(%dma_start3A_311 : memref<128xi32, #tpu.memory_space<vmem>>) semaphore(%run_scoped3A_308 : memref<!tpu.dma_semaphore, #tpu.memory_space<semaphore_mem>>) {add = true}
        %dma_wait3A_315 = arith.constant 0 : i32
        %dma_wait3A_316 = tpu.memref_slice %arg10[%run_scoped3A_272, %dma_wait3A_315] : memref<8x128xi32, #tpu.memory_space<vmem>> -> memref<1x128xi32, #tpu.memory_space<vmem>>
        %dma_wait3A_317 = tpu.memref_squeeze %dma_wait3A_316 : memref<1x128xi32, #tpu.memory_space<vmem>> -> memref<128xi32, #tpu.memory_space<vmem>>
        %dma_wait3A_318 = arith.constant 0 : i32
        %dma_wait3A_319 = arith.constant 0 : i32
        %dma_wait3A_320 = tpu.memref_slice %arg13[%dma_wait3A_318, %dma_wait3A_319] : memref<10112x128xf32, #tpu.memory_space<vmem_shared>> -> memref<10112x128xf32, #tpu.memory_space<vmem_shared>>
        tpu.wait_indirect_dma semaphore(%run_scoped3A_308 : memref<!tpu.dma_semaphore, #tpu.memory_space<semaphore_mem>>) src(%arg12 : memref<128x128xf32, #tpu.memory_space<vmem>>) dst(%dma_wait3A_320 : memref<10112x128xf32, #tpu.memory_space<vmem_shared>>)
        tpu.yield
      }) : () -> ()
      %dma_start3A_273 = arith.constant 7 : i32
      %dma_start3A_274 = arith.constant 0 : i32
      %dma_start3A_275 = tpu.memref_slice %arg9[%dma_start3A_273, %dma_start3A_274] : memref<8x128xi32, #tpu.memory_space<vmem>> -> memref<1x128xi32, #tpu.memory_space<vmem>>
      %dma_start3A_276 = tpu.memref_squeeze %dma_start3A_275 : memref<1x128xi32, #tpu.memory_space<vmem>> -> memref<128xi32, #tpu.memory_space<vmem>>
      %dma_start3A_277 = arith.constant 0 : i32
      %dma_start3A_278 = arith.constant 0 : i32
      %dma_start3A_279 = tpu.memref_slice %arg2[%dma_start3A_277, %dma_start3A_278] : memref<10000x128xf32, #tpu.memory_space<hbm>> -> memref<10000x128xf32, #tpu.memory_space<hbm>>
      tpu.enqueue_indirect_dma source(%dma_start3A_279 : memref<10000x128xf32, #tpu.memory_space<hbm>>) target(%arg12 : memref<128x128xf32, #tpu.memory_space<vmem>>) offsets(%dma_start3A_276 : memref<128xi32, #tpu.memory_space<vmem>>) semaphore(%arg14 : memref<!tpu.dma_semaphore, #tpu.memory_space<semaphore_mem>>)
      %dma_wait3A_280 = arith.constant 6 : i32
      %dma_wait3A_281 = arith.constant 0 : i32
      %dma_wait3A_282 = tpu.memref_slice %arg9[%dma_wait3A_280, %dma_wait3A_281] : memref<8x128xi32, #tpu.memory_space<vmem>> -> memref<1x128xi32, #tpu.memory_space<vmem>>
      %dma_wait3A_283 = tpu.memref_squeeze %dma_wait3A_282 : memref<1x128xi32, #tpu.memory_space<vmem>> -> memref<128xi32, #tpu.memory_space<vmem>>
      %dma_wait3A_284 = arith.constant 0 : i32
      %dma_wait3A_285 = arith.constant 0 : i32
      %dma_wait3A_286 = tpu.memref_slice %arg2[%dma_wait3A_284, %dma_wait3A_285] : memref<10000x128xf32, #tpu.memory_space<hbm>> -> memref<10000x128xf32, #tpu.memory_space<hbm>>
      tpu.wait_indirect_dma semaphore(%arg14 : memref<!tpu.dma_semaphore, #tpu.memory_space<semaphore_mem>>) src(%dma_wait3A_286 : memref<10000x128xf32, #tpu.memory_space<hbm>>) dst(%arg11 : memref<128x128xf32, #tpu.memory_space<vmem>>)
      %run_scoped3A_287 = arith.constant 6 : i32
      "tpu.region"() ({
        %run_scoped3A_308 = tpu.sem_alloc : memref<!tpu.dma_semaphore, #tpu.memory_space<semaphore_mem>>
        %dma_start3A_309 = arith.constant 0 : i32
        %dma_start3A_310 = tpu.memref_slice %arg10[%run_scoped3A_287, %dma_start3A_309] : memref<8x128xi32, #tpu.memory_space<vmem>> -> memref<1x128xi32, #tpu.memory_space<vmem>>
        %dma_start3A_311 = tpu.memref_squeeze %dma_start3A_310 : memref<1x128xi32, #tpu.memory_space<vmem>> -> memref<128xi32, #tpu.memory_space<vmem>>
        %dma_start3A_312 = arith.constant 0 : i32
        %dma_start3A_313 = arith.constant 0 : i32
        %dma_start3A_314 = tpu.memref_slice %arg13[%dma_start3A_312, %dma_start3A_313] : memref<10112x128xf32, #tpu.memory_space<vmem_shared>> -> memref<10112x128xf32, #tpu.memory_space<vmem_shared>>
        tpu.enqueue_indirect_dma source(%arg11 : memref<128x128xf32, #tpu.memory_space<vmem>>) target(%dma_start3A_314 : memref<10112x128xf32, #tpu.memory_space<vmem_shared>>) offsets(%dma_start3A_311 : memref<128xi32, #tpu.memory_space<vmem>>) semaphore(%run_scoped3A_308 : memref<!tpu.dma_semaphore, #tpu.memory_space<semaphore_mem>>) {add = true}
        %dma_wait3A_315 = arith.constant 0 : i32
        %dma_wait3A_316 = tpu.memref_slice %arg10[%run_scoped3A_287, %dma_wait3A_315] : memref<8x128xi32, #tpu.memory_space<vmem>> -> memref<1x128xi32, #tpu.memory_space<vmem>>
        %dma_wait3A_317 = tpu.memref_squeeze %dma_wait3A_316 : memref<1x128xi32, #tpu.memory_space<vmem>> -> memref<128xi32, #tpu.memory_space<vmem>>
        %dma_wait3A_318 = arith.constant 0 : i32
        %dma_wait3A_319 = arith.constant 0 : i32
        %dma_wait3A_320 = tpu.memref_slice %arg13[%dma_wait3A_318, %dma_wait3A_319] : memref<10112x128xf32, #tpu.memory_space<vmem_shared>> -> memref<10112x128xf32, #tpu.memory_space<vmem_shared>>
        tpu.wait_indirect_dma semaphore(%run_scoped3A_308 : memref<!tpu.dma_semaphore, #tpu.memory_space<semaphore_mem>>) src(%arg11 : memref<128x128xf32, #tpu.memory_space<vmem>>) dst(%dma_wait3A_320 : memref<10112x128xf32, #tpu.memory_space<vmem_shared>>)
        tpu.yield
      }) : () -> ()
      %dma_wait3A_288 = arith.constant 7 : i32
      %dma_wait3A_289 = arith.constant 0 : i32
      %dma_wait3A_290 = tpu.memref_slice %arg9[%dma_wait3A_288, %dma_wait3A_289] : memref<8x128xi32, #tpu.memory_space<vmem>> -> memref<1x128xi32, #tpu.memory_space<vmem>>
      %dma_wait3A_291 = tpu.memref_squeeze %dma_wait3A_290 : memref<1x128xi32, #tpu.memory_space<vmem>> -> memref<128xi32, #tpu.memory_space<vmem>>
      %dma_wait3A_292 = arith.constant 0 : i32
      %dma_wait3A_293 = arith.constant 0 : i32
      %dma_wait3A_294 = tpu.memref_slice %arg2[%dma_wait3A_292, %dma_wait3A_293] : memref<10000x128xf32, #tpu.memory_space<hbm>> -> memref<10000x128xf32, #tpu.memory_space<hbm>>
      tpu.wait_indirect_dma semaphore(%arg14 : memref<!tpu.dma_semaphore, #tpu.memory_space<semaphore_mem>>) src(%dma_wait3A_294 : memref<10000x128xf32, #tpu.memory_space<hbm>>) dst(%arg12 : memref<128x128xf32, #tpu.memory_space<vmem>>)
      %run_scoped3A_295 = arith.constant 7 : i32
      "tpu.region"() ({
        %run_scoped3A_308 = tpu.sem_alloc : memref<!tpu.dma_semaphore, #tpu.memory_space<semaphore_mem>>
        %dma_start3A_309 = arith.constant 0 : i32
        %dma_start3A_310 = tpu.memref_slice %arg10[%run_scoped3A_295, %dma_start3A_309] : memref<8x128xi32, #tpu.memory_space<vmem>> -> memref<1x128xi32, #tpu.memory_space<vmem>>
        %dma_start3A_311 = tpu.memref_squeeze %dma_start3A_310 : memref<1x128xi32, #tpu.memory_space<vmem>> -> memref<128xi32, #tpu.memory_space<vmem>>
        %dma_start3A_312 = arith.constant 0 : i32
        %dma_start3A_313 = arith.constant 0 : i32
        %dma_start3A_314 = tpu.memref_slice %arg13[%dma_start3A_312, %dma_start3A_313] : memref<10112x128xf32, #tpu.memory_space<vmem_shared>> -> memref<10112x128xf32, #tpu.memory_space<vmem_shared>>
        tpu.enqueue_indirect_dma source(%arg12 : memref<128x128xf32, #tpu.memory_space<vmem>>) target(%dma_start3A_314 : memref<10112x128xf32, #tpu.memory_space<vmem_shared>>) offsets(%dma_start3A_311 : memref<128xi32, #tpu.memory_space<vmem>>) semaphore(%run_scoped3A_308 : memref<!tpu.dma_semaphore, #tpu.memory_space<semaphore_mem>>) {add = true}
        %dma_wait3A_315 = arith.constant 0 : i32
        %dma_wait3A_316 = tpu.memref_slice %arg10[%run_scoped3A_295, %dma_wait3A_315] : memref<8x128xi32, #tpu.memory_space<vmem>> -> memref<1x128xi32, #tpu.memory_space<vmem>>
        %dma_wait3A_317 = tpu.memref_squeeze %dma_wait3A_316 : memref<1x128xi32, #tpu.memory_space<vmem>> -> memref<128xi32, #tpu.memory_space<vmem>>
        %dma_wait3A_318 = arith.constant 0 : i32
        %dma_wait3A_319 = arith.constant 0 : i32
        %dma_wait3A_320 = tpu.memref_slice %arg13[%dma_wait3A_318, %dma_wait3A_319] : memref<10112x128xf32, #tpu.memory_space<vmem_shared>> -> memref<10112x128xf32, #tpu.memory_space<vmem_shared>>
        tpu.wait_indirect_dma semaphore(%run_scoped3A_308 : memref<!tpu.dma_semaphore, #tpu.memory_space<semaphore_mem>>) src(%arg12 : memref<128x128xf32, #tpu.memory_space<vmem>>) dst(%dma_wait3A_320 : memref<10112x128xf32, #tpu.memory_space<vmem_shared>>)
        tpu.yield
      }) : () -> ()
      %dma_wait3A_296 = arith.constant 0 : i32
      %dma_wait3A_297 = tpu.memref_slice %arg3[%add3A, %mul3A_163, %dma_wait3A_296] : memref<32x80x128xi32, #tpu.memory_space<hbm>> -> memref<1x8x128xi32, #tpu.memory_space<hbm>>
      %dma_wait3A_298 = tpu.memref_squeeze %dma_wait3A_297 : memref<1x8x128xi32, #tpu.memory_space<hbm>> -> memref<8x128xi32, #tpu.memory_space<hbm>>
      %dma_wait3A_299 = arith.constant 0 : i32
      %dma_wait3A_300 = tpu.memref_slice %arg3[%add3A, %mul3A_163, %dma_wait3A_299] : memref<32x80x128xi32, #tpu.memory_space<hbm>> -> memref<1x8x128xi32, #tpu.memory_space<hbm>>
      %dma_wait3A_301 = tpu.memref_squeeze %dma_wait3A_300 : memref<1x8x128xi32, #tpu.memory_space<hbm>> -> memref<8x128xi32, #tpu.memory_space<hbm>>
      tpu.wait_dma2 semaphore(%arg15 : memref<!tpu.dma_semaphore, #tpu.memory_space<semaphore_mem>>) src(%dma_wait3A_301 : memref<8x128xi32, #tpu.memory_space<hbm>>) dst(%arg7 : memref<8x128xi32, #tpu.memory_space<vmem>>)
      %dma_wait3A_302 = arith.constant 0 : i32
      %dma_wait3A_303 = tpu.memref_slice %arg4[%add3A, %mul3A_163, %dma_wait3A_302] : memref<32x80x128xi32, #tpu.memory_space<hbm>> -> memref<1x8x128xi32, #tpu.memory_space<hbm>>
      %dma_wait3A_304 = tpu.memref_squeeze %dma_wait3A_303 : memref<1x8x128xi32, #tpu.memory_space<hbm>> -> memref<8x128xi32, #tpu.memory_space<hbm>>
      %dma_wait3A_305 = arith.constant 0 : i32
      %dma_wait3A_306 = tpu.memref_slice %arg4[%add3A, %mul3A_163, %dma_wait3A_305] : memref<32x80x128xi32, #tpu.memory_space<hbm>> -> memref<1x8x128xi32, #tpu.memory_space<hbm>>
      %dma_wait3A_307 = tpu.memref_squeeze %dma_wait3A_306 : memref<1x8x128xi32, #tpu.memory_space<hbm>> -> memref<8x128xi32, #tpu.memory_space<hbm>>
      tpu.wait_dma2 semaphore(%arg15 : memref<!tpu.dma_semaphore, #tpu.memory_space<semaphore_mem>>) src(%dma_wait3A_307 : memref<8x128xi32, #tpu.memory_space<hbm>>) dst(%arg8 : memref<8x128xi32, #tpu.memory_space<vmem>>)
    }
    %scan3A_7 = arith.constant 5 : i32
    %barrier3A_8 = arith.constant 0 : index
    tpu.barrier barrier_id(%barrier3A_8)
    "tpu.region"() ({
      %run_scoped3A = tpu.sem_alloc : memref<!tpu.dma_semaphore, #tpu.memory_space<semaphore_mem>>
      %dma_start3A = arith.constant 0 : i32
      %dma_start3A_9 = tpu.memref_slice %arg6[%arg0, %mul3A_2, %dma_start3A] : memref<2x10112x128xf32, #tpu.memory_space<hbm>> -> memref<1x632x128xf32, #tpu.memory_space<hbm>>
      %dma_start3A_10 = tpu.memref_squeeze %dma_start3A_9 : memref<1x632x128xf32, #tpu.memory_space<hbm>> -> memref<632x128xf32, #tpu.memory_space<hbm>>
      %dma_start3A_11 = arith.constant 0 : i32
      %dma_start3A_12 = tpu.memref_slice %arg13[%mul3A_2, %dma_start3A_11] : memref<10112x128xf32, #tpu.memory_space<vmem_shared>> -> memref<632x128xf32, #tpu.memory_space<vmem_shared>>
      tpu.enqueue_dma source(%dma_start3A_12 : memref<632x128xf32, #tpu.memory_space<vmem_shared>>) target(%dma_start3A_10 : memref<632x128xf32, #tpu.memory_space<hbm>>) target_semaphore(%run_scoped3A : memref<!tpu.dma_semaphore, #tpu.memory_space<semaphore_mem>>)
      %dma_wait3A = arith.constant 0 : i32
      %dma_wait3A_13 = tpu.memref_slice %arg6[%arg0, %mul3A_2, %dma_wait3A] : memref<2x10112x128xf32, #tpu.memory_space<hbm>> -> memref<1x632x128xf32, #tpu.memory_space<hbm>>
      %dma_wait3A_14 = tpu.memref_squeeze %dma_wait3A_13 : memref<1x632x128xf32, #tpu.memory_space<hbm>> -> memref<632x128xf32, #tpu.memory_space<hbm>>
      %dma_wait3A_15 = arith.constant 0 : i32
      %dma_wait3A_16 = tpu.memref_slice %arg13[%mul3A_2, %dma_wait3A_15] : memref<10112x128xf32, #tpu.memory_space<vmem_shared>> -> memref<632x128xf32, #tpu.memory_space<vmem_shared>>
      tpu.wait_dma2 semaphore(%run_scoped3A : memref<!tpu.dma_semaphore, #tpu.memory_space<semaphore_mem>>) src(%dma_wait3A_16 : memref<632x128xf32, #tpu.memory_space<vmem_shared>>) dst(%dma_wait3A_14 : memref<632x128xf32, #tpu.memory_space<hbm>>)
      tpu.yield
    }) : () -> ()
    return
  }
}

#map = affine_map<(d0, d1) -> (0, 0)>
#map1 = affine_map<(d0, d1) -> (0, 0, 0)>
module attributes {stable_mosaic.version = 14 : i64} {
  func.func @_sc_agg_body(%arg0: i32, %arg1: i32, %arg2: memref<10000x128xf32, #tpu.memory_space<hbm>>, %arg3: memref<32x80x128xi32, #tpu.memory_space<hbm>>, %arg4: memref<32x80x128xi32, #tpu.memory_space<hbm>>, %arg5: memref<632x128xf32, #tpu.memory_space<hbm>>, %arg6: memref<2x10112x128xf32, #tpu.memory_space<hbm>>, %arg7: memref<8x128xi32, #tpu.memory_space<vmem>>, %arg8: memref<8x128xi32, #tpu.memory_space<vmem>>, %arg9: memref<8x128xi32, #tpu.memory_space<vmem>>, %arg10: memref<8x128xi32, #tpu.memory_space<vmem>>, %arg11: memref<128x128xf32, #tpu.memory_space<vmem>>, %arg12: memref<128x128xf32, #tpu.memory_space<vmem>>, %arg13: memref<10112x128xf32, #tpu.memory_space<vmem_shared>>, %arg14: memref<!tpu.dma_semaphore, #tpu.memory_space<semaphore_mem>>, %arg15: memref<!tpu.dma_semaphore, #tpu.memory_space<semaphore_mem>>) attributes {dimension_semantics = [#tpu.dimension_semantics<core_parallel>, #tpu.dimension_semantics<subcore_parallel>], iteration_bounds = array<i64: 2, 16>, scalar_prefetch = 0 : i64, scratch_operands = 9 : i64, tpu.core_type = #tpu.core_type<sc_vector_subcore>, window_params = [{transform_indices = #map}, {transform_indices = #map1}, {transform_indices = #map1}, {transform_indices = #map}, {transform_indices = #map1}]} {
    %mul3A = arith.constant 16 : i32
    %mul3A_0 = arith.muli %arg0, %mul3A : i32
    %add3A = arith.addi %mul3A_0, %arg1 : i32
    %mul3A_1 = arith.constant 632 : i32
    %mul3A_2 = arith.muli %arg1, %mul3A_1 : i32
    "tpu.region"() ({
      %run_scoped3A = tpu.sem_alloc : memref<!tpu.dma_semaphore, #tpu.memory_space<semaphore_mem>>
      %dma_start3A = arith.constant 0 : i32
      %dma_start3A_9 = tpu.memref_slice %arg13[%mul3A_2, %dma_start3A] : memref<10112x128xf32, #tpu.memory_space<vmem_shared>> -> memref<632x128xf32, #tpu.memory_space<vmem_shared>>
      tpu.enqueue_dma source(%arg5 : memref<632x128xf32, #tpu.memory_space<hbm>>) target(%dma_start3A_9 : memref<632x128xf32, #tpu.memory_space<vmem_shared>>) target_semaphore(%run_scoped3A : memref<!tpu.dma_semaphore, #tpu.memory_space<semaphore_mem>>)
      %dma_wait3A = arith.constant 0 : i32
      %dma_wait3A_10 = tpu.memref_slice %arg13[%mul3A_2, %dma_wait3A] : memref<10112x128xf32, #tpu.memory_space<vmem_shared>> -> memref<632x128xf32, #tpu.memory_space<vmem_shared>>
      tpu.wait_dma2 semaphore(%run_scoped3A : memref<!tpu.dma_semaphore, #tpu.memory_space<semaphore_mem>>) src(%arg5 : memref<632x128xf32, #tpu.memory_space<hbm>>) dst(%dma_wait3A_10 : memref<632x128xf32, #tpu.memory_space<vmem_shared>>)
      tpu.yield
    }) : () -> ()
    "tpu.region"() ({
      %run_scoped3A = tpu.sem_alloc : memref<!tpu.dma_semaphore, #tpu.memory_space<semaphore_mem>>
      %dma_start3A = arith.constant 0 : i32
      %dma_start3A_9 = arith.constant 0 : i32
      %dma_start3A_10 = tpu.memref_slice %arg3[%add3A, %dma_start3A, %dma_start3A_9] : memref<32x80x128xi32, #tpu.memory_space<hbm>> -> memref<1x8x128xi32, #tpu.memory_space<hbm>>
      %dma_start3A_11 = tpu.memref_squeeze %dma_start3A_10 : memref<1x8x128xi32, #tpu.memory_space<hbm>> -> memref<8x128xi32, #tpu.memory_space<hbm>>
      %dma_start3A_12 = arith.constant 0 : i32
      %dma_start3A_13 = arith.constant 0 : i32
      %dma_start3A_14 = tpu.memref_slice %arg3[%add3A, %dma_start3A_12, %dma_start3A_13] : memref<32x80x128xi32, #tpu.memory_space<hbm>> -> memref<1x8x128xi32, #tpu.memory_space<hbm>>
      %dma_start3A_15 = tpu.memref_squeeze %dma_start3A_14 : memref<1x8x128xi32, #tpu.memory_space<hbm>> -> memref<8x128xi32, #tpu.memory_space<hbm>>
      tpu.enqueue_dma source(%dma_start3A_15 : memref<8x128xi32, #tpu.memory_space<hbm>>) target(%arg7 : memref<8x128xi32, #tpu.memory_space<vmem>>) target_semaphore(%run_scoped3A : memref<!tpu.dma_semaphore, #tpu.memory_space<semaphore_mem>>)
      %dma_wait3A = arith.constant 0 : i32
      %dma_wait3A_16 = arith.constant 0 : i32
      %dma_wait3A_17 = tpu.memref_slice %arg3[%add3A, %dma_wait3A, %dma_wait3A_16] : memref<32x80x128xi32, #tpu.memory_space<hbm>> -> memref<1x8x128xi32, #tpu.memory_space<hbm>>
      %dma_wait3A_18 = tpu.memref_squeeze %dma_wait3A_17 : memref<1x8x128xi32, #tpu.memory_space<hbm>> -> memref<8x128xi32, #tpu.memory_space<hbm>>
      %dma_wait3A_19 = arith.constant 0 : i32
      %dma_wait3A_20 = arith.constant 0 : i32
      %dma_wait3A_21 = tpu.memref_slice %arg3[%add3A, %dma_wait3A_19, %dma_wait3A_20] : memref<32x80x128xi32, #tpu.memory_space<hbm>> -> memref<1x8x128xi32, #tpu.memory_space<hbm>>
      %dma_wait3A_22 = tpu.memref_squeeze %dma_wait3A_21 : memref<1x8x128xi32, #tpu.memory_space<hbm>> -> memref<8x128xi32, #tpu.memory_space<hbm>>
      tpu.wait_dma2 semaphore(%run_scoped3A : memref<!tpu.dma_semaphore, #tpu.memory_space<semaphore_mem>>) src(%dma_wait3A_22 : memref<8x128xi32, #tpu.memory_space<hbm>>) dst(%arg7 : memref<8x128xi32, #tpu.memory_space<vmem>>)
      tpu.yield
    }) : () -> ()
    "tpu.region"() ({
      %run_scoped3A = tpu.sem_alloc : memref<!tpu.dma_semaphore, #tpu.memory_space<semaphore_mem>>
      %dma_start3A = arith.constant 0 : i32
      %dma_start3A_9 = arith.constant 0 : i32
      %dma_start3A_10 = tpu.memref_slice %arg4[%add3A, %dma_start3A, %dma_start3A_9] : memref<32x80x128xi32, #tpu.memory_space<hbm>> -> memref<1x8x128xi32, #tpu.memory_space<hbm>>
      %dma_start3A_11 = tpu.memref_squeeze %dma_start3A_10 : memref<1x8x128xi32, #tpu.memory_space<hbm>> -> memref<8x128xi32, #tpu.memory_space<hbm>>
      %dma_start3A_12 = arith.constant 0 : i32
      %dma_start3A_13 = arith.constant 0 : i32
      %dma_start3A_14 = tpu.memref_slice %arg4[%add3A, %dma_start3A_12, %dma_start3A_13] : memref<32x80x128xi32, #tpu.memory_space<hbm>> -> memref<1x8x128xi32, #tpu.memory_space<hbm>>
      %dma_start3A_15 = tpu.memref_squeeze %dma_start3A_14 : memref<1x8x128xi32, #tpu.memory_space<hbm>> -> memref<8x128xi32, #tpu.memory_space<hbm>>
      tpu.enqueue_dma source(%dma_start3A_15 : memref<8x128xi32, #tpu.memory_space<hbm>>) target(%arg8 : memref<8x128xi32, #tpu.memory_space<vmem>>) target_semaphore(%run_scoped3A : memref<!tpu.dma_semaphore, #tpu.memory_space<semaphore_mem>>)
      %dma_wait3A = arith.constant 0 : i32
      %dma_wait3A_16 = arith.constant 0 : i32
      %dma_wait3A_17 = tpu.memref_slice %arg4[%add3A, %dma_wait3A, %dma_wait3A_16] : memref<32x80x128xi32, #tpu.memory_space<hbm>> -> memref<1x8x128xi32, #tpu.memory_space<hbm>>
      %dma_wait3A_18 = tpu.memref_squeeze %dma_wait3A_17 : memref<1x8x128xi32, #tpu.memory_space<hbm>> -> memref<8x128xi32, #tpu.memory_space<hbm>>
      %dma_wait3A_19 = arith.constant 0 : i32
      %dma_wait3A_20 = arith.constant 0 : i32
      %dma_wait3A_21 = tpu.memref_slice %arg4[%add3A, %dma_wait3A_19, %dma_wait3A_20] : memref<32x80x128xi32, #tpu.memory_space<hbm>> -> memref<1x8x128xi32, #tpu.memory_space<hbm>>
      %dma_wait3A_22 = tpu.memref_squeeze %dma_wait3A_21 : memref<1x8x128xi32, #tpu.memory_space<hbm>> -> memref<8x128xi32, #tpu.memory_space<hbm>>
      tpu.wait_dma2 semaphore(%run_scoped3A : memref<!tpu.dma_semaphore, #tpu.memory_space<semaphore_mem>>) src(%dma_wait3A_22 : memref<8x128xi32, #tpu.memory_space<hbm>>) dst(%arg8 : memref<8x128xi32, #tpu.memory_space<vmem>>)
      tpu.yield
    }) : () -> ()
    %barrier3A = arith.constant 0 : index
    tpu.barrier barrier_id(%barrier3A)
    %scan3A = arith.constant 0 : i32
    %scan3A_3 = arith.constant 0 : i32
    %scan3A_4 = arith.constant 5 : i32
    %scan3A_5 = arith.addi %scan3A_3, %scan3A_4 : i32
    %scan3A_6 = arith.constant 1 : i32
    scf.for %scan3A_9 = %scan3A_3 to %scan3A_5 step %scan3A_6  : i32 {
      %mul3A_10 = arith.constant 2 : i32
      %mul3A_11 = arith.muli %mul3A_10, %scan3A_9 : i32
      %add3A_12 = arith.constant 1 : i32
      %add3A_13 = arith.addi %mul3A_11, %add3A_12 : i32
      %mul3A_14 = arith.constant 8 : i32
      %mul3A_15 = arith.muli %add3A_13, %mul3A_14 : i32
      %dma_start3A = arith.constant 0 : i32
      %dma_start3A_16 = tpu.memref_slice %arg3[%add3A, %mul3A_15, %dma_start3A] : memref<32x80x128xi32, #tpu.memory_space<hbm>> -> memref<1x8x128xi32, #tpu.memory_space<hbm>>
      %dma_start3A_17 = tpu.memref_squeeze %dma_start3A_16 : memref<1x8x128xi32, #tpu.memory_space<hbm>> -> memref<8x128xi32, #tpu.memory_space<hbm>>
      %dma_start3A_18 = arith.constant 0 : i32
      %dma_start3A_19 = tpu.memref_slice %arg3[%add3A, %mul3A_15, %dma_start3A_18] : memref<32x80x128xi32, #tpu.memory_space<hbm>> -> memref<1x8x128xi32, #tpu.memory_space<hbm>>
      %dma_start3A_20 = tpu.memref_squeeze %dma_start3A_19 : memref<1x8x128xi32, #tpu.memory_space<hbm>> -> memref<8x128xi32, #tpu.memory_space<hbm>>
      tpu.enqueue_dma source(%dma_start3A_20 : memref<8x128xi32, #tpu.memory_space<hbm>>) target(%arg9 : memref<8x128xi32, #tpu.memory_space<vmem>>) target_semaphore(%arg15 : memref<!tpu.dma_semaphore, #tpu.memory_space<semaphore_mem>>)
      %dma_start3A_21 = arith.constant 0 : i32
      %dma_start3A_22 = tpu.memref_slice %arg4[%add3A, %mul3A_15, %dma_start3A_21] : memref<32x80x128xi32, #tpu.memory_space<hbm>> -> memref<1x8x128xi32, #tpu.memory_space<hbm>>
      %dma_start3A_23 = tpu.memref_squeeze %dma_start3A_22 : memref<1x8x128xi32, #tpu.memory_space<hbm>> -> memref<8x128xi32, #tpu.memory_space<hbm>>
      %dma_start3A_24 = arith.constant 0 : i32
      %dma_start3A_25 = tpu.memref_slice %arg4[%add3A, %mul3A_15, %dma_start3A_24] : memref<32x80x128xi32, #tpu.memory_space<hbm>> -> memref<1x8x128xi32, #tpu.memory_space<hbm>>
      %dma_start3A_26 = tpu.memref_squeeze %dma_start3A_25 : memref<1x8x128xi32, #tpu.memory_space<hbm>> -> memref<8x128xi32, #tpu.memory_space<hbm>>
      tpu.enqueue_dma source(%dma_start3A_26 : memref<8x128xi32, #tpu.memory_space<hbm>>) target(%arg10 : memref<8x128xi32, #tpu.memory_space<vmem>>) target_semaphore(%arg15 : memref<!tpu.dma_semaphore, #tpu.memory_space<semaphore_mem>>)
      %dma_start3A_27 = arith.constant 0 : i32
      %dma_start3A_28 = arith.constant 0 : i32
      %dma_start3A_29 = tpu.memref_slice %arg7[%dma_start3A_27, %dma_start3A_28] : memref<8x128xi32, #tpu.memory_space<vmem>> -> memref<1x128xi32, #tpu.memory_space<vmem>>
      %dma_start3A_30 = tpu.memref_squeeze %dma_start3A_29 : memref<1x128xi32, #tpu.memory_space<vmem>> -> memref<128xi32, #tpu.memory_space<vmem>>
      %dma_start3A_31 = arith.constant 0 : i32
      %dma_start3A_32 = arith.constant 0 : i32
      %dma_start3A_33 = tpu.memref_slice %arg2[%dma_start3A_31, %dma_start3A_32] : memref<10000x128xf32, #tpu.memory_space<hbm>> -> memref<10000x128xf32, #tpu.memory_space<hbm>>
      tpu.enqueue_indirect_dma source(%dma_start3A_33 : memref<10000x128xf32, #tpu.memory_space<hbm>>) target(%arg11 : memref<128x128xf32, #tpu.memory_space<vmem>>) offsets(%dma_start3A_30 : memref<128xi32, #tpu.memory_space<vmem>>) semaphore(%arg14 : memref<!tpu.dma_semaphore, #tpu.memory_space<semaphore_mem>>)
      %dma_start3A_34 = arith.constant 1 : i32
      %dma_start3A_35 = arith.constant 0 : i32
      %dma_start3A_36 = tpu.memref_slice %arg7[%dma_start3A_34, %dma_start3A_35] : memref<8x128xi32, #tpu.memory_space<vmem>> -> memref<1x128xi32, #tpu.memory_space<vmem>>
      %dma_start3A_37 = tpu.memref_squeeze %dma_start3A_36 : memref<1x128xi32, #tpu.memory_space<vmem>> -> memref<128xi32, #tpu.memory_space<vmem>>
      %dma_start3A_38 = arith.constant 0 : i32
      %dma_start3A_39 = arith.constant 0 : i32
      %dma_start3A_40 = tpu.memref_slice %arg2[%dma_start3A_38, %dma_start3A_39] : memref<10000x128xf32, #tpu.memory_space<hbm>> -> memref<10000x128xf32, #tpu.memory_space<hbm>>
      tpu.enqueue_indirect_dma source(%dma_start3A_40 : memref<10000x128xf32, #tpu.memory_space<hbm>>) target(%arg12 : memref<128x128xf32, #tpu.memory_space<vmem>>) offsets(%dma_start3A_37 : memref<128xi32, #tpu.memory_space<vmem>>) semaphore(%arg14 : memref<!tpu.dma_semaphore, #tpu.memory_space<semaphore_mem>>)
      %dma_wait3A = arith.constant 0 : i32
      %dma_wait3A_41 = arith.constant 0 : i32
      %dma_wait3A_42 = tpu.memref_slice %arg7[%dma_wait3A, %dma_wait3A_41] : memref<8x128xi32, #tpu.memory_space<vmem>> -> memref<1x128xi32, #tpu.memory_space<vmem>>
      %dma_wait3A_43 = tpu.memref_squeeze %dma_wait3A_42 : memref<1x128xi32, #tpu.memory_space<vmem>> -> memref<128xi32, #tpu.memory_space<vmem>>
      %dma_wait3A_44 = arith.constant 0 : i32
      %dma_wait3A_45 = arith.constant 0 : i32
      %dma_wait3A_46 = tpu.memref_slice %arg2[%dma_wait3A_44, %dma_wait3A_45] : memref<10000x128xf32, #tpu.memory_space<hbm>> -> memref<10000x128xf32, #tpu.memory_space<hbm>>
      tpu.wait_indirect_dma semaphore(%arg14 : memref<!tpu.dma_semaphore, #tpu.memory_space<semaphore_mem>>) src(%dma_wait3A_46 : memref<10000x128xf32, #tpu.memory_space<hbm>>) dst(%arg11 : memref<128x128xf32, #tpu.memory_space<vmem>>)
      %run_scoped3A = arith.constant 0 : i32
      "tpu.region"() ({
        %run_scoped3A_308 = tpu.sem_alloc : memref<!tpu.dma_semaphore, #tpu.memory_space<semaphore_mem>>
        %dma_start3A_309 = arith.constant 0 : i32
        %dma_start3A_310 = tpu.memref_slice %arg8[%run_scoped3A, %dma_start3A_309] : memref<8x128xi32, #tpu.memory_space<vmem>> -> memref<1x128xi32, #tpu.memory_space<vmem>>
        %dma_start3A_311 = tpu.memref_squeeze %dma_start3A_310 : memref<1x128xi32, #tpu.memory_space<vmem>> -> memref<128xi32, #tpu.memory_space<vmem>>
        %dma_start3A_312 = arith.constant 0 : i32
        %dma_start3A_313 = arith.constant 0 : i32
        %dma_start3A_314 = tpu.memref_slice %arg13[%dma_start3A_312, %dma_start3A_313] : memref<10112x128xf32, #tpu.memory_space<vmem_shared>> -> memref<10112x128xf32, #tpu.memory_space<vmem_shared>>
        tpu.enqueue_indirect_dma source(%arg11 : memref<128x128xf32, #tpu.memory_space<vmem>>) target(%dma_start3A_314 : memref<10112x128xf32, #tpu.memory_space<vmem_shared>>) offsets(%dma_start3A_311 : memref<128xi32, #tpu.memory_space<vmem>>) semaphore(%run_scoped3A_308 : memref<!tpu.dma_semaphore, #tpu.memory_space<semaphore_mem>>) {add = true}
        %dma_wait3A_315 = arith.constant 0 : i32
        %dma_wait3A_316 = tpu.memref_slice %arg8[%run_scoped3A, %dma_wait3A_315] : memref<8x128xi32, #tpu.memory_space<vmem>> -> memref<1x128xi32, #tpu.memory_space<vmem>>
        %dma_wait3A_317 = tpu.memref_squeeze %dma_wait3A_316 : memref<1x128xi32, #tpu.memory_space<vmem>> -> memref<128xi32, #tpu.memory_space<vmem>>
        %dma_wait3A_318 = arith.constant 0 : i32
        %dma_wait3A_319 = arith.constant 0 : i32
        %dma_wait3A_320 = tpu.memref_slice %arg13[%dma_wait3A_318, %dma_wait3A_319] : memref<10112x128xf32, #tpu.memory_space<vmem_shared>> -> memref<10112x128xf32, #tpu.memory_space<vmem_shared>>
        tpu.wait_indirect_dma semaphore(%run_scoped3A_308 : memref<!tpu.dma_semaphore, #tpu.memory_space<semaphore_mem>>) src(%arg11 : memref<128x128xf32, #tpu.memory_space<vmem>>) dst(%dma_wait3A_320 : memref<10112x128xf32, #tpu.memory_space<vmem_shared>>)
        tpu.yield
      }) : () -> ()
      %dma_start3A_47 = arith.constant 2 : i32
      %dma_start3A_48 = arith.constant 0 : i32
      %dma_start3A_49 = tpu.memref_slice %arg7[%dma_start3A_47, %dma_start3A_48] : memref<8x128xi32, #tpu.memory_space<vmem>> -> memref<1x128xi32, #tpu.memory_space<vmem>>
      %dma_start3A_50 = tpu.memref_squeeze %dma_start3A_49 : memref<1x128xi32, #tpu.memory_space<vmem>> -> memref<128xi32, #tpu.memory_space<vmem>>
      %dma_start3A_51 = arith.constant 0 : i32
      %dma_start3A_52 = arith.constant 0 : i32
      %dma_start3A_53 = tpu.memref_slice %arg2[%dma_start3A_51, %dma_start3A_52] : memref<10000x128xf32, #tpu.memory_space<hbm>> -> memref<10000x128xf32, #tpu.memory_space<hbm>>
      tpu.enqueue_indirect_dma source(%dma_start3A_53 : memref<10000x128xf32, #tpu.memory_space<hbm>>) target(%arg11 : memref<128x128xf32, #tpu.memory_space<vmem>>) offsets(%dma_start3A_50 : memref<128xi32, #tpu.memory_space<vmem>>) semaphore(%arg14 : memref<!tpu.dma_semaphore, #tpu.memory_space<semaphore_mem>>)
      %dma_wait3A_54 = arith.constant 1 : i32
      %dma_wait3A_55 = arith.constant 0 : i32
      %dma_wait3A_56 = tpu.memref_slice %arg7[%dma_wait3A_54, %dma_wait3A_55] : memref<8x128xi32, #tpu.memory_space<vmem>> -> memref<1x128xi32, #tpu.memory_space<vmem>>
      %dma_wait3A_57 = tpu.memref_squeeze %dma_wait3A_56 : memref<1x128xi32, #tpu.memory_space<vmem>> -> memref<128xi32, #tpu.memory_space<vmem>>
      %dma_wait3A_58 = arith.constant 0 : i32
      %dma_wait3A_59 = arith.constant 0 : i32
      %dma_wait3A_60 = tpu.memref_slice %arg2[%dma_wait3A_58, %dma_wait3A_59] : memref<10000x128xf32, #tpu.memory_space<hbm>> -> memref<10000x128xf32, #tpu.memory_space<hbm>>
      tpu.wait_indirect_dma semaphore(%arg14 : memref<!tpu.dma_semaphore, #tpu.memory_space<semaphore_mem>>) src(%dma_wait3A_60 : memref<10000x128xf32, #tpu.memory_space<hbm>>) dst(%arg12 : memref<128x128xf32, #tpu.memory_space<vmem>>)
      %run_scoped3A_61 = arith.constant 1 : i32
      "tpu.region"() ({
        %run_scoped3A_308 = tpu.sem_alloc : memref<!tpu.dma_semaphore, #tpu.memory_space<semaphore_mem>>
        %dma_start3A_309 = arith.constant 0 : i32
        %dma_start3A_310 = tpu.memref_slice %arg8[%run_scoped3A_61, %dma_start3A_309] : memref<8x128xi32, #tpu.memory_space<vmem>> -> memref<1x128xi32, #tpu.memory_space<vmem>>
        %dma_start3A_311 = tpu.memref_squeeze %dma_start3A_310 : memref<1x128xi32, #tpu.memory_space<vmem>> -> memref<128xi32, #tpu.memory_space<vmem>>
        %dma_start3A_312 = arith.constant 0 : i32
        %dma_start3A_313 = arith.constant 0 : i32
        %dma_start3A_314 = tpu.memref_slice %arg13[%dma_start3A_312, %dma_start3A_313] : memref<10112x128xf32, #tpu.memory_space<vmem_shared>> -> memref<10112x128xf32, #tpu.memory_space<vmem_shared>>
        tpu.enqueue_indirect_dma source(%arg12 : memref<128x128xf32, #tpu.memory_space<vmem>>) target(%dma_start3A_314 : memref<10112x128xf32, #tpu.memory_space<vmem_shared>>) offsets(%dma_start3A_311 : memref<128xi32, #tpu.memory_space<vmem>>) semaphore(%run_scoped3A_308 : memref<!tpu.dma_semaphore, #tpu.memory_space<semaphore_mem>>) {add = true}
        %dma_wait3A_315 = arith.constant 0 : i32
        %dma_wait3A_316 = tpu.memref_slice %arg8[%run_scoped3A_61, %dma_wait3A_315] : memref<8x128xi32, #tpu.memory_space<vmem>> -> memref<1x128xi32, #tpu.memory_space<vmem>>
        %dma_wait3A_317 = tpu.memref_squeeze %dma_wait3A_316 : memref<1x128xi32, #tpu.memory_space<vmem>> -> memref<128xi32, #tpu.memory_space<vmem>>
        %dma_wait3A_318 = arith.constant 0 : i32
        %dma_wait3A_319 = arith.constant 0 : i32
        %dma_wait3A_320 = tpu.memref_slice %arg13[%dma_wait3A_318, %dma_wait3A_319] : memref<10112x128xf32, #tpu.memory_space<vmem_shared>> -> memref<10112x128xf32, #tpu.memory_space<vmem_shared>>
        tpu.wait_indirect_dma semaphore(%run_scoped3A_308 : memref<!tpu.dma_semaphore, #tpu.memory_space<semaphore_mem>>) src(%arg12 : memref<128x128xf32, #tpu.memory_space<vmem>>) dst(%dma_wait3A_320 : memref<10112x128xf32, #tpu.memory_space<vmem_shared>>)
        tpu.yield
      }) : () -> ()
      %dma_start3A_62 = arith.constant 3 : i32
      %dma_start3A_63 = arith.constant 0 : i32
      %dma_start3A_64 = tpu.memref_slice %arg7[%dma_start3A_62, %dma_start3A_63] : memref<8x128xi32, #tpu.memory_space<vmem>> -> memref<1x128xi32, #tpu.memory_space<vmem>>
      %dma_start3A_65 = tpu.memref_squeeze %dma_start3A_64 : memref<1x128xi32, #tpu.memory_space<vmem>> -> memref<128xi32, #tpu.memory_space<vmem>>
      %dma_start3A_66 = arith.constant 0 : i32
      %dma_start3A_67 = arith.constant 0 : i32
      %dma_start3A_68 = tpu.memref_slice %arg2[%dma_start3A_66, %dma_start3A_67] : memref<10000x128xf32, #tpu.memory_space<hbm>> -> memref<10000x128xf32, #tpu.memory_space<hbm>>
      tpu.enqueue_indirect_dma source(%dma_start3A_68 : memref<10000x128xf32, #tpu.memory_space<hbm>>) target(%arg12 : memref<128x128xf32, #tpu.memory_space<vmem>>) offsets(%dma_start3A_65 : memref<128xi32, #tpu.memory_space<vmem>>) semaphore(%arg14 : memref<!tpu.dma_semaphore, #tpu.memory_space<semaphore_mem>>)
      %dma_wait3A_69 = arith.constant 2 : i32
      %dma_wait3A_70 = arith.constant 0 : i32
      %dma_wait3A_71 = tpu.memref_slice %arg7[%dma_wait3A_69, %dma_wait3A_70] : memref<8x128xi32, #tpu.memory_space<vmem>> -> memref<1x128xi32, #tpu.memory_space<vmem>>
      %dma_wait3A_72 = tpu.memref_squeeze %dma_wait3A_71 : memref<1x128xi32, #tpu.memory_space<vmem>> -> memref<128xi32, #tpu.memory_space<vmem>>
      %dma_wait3A_73 = arith.constant 0 : i32
      %dma_wait3A_74 = arith.constant 0 : i32
      %dma_wait3A_75 = tpu.memref_slice %arg2[%dma_wait3A_73, %dma_wait3A_74] : memref<10000x128xf32, #tpu.memory_space<hbm>> -> memref<10000x128xf32, #tpu.memory_space<hbm>>
      tpu.wait_indirect_dma semaphore(%arg14 : memref<!tpu.dma_semaphore, #tpu.memory_space<semaphore_mem>>) src(%dma_wait3A_75 : memref<10000x128xf32, #tpu.memory_space<hbm>>) dst(%arg11 : memref<128x128xf32, #tpu.memory_space<vmem>>)
      %run_scoped3A_76 = arith.constant 2 : i32
      "tpu.region"() ({
        %run_scoped3A_308 = tpu.sem_alloc : memref<!tpu.dma_semaphore, #tpu.memory_space<semaphore_mem>>
        %dma_start3A_309 = arith.constant 0 : i32
        %dma_start3A_310 = tpu.memref_slice %arg8[%run_scoped3A_76, %dma_start3A_309] : memref<8x128xi32, #tpu.memory_space<vmem>> -> memref<1x128xi32, #tpu.memory_space<vmem>>
        %dma_start3A_311 = tpu.memref_squeeze %dma_start3A_310 : memref<1x128xi32, #tpu.memory_space<vmem>> -> memref<128xi32, #tpu.memory_space<vmem>>
        %dma_start3A_312 = arith.constant 0 : i32
        %dma_start3A_313 = arith.constant 0 : i32
        %dma_start3A_314 = tpu.memref_slice %arg13[%dma_start3A_312, %dma_start3A_313] : memref<10112x128xf32, #tpu.memory_space<vmem_shared>> -> memref<10112x128xf32, #tpu.memory_space<vmem_shared>>
        tpu.enqueue_indirect_dma source(%arg11 : memref<128x128xf32, #tpu.memory_space<vmem>>) target(%dma_start3A_314 : memref<10112x128xf32, #tpu.memory_space<vmem_shared>>) offsets(%dma_start3A_311 : memref<128xi32, #tpu.memory_space<vmem>>) semaphore(%run_scoped3A_308 : memref<!tpu.dma_semaphore, #tpu.memory_space<semaphore_mem>>) {add = true}
        %dma_wait3A_315 = arith.constant 0 : i32
        %dma_wait3A_316 = tpu.memref_slice %arg8[%run_scoped3A_76, %dma_wait3A_315] : memref<8x128xi32, #tpu.memory_space<vmem>> -> memref<1x128xi32, #tpu.memory_space<vmem>>
        %dma_wait3A_317 = tpu.memref_squeeze %dma_wait3A_316 : memref<1x128xi32, #tpu.memory_space<vmem>> -> memref<128xi32, #tpu.memory_space<vmem>>
        %dma_wait3A_318 = arith.constant 0 : i32
        %dma_wait3A_319 = arith.constant 0 : i32
        %dma_wait3A_320 = tpu.memref_slice %arg13[%dma_wait3A_318, %dma_wait3A_319] : memref<10112x128xf32, #tpu.memory_space<vmem_shared>> -> memref<10112x128xf32, #tpu.memory_space<vmem_shared>>
        tpu.wait_indirect_dma semaphore(%run_scoped3A_308 : memref<!tpu.dma_semaphore, #tpu.memory_space<semaphore_mem>>) src(%arg11 : memref<128x128xf32, #tpu.memory_space<vmem>>) dst(%dma_wait3A_320 : memref<10112x128xf32, #tpu.memory_space<vmem_shared>>)
        tpu.yield
      }) : () -> ()
      %dma_start3A_77 = arith.constant 4 : i32
      %dma_start3A_78 = arith.constant 0 : i32
      %dma_start3A_79 = tpu.memref_slice %arg7[%dma_start3A_77, %dma_start3A_78] : memref<8x128xi32, #tpu.memory_space<vmem>> -> memref<1x128xi32, #tpu.memory_space<vmem>>
      %dma_start3A_80 = tpu.memref_squeeze %dma_start3A_79 : memref<1x128xi32, #tpu.memory_space<vmem>> -> memref<128xi32, #tpu.memory_space<vmem>>
      %dma_start3A_81 = arith.constant 0 : i32
      %dma_start3A_82 = arith.constant 0 : i32
      %dma_start3A_83 = tpu.memref_slice %arg2[%dma_start3A_81, %dma_start3A_82] : memref<10000x128xf32, #tpu.memory_space<hbm>> -> memref<10000x128xf32, #tpu.memory_space<hbm>>
      tpu.enqueue_indirect_dma source(%dma_start3A_83 : memref<10000x128xf32, #tpu.memory_space<hbm>>) target(%arg11 : memref<128x128xf32, #tpu.memory_space<vmem>>) offsets(%dma_start3A_80 : memref<128xi32, #tpu.memory_space<vmem>>) semaphore(%arg14 : memref<!tpu.dma_semaphore, #tpu.memory_space<semaphore_mem>>)
      %dma_wait3A_84 = arith.constant 3 : i32
      %dma_wait3A_85 = arith.constant 0 : i32
      %dma_wait3A_86 = tpu.memref_slice %arg7[%dma_wait3A_84, %dma_wait3A_85] : memref<8x128xi32, #tpu.memory_space<vmem>> -> memref<1x128xi32, #tpu.memory_space<vmem>>
      %dma_wait3A_87 = tpu.memref_squeeze %dma_wait3A_86 : memref<1x128xi32, #tpu.memory_space<vmem>> -> memref<128xi32, #tpu.memory_space<vmem>>
      %dma_wait3A_88 = arith.constant 0 : i32
      %dma_wait3A_89 = arith.constant 0 : i32
      %dma_wait3A_90 = tpu.memref_slice %arg2[%dma_wait3A_88, %dma_wait3A_89] : memref<10000x128xf32, #tpu.memory_space<hbm>> -> memref<10000x128xf32, #tpu.memory_space<hbm>>
      tpu.wait_indirect_dma semaphore(%arg14 : memref<!tpu.dma_semaphore, #tpu.memory_space<semaphore_mem>>) src(%dma_wait3A_90 : memref<10000x128xf32, #tpu.memory_space<hbm>>) dst(%arg12 : memref<128x128xf32, #tpu.memory_space<vmem>>)
      %run_scoped3A_91 = arith.constant 3 : i32
      "tpu.region"() ({
        %run_scoped3A_308 = tpu.sem_alloc : memref<!tpu.dma_semaphore, #tpu.memory_space<semaphore_mem>>
        %dma_start3A_309 = arith.constant 0 : i32
        %dma_start3A_310 = tpu.memref_slice %arg8[%run_scoped3A_91, %dma_start3A_309] : memref<8x128xi32, #tpu.memory_space<vmem>> -> memref<1x128xi32, #tpu.memory_space<vmem>>
        %dma_start3A_311 = tpu.memref_squeeze %dma_start3A_310 : memref<1x128xi32, #tpu.memory_space<vmem>> -> memref<128xi32, #tpu.memory_space<vmem>>
        %dma_start3A_312 = arith.constant 0 : i32
        %dma_start3A_313 = arith.constant 0 : i32
        %dma_start3A_314 = tpu.memref_slice %arg13[%dma_start3A_312, %dma_start3A_313] : memref<10112x128xf32, #tpu.memory_space<vmem_shared>> -> memref<10112x128xf32, #tpu.memory_space<vmem_shared>>
        tpu.enqueue_indirect_dma source(%arg12 : memref<128x128xf32, #tpu.memory_space<vmem>>) target(%dma_start3A_314 : memref<10112x128xf32, #tpu.memory_space<vmem_shared>>) offsets(%dma_start3A_311 : memref<128xi32, #tpu.memory_space<vmem>>) semaphore(%run_scoped3A_308 : memref<!tpu.dma_semaphore, #tpu.memory_space<semaphore_mem>>) {add = true}
        %dma_wait3A_315 = arith.constant 0 : i32
        %dma_wait3A_316 = tpu.memref_slice %arg8[%run_scoped3A_91, %dma_wait3A_315] : memref<8x128xi32, #tpu.memory_space<vmem>> -> memref<1x128xi32, #tpu.memory_space<vmem>>
        %dma_wait3A_317 = tpu.memref_squeeze %dma_wait3A_316 : memref<1x128xi32, #tpu.memory_space<vmem>> -> memref<128xi32, #tpu.memory_space<vmem>>
        %dma_wait3A_318 = arith.constant 0 : i32
        %dma_wait3A_319 = arith.constant 0 : i32
        %dma_wait3A_320 = tpu.memref_slice %arg13[%dma_wait3A_318, %dma_wait3A_319] : memref<10112x128xf32, #tpu.memory_space<vmem_shared>> -> memref<10112x128xf32, #tpu.memory_space<vmem_shared>>
        tpu.wait_indirect_dma semaphore(%run_scoped3A_308 : memref<!tpu.dma_semaphore, #tpu.memory_space<semaphore_mem>>) src(%arg12 : memref<128x128xf32, #tpu.memory_space<vmem>>) dst(%dma_wait3A_320 : memref<10112x128xf32, #tpu.memory_space<vmem_shared>>)
        tpu.yield
      }) : () -> ()
      %dma_start3A_92 = arith.constant 5 : i32
      %dma_start3A_93 = arith.constant 0 : i32
      %dma_start3A_94 = tpu.memref_slice %arg7[%dma_start3A_92, %dma_start3A_93] : memref<8x128xi32, #tpu.memory_space<vmem>> -> memref<1x128xi32, #tpu.memory_space<vmem>>
      %dma_start3A_95 = tpu.memref_squeeze %dma_start3A_94 : memref<1x128xi32, #tpu.memory_space<vmem>> -> memref<128xi32, #tpu.memory_space<vmem>>
      %dma_start3A_96 = arith.constant 0 : i32
      %dma_start3A_97 = arith.constant 0 : i32
      %dma_start3A_98 = tpu.memref_slice %arg2[%dma_start3A_96, %dma_start3A_97] : memref<10000x128xf32, #tpu.memory_space<hbm>> -> memref<10000x128xf32, #tpu.memory_space<hbm>>
      tpu.enqueue_indirect_dma source(%dma_start3A_98 : memref<10000x128xf32, #tpu.memory_space<hbm>>) target(%arg12 : memref<128x128xf32, #tpu.memory_space<vmem>>) offsets(%dma_start3A_95 : memref<128xi32, #tpu.memory_space<vmem>>) semaphore(%arg14 : memref<!tpu.dma_semaphore, #tpu.memory_space<semaphore_mem>>)
      %dma_wait3A_99 = arith.constant 4 : i32
      %dma_wait3A_100 = arith.constant 0 : i32
      %dma_wait3A_101 = tpu.memref_slice %arg7[%dma_wait3A_99, %dma_wait3A_100] : memref<8x128xi32, #tpu.memory_space<vmem>> -> memref<1x128xi32, #tpu.memory_space<vmem>>
      %dma_wait3A_102 = tpu.memref_squeeze %dma_wait3A_101 : memref<1x128xi32, #tpu.memory_space<vmem>> -> memref<128xi32, #tpu.memory_space<vmem>>
      %dma_wait3A_103 = arith.constant 0 : i32
      %dma_wait3A_104 = arith.constant 0 : i32
      %dma_wait3A_105 = tpu.memref_slice %arg2[%dma_wait3A_103, %dma_wait3A_104] : memref<10000x128xf32, #tpu.memory_space<hbm>> -> memref<10000x128xf32, #tpu.memory_space<hbm>>
      tpu.wait_indirect_dma semaphore(%arg14 : memref<!tpu.dma_semaphore, #tpu.memory_space<semaphore_mem>>) src(%dma_wait3A_105 : memref<10000x128xf32, #tpu.memory_space<hbm>>) dst(%arg11 : memref<128x128xf32, #tpu.memory_space<vmem>>)
      %run_scoped3A_106 = arith.constant 4 : i32
      "tpu.region"() ({
        %run_scoped3A_308 = tpu.sem_alloc : memref<!tpu.dma_semaphore, #tpu.memory_space<semaphore_mem>>
        %dma_start3A_309 = arith.constant 0 : i32
        %dma_start3A_310 = tpu.memref_slice %arg8[%run_scoped3A_106, %dma_start3A_309] : memref<8x128xi32, #tpu.memory_space<vmem>> -> memref<1x128xi32, #tpu.memory_space<vmem>>
        %dma_start3A_311 = tpu.memref_squeeze %dma_start3A_310 : memref<1x128xi32, #tpu.memory_space<vmem>> -> memref<128xi32, #tpu.memory_space<vmem>>
        %dma_start3A_312 = arith.constant 0 : i32
        %dma_start3A_313 = arith.constant 0 : i32
        %dma_start3A_314 = tpu.memref_slice %arg13[%dma_start3A_312, %dma_start3A_313] : memref<10112x128xf32, #tpu.memory_space<vmem_shared>> -> memref<10112x128xf32, #tpu.memory_space<vmem_shared>>
        tpu.enqueue_indirect_dma source(%arg11 : memref<128x128xf32, #tpu.memory_space<vmem>>) target(%dma_start3A_314 : memref<10112x128xf32, #tpu.memory_space<vmem_shared>>) offsets(%dma_start3A_311 : memref<128xi32, #tpu.memory_space<vmem>>) semaphore(%run_scoped3A_308 : memref<!tpu.dma_semaphore, #tpu.memory_space<semaphore_mem>>) {add = true}
        %dma_wait3A_315 = arith.constant 0 : i32
        %dma_wait3A_316 = tpu.memref_slice %arg8[%run_scoped3A_106, %dma_wait3A_315] : memref<8x128xi32, #tpu.memory_space<vmem>> -> memref<1x128xi32, #tpu.memory_space<vmem>>
        %dma_wait3A_317 = tpu.memref_squeeze %dma_wait3A_316 : memref<1x128xi32, #tpu.memory_space<vmem>> -> memref<128xi32, #tpu.memory_space<vmem>>
        %dma_wait3A_318 = arith.constant 0 : i32
        %dma_wait3A_319 = arith.constant 0 : i32
        %dma_wait3A_320 = tpu.memref_slice %arg13[%dma_wait3A_318, %dma_wait3A_319] : memref<10112x128xf32, #tpu.memory_space<vmem_shared>> -> memref<10112x128xf32, #tpu.memory_space<vmem_shared>>
        tpu.wait_indirect_dma semaphore(%run_scoped3A_308 : memref<!tpu.dma_semaphore, #tpu.memory_space<semaphore_mem>>) src(%arg11 : memref<128x128xf32, #tpu.memory_space<vmem>>) dst(%dma_wait3A_320 : memref<10112x128xf32, #tpu.memory_space<vmem_shared>>)
        tpu.yield
      }) : () -> ()
      %dma_start3A_107 = arith.constant 6 : i32
      %dma_start3A_108 = arith.constant 0 : i32
      %dma_start3A_109 = tpu.memref_slice %arg7[%dma_start3A_107, %dma_start3A_108] : memref<8x128xi32, #tpu.memory_space<vmem>> -> memref<1x128xi32, #tpu.memory_space<vmem>>
      %dma_start3A_110 = tpu.memref_squeeze %dma_start3A_109 : memref<1x128xi32, #tpu.memory_space<vmem>> -> memref<128xi32, #tpu.memory_space<vmem>>
      %dma_start3A_111 = arith.constant 0 : i32
      %dma_start3A_112 = arith.constant 0 : i32
      %dma_start3A_113 = tpu.memref_slice %arg2[%dma_start3A_111, %dma_start3A_112] : memref<10000x128xf32, #tpu.memory_space<hbm>> -> memref<10000x128xf32, #tpu.memory_space<hbm>>
      tpu.enqueue_indirect_dma source(%dma_start3A_113 : memref<10000x128xf32, #tpu.memory_space<hbm>>) target(%arg11 : memref<128x128xf32, #tpu.memory_space<vmem>>) offsets(%dma_start3A_110 : memref<128xi32, #tpu.memory_space<vmem>>) semaphore(%arg14 : memref<!tpu.dma_semaphore, #tpu.memory_space<semaphore_mem>>)
      %dma_wait3A_114 = arith.constant 5 : i32
      %dma_wait3A_115 = arith.constant 0 : i32
      %dma_wait3A_116 = tpu.memref_slice %arg7[%dma_wait3A_114, %dma_wait3A_115] : memref<8x128xi32, #tpu.memory_space<vmem>> -> memref<1x128xi32, #tpu.memory_space<vmem>>
      %dma_wait3A_117 = tpu.memref_squeeze %dma_wait3A_116 : memref<1x128xi32, #tpu.memory_space<vmem>> -> memref<128xi32, #tpu.memory_space<vmem>>
      %dma_wait3A_118 = arith.constant 0 : i32
      %dma_wait3A_119 = arith.constant 0 : i32
      %dma_wait3A_120 = tpu.memref_slice %arg2[%dma_wait3A_118, %dma_wait3A_119] : memref<10000x128xf32, #tpu.memory_space<hbm>> -> memref<10000x128xf32, #tpu.memory_space<hbm>>
      tpu.wait_indirect_dma semaphore(%arg14 : memref<!tpu.dma_semaphore, #tpu.memory_space<semaphore_mem>>) src(%dma_wait3A_120 : memref<10000x128xf32, #tpu.memory_space<hbm>>) dst(%arg12 : memref<128x128xf32, #tpu.memory_space<vmem>>)
      %run_scoped3A_121 = arith.constant 5 : i32
      "tpu.region"() ({
        %run_scoped3A_308 = tpu.sem_alloc : memref<!tpu.dma_semaphore, #tpu.memory_space<semaphore_mem>>
        %dma_start3A_309 = arith.constant 0 : i32
        %dma_start3A_310 = tpu.memref_slice %arg8[%run_scoped3A_121, %dma_start3A_309] : memref<8x128xi32, #tpu.memory_space<vmem>> -> memref<1x128xi32, #tpu.memory_space<vmem>>
        %dma_start3A_311 = tpu.memref_squeeze %dma_start3A_310 : memref<1x128xi32, #tpu.memory_space<vmem>> -> memref<128xi32, #tpu.memory_space<vmem>>
        %dma_start3A_312 = arith.constant 0 : i32
        %dma_start3A_313 = arith.constant 0 : i32
        %dma_start3A_314 = tpu.memref_slice %arg13[%dma_start3A_312, %dma_start3A_313] : memref<10112x128xf32, #tpu.memory_space<vmem_shared>> -> memref<10112x128xf32, #tpu.memory_space<vmem_shared>>
        tpu.enqueue_indirect_dma source(%arg12 : memref<128x128xf32, #tpu.memory_space<vmem>>) target(%dma_start3A_314 : memref<10112x128xf32, #tpu.memory_space<vmem_shared>>) offsets(%dma_start3A_311 : memref<128xi32, #tpu.memory_space<vmem>>) semaphore(%run_scoped3A_308 : memref<!tpu.dma_semaphore, #tpu.memory_space<semaphore_mem>>) {add = true}
        %dma_wait3A_315 = arith.constant 0 : i32
        %dma_wait3A_316 = tpu.memref_slice %arg8[%run_scoped3A_121, %dma_wait3A_315] : memref<8x128xi32, #tpu.memory_space<vmem>> -> memref<1x128xi32, #tpu.memory_space<vmem>>
        %dma_wait3A_317 = tpu.memref_squeeze %dma_wait3A_316 : memref<1x128xi32, #tpu.memory_space<vmem>> -> memref<128xi32, #tpu.memory_space<vmem>>
        %dma_wait3A_318 = arith.constant 0 : i32
        %dma_wait3A_319 = arith.constant 0 : i32
        %dma_wait3A_320 = tpu.memref_slice %arg13[%dma_wait3A_318, %dma_wait3A_319] : memref<10112x128xf32, #tpu.memory_space<vmem_shared>> -> memref<10112x128xf32, #tpu.memory_space<vmem_shared>>
        tpu.wait_indirect_dma semaphore(%run_scoped3A_308 : memref<!tpu.dma_semaphore, #tpu.memory_space<semaphore_mem>>) src(%arg12 : memref<128x128xf32, #tpu.memory_space<vmem>>) dst(%dma_wait3A_320 : memref<10112x128xf32, #tpu.memory_space<vmem_shared>>)
        tpu.yield
      }) : () -> ()
      %dma_start3A_122 = arith.constant 7 : i32
      %dma_start3A_123 = arith.constant 0 : i32
      %dma_start3A_124 = tpu.memref_slice %arg7[%dma_start3A_122, %dma_start3A_123] : memref<8x128xi32, #tpu.memory_space<vmem>> -> memref<1x128xi32, #tpu.memory_space<vmem>>
      %dma_start3A_125 = tpu.memref_squeeze %dma_start3A_124 : memref<1x128xi32, #tpu.memory_space<vmem>> -> memref<128xi32, #tpu.memory_space<vmem>>
      %dma_start3A_126 = arith.constant 0 : i32
      %dma_start3A_127 = arith.constant 0 : i32
      %dma_start3A_128 = tpu.memref_slice %arg2[%dma_start3A_126, %dma_start3A_127] : memref<10000x128xf32, #tpu.memory_space<hbm>> -> memref<10000x128xf32, #tpu.memory_space<hbm>>
      tpu.enqueue_indirect_dma source(%dma_start3A_128 : memref<10000x128xf32, #tpu.memory_space<hbm>>) target(%arg12 : memref<128x128xf32, #tpu.memory_space<vmem>>) offsets(%dma_start3A_125 : memref<128xi32, #tpu.memory_space<vmem>>) semaphore(%arg14 : memref<!tpu.dma_semaphore, #tpu.memory_space<semaphore_mem>>)
      %dma_wait3A_129 = arith.constant 6 : i32
      %dma_wait3A_130 = arith.constant 0 : i32
      %dma_wait3A_131 = tpu.memref_slice %arg7[%dma_wait3A_129, %dma_wait3A_130] : memref<8x128xi32, #tpu.memory_space<vmem>> -> memref<1x128xi32, #tpu.memory_space<vmem>>
      %dma_wait3A_132 = tpu.memref_squeeze %dma_wait3A_131 : memref<1x128xi32, #tpu.memory_space<vmem>> -> memref<128xi32, #tpu.memory_space<vmem>>
      %dma_wait3A_133 = arith.constant 0 : i32
      %dma_wait3A_134 = arith.constant 0 : i32
      %dma_wait3A_135 = tpu.memref_slice %arg2[%dma_wait3A_133, %dma_wait3A_134] : memref<10000x128xf32, #tpu.memory_space<hbm>> -> memref<10000x128xf32, #tpu.memory_space<hbm>>
      tpu.wait_indirect_dma semaphore(%arg14 : memref<!tpu.dma_semaphore, #tpu.memory_space<semaphore_mem>>) src(%dma_wait3A_135 : memref<10000x128xf32, #tpu.memory_space<hbm>>) dst(%arg11 : memref<128x128xf32, #tpu.memory_space<vmem>>)
      %run_scoped3A_136 = arith.constant 6 : i32
      "tpu.region"() ({
        %run_scoped3A_308 = tpu.sem_alloc : memref<!tpu.dma_semaphore, #tpu.memory_space<semaphore_mem>>
        %dma_start3A_309 = arith.constant 0 : i32
        %dma_start3A_310 = tpu.memref_slice %arg8[%run_scoped3A_136, %dma_start3A_309] : memref<8x128xi32, #tpu.memory_space<vmem>> -> memref<1x128xi32, #tpu.memory_space<vmem>>
        %dma_start3A_311 = tpu.memref_squeeze %dma_start3A_310 : memref<1x128xi32, #tpu.memory_space<vmem>> -> memref<128xi32, #tpu.memory_space<vmem>>
        %dma_start3A_312 = arith.constant 0 : i32
        %dma_start3A_313 = arith.constant 0 : i32
        %dma_start3A_314 = tpu.memref_slice %arg13[%dma_start3A_312, %dma_start3A_313] : memref<10112x128xf32, #tpu.memory_space<vmem_shared>> -> memref<10112x128xf32, #tpu.memory_space<vmem_shared>>
        tpu.enqueue_indirect_dma source(%arg11 : memref<128x128xf32, #tpu.memory_space<vmem>>) target(%dma_start3A_314 : memref<10112x128xf32, #tpu.memory_space<vmem_shared>>) offsets(%dma_start3A_311 : memref<128xi32, #tpu.memory_space<vmem>>) semaphore(%run_scoped3A_308 : memref<!tpu.dma_semaphore, #tpu.memory_space<semaphore_mem>>) {add = true}
        %dma_wait3A_315 = arith.constant 0 : i32
        %dma_wait3A_316 = tpu.memref_slice %arg8[%run_scoped3A_136, %dma_wait3A_315] : memref<8x128xi32, #tpu.memory_space<vmem>> -> memref<1x128xi32, #tpu.memory_space<vmem>>
        %dma_wait3A_317 = tpu.memref_squeeze %dma_wait3A_316 : memref<1x128xi32, #tpu.memory_space<vmem>> -> memref<128xi32, #tpu.memory_space<vmem>>
        %dma_wait3A_318 = arith.constant 0 : i32
        %dma_wait3A_319 = arith.constant 0 : i32
        %dma_wait3A_320 = tpu.memref_slice %arg13[%dma_wait3A_318, %dma_wait3A_319] : memref<10112x128xf32, #tpu.memory_space<vmem_shared>> -> memref<10112x128xf32, #tpu.memory_space<vmem_shared>>
        tpu.wait_indirect_dma semaphore(%run_scoped3A_308 : memref<!tpu.dma_semaphore, #tpu.memory_space<semaphore_mem>>) src(%arg11 : memref<128x128xf32, #tpu.memory_space<vmem>>) dst(%dma_wait3A_320 : memref<10112x128xf32, #tpu.memory_space<vmem_shared>>)
        tpu.yield
      }) : () -> ()
      %dma_wait3A_137 = arith.constant 7 : i32
      %dma_wait3A_138 = arith.constant 0 : i32
      %dma_wait3A_139 = tpu.memref_slice %arg7[%dma_wait3A_137, %dma_wait3A_138] : memref<8x128xi32, #tpu.memory_space<vmem>> -> memref<1x128xi32, #tpu.memory_space<vmem>>
      %dma_wait3A_140 = tpu.memref_squeeze %dma_wait3A_139 : memref<1x128xi32, #tpu.memory_space<vmem>> -> memref<128xi32, #tpu.memory_space<vmem>>
      %dma_wait3A_141 = arith.constant 0 : i32
      %dma_wait3A_142 = arith.constant 0 : i32
      %dma_wait3A_143 = tpu.memref_slice %arg2[%dma_wait3A_141, %dma_wait3A_142] : memref<10000x128xf32, #tpu.memory_space<hbm>> -> memref<10000x128xf32, #tpu.memory_space<hbm>>
      tpu.wait_indirect_dma semaphore(%arg14 : memref<!tpu.dma_semaphore, #tpu.memory_space<semaphore_mem>>) src(%dma_wait3A_143 : memref<10000x128xf32, #tpu.memory_space<hbm>>) dst(%arg12 : memref<128x128xf32, #tpu.memory_space<vmem>>)
      %run_scoped3A_144 = arith.constant 7 : i32
      "tpu.region"() ({
        %run_scoped3A_308 = tpu.sem_alloc : memref<!tpu.dma_semaphore, #tpu.memory_space<semaphore_mem>>
        %dma_start3A_309 = arith.constant 0 : i32
        %dma_start3A_310 = tpu.memref_slice %arg8[%run_scoped3A_144, %dma_start3A_309] : memref<8x128xi32, #tpu.memory_space<vmem>> -> memref<1x128xi32, #tpu.memory_space<vmem>>
        %dma_start3A_311 = tpu.memref_squeeze %dma_start3A_310 : memref<1x128xi32, #tpu.memory_space<vmem>> -> memref<128xi32, #tpu.memory_space<vmem>>
        %dma_start3A_312 = arith.constant 0 : i32
        %dma_start3A_313 = arith.constant 0 : i32
        %dma_start3A_314 = tpu.memref_slice %arg13[%dma_start3A_312, %dma_start3A_313] : memref<10112x128xf32, #tpu.memory_space<vmem_shared>> -> memref<10112x128xf32, #tpu.memory_space<vmem_shared>>
        tpu.enqueue_indirect_dma source(%arg12 : memref<128x128xf32, #tpu.memory_space<vmem>>) target(%dma_start3A_314 : memref<10112x128xf32, #tpu.memory_space<vmem_shared>>) offsets(%dma_start3A_311 : memref<128xi32, #tpu.memory_space<vmem>>) semaphore(%run_scoped3A_308 : memref<!tpu.dma_semaphore, #tpu.memory_space<semaphore_mem>>) {add = true}
        %dma_wait3A_315 = arith.constant 0 : i32
        %dma_wait3A_316 = tpu.memref_slice %arg8[%run_scoped3A_144, %dma_wait3A_315] : memref<8x128xi32, #tpu.memory_space<vmem>> -> memref<1x128xi32, #tpu.memory_space<vmem>>
        %dma_wait3A_317 = tpu.memref_squeeze %dma_wait3A_316 : memref<1x128xi32, #tpu.memory_space<vmem>> -> memref<128xi32, #tpu.memory_space<vmem>>
        %dma_wait3A_318 = arith.constant 0 : i32
        %dma_wait3A_319 = arith.constant 0 : i32
        %dma_wait3A_320 = tpu.memref_slice %arg13[%dma_wait3A_318, %dma_wait3A_319] : memref<10112x128xf32, #tpu.memory_space<vmem_shared>> -> memref<10112x128xf32, #tpu.memory_space<vmem_shared>>
        tpu.wait_indirect_dma semaphore(%run_scoped3A_308 : memref<!tpu.dma_semaphore, #tpu.memory_space<semaphore_mem>>) src(%arg12 : memref<128x128xf32, #tpu.memory_space<vmem>>) dst(%dma_wait3A_320 : memref<10112x128xf32, #tpu.memory_space<vmem_shared>>)
        tpu.yield
      }) : () -> ()
      %dma_wait3A_145 = arith.constant 0 : i32
      %dma_wait3A_146 = tpu.memref_slice %arg3[%add3A, %mul3A_15, %dma_wait3A_145] : memref<32x80x128xi32, #tpu.memory_space<hbm>> -> memref<1x8x128xi32, #tpu.memory_space<hbm>>
      %dma_wait3A_147 = tpu.memref_squeeze %dma_wait3A_146 : memref<1x8x128xi32, #tpu.memory_space<hbm>> -> memref<8x128xi32, #tpu.memory_space<hbm>>
      %dma_wait3A_148 = arith.constant 0 : i32
      %dma_wait3A_149 = tpu.memref_slice %arg3[%add3A, %mul3A_15, %dma_wait3A_148] : memref<32x80x128xi32, #tpu.memory_space<hbm>> -> memref<1x8x128xi32, #tpu.memory_space<hbm>>
      %dma_wait3A_150 = tpu.memref_squeeze %dma_wait3A_149 : memref<1x8x128xi32, #tpu.memory_space<hbm>> -> memref<8x128xi32, #tpu.memory_space<hbm>>
      tpu.wait_dma2 semaphore(%arg15 : memref<!tpu.dma_semaphore, #tpu.memory_space<semaphore_mem>>) src(%dma_wait3A_150 : memref<8x128xi32, #tpu.memory_space<hbm>>) dst(%arg9 : memref<8x128xi32, #tpu.memory_space<vmem>>)
      %dma_wait3A_151 = arith.constant 0 : i32
      %dma_wait3A_152 = tpu.memref_slice %arg4[%add3A, %mul3A_15, %dma_wait3A_151] : memref<32x80x128xi32, #tpu.memory_space<hbm>> -> memref<1x8x128xi32, #tpu.memory_space<hbm>>
      %dma_wait3A_153 = tpu.memref_squeeze %dma_wait3A_152 : memref<1x8x128xi32, #tpu.memory_space<hbm>> -> memref<8x128xi32, #tpu.memory_space<hbm>>
      %dma_wait3A_154 = arith.constant 0 : i32
      %dma_wait3A_155 = tpu.memref_slice %arg4[%add3A, %mul3A_15, %dma_wait3A_154] : memref<32x80x128xi32, #tpu.memory_space<hbm>> -> memref<1x8x128xi32, #tpu.memory_space<hbm>>
      %dma_wait3A_156 = tpu.memref_squeeze %dma_wait3A_155 : memref<1x8x128xi32, #tpu.memory_space<hbm>> -> memref<8x128xi32, #tpu.memory_space<hbm>>
      tpu.wait_dma2 semaphore(%arg15 : memref<!tpu.dma_semaphore, #tpu.memory_space<semaphore_mem>>) src(%dma_wait3A_156 : memref<8x128xi32, #tpu.memory_space<hbm>>) dst(%arg10 : memref<8x128xi32, #tpu.memory_space<vmem>>)
      %mul3A_157 = arith.constant 2 : i32
      %mul3A_158 = arith.muli %mul3A_157, %scan3A_9 : i32
      %add3A_159 = arith.constant 2 : i32
      %add3A_160 = arith.addi %mul3A_158, %add3A_159 : i32
      %min3A = arith.constant 9 : i32
      %min3A_161 = arith.minsi %add3A_160, %min3A : i32
      %mul3A_162 = arith.constant 8 : i32
      %mul3A_163 = arith.muli %min3A_161, %mul3A_162 : i32
      %dma_start3A_164 = arith.constant 0 : i32
      %dma_start3A_165 = tpu.memref_slice %arg3[%add3A, %mul3A_163, %dma_start3A_164] : memref<32x80x128xi32, #tpu.memory_space<hbm>> -> memref<1x8x128xi32, #tpu.memory_space<hbm>>
      %dma_start3A_166 = tpu.memref_squeeze %dma_start3A_165 : memref<1x8x128xi32, #tpu.memory_space<hbm>> -> memref<8x128xi32, #tpu.memory_space<hbm>>
      %dma_start3A_167 = arith.constant 0 : i32
      %dma_start3A_168 = tpu.memref_slice %arg3[%add3A, %mul3A_163, %dma_start3A_167] : memref<32x80x128xi32, #tpu.memory_space<hbm>> -> memref<1x8x128xi32, #tpu.memory_space<hbm>>
      %dma_start3A_169 = tpu.memref_squeeze %dma_start3A_168 : memref<1x8x128xi32, #tpu.memory_space<hbm>> -> memref<8x128xi32, #tpu.memory_space<hbm>>
      tpu.enqueue_dma source(%dma_start3A_169 : memref<8x128xi32, #tpu.memory_space<hbm>>) target(%arg7 : memref<8x128xi32, #tpu.memory_space<vmem>>) target_semaphore(%arg15 : memref<!tpu.dma_semaphore, #tpu.memory_space<semaphore_mem>>)
      %dma_start3A_170 = arith.constant 0 : i32
      %dma_start3A_171 = tpu.memref_slice %arg4[%add3A, %mul3A_163, %dma_start3A_170] : memref<32x80x128xi32, #tpu.memory_space<hbm>> -> memref<1x8x128xi32, #tpu.memory_space<hbm>>
      %dma_start3A_172 = tpu.memref_squeeze %dma_start3A_171 : memref<1x8x128xi32, #tpu.memory_space<hbm>> -> memref<8x128xi32, #tpu.memory_space<hbm>>
      %dma_start3A_173 = arith.constant 0 : i32
      %dma_start3A_174 = tpu.memref_slice %arg4[%add3A, %mul3A_163, %dma_start3A_173] : memref<32x80x128xi32, #tpu.memory_space<hbm>> -> memref<1x8x128xi32, #tpu.memory_space<hbm>>
      %dma_start3A_175 = tpu.memref_squeeze %dma_start3A_174 : memref<1x8x128xi32, #tpu.memory_space<hbm>> -> memref<8x128xi32, #tpu.memory_space<hbm>>
      tpu.enqueue_dma source(%dma_start3A_175 : memref<8x128xi32, #tpu.memory_space<hbm>>) target(%arg8 : memref<8x128xi32, #tpu.memory_space<vmem>>) target_semaphore(%arg15 : memref<!tpu.dma_semaphore, #tpu.memory_space<semaphore_mem>>)
      %dma_start3A_176 = arith.constant 0 : i32
      %dma_start3A_177 = arith.constant 0 : i32
      %dma_start3A_178 = tpu.memref_slice %arg9[%dma_start3A_176, %dma_start3A_177] : memref<8x128xi32, #tpu.memory_space<vmem>> -> memref<1x128xi32, #tpu.memory_space<vmem>>
      %dma_start3A_179 = tpu.memref_squeeze %dma_start3A_178 : memref<1x128xi32, #tpu.memory_space<vmem>> -> memref<128xi32, #tpu.memory_space<vmem>>
      %dma_start3A_180 = arith.constant 0 : i32
      %dma_start3A_181 = arith.constant 0 : i32
      %dma_start3A_182 = tpu.memref_slice %arg2[%dma_start3A_180, %dma_start3A_181] : memref<10000x128xf32, #tpu.memory_space<hbm>> -> memref<10000x128xf32, #tpu.memory_space<hbm>>
      tpu.enqueue_indirect_dma source(%dma_start3A_182 : memref<10000x128xf32, #tpu.memory_space<hbm>>) target(%arg11 : memref<128x128xf32, #tpu.memory_space<vmem>>) offsets(%dma_start3A_179 : memref<128xi32, #tpu.memory_space<vmem>>) semaphore(%arg14 : memref<!tpu.dma_semaphore, #tpu.memory_space<semaphore_mem>>)
      %dma_start3A_183 = arith.constant 1 : i32
      %dma_start3A_184 = arith.constant 0 : i32
      %dma_start3A_185 = tpu.memref_slice %arg9[%dma_start3A_183, %dma_start3A_184] : memref<8x128xi32, #tpu.memory_space<vmem>> -> memref<1x128xi32, #tpu.memory_space<vmem>>
      %dma_start3A_186 = tpu.memref_squeeze %dma_start3A_185 : memref<1x128xi32, #tpu.memory_space<vmem>> -> memref<128xi32, #tpu.memory_space<vmem>>
      %dma_start3A_187 = arith.constant 0 : i32
      %dma_start3A_188 = arith.constant 0 : i32
      %dma_start3A_189 = tpu.memref_slice %arg2[%dma_start3A_187, %dma_start3A_188] : memref<10000x128xf32, #tpu.memory_space<hbm>> -> memref<10000x128xf32, #tpu.memory_space<hbm>>
      tpu.enqueue_indirect_dma source(%dma_start3A_189 : memref<10000x128xf32, #tpu.memory_space<hbm>>) target(%arg12 : memref<128x128xf32, #tpu.memory_space<vmem>>) offsets(%dma_start3A_186 : memref<128xi32, #tpu.memory_space<vmem>>) semaphore(%arg14 : memref<!tpu.dma_semaphore, #tpu.memory_space<semaphore_mem>>)
      %dma_wait3A_190 = arith.constant 0 : i32
      %dma_wait3A_191 = arith.constant 0 : i32
      %dma_wait3A_192 = tpu.memref_slice %arg9[%dma_wait3A_190, %dma_wait3A_191] : memref<8x128xi32, #tpu.memory_space<vmem>> -> memref<1x128xi32, #tpu.memory_space<vmem>>
      %dma_wait3A_193 = tpu.memref_squeeze %dma_wait3A_192 : memref<1x128xi32, #tpu.memory_space<vmem>> -> memref<128xi32, #tpu.memory_space<vmem>>
      %dma_wait3A_194 = arith.constant 0 : i32
      %dma_wait3A_195 = arith.constant 0 : i32
      %dma_wait3A_196 = tpu.memref_slice %arg2[%dma_wait3A_194, %dma_wait3A_195] : memref<10000x128xf32, #tpu.memory_space<hbm>> -> memref<10000x128xf32, #tpu.memory_space<hbm>>
      tpu.wait_indirect_dma semaphore(%arg14 : memref<!tpu.dma_semaphore, #tpu.memory_space<semaphore_mem>>) src(%dma_wait3A_196 : memref<10000x128xf32, #tpu.memory_space<hbm>>) dst(%arg11 : memref<128x128xf32, #tpu.memory_space<vmem>>)
      %run_scoped3A_197 = arith.constant 0 : i32
      "tpu.region"() ({
        %run_scoped3A_308 = tpu.sem_alloc : memref<!tpu.dma_semaphore, #tpu.memory_space<semaphore_mem>>
        %dma_start3A_309 = arith.constant 0 : i32
        %dma_start3A_310 = tpu.memref_slice %arg10[%run_scoped3A_197, %dma_start3A_309] : memref<8x128xi32, #tpu.memory_space<vmem>> -> memref<1x128xi32, #tpu.memory_space<vmem>>
        %dma_start3A_311 = tpu.memref_squeeze %dma_start3A_310 : memref<1x128xi32, #tpu.memory_space<vmem>> -> memref<128xi32, #tpu.memory_space<vmem>>
        %dma_start3A_312 = arith.constant 0 : i32
        %dma_start3A_313 = arith.constant 0 : i32
        %dma_start3A_314 = tpu.memref_slice %arg13[%dma_start3A_312, %dma_start3A_313] : memref<10112x128xf32, #tpu.memory_space<vmem_shared>> -> memref<10112x128xf32, #tpu.memory_space<vmem_shared>>
        tpu.enqueue_indirect_dma source(%arg11 : memref<128x128xf32, #tpu.memory_space<vmem>>) target(%dma_start3A_314 : memref<10112x128xf32, #tpu.memory_space<vmem_shared>>) offsets(%dma_start3A_311 : memref<128xi32, #tpu.memory_space<vmem>>) semaphore(%run_scoped3A_308 : memref<!tpu.dma_semaphore, #tpu.memory_space<semaphore_mem>>) {add = true}
        %dma_wait3A_315 = arith.constant 0 : i32
        %dma_wait3A_316 = tpu.memref_slice %arg10[%run_scoped3A_197, %dma_wait3A_315] : memref<8x128xi32, #tpu.memory_space<vmem>> -> memref<1x128xi32, #tpu.memory_space<vmem>>
        %dma_wait3A_317 = tpu.memref_squeeze %dma_wait3A_316 : memref<1x128xi32, #tpu.memory_space<vmem>> -> memref<128xi32, #tpu.memory_space<vmem>>
        %dma_wait3A_318 = arith.constant 0 : i32
        %dma_wait3A_319 = arith.constant 0 : i32
        %dma_wait3A_320 = tpu.memref_slice %arg13[%dma_wait3A_318, %dma_wait3A_319] : memref<10112x128xf32, #tpu.memory_space<vmem_shared>> -> memref<10112x128xf32, #tpu.memory_space<vmem_shared>>
        tpu.wait_indirect_dma semaphore(%run_scoped3A_308 : memref<!tpu.dma_semaphore, #tpu.memory_space<semaphore_mem>>) src(%arg11 : memref<128x128xf32, #tpu.memory_space<vmem>>) dst(%dma_wait3A_320 : memref<10112x128xf32, #tpu.memory_space<vmem_shared>>)
        tpu.yield
      }) : () -> ()
      %dma_start3A_198 = arith.constant 2 : i32
      %dma_start3A_199 = arith.constant 0 : i32
      %dma_start3A_200 = tpu.memref_slice %arg9[%dma_start3A_198, %dma_start3A_199] : memref<8x128xi32, #tpu.memory_space<vmem>> -> memref<1x128xi32, #tpu.memory_space<vmem>>
      %dma_start3A_201 = tpu.memref_squeeze %dma_start3A_200 : memref<1x128xi32, #tpu.memory_space<vmem>> -> memref<128xi32, #tpu.memory_space<vmem>>
      %dma_start3A_202 = arith.constant 0 : i32
      %dma_start3A_203 = arith.constant 0 : i32
      %dma_start3A_204 = tpu.memref_slice %arg2[%dma_start3A_202, %dma_start3A_203] : memref<10000x128xf32, #tpu.memory_space<hbm>> -> memref<10000x128xf32, #tpu.memory_space<hbm>>
      tpu.enqueue_indirect_dma source(%dma_start3A_204 : memref<10000x128xf32, #tpu.memory_space<hbm>>) target(%arg11 : memref<128x128xf32, #tpu.memory_space<vmem>>) offsets(%dma_start3A_201 : memref<128xi32, #tpu.memory_space<vmem>>) semaphore(%arg14 : memref<!tpu.dma_semaphore, #tpu.memory_space<semaphore_mem>>)
      %dma_wait3A_205 = arith.constant 1 : i32
      %dma_wait3A_206 = arith.constant 0 : i32
      %dma_wait3A_207 = tpu.memref_slice %arg9[%dma_wait3A_205, %dma_wait3A_206] : memref<8x128xi32, #tpu.memory_space<vmem>> -> memref<1x128xi32, #tpu.memory_space<vmem>>
      %dma_wait3A_208 = tpu.memref_squeeze %dma_wait3A_207 : memref<1x128xi32, #tpu.memory_space<vmem>> -> memref<128xi32, #tpu.memory_space<vmem>>
      %dma_wait3A_209 = arith.constant 0 : i32
      %dma_wait3A_210 = arith.constant 0 : i32
      %dma_wait3A_211 = tpu.memref_slice %arg2[%dma_wait3A_209, %dma_wait3A_210] : memref<10000x128xf32, #tpu.memory_space<hbm>> -> memref<10000x128xf32, #tpu.memory_space<hbm>>
      tpu.wait_indirect_dma semaphore(%arg14 : memref<!tpu.dma_semaphore, #tpu.memory_space<semaphore_mem>>) src(%dma_wait3A_211 : memref<10000x128xf32, #tpu.memory_space<hbm>>) dst(%arg12 : memref<128x128xf32, #tpu.memory_space<vmem>>)
      %run_scoped3A_212 = arith.constant 1 : i32
      "tpu.region"() ({
        %run_scoped3A_308 = tpu.sem_alloc : memref<!tpu.dma_semaphore, #tpu.memory_space<semaphore_mem>>
        %dma_start3A_309 = arith.constant 0 : i32
        %dma_start3A_310 = tpu.memref_slice %arg10[%run_scoped3A_212, %dma_start3A_309] : memref<8x128xi32, #tpu.memory_space<vmem>> -> memref<1x128xi32, #tpu.memory_space<vmem>>
        %dma_start3A_311 = tpu.memref_squeeze %dma_start3A_310 : memref<1x128xi32, #tpu.memory_space<vmem>> -> memref<128xi32, #tpu.memory_space<vmem>>
        %dma_start3A_312 = arith.constant 0 : i32
        %dma_start3A_313 = arith.constant 0 : i32
        %dma_start3A_314 = tpu.memref_slice %arg13[%dma_start3A_312, %dma_start3A_313] : memref<10112x128xf32, #tpu.memory_space<vmem_shared>> -> memref<10112x128xf32, #tpu.memory_space<vmem_shared>>
        tpu.enqueue_indirect_dma source(%arg12 : memref<128x128xf32, #tpu.memory_space<vmem>>) target(%dma_start3A_314 : memref<10112x128xf32, #tpu.memory_space<vmem_shared>>) offsets(%dma_start3A_311 : memref<128xi32, #tpu.memory_space<vmem>>) semaphore(%run_scoped3A_308 : memref<!tpu.dma_semaphore, #tpu.memory_space<semaphore_mem>>) {add = true}
        %dma_wait3A_315 = arith.constant 0 : i32
        %dma_wait3A_316 = tpu.memref_slice %arg10[%run_scoped3A_212, %dma_wait3A_315] : memref<8x128xi32, #tpu.memory_space<vmem>> -> memref<1x128xi32, #tpu.memory_space<vmem>>
        %dma_wait3A_317 = tpu.memref_squeeze %dma_wait3A_316 : memref<1x128xi32, #tpu.memory_space<vmem>> -> memref<128xi32, #tpu.memory_space<vmem>>
        %dma_wait3A_318 = arith.constant 0 : i32
        %dma_wait3A_319 = arith.constant 0 : i32
        %dma_wait3A_320 = tpu.memref_slice %arg13[%dma_wait3A_318, %dma_wait3A_319] : memref<10112x128xf32, #tpu.memory_space<vmem_shared>> -> memref<10112x128xf32, #tpu.memory_space<vmem_shared>>
        tpu.wait_indirect_dma semaphore(%run_scoped3A_308 : memref<!tpu.dma_semaphore, #tpu.memory_space<semaphore_mem>>) src(%arg12 : memref<128x128xf32, #tpu.memory_space<vmem>>) dst(%dma_wait3A_320 : memref<10112x128xf32, #tpu.memory_space<vmem_shared>>)
        tpu.yield
      }) : () -> ()
      %dma_start3A_213 = arith.constant 3 : i32
      %dma_start3A_214 = arith.constant 0 : i32
      %dma_start3A_215 = tpu.memref_slice %arg9[%dma_start3A_213, %dma_start3A_214] : memref<8x128xi32, #tpu.memory_space<vmem>> -> memref<1x128xi32, #tpu.memory_space<vmem>>
      %dma_start3A_216 = tpu.memref_squeeze %dma_start3A_215 : memref<1x128xi32, #tpu.memory_space<vmem>> -> memref<128xi32, #tpu.memory_space<vmem>>
      %dma_start3A_217 = arith.constant 0 : i32
      %dma_start3A_218 = arith.constant 0 : i32
      %dma_start3A_219 = tpu.memref_slice %arg2[%dma_start3A_217, %dma_start3A_218] : memref<10000x128xf32, #tpu.memory_space<hbm>> -> memref<10000x128xf32, #tpu.memory_space<hbm>>
      tpu.enqueue_indirect_dma source(%dma_start3A_219 : memref<10000x128xf32, #tpu.memory_space<hbm>>) target(%arg12 : memref<128x128xf32, #tpu.memory_space<vmem>>) offsets(%dma_start3A_216 : memref<128xi32, #tpu.memory_space<vmem>>) semaphore(%arg14 : memref<!tpu.dma_semaphore, #tpu.memory_space<semaphore_mem>>)
      %dma_wait3A_220 = arith.constant 2 : i32
      %dma_wait3A_221 = arith.constant 0 : i32
      %dma_wait3A_222 = tpu.memref_slice %arg9[%dma_wait3A_220, %dma_wait3A_221] : memref<8x128xi32, #tpu.memory_space<vmem>> -> memref<1x128xi32, #tpu.memory_space<vmem>>
      %dma_wait3A_223 = tpu.memref_squeeze %dma_wait3A_222 : memref<1x128xi32, #tpu.memory_space<vmem>> -> memref<128xi32, #tpu.memory_space<vmem>>
      %dma_wait3A_224 = arith.constant 0 : i32
      %dma_wait3A_225 = arith.constant 0 : i32
      %dma_wait3A_226 = tpu.memref_slice %arg2[%dma_wait3A_224, %dma_wait3A_225] : memref<10000x128xf32, #tpu.memory_space<hbm>> -> memref<10000x128xf32, #tpu.memory_space<hbm>>
      tpu.wait_indirect_dma semaphore(%arg14 : memref<!tpu.dma_semaphore, #tpu.memory_space<semaphore_mem>>) src(%dma_wait3A_226 : memref<10000x128xf32, #tpu.memory_space<hbm>>) dst(%arg11 : memref<128x128xf32, #tpu.memory_space<vmem>>)
      %run_scoped3A_227 = arith.constant 2 : i32
      "tpu.region"() ({
        %run_scoped3A_308 = tpu.sem_alloc : memref<!tpu.dma_semaphore, #tpu.memory_space<semaphore_mem>>
        %dma_start3A_309 = arith.constant 0 : i32
        %dma_start3A_310 = tpu.memref_slice %arg10[%run_scoped3A_227, %dma_start3A_309] : memref<8x128xi32, #tpu.memory_space<vmem>> -> memref<1x128xi32, #tpu.memory_space<vmem>>
        %dma_start3A_311 = tpu.memref_squeeze %dma_start3A_310 : memref<1x128xi32, #tpu.memory_space<vmem>> -> memref<128xi32, #tpu.memory_space<vmem>>
        %dma_start3A_312 = arith.constant 0 : i32
        %dma_start3A_313 = arith.constant 0 : i32
        %dma_start3A_314 = tpu.memref_slice %arg13[%dma_start3A_312, %dma_start3A_313] : memref<10112x128xf32, #tpu.memory_space<vmem_shared>> -> memref<10112x128xf32, #tpu.memory_space<vmem_shared>>
        tpu.enqueue_indirect_dma source(%arg11 : memref<128x128xf32, #tpu.memory_space<vmem>>) target(%dma_start3A_314 : memref<10112x128xf32, #tpu.memory_space<vmem_shared>>) offsets(%dma_start3A_311 : memref<128xi32, #tpu.memory_space<vmem>>) semaphore(%run_scoped3A_308 : memref<!tpu.dma_semaphore, #tpu.memory_space<semaphore_mem>>) {add = true}
        %dma_wait3A_315 = arith.constant 0 : i32
        %dma_wait3A_316 = tpu.memref_slice %arg10[%run_scoped3A_227, %dma_wait3A_315] : memref<8x128xi32, #tpu.memory_space<vmem>> -> memref<1x128xi32, #tpu.memory_space<vmem>>
        %dma_wait3A_317 = tpu.memref_squeeze %dma_wait3A_316 : memref<1x128xi32, #tpu.memory_space<vmem>> -> memref<128xi32, #tpu.memory_space<vmem>>
        %dma_wait3A_318 = arith.constant 0 : i32
        %dma_wait3A_319 = arith.constant 0 : i32
        %dma_wait3A_320 = tpu.memref_slice %arg13[%dma_wait3A_318, %dma_wait3A_319] : memref<10112x128xf32, #tpu.memory_space<vmem_shared>> -> memref<10112x128xf32, #tpu.memory_space<vmem_shared>>
        tpu.wait_indirect_dma semaphore(%run_scoped3A_308 : memref<!tpu.dma_semaphore, #tpu.memory_space<semaphore_mem>>) src(%arg11 : memref<128x128xf32, #tpu.memory_space<vmem>>) dst(%dma_wait3A_320 : memref<10112x128xf32, #tpu.memory_space<vmem_shared>>)
        tpu.yield
      }) : () -> ()
      %dma_start3A_228 = arith.constant 4 : i32
      %dma_start3A_229 = arith.constant 0 : i32
      %dma_start3A_230 = tpu.memref_slice %arg9[%dma_start3A_228, %dma_start3A_229] : memref<8x128xi32, #tpu.memory_space<vmem>> -> memref<1x128xi32, #tpu.memory_space<vmem>>
      %dma_start3A_231 = tpu.memref_squeeze %dma_start3A_230 : memref<1x128xi32, #tpu.memory_space<vmem>> -> memref<128xi32, #tpu.memory_space<vmem>>
      %dma_start3A_232 = arith.constant 0 : i32
      %dma_start3A_233 = arith.constant 0 : i32
      %dma_start3A_234 = tpu.memref_slice %arg2[%dma_start3A_232, %dma_start3A_233] : memref<10000x128xf32, #tpu.memory_space<hbm>> -> memref<10000x128xf32, #tpu.memory_space<hbm>>
      tpu.enqueue_indirect_dma source(%dma_start3A_234 : memref<10000x128xf32, #tpu.memory_space<hbm>>) target(%arg11 : memref<128x128xf32, #tpu.memory_space<vmem>>) offsets(%dma_start3A_231 : memref<128xi32, #tpu.memory_space<vmem>>) semaphore(%arg14 : memref<!tpu.dma_semaphore, #tpu.memory_space<semaphore_mem>>)
      %dma_wait3A_235 = arith.constant 3 : i32
      %dma_wait3A_236 = arith.constant 0 : i32
      %dma_wait3A_237 = tpu.memref_slice %arg9[%dma_wait3A_235, %dma_wait3A_236] : memref<8x128xi32, #tpu.memory_space<vmem>> -> memref<1x128xi32, #tpu.memory_space<vmem>>
      %dma_wait3A_238 = tpu.memref_squeeze %dma_wait3A_237 : memref<1x128xi32, #tpu.memory_space<vmem>> -> memref<128xi32, #tpu.memory_space<vmem>>
      %dma_wait3A_239 = arith.constant 0 : i32
      %dma_wait3A_240 = arith.constant 0 : i32
      %dma_wait3A_241 = tpu.memref_slice %arg2[%dma_wait3A_239, %dma_wait3A_240] : memref<10000x128xf32, #tpu.memory_space<hbm>> -> memref<10000x128xf32, #tpu.memory_space<hbm>>
      tpu.wait_indirect_dma semaphore(%arg14 : memref<!tpu.dma_semaphore, #tpu.memory_space<semaphore_mem>>) src(%dma_wait3A_241 : memref<10000x128xf32, #tpu.memory_space<hbm>>) dst(%arg12 : memref<128x128xf32, #tpu.memory_space<vmem>>)
      %run_scoped3A_242 = arith.constant 3 : i32
      "tpu.region"() ({
        %run_scoped3A_308 = tpu.sem_alloc : memref<!tpu.dma_semaphore, #tpu.memory_space<semaphore_mem>>
        %dma_start3A_309 = arith.constant 0 : i32
        %dma_start3A_310 = tpu.memref_slice %arg10[%run_scoped3A_242, %dma_start3A_309] : memref<8x128xi32, #tpu.memory_space<vmem>> -> memref<1x128xi32, #tpu.memory_space<vmem>>
        %dma_start3A_311 = tpu.memref_squeeze %dma_start3A_310 : memref<1x128xi32, #tpu.memory_space<vmem>> -> memref<128xi32, #tpu.memory_space<vmem>>
        %dma_start3A_312 = arith.constant 0 : i32
        %dma_start3A_313 = arith.constant 0 : i32
        %dma_start3A_314 = tpu.memref_slice %arg13[%dma_start3A_312, %dma_start3A_313] : memref<10112x128xf32, #tpu.memory_space<vmem_shared>> -> memref<10112x128xf32, #tpu.memory_space<vmem_shared>>
        tpu.enqueue_indirect_dma source(%arg12 : memref<128x128xf32, #tpu.memory_space<vmem>>) target(%dma_start3A_314 : memref<10112x128xf32, #tpu.memory_space<vmem_shared>>) offsets(%dma_start3A_311 : memref<128xi32, #tpu.memory_space<vmem>>) semaphore(%run_scoped3A_308 : memref<!tpu.dma_semaphore, #tpu.memory_space<semaphore_mem>>) {add = true}
        %dma_wait3A_315 = arith.constant 0 : i32
        %dma_wait3A_316 = tpu.memref_slice %arg10[%run_scoped3A_242, %dma_wait3A_315] : memref<8x128xi32, #tpu.memory_space<vmem>> -> memref<1x128xi32, #tpu.memory_space<vmem>>
        %dma_wait3A_317 = tpu.memref_squeeze %dma_wait3A_316 : memref<1x128xi32, #tpu.memory_space<vmem>> -> memref<128xi32, #tpu.memory_space<vmem>>
        %dma_wait3A_318 = arith.constant 0 : i32
        %dma_wait3A_319 = arith.constant 0 : i32
        %dma_wait3A_320 = tpu.memref_slice %arg13[%dma_wait3A_318, %dma_wait3A_319] : memref<10112x128xf32, #tpu.memory_space<vmem_shared>> -> memref<10112x128xf32, #tpu.memory_space<vmem_shared>>
        tpu.wait_indirect_dma semaphore(%run_scoped3A_308 : memref<!tpu.dma_semaphore, #tpu.memory_space<semaphore_mem>>) src(%arg12 : memref<128x128xf32, #tpu.memory_space<vmem>>) dst(%dma_wait3A_320 : memref<10112x128xf32, #tpu.memory_space<vmem_shared>>)
        tpu.yield
      }) : () -> ()
      %dma_start3A_243 = arith.constant 5 : i32
      %dma_start3A_244 = arith.constant 0 : i32
      %dma_start3A_245 = tpu.memref_slice %arg9[%dma_start3A_243, %dma_start3A_244] : memref<8x128xi32, #tpu.memory_space<vmem>> -> memref<1x128xi32, #tpu.memory_space<vmem>>
      %dma_start3A_246 = tpu.memref_squeeze %dma_start3A_245 : memref<1x128xi32, #tpu.memory_space<vmem>> -> memref<128xi32, #tpu.memory_space<vmem>>
      %dma_start3A_247 = arith.constant 0 : i32
      %dma_start3A_248 = arith.constant 0 : i32
      %dma_start3A_249 = tpu.memref_slice %arg2[%dma_start3A_247, %dma_start3A_248] : memref<10000x128xf32, #tpu.memory_space<hbm>> -> memref<10000x128xf32, #tpu.memory_space<hbm>>
      tpu.enqueue_indirect_dma source(%dma_start3A_249 : memref<10000x128xf32, #tpu.memory_space<hbm>>) target(%arg12 : memref<128x128xf32, #tpu.memory_space<vmem>>) offsets(%dma_start3A_246 : memref<128xi32, #tpu.memory_space<vmem>>) semaphore(%arg14 : memref<!tpu.dma_semaphore, #tpu.memory_space<semaphore_mem>>)
      %dma_wait3A_250 = arith.constant 4 : i32
      %dma_wait3A_251 = arith.constant 0 : i32
      %dma_wait3A_252 = tpu.memref_slice %arg9[%dma_wait3A_250, %dma_wait3A_251] : memref<8x128xi32, #tpu.memory_space<vmem>> -> memref<1x128xi32, #tpu.memory_space<vmem>>
      %dma_wait3A_253 = tpu.memref_squeeze %dma_wait3A_252 : memref<1x128xi32, #tpu.memory_space<vmem>> -> memref<128xi32, #tpu.memory_space<vmem>>
      %dma_wait3A_254 = arith.constant 0 : i32
      %dma_wait3A_255 = arith.constant 0 : i32
      %dma_wait3A_256 = tpu.memref_slice %arg2[%dma_wait3A_254, %dma_wait3A_255] : memref<10000x128xf32, #tpu.memory_space<hbm>> -> memref<10000x128xf32, #tpu.memory_space<hbm>>
      tpu.wait_indirect_dma semaphore(%arg14 : memref<!tpu.dma_semaphore, #tpu.memory_space<semaphore_mem>>) src(%dma_wait3A_256 : memref<10000x128xf32, #tpu.memory_space<hbm>>) dst(%arg11 : memref<128x128xf32, #tpu.memory_space<vmem>>)
      %run_scoped3A_257 = arith.constant 4 : i32
      "tpu.region"() ({
        %run_scoped3A_308 = tpu.sem_alloc : memref<!tpu.dma_semaphore, #tpu.memory_space<semaphore_mem>>
        %dma_start3A_309 = arith.constant 0 : i32
        %dma_start3A_310 = tpu.memref_slice %arg10[%run_scoped3A_257, %dma_start3A_309] : memref<8x128xi32, #tpu.memory_space<vmem>> -> memref<1x128xi32, #tpu.memory_space<vmem>>
        %dma_start3A_311 = tpu.memref_squeeze %dma_start3A_310 : memref<1x128xi32, #tpu.memory_space<vmem>> -> memref<128xi32, #tpu.memory_space<vmem>>
        %dma_start3A_312 = arith.constant 0 : i32
        %dma_start3A_313 = arith.constant 0 : i32
        %dma_start3A_314 = tpu.memref_slice %arg13[%dma_start3A_312, %dma_start3A_313] : memref<10112x128xf32, #tpu.memory_space<vmem_shared>> -> memref<10112x128xf32, #tpu.memory_space<vmem_shared>>
        tpu.enqueue_indirect_dma source(%arg11 : memref<128x128xf32, #tpu.memory_space<vmem>>) target(%dma_start3A_314 : memref<10112x128xf32, #tpu.memory_space<vmem_shared>>) offsets(%dma_start3A_311 : memref<128xi32, #tpu.memory_space<vmem>>) semaphore(%run_scoped3A_308 : memref<!tpu.dma_semaphore, #tpu.memory_space<semaphore_mem>>) {add = true}
        %dma_wait3A_315 = arith.constant 0 : i32
        %dma_wait3A_316 = tpu.memref_slice %arg10[%run_scoped3A_257, %dma_wait3A_315] : memref<8x128xi32, #tpu.memory_space<vmem>> -> memref<1x128xi32, #tpu.memory_space<vmem>>
        %dma_wait3A_317 = tpu.memref_squeeze %dma_wait3A_316 : memref<1x128xi32, #tpu.memory_space<vmem>> -> memref<128xi32, #tpu.memory_space<vmem>>
        %dma_wait3A_318 = arith.constant 0 : i32
        %dma_wait3A_319 = arith.constant 0 : i32
        %dma_wait3A_320 = tpu.memref_slice %arg13[%dma_wait3A_318, %dma_wait3A_319] : memref<10112x128xf32, #tpu.memory_space<vmem_shared>> -> memref<10112x128xf32, #tpu.memory_space<vmem_shared>>
        tpu.wait_indirect_dma semaphore(%run_scoped3A_308 : memref<!tpu.dma_semaphore, #tpu.memory_space<semaphore_mem>>) src(%arg11 : memref<128x128xf32, #tpu.memory_space<vmem>>) dst(%dma_wait3A_320 : memref<10112x128xf32, #tpu.memory_space<vmem_shared>>)
        tpu.yield
      }) : () -> ()
      %dma_start3A_258 = arith.constant 6 : i32
      %dma_start3A_259 = arith.constant 0 : i32
      %dma_start3A_260 = tpu.memref_slice %arg9[%dma_start3A_258, %dma_start3A_259] : memref<8x128xi32, #tpu.memory_space<vmem>> -> memref<1x128xi32, #tpu.memory_space<vmem>>
      %dma_start3A_261 = tpu.memref_squeeze %dma_start3A_260 : memref<1x128xi32, #tpu.memory_space<vmem>> -> memref<128xi32, #tpu.memory_space<vmem>>
      %dma_start3A_262 = arith.constant 0 : i32
      %dma_start3A_263 = arith.constant 0 : i32
      %dma_start3A_264 = tpu.memref_slice %arg2[%dma_start3A_262, %dma_start3A_263] : memref<10000x128xf32, #tpu.memory_space<hbm>> -> memref<10000x128xf32, #tpu.memory_space<hbm>>
      tpu.enqueue_indirect_dma source(%dma_start3A_264 : memref<10000x128xf32, #tpu.memory_space<hbm>>) target(%arg11 : memref<128x128xf32, #tpu.memory_space<vmem>>) offsets(%dma_start3A_261 : memref<128xi32, #tpu.memory_space<vmem>>) semaphore(%arg14 : memref<!tpu.dma_semaphore, #tpu.memory_space<semaphore_mem>>)
      %dma_wait3A_265 = arith.constant 5 : i32
      %dma_wait3A_266 = arith.constant 0 : i32
      %dma_wait3A_267 = tpu.memref_slice %arg9[%dma_wait3A_265, %dma_wait3A_266] : memref<8x128xi32, #tpu.memory_space<vmem>> -> memref<1x128xi32, #tpu.memory_space<vmem>>
      %dma_wait3A_268 = tpu.memref_squeeze %dma_wait3A_267 : memref<1x128xi32, #tpu.memory_space<vmem>> -> memref<128xi32, #tpu.memory_space<vmem>>
      %dma_wait3A_269 = arith.constant 0 : i32
      %dma_wait3A_270 = arith.constant 0 : i32
      %dma_wait3A_271 = tpu.memref_slice %arg2[%dma_wait3A_269, %dma_wait3A_270] : memref<10000x128xf32, #tpu.memory_space<hbm>> -> memref<10000x128xf32, #tpu.memory_space<hbm>>
      tpu.wait_indirect_dma semaphore(%arg14 : memref<!tpu.dma_semaphore, #tpu.memory_space<semaphore_mem>>) src(%dma_wait3A_271 : memref<10000x128xf32, #tpu.memory_space<hbm>>) dst(%arg12 : memref<128x128xf32, #tpu.memory_space<vmem>>)
      %run_scoped3A_272 = arith.constant 5 : i32
      "tpu.region"() ({
        %run_scoped3A_308 = tpu.sem_alloc : memref<!tpu.dma_semaphore, #tpu.memory_space<semaphore_mem>>
        %dma_start3A_309 = arith.constant 0 : i32
        %dma_start3A_310 = tpu.memref_slice %arg10[%run_scoped3A_272, %dma_start3A_309] : memref<8x128xi32, #tpu.memory_space<vmem>> -> memref<1x128xi32, #tpu.memory_space<vmem>>
        %dma_start3A_311 = tpu.memref_squeeze %dma_start3A_310 : memref<1x128xi32, #tpu.memory_space<vmem>> -> memref<128xi32, #tpu.memory_space<vmem>>
        %dma_start3A_312 = arith.constant 0 : i32
        %dma_start3A_313 = arith.constant 0 : i32
        %dma_start3A_314 = tpu.memref_slice %arg13[%dma_start3A_312, %dma_start3A_313] : memref<10112x128xf32, #tpu.memory_space<vmem_shared>> -> memref<10112x128xf32, #tpu.memory_space<vmem_shared>>
        tpu.enqueue_indirect_dma source(%arg12 : memref<128x128xf32, #tpu.memory_space<vmem>>) target(%dma_start3A_314 : memref<10112x128xf32, #tpu.memory_space<vmem_shared>>) offsets(%dma_start3A_311 : memref<128xi32, #tpu.memory_space<vmem>>) semaphore(%run_scoped3A_308 : memref<!tpu.dma_semaphore, #tpu.memory_space<semaphore_mem>>) {add = true}
        %dma_wait3A_315 = arith.constant 0 : i32
        %dma_wait3A_316 = tpu.memref_slice %arg10[%run_scoped3A_272, %dma_wait3A_315] : memref<8x128xi32, #tpu.memory_space<vmem>> -> memref<1x128xi32, #tpu.memory_space<vmem>>
        %dma_wait3A_317 = tpu.memref_squeeze %dma_wait3A_316 : memref<1x128xi32, #tpu.memory_space<vmem>> -> memref<128xi32, #tpu.memory_space<vmem>>
        %dma_wait3A_318 = arith.constant 0 : i32
        %dma_wait3A_319 = arith.constant 0 : i32
        %dma_wait3A_320 = tpu.memref_slice %arg13[%dma_wait3A_318, %dma_wait3A_319] : memref<10112x128xf32, #tpu.memory_space<vmem_shared>> -> memref<10112x128xf32, #tpu.memory_space<vmem_shared>>
        tpu.wait_indirect_dma semaphore(%run_scoped3A_308 : memref<!tpu.dma_semaphore, #tpu.memory_space<semaphore_mem>>) src(%arg12 : memref<128x128xf32, #tpu.memory_space<vmem>>) dst(%dma_wait3A_320 : memref<10112x128xf32, #tpu.memory_space<vmem_shared>>)
        tpu.yield
      }) : () -> ()
      %dma_start3A_273 = arith.constant 7 : i32
      %dma_start3A_274 = arith.constant 0 : i32
      %dma_start3A_275 = tpu.memref_slice %arg9[%dma_start3A_273, %dma_start3A_274] : memref<8x128xi32, #tpu.memory_space<vmem>> -> memref<1x128xi32, #tpu.memory_space<vmem>>
      %dma_start3A_276 = tpu.memref_squeeze %dma_start3A_275 : memref<1x128xi32, #tpu.memory_space<vmem>> -> memref<128xi32, #tpu.memory_space<vmem>>
      %dma_start3A_277 = arith.constant 0 : i32
      %dma_start3A_278 = arith.constant 0 : i32
      %dma_start3A_279 = tpu.memref_slice %arg2[%dma_start3A_277, %dma_start3A_278] : memref<10000x128xf32, #tpu.memory_space<hbm>> -> memref<10000x128xf32, #tpu.memory_space<hbm>>
      tpu.enqueue_indirect_dma source(%dma_start3A_279 : memref<10000x128xf32, #tpu.memory_space<hbm>>) target(%arg12 : memref<128x128xf32, #tpu.memory_space<vmem>>) offsets(%dma_start3A_276 : memref<128xi32, #tpu.memory_space<vmem>>) semaphore(%arg14 : memref<!tpu.dma_semaphore, #tpu.memory_space<semaphore_mem>>)
      %dma_wait3A_280 = arith.constant 6 : i32
      %dma_wait3A_281 = arith.constant 0 : i32
      %dma_wait3A_282 = tpu.memref_slice %arg9[%dma_wait3A_280, %dma_wait3A_281] : memref<8x128xi32, #tpu.memory_space<vmem>> -> memref<1x128xi32, #tpu.memory_space<vmem>>
      %dma_wait3A_283 = tpu.memref_squeeze %dma_wait3A_282 : memref<1x128xi32, #tpu.memory_space<vmem>> -> memref<128xi32, #tpu.memory_space<vmem>>
      %dma_wait3A_284 = arith.constant 0 : i32
      %dma_wait3A_285 = arith.constant 0 : i32
      %dma_wait3A_286 = tpu.memref_slice %arg2[%dma_wait3A_284, %dma_wait3A_285] : memref<10000x128xf32, #tpu.memory_space<hbm>> -> memref<10000x128xf32, #tpu.memory_space<hbm>>
      tpu.wait_indirect_dma semaphore(%arg14 : memref<!tpu.dma_semaphore, #tpu.memory_space<semaphore_mem>>) src(%dma_wait3A_286 : memref<10000x128xf32, #tpu.memory_space<hbm>>) dst(%arg11 : memref<128x128xf32, #tpu.memory_space<vmem>>)
      %run_scoped3A_287 = arith.constant 6 : i32
      "tpu.region"() ({
        %run_scoped3A_308 = tpu.sem_alloc : memref<!tpu.dma_semaphore, #tpu.memory_space<semaphore_mem>>
        %dma_start3A_309 = arith.constant 0 : i32
        %dma_start3A_310 = tpu.memref_slice %arg10[%run_scoped3A_287, %dma_start3A_309] : memref<8x128xi32, #tpu.memory_space<vmem>> -> memref<1x128xi32, #tpu.memory_space<vmem>>
        %dma_start3A_311 = tpu.memref_squeeze %dma_start3A_310 : memref<1x128xi32, #tpu.memory_space<vmem>> -> memref<128xi32, #tpu.memory_space<vmem>>
        %dma_start3A_312 = arith.constant 0 : i32
        %dma_start3A_313 = arith.constant 0 : i32
        %dma_start3A_314 = tpu.memref_slice %arg13[%dma_start3A_312, %dma_start3A_313] : memref<10112x128xf32, #tpu.memory_space<vmem_shared>> -> memref<10112x128xf32, #tpu.memory_space<vmem_shared>>
        tpu.enqueue_indirect_dma source(%arg11 : memref<128x128xf32, #tpu.memory_space<vmem>>) target(%dma_start3A_314 : memref<10112x128xf32, #tpu.memory_space<vmem_shared>>) offsets(%dma_start3A_311 : memref<128xi32, #tpu.memory_space<vmem>>) semaphore(%run_scoped3A_308 : memref<!tpu.dma_semaphore, #tpu.memory_space<semaphore_mem>>) {add = true}
        %dma_wait3A_315 = arith.constant 0 : i32
        %dma_wait3A_316 = tpu.memref_slice %arg10[%run_scoped3A_287, %dma_wait3A_315] : memref<8x128xi32, #tpu.memory_space<vmem>> -> memref<1x128xi32, #tpu.memory_space<vmem>>
        %dma_wait3A_317 = tpu.memref_squeeze %dma_wait3A_316 : memref<1x128xi32, #tpu.memory_space<vmem>> -> memref<128xi32, #tpu.memory_space<vmem>>
        %dma_wait3A_318 = arith.constant 0 : i32
        %dma_wait3A_319 = arith.constant 0 : i32
        %dma_wait3A_320 = tpu.memref_slice %arg13[%dma_wait3A_318, %dma_wait3A_319] : memref<10112x128xf32, #tpu.memory_space<vmem_shared>> -> memref<10112x128xf32, #tpu.memory_space<vmem_shared>>
        tpu.wait_indirect_dma semaphore(%run_scoped3A_308 : memref<!tpu.dma_semaphore, #tpu.memory_space<semaphore_mem>>) src(%arg11 : memref<128x128xf32, #tpu.memory_space<vmem>>) dst(%dma_wait3A_320 : memref<10112x128xf32, #tpu.memory_space<vmem_shared>>)
        tpu.yield
      }) : () -> ()
      %dma_wait3A_288 = arith.constant 7 : i32
      %dma_wait3A_289 = arith.constant 0 : i32
      %dma_wait3A_290 = tpu.memref_slice %arg9[%dma_wait3A_288, %dma_wait3A_289] : memref<8x128xi32, #tpu.memory_space<vmem>> -> memref<1x128xi32, #tpu.memory_space<vmem>>
      %dma_wait3A_291 = tpu.memref_squeeze %dma_wait3A_290 : memref<1x128xi32, #tpu.memory_space<vmem>> -> memref<128xi32, #tpu.memory_space<vmem>>
      %dma_wait3A_292 = arith.constant 0 : i32
      %dma_wait3A_293 = arith.constant 0 : i32
      %dma_wait3A_294 = tpu.memref_slice %arg2[%dma_wait3A_292, %dma_wait3A_293] : memref<10000x128xf32, #tpu.memory_space<hbm>> -> memref<10000x128xf32, #tpu.memory_space<hbm>>
      tpu.wait_indirect_dma semaphore(%arg14 : memref<!tpu.dma_semaphore, #tpu.memory_space<semaphore_mem>>) src(%dma_wait3A_294 : memref<10000x128xf32, #tpu.memory_space<hbm>>) dst(%arg12 : memref<128x128xf32, #tpu.memory_space<vmem>>)
      %run_scoped3A_295 = arith.constant 7 : i32
      "tpu.region"() ({
        %run_scoped3A_308 = tpu.sem_alloc : memref<!tpu.dma_semaphore, #tpu.memory_space<semaphore_mem>>
        %dma_start3A_309 = arith.constant 0 : i32
        %dma_start3A_310 = tpu.memref_slice %arg10[%run_scoped3A_295, %dma_start3A_309] : memref<8x128xi32, #tpu.memory_space<vmem>> -> memref<1x128xi32, #tpu.memory_space<vmem>>
        %dma_start3A_311 = tpu.memref_squeeze %dma_start3A_310 : memref<1x128xi32, #tpu.memory_space<vmem>> -> memref<128xi32, #tpu.memory_space<vmem>>
        %dma_start3A_312 = arith.constant 0 : i32
        %dma_start3A_313 = arith.constant 0 : i32
        %dma_start3A_314 = tpu.memref_slice %arg13[%dma_start3A_312, %dma_start3A_313] : memref<10112x128xf32, #tpu.memory_space<vmem_shared>> -> memref<10112x128xf32, #tpu.memory_space<vmem_shared>>
        tpu.enqueue_indirect_dma source(%arg12 : memref<128x128xf32, #tpu.memory_space<vmem>>) target(%dma_start3A_314 : memref<10112x128xf32, #tpu.memory_space<vmem_shared>>) offsets(%dma_start3A_311 : memref<128xi32, #tpu.memory_space<vmem>>) semaphore(%run_scoped3A_308 : memref<!tpu.dma_semaphore, #tpu.memory_space<semaphore_mem>>) {add = true}
        %dma_wait3A_315 = arith.constant 0 : i32
        %dma_wait3A_316 = tpu.memref_slice %arg10[%run_scoped3A_295, %dma_wait3A_315] : memref<8x128xi32, #tpu.memory_space<vmem>> -> memref<1x128xi32, #tpu.memory_space<vmem>>
        %dma_wait3A_317 = tpu.memref_squeeze %dma_wait3A_316 : memref<1x128xi32, #tpu.memory_space<vmem>> -> memref<128xi32, #tpu.memory_space<vmem>>
        %dma_wait3A_318 = arith.constant 0 : i32
        %dma_wait3A_319 = arith.constant 0 : i32
        %dma_wait3A_320 = tpu.memref_slice %arg13[%dma_wait3A_318, %dma_wait3A_319] : memref<10112x128xf32, #tpu.memory_space<vmem_shared>> -> memref<10112x128xf32, #tpu.memory_space<vmem_shared>>
        tpu.wait_indirect_dma semaphore(%run_scoped3A_308 : memref<!tpu.dma_semaphore, #tpu.memory_space<semaphore_mem>>) src(%arg12 : memref<128x128xf32, #tpu.memory_space<vmem>>) dst(%dma_wait3A_320 : memref<10112x128xf32, #tpu.memory_space<vmem_shared>>)
        tpu.yield
      }) : () -> ()
      %dma_wait3A_296 = arith.constant 0 : i32
      %dma_wait3A_297 = tpu.memref_slice %arg3[%add3A, %mul3A_163, %dma_wait3A_296] : memref<32x80x128xi32, #tpu.memory_space<hbm>> -> memref<1x8x128xi32, #tpu.memory_space<hbm>>
      %dma_wait3A_298 = tpu.memref_squeeze %dma_wait3A_297 : memref<1x8x128xi32, #tpu.memory_space<hbm>> -> memref<8x128xi32, #tpu.memory_space<hbm>>
      %dma_wait3A_299 = arith.constant 0 : i32
      %dma_wait3A_300 = tpu.memref_slice %arg3[%add3A, %mul3A_163, %dma_wait3A_299] : memref<32x80x128xi32, #tpu.memory_space<hbm>> -> memref<1x8x128xi32, #tpu.memory_space<hbm>>
      %dma_wait3A_301 = tpu.memref_squeeze %dma_wait3A_300 : memref<1x8x128xi32, #tpu.memory_space<hbm>> -> memref<8x128xi32, #tpu.memory_space<hbm>>
      tpu.wait_dma2 semaphore(%arg15 : memref<!tpu.dma_semaphore, #tpu.memory_space<semaphore_mem>>) src(%dma_wait3A_301 : memref<8x128xi32, #tpu.memory_space<hbm>>) dst(%arg7 : memref<8x128xi32, #tpu.memory_space<vmem>>)
      %dma_wait3A_302 = arith.constant 0 : i32
      %dma_wait3A_303 = tpu.memref_slice %arg4[%add3A, %mul3A_163, %dma_wait3A_302] : memref<32x80x128xi32, #tpu.memory_space<hbm>> -> memref<1x8x128xi32, #tpu.memory_space<hbm>>
      %dma_wait3A_304 = tpu.memref_squeeze %dma_wait3A_303 : memref<1x8x128xi32, #tpu.memory_space<hbm>> -> memref<8x128xi32, #tpu.memory_space<hbm>>
      %dma_wait3A_305 = arith.constant 0 : i32
      %dma_wait3A_306 = tpu.memref_slice %arg4[%add3A, %mul3A_163, %dma_wait3A_305] : memref<32x80x128xi32, #tpu.memory_space<hbm>> -> memref<1x8x128xi32, #tpu.memory_space<hbm>>
      %dma_wait3A_307 = tpu.memref_squeeze %dma_wait3A_306 : memref<1x8x128xi32, #tpu.memory_space<hbm>> -> memref<8x128xi32, #tpu.memory_space<hbm>>
      tpu.wait_dma2 semaphore(%arg15 : memref<!tpu.dma_semaphore, #tpu.memory_space<semaphore_mem>>) src(%dma_wait3A_307 : memref<8x128xi32, #tpu.memory_space<hbm>>) dst(%arg8 : memref<8x128xi32, #tpu.memory_space<vmem>>)
    }
    %scan3A_7 = arith.constant 5 : i32
    %barrier3A_8 = arith.constant 0 : index
    tpu.barrier barrier_id(%barrier3A_8)
    "tpu.region"() ({
      %run_scoped3A = tpu.sem_alloc : memref<!tpu.dma_semaphore, #tpu.memory_space<semaphore_mem>>
      %dma_start3A = arith.constant 0 : i32
      %dma_start3A_9 = tpu.memref_slice %arg6[%arg0, %mul3A_2, %dma_start3A] : memref<2x10112x128xf32, #tpu.memory_space<hbm>> -> memref<1x632x128xf32, #tpu.memory_space<hbm>>
      %dma_start3A_10 = tpu.memref_squeeze %dma_start3A_9 : memref<1x632x128xf32, #tpu.memory_space<hbm>> -> memref<632x128xf32, #tpu.memory_space<hbm>>
      %dma_start3A_11 = arith.constant 0 : i32
      %dma_start3A_12 = tpu.memref_slice %arg13[%mul3A_2, %dma_start3A_11] : memref<10112x128xf32, #tpu.memory_space<vmem_shared>> -> memref<632x128xf32, #tpu.memory_space<vmem_shared>>
      tpu.enqueue_dma source(%dma_start3A_12 : memref<632x128xf32, #tpu.memory_space<vmem_shared>>) target(%dma_start3A_10 : memref<632x128xf32, #tpu.memory_space<hbm>>) target_semaphore(%run_scoped3A : memref<!tpu.dma_semaphore, #tpu.memory_space<semaphore_mem>>)
      %dma_wait3A = arith.constant 0 : i32
      %dma_wait3A_13 = tpu.memref_slice %arg6[%arg0, %mul3A_2, %dma_wait3A] : memref<2x10112x128xf32, #tpu.memory_space<hbm>> -> memref<1x632x128xf32, #tpu.memory_space<hbm>>
      %dma_wait3A_14 = tpu.memref_squeeze %dma_wait3A_13 : memref<1x632x128xf32, #tpu.memory_space<hbm>> -> memref<632x128xf32, #tpu.memory_space<hbm>>
      %dma_wait3A_15 = arith.constant 0 : i32
      %dma_wait3A_16 = tpu.memref_slice %arg13[%mul3A_2, %dma_wait3A_15] : memref<10112x128xf32, #tpu.memory_space<vmem_shared>> -> memref<632x128xf32, #tpu.memory_space<vmem_shared>>
      tpu.wait_dma2 semaphore(%run_scoped3A : memref<!tpu.dma_semaphore, #tpu.memory_space<semaphore_mem>>) src(%dma_wait3A_16 : memref<632x128xf32, #tpu.memory_space<vmem_shared>>) dst(%dma_wait3A_14 : memref<632x128xf32, #tpu.memory_space<hbm>>)
      tpu.yield
    }) : () -> ()
    return
  }
}

module attributes {stable_mosaic.version = 14 : i64} {
  func.func @_tc_layer_body(%arg0: i32, %arg1: memref<2x1000x128xf32, #tpu.memory_space<vmem>>, %arg2: memref<2x1000x128xf32, #tpu.memory_space<vmem>>, %arg3: memref<1000x128xf32, #tpu.memory_space<vmem>>, %arg4: memref<128x128xf32, #tpu.memory_space<vmem>>, %arg5: memref<1x128xf32, #tpu.memory_space<vmem>>, %arg6: memref<128x128xf32, #tpu.memory_space<vmem>>, %arg7: memref<1000x128xf32, #tpu.memory_space<vmem>>) attributes {dimension_semantics = [#tpu.dimension_semantics<arbitrary>], iteration_bounds = array<i64: 10>, scalar_prefetch = 0 : i64, scratch_operands = 0 : i64, tpu.core_type = #tpu.core_type<tc>, window_params = [{transform_indices = @transform_0, window_bounds = array<i64: 2, 1000, 128>}, {transform_indices = @transform_1, window_bounds = array<i64: 2, 1000, 128>}, {transform_indices = @transform_2, window_bounds = array<i64: 1000, 128>}, {pipeline_mode = #tpu.pipeline_mode<synchronous>, transform_indices = @transform_3, window_bounds = array<i64: 128, 128>}, {pipeline_mode = #tpu.pipeline_mode<synchronous>, transform_indices = @transform_4, window_bounds = array<i64: 1, 128>}, {pipeline_mode = #tpu.pipeline_mode<synchronous>, transform_indices = @transform_5, window_bounds = array<i64: 128, 128>}, {transform_indices = @transform_6, window_bounds = array<i64: 1000, 128>}]} {
    %get3A = arith.constant 0 : index
    %get3A_0 = arith.constant 0 : index
    %get3A_1 = arith.constant 0 : index
    %get3A_2 = vector.load %arg1[%get3A, %get3A_0, %get3A_1] : memref<2x1000x128xf32, #tpu.memory_space<vmem>>, vector<1x1000x128xf32>
    %get3A_3 = vector.shape_cast %get3A_2 : vector<1x1000x128xf32> to vector<1000x128xf32>
    %get3A_4 = arith.constant 1 : index
    %get3A_5 = arith.constant 0 : index
    %get3A_6 = arith.constant 0 : index
    %get3A_7 = vector.load %arg1[%get3A_4, %get3A_5, %get3A_6] : memref<2x1000x128xf32, #tpu.memory_space<vmem>>, vector<1x1000x128xf32>
    %get3A_8 = vector.shape_cast %get3A_7 : vector<1x1000x128xf32> to vector<1000x128xf32>
    %add3A = arith.addf %get3A_3, %get3A_8 : vector<1000x128xf32>
    %get3A_9 = arith.constant 0 : index
    %get3A_10 = arith.constant 0 : index
    %get3A_11 = arith.constant 0 : index
    %get3A_12 = vector.load %arg2[%get3A_9, %get3A_10, %get3A_11] : memref<2x1000x128xf32, #tpu.memory_space<vmem>>, vector<1x1000x128xf32>
    %get3A_13 = vector.shape_cast %get3A_12 : vector<1x1000x128xf32> to vector<1000x128xf32>
    %slice3A = vector.extract_strided_slice %get3A_13 {offsets = [0, 0], sizes = [1000, 1], strides = [1, 1]} : vector<1000x128xf32> to vector<1000x1xf32>
    %get3A_14 = arith.constant 1 : index
    %get3A_15 = arith.constant 0 : index
    %get3A_16 = arith.constant 0 : index
    %get3A_17 = vector.load %arg2[%get3A_14, %get3A_15, %get3A_16] : memref<2x1000x128xf32, #tpu.memory_space<vmem>>, vector<1x1000x128xf32>
    %get3A_18 = vector.shape_cast %get3A_17 : vector<1x1000x128xf32> to vector<1000x128xf32>
    %slice3A_19 = vector.extract_strided_slice %get3A_18 {offsets = [0, 0], sizes = [1000, 1], strides = [1, 1]} : vector<1000x128xf32> to vector<1000x1xf32>
    %add3A_20 = arith.addf %slice3A, %slice3A_19 : vector<1000x1xf32>
    %max3A = arith.constant 1.000000e+00 : f32
    %max3A_21 = vector.broadcast %max3A : f32 to vector<1000x1xf32>
    %max3A_22 = arith.maximumf %add3A_20, %max3A_21 : vector<1000x1xf32>
    %div3A = vector.broadcast %max3A_22 : vector<1000x1xf32> to vector<1000x128xf32>
    %div3A_23 = arith.divf %add3A, %div3A : vector<1000x128xf32>
    %get3A_24 = arith.constant 0 : index
    %get3A_25 = arith.constant 0 : index
    %get3A_26 = vector.load %arg4[%get3A_24, %get3A_25] : memref<128x128xf32, #tpu.memory_space<vmem>>, vector<128x128xf32>
    %dot_general3A = arith.constant dense<0.000000e+00> : vector<1000x128xf32>
    %dot_general3A_27 = tpu.matmul %div3A_23, %get3A_26, %dot_general3A {dimension_numbers = #tpu.dot_dimension_numbers<[1], [0], [0], [1], [0, 0, 1, 1], [], []>, transpose_lhs_hint = false} : vector<1000x128xf32>, vector<128x128xf32>, vector<1000x128xf32> -> vector<1000x128xf32>
    %get3A_28 = arith.constant 0 : index
    %get3A_29 = arith.constant 0 : index
    %get3A_30 = vector.load %arg3[%get3A_28, %get3A_29] : memref<1000x128xf32, #tpu.memory_space<vmem>>, vector<1000x128xf32>
    %get3A_31 = arith.constant 0 : index
    %get3A_32 = arith.constant 0 : index
    %get3A_33 = vector.load %arg6[%get3A_31, %get3A_32] : memref<128x128xf32, #tpu.memory_space<vmem>>, vector<128x128xf32>
    %dot_general3A_34 = arith.constant dense<0.000000e+00> : vector<1000x128xf32>
    %dot_general3A_35 = tpu.matmul %get3A_30, %get3A_33, %dot_general3A_34 {dimension_numbers = #tpu.dot_dimension_numbers<[1], [0], [0], [1], [0, 0, 1, 1], [], []>, transpose_lhs_hint = false} : vector<1000x128xf32>, vector<128x128xf32>, vector<1000x128xf32> -> vector<1000x128xf32>
    %add3A_36 = arith.addf %dot_general3A_27, %dot_general3A_35 : vector<1000x128xf32>
    %get3A_37 = arith.constant 0 : index
    %get3A_38 = arith.constant 0 : index
    %get3A_39 = vector.load %arg5[%get3A_37, %get3A_38] : memref<1x128xf32, #tpu.memory_space<vmem>>, vector<1x128xf32>
    %add3A_40 = vector.broadcast %get3A_39 : vector<1x128xf32> to vector<1000x128xf32>
    %add3A_41 = arith.addf %add3A_36, %add3A_40 : vector<1000x128xf32>
    %max3A_42 = arith.constant 0.000000e+00 : f32
    %max3A_43 = vector.broadcast %max3A_42 : f32 to vector<1000x128xf32>
    %max3A_44 = arith.maximumf %add3A_41, %max3A_43 : vector<1000x128xf32>
    %swap3A = arith.constant 0 : index
    %swap3A_45 = arith.constant 0 : index
    %swap3A_46 = vector.load %arg7[%swap3A, %swap3A_45] : memref<1000x128xf32, #tpu.memory_space<vmem>>, vector<1000x128xf32>
    tpu.vector_store %arg7[%swap3A, %swap3A_45], %max3A_44 {strides = array<i32>} : memref<1000x128xf32, #tpu.memory_space<vmem>>, vector<1000x128xf32>,
    return
  }
  func.func @transform_0(%arg0: i32) -> (i32, i32, i32) {
    %c0_i32 = arith.constant 0 : i32
    %c0_i32_0 = arith.constant 0 : i32
    %c0_i32_1 = arith.constant 0 : i32
    return %c0_i32, %arg0, %c0_i32_0 : i32, i32, i32
  }
  func.func @transform_1(%arg0: i32) -> (i32, i32, i32) {
    %c0_i32 = arith.constant 0 : i32
    %c0_i32_0 = arith.constant 0 : i32
    %c0_i32_1 = arith.constant 0 : i32
    return %c0_i32, %arg0, %c0_i32_0 : i32, i32, i32
  }
  func.func @transform_2(%arg0: i32) -> (i32, i32) {
    %c0_i32 = arith.constant 0 : i32
    %c0_i32_0 = arith.constant 0 : i32
    return %arg0, %c0_i32 : i32, i32
  }
  func.func @transform_3(%arg0: i32) -> (i32, i32) {
    %c0_i32 = arith.constant 0 : i32
    %c0_i32_0 = arith.constant 0 : i32
    %c0_i32_1 = arith.constant 0 : i32
    return %c0_i32, %c0_i32_0 : i32, i32
  }
  func.func @transform_4(%arg0: i32) -> (i32, i32) {
    %c0_i32 = arith.constant 0 : i32
    %c0_i32_0 = arith.constant 0 : i32
    %c0_i32_1 = arith.constant 0 : i32
    return %c0_i32, %c0_i32_0 : i32, i32
  }
  func.func @transform_5(%arg0: i32) -> (i32, i32) {
    %c0_i32 = arith.constant 0 : i32
    %c0_i32_0 = arith.constant 0 : i32
    %c0_i32_1 = arith.constant 0 : i32
    return %c0_i32, %c0_i32_0 : i32, i32
  }
  func.func @transform_6(%arg0: i32) -> (i32, i32) {
    %c0_i32 = arith.constant 0 : i32
    %c0_i32_0 = arith.constant 0 : i32
    return %arg0, %c0_i32 : i32, i32
  }
}

module attributes {stable_mosaic.version = 14 : i64} {
  func.func @_tc_pool_body(%arg0: i32, %arg1: memref<2x1000x128xf32, #tpu.memory_space<vmem>>, %arg2: memref<2x1000x128xf32, #tpu.memory_space<vmem>>, %arg3: memref<1000x128xf32, #tpu.memory_space<vmem>>, %arg4: memref<128x128xf32, #tpu.memory_space<vmem>>, %arg5: memref<1x128xf32, #tpu.memory_space<vmem>>, %arg6: memref<128x128xf32, #tpu.memory_space<vmem>>, %arg7: memref<1000x1xi32, #tpu.memory_space<vmem>>, %arg8: memref<128x64xf32, #tpu.memory_space<vmem>>, %arg9: memref<1x64xf32, #tpu.memory_space<vmem>>, %arg10: memref<32x64xf32, #tpu.memory_space<vmem>>, %arg11: memref<32x128xf32, #tpu.memory_space<vmem>>, %arg12: memref<32x128xf32, #tpu.memory_space<vmem>>) attributes {dimension_semantics = [#tpu.dimension_semantics<arbitrary>], iteration_bounds = array<i64: 10>, scalar_prefetch = 0 : i64, scratch_operands = 2 : i64, tpu.core_type = #tpu.core_type<tc>, window_params = [{transform_indices = @transform_0, window_bounds = array<i64: 2, 1000, 128>}, {transform_indices = @transform_1, window_bounds = array<i64: 2, 1000, 128>}, {transform_indices = @transform_2, window_bounds = array<i64: 1000, 128>}, {pipeline_mode = #tpu.pipeline_mode<synchronous>, transform_indices = @transform_3, window_bounds = array<i64: 128, 128>}, {pipeline_mode = #tpu.pipeline_mode<synchronous>, transform_indices = @transform_4, window_bounds = array<i64: 1, 128>}, {pipeline_mode = #tpu.pipeline_mode<synchronous>, transform_indices = @transform_5, window_bounds = array<i64: 128, 128>}, {transform_indices = @transform_6, window_bounds = array<i64: 1000, 1>}, {pipeline_mode = #tpu.pipeline_mode<synchronous>, transform_indices = @transform_7, window_bounds = array<i64: 128, 64>}, {pipeline_mode = #tpu.pipeline_mode<synchronous>, transform_indices = @transform_8, window_bounds = array<i64: 1, 64>}, {pipeline_mode = #tpu.pipeline_mode<synchronous>, transform_indices = @transform_9, window_bounds = array<i64: 32, 64>}]} {
    %eq3A = arith.constant 0 : i32
    %eq3A_0 = arith.cmpi eq, %arg0, %eq3A : i32
    %convert_element_type3A = arith.extui %eq3A_0 : i1 to i32
    %cond3A = arith.constant 0 : i32
    %cond3A_1 = arith.cmpi ne, %convert_element_type3A, %cond3A : i32
    scf.if %cond3A_1 {
      %broadcast_in_dim3A_74 = arith.constant 0.000000e+00 : f32
      %broadcast_in_dim3A_75 = vector.broadcast %broadcast_in_dim3A_74 : f32 to vector<32x128xf32>
      %swap3A_76 = arith.constant 0 : index
      %swap3A_77 = arith.constant 0 : index
      %swap3A_78 = vector.load %arg11[%swap3A_76, %swap3A_77] : memref<32x128xf32, #tpu.memory_space<vmem>>, vector<32x128xf32>
      tpu.vector_store %arg11[%swap3A_76, %swap3A_77], %broadcast_in_dim3A_75 {strides = array<i32>} : memref<32x128xf32, #tpu.memory_space<vmem>>, vector<32x128xf32>,
      %broadcast_in_dim3A_79 = arith.constant 0.000000e+00 : f32
      %broadcast_in_dim3A_80 = vector.broadcast %broadcast_in_dim3A_79 : f32 to vector<32x128xf32>
      %swap3A_81 = arith.constant 0 : index
      %swap3A_82 = arith.constant 0 : index
      %swap3A_83 = vector.load %arg12[%swap3A_81, %swap3A_82] : memref<32x128xf32, #tpu.memory_space<vmem>>, vector<32x128xf32>
      tpu.vector_store %arg12[%swap3A_81, %swap3A_82], %broadcast_in_dim3A_80 {strides = array<i32>} : memref<32x128xf32, #tpu.memory_space<vmem>>, vector<32x128xf32>,
    } else {
    }
    %get3A = arith.constant 0 : index
    %get3A_2 = arith.constant 0 : index
    %get3A_3 = arith.constant 0 : index
    %get3A_4 = vector.load %arg1[%get3A, %get3A_2, %get3A_3] : memref<2x1000x128xf32, #tpu.memory_space<vmem>>, vector<1x1000x128xf32>
    %get3A_5 = vector.shape_cast %get3A_4 : vector<1x1000x128xf32> to vector<1000x128xf32>
    %get3A_6 = arith.constant 1 : index
    %get3A_7 = arith.constant 0 : index
    %get3A_8 = arith.constant 0 : index
    %get3A_9 = vector.load %arg1[%get3A_6, %get3A_7, %get3A_8] : memref<2x1000x128xf32, #tpu.memory_space<vmem>>, vector<1x1000x128xf32>
    %get3A_10 = vector.shape_cast %get3A_9 : vector<1x1000x128xf32> to vector<1000x128xf32>
    %add3A = arith.addf %get3A_5, %get3A_10 : vector<1000x128xf32>
    %get3A_11 = arith.constant 0 : index
    %get3A_12 = arith.constant 0 : index
    %get3A_13 = arith.constant 0 : index
    %get3A_14 = vector.load %arg2[%get3A_11, %get3A_12, %get3A_13] : memref<2x1000x128xf32, #tpu.memory_space<vmem>>, vector<1x1000x128xf32>
    %get3A_15 = vector.shape_cast %get3A_14 : vector<1x1000x128xf32> to vector<1000x128xf32>
    %slice3A = vector.extract_strided_slice %get3A_15 {offsets = [0, 0], sizes = [1000, 1], strides = [1, 1]} : vector<1000x128xf32> to vector<1000x1xf32>
    %get3A_16 = arith.constant 1 : index
    %get3A_17 = arith.constant 0 : index
    %get3A_18 = arith.constant 0 : index
    %get3A_19 = vector.load %arg2[%get3A_16, %get3A_17, %get3A_18] : memref<2x1000x128xf32, #tpu.memory_space<vmem>>, vector<1x1000x128xf32>
    %get3A_20 = vector.shape_cast %get3A_19 : vector<1x1000x128xf32> to vector<1000x128xf32>
    %slice3A_21 = vector.extract_strided_slice %get3A_20 {offsets = [0, 0], sizes = [1000, 1], strides = [1, 1]} : vector<1000x128xf32> to vector<1000x1xf32>
    %add3A_22 = arith.addf %slice3A, %slice3A_21 : vector<1000x1xf32>
    %max3A = arith.constant 1.000000e+00 : f32
    %max3A_23 = vector.broadcast %max3A : f32 to vector<1000x1xf32>
    %max3A_24 = arith.maximumf %add3A_22, %max3A_23 : vector<1000x1xf32>
    %div3A = vector.broadcast %max3A_24 : vector<1000x1xf32> to vector<1000x128xf32>
    %div3A_25 = arith.divf %add3A, %div3A : vector<1000x128xf32>
    %get3A_26 = arith.constant 0 : index
    %get3A_27 = arith.constant 0 : index
    %get3A_28 = vector.load %arg4[%get3A_26, %get3A_27] : memref<128x128xf32, #tpu.memory_space<vmem>>, vector<128x128xf32>
    %dot_general3A = arith.constant dense<0.000000e+00> : vector<1000x128xf32>
    %dot_general3A_29 = tpu.matmul %div3A_25, %get3A_28, %dot_general3A {dimension_numbers = #tpu.dot_dimension_numbers<[1], [0], [0], [1], [0, 0, 1, 1], [], []>, transpose_lhs_hint = false} : vector<1000x128xf32>, vector<128x128xf32>, vector<1000x128xf32> -> vector<1000x128xf32>
    %get3A_30 = arith.constant 0 : index
    %get3A_31 = arith.constant 0 : index
    %get3A_32 = vector.load %arg3[%get3A_30, %get3A_31] : memref<1000x128xf32, #tpu.memory_space<vmem>>, vector<1000x128xf32>
    %get3A_33 = arith.constant 0 : index
    %get3A_34 = arith.constant 0 : index
    %get3A_35 = vector.load %arg6[%get3A_33, %get3A_34] : memref<128x128xf32, #tpu.memory_space<vmem>>, vector<128x128xf32>
    %dot_general3A_36 = arith.constant dense<0.000000e+00> : vector<1000x128xf32>
    %dot_general3A_37 = tpu.matmul %get3A_32, %get3A_35, %dot_general3A_36 {dimension_numbers = #tpu.dot_dimension_numbers<[1], [0], [0], [1], [0, 0, 1, 1], [], []>, transpose_lhs_hint = false} : vector<1000x128xf32>, vector<128x128xf32>, vector<1000x128xf32> -> vector<1000x128xf32>
    %add3A_38 = arith.addf %dot_general3A_29, %dot_general3A_37 : vector<1000x128xf32>
    %get3A_39 = arith.constant 0 : index
    %get3A_40 = arith.constant 0 : index
    %get3A_41 = vector.load %arg5[%get3A_39, %get3A_40] : memref<1x128xf32, #tpu.memory_space<vmem>>, vector<1x128xf32>
    %add3A_42 = vector.broadcast %get3A_41 : vector<1x128xf32> to vector<1000x128xf32>
    %add3A_43 = arith.addf %add3A_38, %add3A_42 : vector<1000x128xf32>
    %get3A_44 = arith.constant 0 : index
    %get3A_45 = arith.constant 0 : index
    %get3A_46 = vector.load %arg7[%get3A_44, %get3A_45] : memref<1000x1xi32, #tpu.memory_space<vmem>>, vector<1000x1xi32>
    %iota3A = tpu.iota {dimensions = array<i32: 1>} : vector<1000x32xi32>
    %eq3A_47 = vector.broadcast %get3A_46 : vector<1000x1xi32> to vector<1000x32xi32>
    %eq3A_48 = arith.cmpi eq, %eq3A_47, %iota3A : vector<1000x32xi32>
    %convert_element_type3A_49 = arith.extui %eq3A_48 : vector<1000x32xi1> to vector<1000x32xi32>
    %convert_element_type3A_50 = arith.sitofp %convert_element_type3A_49 : vector<1000x32xi32> to vector<1000x32xf32>
    %get3A_51 = arith.constant 0 : index
    %get3A_52 = arith.constant 0 : index
    %get3A_53 = vector.load %arg11[%get3A_51, %get3A_52] : memref<32x128xf32, #tpu.memory_space<vmem>>, vector<32x128xf32>
    %dot_general3A_54 = arith.constant dense<0.000000e+00> : vector<32x128xf32>
    %dot_general3A_55 = tpu.matmul %convert_element_type3A_50, %add3A_43, %dot_general3A_54 {dimension_numbers = #tpu.dot_dimension_numbers<[0], [0], [1], [1], [0, 1, 1, 1], [], []>, transpose_lhs_hint = false} : vector<1000x32xf32>, vector<1000x128xf32>, vector<32x128xf32> -> vector<32x128xf32>
    %add3A_56 = arith.addf %get3A_53, %dot_general3A_55 : vector<32x128xf32>
    %swap3A = arith.constant 0 : index
    %swap3A_57 = arith.constant 0 : index
    %swap3A_58 = vector.load %arg11[%swap3A, %swap3A_57] : memref<32x128xf32, #tpu.memory_space<vmem>>, vector<32x128xf32>
    tpu.vector_store %arg11[%swap3A, %swap3A_57], %add3A_56 {strides = array<i32>} : memref<32x128xf32, #tpu.memory_space<vmem>>, vector<32x128xf32>,
    %get3A_59 = arith.constant 0 : index
    %get3A_60 = arith.constant 0 : index
    %get3A_61 = vector.load %arg12[%get3A_59, %get3A_60] : memref<32x128xf32, #tpu.memory_space<vmem>>, vector<32x128xf32>
    %reduce_sum3A = arith.constant dense<0.000000e+00> : vector<32xf32>
    %reduce_sum3A_62 = vector.multi_reduction <add>, %convert_element_type3A_50, %reduce_sum3A [0] : vector<1000x32xf32> to vector<32xf32>
    %broadcast_in_dim3A = vector.shape_cast %reduce_sum3A_62 : vector<32xf32> to vector<32x1xf32>
    %broadcast_in_dim3A_63 = vector.shape_cast %broadcast_in_dim3A : vector<32x1xf32> to vector<32x1xf32>
    %broadcast_in_dim3A_64 = vector.broadcast %broadcast_in_dim3A_63 : vector<32x1xf32> to vector<32x128xf32>
    %add3A_65 = arith.addf %get3A_61, %broadcast_in_dim3A_64 : vector<32x128xf32>
    %swap3A_66 = arith.constant 0 : index
    %swap3A_67 = arith.constant 0 : index
    %swap3A_68 = vector.load %arg12[%swap3A_66, %swap3A_67] : memref<32x128xf32, #tpu.memory_space<vmem>>, vector<32x128xf32>
    tpu.vector_store %arg12[%swap3A_66, %swap3A_67], %add3A_65 {strides = array<i32>} : memref<32x128xf32, #tpu.memory_space<vmem>>, vector<32x128xf32>,
    %eq3A_69 = arith.constant 9 : i32
    %eq3A_70 = arith.cmpi eq, %arg0, %eq3A_69 : i32
    %convert_element_type3A_71 = arith.extui %eq3A_70 : i1 to i32
    %cond3A_72 = arith.constant 0 : i32
    %cond3A_73 = arith.cmpi ne, %convert_element_type3A_71, %cond3A_72 : i32
    scf.if %cond3A_73 {
      %get3A_74 = arith.constant 0 : index
      %get3A_75 = arith.constant 0 : index
      %get3A_76 = vector.load %arg11[%get3A_74, %get3A_75] : memref<32x128xf32, #tpu.memory_space<vmem>>, vector<32x128xf32>
      %get3A_77 = arith.constant 0 : index
      %get3A_78 = arith.constant 0 : index
      %get3A_79 = vector.load %arg12[%get3A_77, %get3A_78] : memref<32x128xf32, #tpu.memory_space<vmem>>, vector<32x128xf32>
      %max3A_80 = arith.constant 1.000000e+00 : f32
      %max3A_81 = vector.broadcast %max3A_80 : f32 to vector<32x128xf32>
      %max3A_82 = arith.maximumf %get3A_79, %max3A_81 : vector<32x128xf32>
      %div3A_83 = arith.divf %get3A_76, %max3A_82 : vector<32x128xf32>
      %get3A_84 = arith.constant 0 : index
      %get3A_85 = arith.constant 0 : index
      %get3A_86 = vector.load %arg8[%get3A_84, %get3A_85] : memref<128x64xf32, #tpu.memory_space<vmem>>, vector<128x64xf32>
      %dot_general3A_87 = arith.constant dense<0.000000e+00> : vector<32x64xf32>
      %dot_general3A_88 = tpu.matmul %div3A_83, %get3A_86, %dot_general3A_87 {dimension_numbers = #tpu.dot_dimension_numbers<[1], [0], [0], [1], [0, 0, 1, 1], [], []>, transpose_lhs_hint = false} : vector<32x128xf32>, vector<128x64xf32>, vector<32x64xf32> -> vector<32x64xf32>
      %get3A_89 = arith.constant 0 : index
      %get3A_90 = arith.constant 0 : index
      %get3A_91 = vector.load %arg9[%get3A_89, %get3A_90] : memref<1x64xf32, #tpu.memory_space<vmem>>, vector<1x64xf32>
      %add3A_92 = vector.broadcast %get3A_91 : vector<1x64xf32> to vector<32x64xf32>
      %add3A_93 = arith.addf %dot_general3A_88, %add3A_92 : vector<32x64xf32>
      %swap3A_94 = arith.constant 0 : index
      %swap3A_95 = arith.constant 0 : index
      %swap3A_96 = vector.load %arg10[%swap3A_94, %swap3A_95] : memref<32x64xf32, #tpu.memory_space<vmem>>, vector<32x64xf32>
      tpu.vector_store %arg10[%swap3A_94, %swap3A_95], %add3A_93 {strides = array<i32>} : memref<32x64xf32, #tpu.memory_space<vmem>>, vector<32x64xf32>,
    } else {
    }
    return
  }
  func.func @transform_0(%arg0: i32) -> (i32, i32, i32) {
    %c0_i32 = arith.constant 0 : i32
    %c0_i32_0 = arith.constant 0 : i32
    %c0_i32_1 = arith.constant 0 : i32
    return %c0_i32, %arg0, %c0_i32_0 : i32, i32, i32
  }
  func.func @transform_1(%arg0: i32) -> (i32, i32, i32) {
    %c0_i32 = arith.constant 0 : i32
    %c0_i32_0 = arith.constant 0 : i32
    %c0_i32_1 = arith.constant 0 : i32
    return %c0_i32, %arg0, %c0_i32_0 : i32, i32, i32
  }
  func.func @transform_2(%arg0: i32) -> (i32, i32) {
    %c0_i32 = arith.constant 0 : i32
    %c0_i32_0 = arith.constant 0 : i32
    return %arg0, %c0_i32 : i32, i32
  }
  func.func @transform_3(%arg0: i32) -> (i32, i32) {
    %c0_i32 = arith.constant 0 : i32
    %c0_i32_0 = arith.constant 0 : i32
    %c0_i32_1 = arith.constant 0 : i32
    return %c0_i32, %c0_i32_0 : i32, i32
  }
  func.func @transform_4(%arg0: i32) -> (i32, i32) {
    %c0_i32 = arith.constant 0 : i32
    %c0_i32_0 = arith.constant 0 : i32
    %c0_i32_1 = arith.constant 0 : i32
    return %c0_i32, %c0_i32_0 : i32, i32
  }
  func.func @transform_5(%arg0: i32) -> (i32, i32) {
    %c0_i32 = arith.constant 0 : i32
    %c0_i32_0 = arith.constant 0 : i32
    %c0_i32_1 = arith.constant 0 : i32
    return %c0_i32, %c0_i32_0 : i32, i32
  }
  func.func @transform_6(%arg0: i32) -> (i32, i32) {
    %c0_i32 = arith.constant 0 : i32
    %c0_i32_0 = arith.constant 0 : i32
    return %arg0, %c0_i32 : i32, i32
  }
  func.func @transform_7(%arg0: i32) -> (i32, i32) {
    %c0_i32 = arith.constant 0 : i32
    %c0_i32_0 = arith.constant 0 : i32
    %c0_i32_1 = arith.constant 0 : i32
    return %c0_i32, %c0_i32_0 : i32, i32
  }
  func.func @transform_8(%arg0: i32) -> (i32, i32) {
    %c0_i32 = arith.constant 0 : i32
    %c0_i32_0 = arith.constant 0 : i32
    %c0_i32_1 = arith.constant 0 : i32
    return %c0_i32, %c0_i32_0 : i32, i32
  }
  func.func @transform_9(%arg0: i32) -> (i32, i32) {
    %c0_i32 = arith.constant 0 : i32
    %c0_i32_0 = arith.constant 0 : i32
    %c0_i32_1 = arith.constant 0 : i32
    return %c0_i32, %c0_i32_0 : i32, i32
  }
}

</mosaic_0001>

<sc_bundles>
// kernel: kernel.12.cloned.1.call-start
scs
__scs_entry_jumppad:
0x0: {  	(pc) =	sbr.rel $0x88, $3  }
0x1: {  	(tag) =	ssettag $0x0;
	lr =	simm.s32 $0x1  }
0x2: {  	[smem:$0x3F93] =	sst lr;
	_ =	strace $0xD0000000  }
0x3: {  	_ = 	snop  }
0x4: {  	_ = 	snop  }
0x5: {  	_ = 	snop  }
0x6: {  	_ = 	snop  }
0x7: {  	_ = 	snop  }
__scs_overlays_trampoline_lowered:
0x8: {  	[smem:$0x3FA2] =	sst s0  }
0x9: {  	[smem:$0x3FA3] =	sst s1  }
0xa: {  	[smem:$0x3FA4] =	sst s2  }
0xb: {  	[smem:$0x3FA5] =	sst s3  }
0xc: {  	[smem:$0x3FA6] =	sst s4  }
0xd: {  	[smem:$0x3FA7] =	sst s5  }
0xe: {  	[smem:$0x3FA8] =	sst s6  }
0xf: {  	[smem:$0x3FA9] =	sst s7  }
0x10: {  	[smem:$0x3FAA] =	sst s8  }
0x11: {  	[smem:$0x3FAB] =	sst s9;
	s0 =	simm.s32 @!p0 $0x0  }
0x12: {  	s1 =	sld [smem:$0x3F91];
	s0 =	simm.s32 @p0 $0x1  }
0x13: {  	[smem:$0x3FAC] =	sst s0;
	s0 =	simm.s32 @!p1 $0x0  }
0x14: {  	s2 =	sld [smem:$0x3F90];
	s0 =	simm.s32 @p1 $0x1  }
0x15: {  	[smem:$0x3FAD] =	sst s0;
	s0 =	simm.s32 @!p2 $0x0  }
0x16: {  	s3 =	sld [smem:$0x3FDB];
	s0 =	simm.s32 @p2 $0x1  }
0x17: {  	s4 =	simm.s32 $0x1BF5;
	[smem:$0x3FAF] =	sst s0  }
0x18: {  	s0 =	sld [smem:$0x3F92];
	_ =	swait.ge [sflag:s4], $0x0  }
0x19: {  	s7 =	sld [smem:$0x3F93]  }
0x1a: {  	s8 =	sadd.s32 $0xFFFFE003, lr  }
0x1b: {  	s9 =	sadd.s32 $0xFFFFFEF7, lr;
	s5 =	simm.s32 $0xFFFFFFFF;
	p2 =	slt.u32 s8, $0xFFFFF086  }
0x1c: {  	p1 =	slt.u32 s9, $0xF7A;
	s5 =	simm.s32 @!p2 $0x0  }
0x1d: {  	s5 =	simm.s32 @p1 $0x1;
	p0 =	seq.s32 s7, s2  }
0x1e: {  	s7 =	smul.u32 @!p0 $0xF7A, s2;
	p2 =	seq.s32 @!p0 s5, $0x0  }
0x1f: {  	s9 =	smul.u32 $0xF7A, s1;
	s8 =	simm.s32 @!p0 $0x1BF5;
	p2 =	por !p2, p0  }
0x20: {  	[sflag:s8] =	ssyncset.s32 @!p0 $0xFFFFF086;
	s6 =	sadd.s32 @!p0 s3, s7;
	s7 =	simm.s32 @!p0 $0x108  }
0x21: {  	s3 =	sadd.s32 s3, s9;
	s6 =	sadd.s32 @!p0 $0x88, s6;
	s7 =	simm.s32 @p2 $0x1082  }
0x22: {  	[simem:s7], [sflag:s8] =	dma.local @!p0 [hbm:s6], $0xF7A  }
0x23: {  	s9 =	sor.u32 $0xD0000000, s2;
	s6 =	simm.s32 $0x108;
	_ =	swait.ge @!p0 [sflag:s8], $0x0  }
0x24: {  	s3 =	sadd.s32 $0x88, s3;
	s6 =	simm.s32 @!p1 $0x1082;
	[sflag:s4] =	ssyncset.s32 $0xFFFFF086  }
0x25: {  	[simem:s6], [sflag:s4] =	dma.local [hbm:s3], $0xF7A  }
0x26: {  	[smem:$0x3F93] =	sst s1;
	(tag) =	ssettag s2;
	_ =	strace s9  }
0x27: {  	s1 =	sld [smem:$0x3FA3]  }
0x28: {  	s2 =	sld [smem:$0x3FA4]  }
0x29: {  	s4 =	sld [smem:$0x3FA6]  }
0x2a: {  	p0 =	seq.s32 s5, $0x0;
	s5 =	sld [smem:$0x3FA7]  }
0x2b: {  	s6 =	sld [smem:$0x3FA8]  }
0x2c: {  	s7 =	sld [smem:$0x3FA9]  }
0x2d: {  	s3 =	simm.s32 $0x108;
	s8 =	sld [smem:$0x3FAA]  }
0x2e: {  	s3 =	simm.s32 @!p0 $0x1082;
	s9 =	sld [smem:$0x3FAB]  }
0x2f: {  	lr =	sadd.s32 s0, s3;
	s0 =	sld [smem:$0x3FA2]  }
0x30: {  	s3 =	sld [smem:$0x3FA5]  }
0x31: {  	[smem:$0x3FAE] =	sst s10  }
0x32: {  	s10 =	sld [smem:$0x3FAC];
	_ =	sdelay $0x3  }
0x33: {  	p0 =	seq.s32 s10, $0x1;
	s10 =	sld [smem:$0x3FAE];
	_ =	sdelay $0x3  }
0x34: {  	[smem:$0x3FAE] =	sst s10  }
0x35: {  	s10 =	sld [smem:$0x3FAD];
	_ =	sdelay $0x3  }
0x36: {  	p1 =	seq.s32 s10, $0x1;
	s10 =	sld [smem:$0x3FAE];
	_ =	sdelay $0x3  }
0x37: {  	[smem:$0x3FAE] =	sst s10  }
0x38: {  	s10 =	sld [smem:$0x3FAF]  }
0x39: {  	_ = 	snop;
	(pc) =	sbr.ind lr, $3  }
0x3a: {  	_ = 	snop  }
0x3b: {  	_ = 	snop  }
0x3c: {  	p2 =	seq.s32 s10, $0x1;
	s10 =	sld [smem:$0x3FAE]  }
0x3d: {  	_ =	shalt  }
0x3e: {  	_ =	shalt  }
0x3f: {  	_ =	shalt  }
0x40: {  	_ =	shalt  }
0x41: {  	_ =	shalt  }
0x42: {  	_ =	shalt  }
0x43: {  	_ =	shalt  }
0x44: {  	_ =	shalt  }
0x45: {  	_ =	shalt  }
0x46: {  	_ =	shalt  }
0x47: {  	_ =	shalt  }
0x48: {  	_ =	shalt  }
0x49: {  	_ =	shalt  }
0x4a: {  	_ =	shalt  }
0x4b: {  	_ =	shalt  }
0x4c: {  	_ =	shalt  }
0x4d: {  	_ =	shalt  }
0x4e: {  	_ =	shalt  }
0x4f: {  	_ =	shalt  }
0x50: {  	_ =	shalt  }
0x51: {  	_ =	shalt  }
0x52: {  	_ =	shalt  }
0x53: {  	_ =	shalt  }
0x54: {  	_ =	shalt  }
0x55: {  	_ =	shalt  }
0x56: {  	_ =	shalt  }
0x57: {  	_ =	shalt  }
0x58: {  	_ =	shalt  }
0x59: {  	_ =	shalt  }
0x5a: {  	_ =	shalt  }
0x5b: {  	_ =	shalt  }
0x5c: {  	_ =	shalt  }
0x5d: {  	_ =	shalt  }
0x5e: {  	_ =	shalt  }
0x5f: {  	_ =	shalt  }
0x60: {  	_ =	shalt  }
0x61: {  	_ =	shalt  }
0x62: {  	_ =	shalt  }
0x63: {  	_ =	shalt  }
0x64: {  	_ =	shalt  }
0x65: {  	_ =	shalt  }
0x66: {  	_ =	shalt  }
0x67: {  	_ =	shalt  }
0x68: {  	_ =	shalt  }
0x69: {  	_ =	shalt  }
0x6a: {  	_ =	shalt  }
0x6b: {  	_ =	shalt  }
0x6c: {  	_ =	shalt  }
0x6d: {  	_ =	shalt  }
0x6e: {  	_ =	shalt  }
0x6f: {  	_ =	shalt  }
0x70: {  	_ =	shalt  }
0x71: {  	_ =	shalt  }
0x72: {  	_ =	shalt  }
0x73: {  	_ =	shalt  }
0x74: {  	_ =	shalt  }
0x75: {  	_ =	shalt  }
0x76: {  	_ =	shalt  }
0x77: {  	_ =	shalt  }
0x78: {  	_ =	shalt  }
0x79: {  	_ =	shalt  }
0x7a: {  	_ =	shalt  }
0x7b: {  	_ =	shalt  }
0x7c: {  	_ =	shalt  }
0x7d: {  	_ =	shalt  }
0x7e: {  	_ =	shalt  }
0x7f: {  	_ =	shalt  }
0x80: {  	_ =	shalt  }
0x81: {  	_ =	shalt  }
0x82: {  	_ =	shalt  }
0x83: {  	_ =	shalt  }
0x84: {  	_ =	shalt  }
0x85: {  	_ =	shalt  }
0x86: {  	_ =	shalt  }
0x87: {  	_ =	shalt  }
.Lfunc_end0:
.L_simem_size_0:
called_computation.1_lowered:
.L_overlay_start_0:
0x88: {  	s2 =	sld [smem:$0x3FD9]  }
0x89: {  	s3 =	sld [smem:$0x3FFE];
	_ =	sdelay $0x1  }
0x8a: {  	s1 =	srdreg.scid  }
0x8b: {  	s0 =	sand.u32 $0x1, s1  }
0x8c: {  	s17 =	sshll.u32 s0, $0xA;
	s2 =	sadd.s32 s3, s2  }
0x8d: {  	s2 =	sadd.s32 s2, s17  }
0x8e: {  	[smem:$0x3FBA] =	sst s2  }
0x8f: {  	_ = 	snop  }
0x90: {  	s2 =	sld [smem:$0x3FC9];
	(tm) =	ssettm $0x1  }
0x91: {  	s18 =	sld [smem:$0x3FFB];
	_ =	sdelay $0x3  }
0x92: {  	_ =	strace s18  }
0x93: {  	s3 =	sld [smem:$0x3FFC];
	_ =	sdelay $0x3  }
0x94: {  	_ =	strace s3  }
0x95: {  	s3 =	sld [smem:$0x3FFD];
	_ =	sdelay $0x3  }
0x96: {  	_ =	strace s3  }
0x97: {  	_ =	strace $0x8FFFFFFF  }
0x98: {  	s19 =	sld [smem:$0x3FDB];
	_ =	sdelay $0x1  }
0x99: {  	s4 =	simm.s32 $_scs_section_size  }
0x9a: {  	s5 =	simm.s32 $_size__tile_overlayer_lowered;
	s6 =	simm.s32 $_tile_overlayer_lowered  }
0x9b: {  	s22 =	simm.s32 $0x1BFF;
	s21 =	sshll.u32 s6, $0x1;
	s3 =	sadd.s32 s4, s19  }
0x9c: {  	s7 =	simm.s32 $0x0;
	s20 =	sshll.u32 s5, $0x1;
	s5 =	sadd.s32 s21, s3  }
0x9d: {  	[timem:s7], [sflag:s22] =	dma.local [hbm:s5], s20  }
0x9e: {  	_ =	swait.ge [sflag:s22], s20  }
0x9f: {  	s4 =	ssub.s32 $0x0, s20;
	[sflag:s22] =	ssyncset.done $0x0  }
0xa0: {  	[sflag:s22] =	ssyncadd.s32 s4;
	_ =	sdelay $0x1  }
0xa1: {  	s23 =	simm.s32 $0x1B8B  }
0xa2: {  	_ =	swait.ge [sflag:s23], $0x1  }
0xa3: {  	[sflag:s23] =	ssyncset.done $0x0  }
0xa4: {  	s25 =	simm.s32 $0x1B8E;
	s24 =	sld [smem:$0x3FFE];
	[sflag:s23] =	ssyncadd.s32 $0xFFFFFFFF  }
0xa5: {  	s26 =	simm.s32 $execute0_lowered;
	[smem:$0x3FD2] =	sst s25  }
0xa6: {  	s5 =	sshll.u32 s26, $0x1;
	_ =	strace $0x80000046;
	[dreg:$0x1] =	wrdreg $0xFFFFFFFF  }
0xa7: {  	s28 =	simm.s32 $_size_execute0_lowered;
	s3 =	sadd.s32 s3, s5;
	[dreg:$0x0] =	wrdreg $0x0  }
0xa8: {  	s5 =	sshll.u32 s28, $0x1;
	[dreg:$0x2] =	wrdreg s3  }
0xa9: {  	[dreg:$0x3] =	wrdreg s5  }
0xaa: {  	[dreg:$0x4] =	wrdreg $0xC0  }
0xab: {  	_ =	task [dreg:s7], $0x5FFFF  }
0xac: {  	[dreg:$0x1] =	wrdreg $0xFFFFFFFF  }
0xad: {  	[dreg:$0x0] =	wrdreg $0x60  }
0xae: {  	[dreg:$0x2] =	wrdreg s2  }
0xaf: {  	[dreg:$0x3] =	wrdreg s24  }
0xb0: {  	[dreg:$0x4] =	wrdreg $0x90000  }
0xb1: {  	[dreg:$0x5] =	wrdreg $0xA  }
0xb2: {  	_ =	task.clear_ibuf [dreg:s7], $0x6FFFF;
	_ =	strace $0x90000046  }
0xb3: {  	s29 =	simm.s32 $0xA;
	_ =	strace $0x80000048  }
0xb4: {  	_ =	swait.ge [sflag:s29], $0x1  }
0xb5: {  	[sflag:s29] =	ssyncadd.s32 $0xFFFFFFFF  }
0xb6: {  	_ =	strace $0x90000048  }
0xb7: {  	_ =	sfence  }
0xb8: {  	s30 =	sld [smem:$0x0];
	_ =	sdelay $0x2  }
0xb9: {  	s31 =	sshll.u32 s1, $0xD;
	s1 =	sshrl.u32 s1, $0x2  }
0xba: {  	s3 =	sand.u32 $0x4000, s31;
	s1 =	sadd.s32 s1, s30  }
0xbb: {  	s0 =	sor.u32 s3, s0;
	s1 =	sshll.u32 s1, $0x11  }
0xbc: {  	s0 =	sor.u32 s1, s0  }
0xbd: {  	s0 =	sadd.s32 $0x8F2B, s0  }
0xbe: {  	[sflag:s0] =	ssyncadd.remote.s32 $0x1  }
0xbf: {  	_ =	sfence.sel $0xFFFF  }
0xc0: {  	[dreg:$0x0] =	wrdreg $0xFFFFFFFF;
	(pc) =	sbr.abs _section_cstart, $3  }
0xc1: {  	[dreg:$0x1] =	wrdreg $0xFFFFFFFF  }
0xc2: {  	_ =	task.clear_ibuf [dreg:s7], $0x2FFFF;
	_ =	strace $0x9FFFFFFF  }
0xc3: {  	(tm) =	ssettm $0x7FFFFFFF  }
tec
execute0_lowered:
.L_overlay_start_1:
0x0: {  	(tag) =	ssettag $0x1  }
0x1: {  	s1 =	rddreg [dreg:$0x0]  }
0x2: {  	s0 =	rddreg [dreg:$0x1]  }
0x3: {  	s2 =	rddreg [dreg:$0x2]  }
0x4: {  	s3 =	srdreg.scid;
	s4 =	simm.s32 $0x0;
	s12 =	stileid.u32  }
0x5: {  	s20 =	simm.s32 $0x100;
	s21 =	simm.s32 $0x480;
	s22 =	simm.s32 $0x180  }
0x6: {  	s23 =	simm.s32 $0x500;
	s24 =	simm.s32 $0x200;
	s26 =	simm.s32 $0x580  }
0x7: {  	s28 =	simm.s32 $0xE80;
	s29 =	simm.s32 $0xB80;
	s30 =	simm.s32 $0xF00  }
0x8: {  	s31 =	simm.s32 $0xF80;
	[smem:$0x7FF] =	sst s4;
	s14 =	sadd.s32 $0x17800, s0  }
0x9: {  	s3 =	sand.u32 $0x1, s3;
	_ =	strace $0x80000047;
	[dreg:$0x1a] =	wrdreg s14  }
0xa: {  	s8 =	smul.u32 $0x13C00, s12;
	s5 =	sadd.s32 $0x3800, s0;
	[dreg:$0x5] =	wrdreg s20  }
0xb: {  	s6 =	sadd.s32 $0xD800, s0;
	s10 =	smul.u32 $0x4F000, s12;
	[dreg:$0x6] =	wrdreg s21  }
0xc: {  	s18 =	sshll.u32 s12, $0x6;
	s25 =	smul.u32 $0x2800, s12;
	[dreg:$0x7] =	wrdreg s22  }
0xd: {  	s7 =	smul.u32 $0x13C000, s3;
	s15 =	sshll.u32 s3, $0x4;
	[dreg:$0x8] =	wrdreg s23  }
0xe: {  	s9 =	ssub.s32 $0x2, s3;
	s3 =	smul.u32 $0x28000, s3;
	[dreg:$0x9] =	wrdreg s24  }
0xf: {  	[dreg:$0xa] =	wrdreg s26;
	s14 =	simm.s32 $0x300;
	s20 =	simm.s32 $0x900  }
0x10: {  	s21 =	simm.s32 $0xC80;
	s22 =	simm.s32 $0x980;
	[dreg:$0xd] =	wrdreg s14  }
0x11: {  	s23 =	simm.s32 $0xD00;
	s24 =	simm.s32 $0xA00;
	[dreg:$0x13] =	wrdreg s20  }
0x12: {  	s26 =	simm.s32 $0xA80;
	s16 =	sshrl.u32 s9, $0x1;
	[dreg:$0x14] =	wrdreg s21  }
0x13: {  	s17 =	sshrl.u32 s10, $0x2;
	s20 =	simm.s32 $0x80;
	[dreg:$0x15] =	wrdreg s22  }
0x14: {  	s21 =	simm.s32 $0x1000;
	[dreg:$0x16] =	wrdreg s23;
	s22 =	simm.s32 $0x5000  }
0x15: {  	[dreg:$0x17] =	wrdreg s24;
	s23 =	simm.s32 $0x1;
	s24 =	simm.s32 $0x2  }
0x16: {  	[dreg:$0x19] =	wrdreg s26;
	s26 =	simm.s32 $0xB00;
	s7 =	sadd.s32 s8, s7  }
0x17: {  	s8 =	sor.u32 s12, s15;
	s10 =	sadd.s32 s17, s2;
	s3 =	sadd.s32 s25, s3  }
0x18: {  	s15 =	simm.s32 $0x680;
	s17 =	simm.s32 $0x700;
	s25 =	simm.s32 $0xD80  }
0x19: {  	s7 =	sshrl.u32 s7, $0x3;
	s11 =	smul.u32 $0x2800, s8;
	s8 =	sor.u32 $0x1C03, s18  }
0x1a: {  	s3 =	sor.u32 $0x400, s3;
	[dreg:$0xe] =	wrdreg s15;
	s15 =	sshrl.u32 s10, $0x3  }
0x1b: {  	[dreg:$0x10] =	wrdreg s17;
	s18 =	simm.s32 $0x780;
	s17 =	simm.s32 $0x400  }
0x1c: {  	[dreg:$0x18] =	wrdreg s25;
	s25 =	simm.s32 $0xE00;
	s0 =	sadd.s32 s7, s0  }
0x1d: {  	s7 =	ssub.s32 s9, s16;
	s16 =	simm.s32 $0x380;
	[dreg:$0x11] =	wrdreg s18  }
0x1e: {  	s3 =	sshrl.u32 s3, $0x3;
	s19 =	sadd.s32 $0x800, s11;
	[dreg:$0xf] =	wrdreg s16  }
0x1f: {  	s11 =	sshrl.u32 s11, $0x3;
	s0 =	sadd.s32 $0x1A000, s0;
	[dreg:$0x4] =	wrdreg s19  }
0x20: {  	s18 =	simm.s32 $0x800;
	s13 =	sadd.s32 s5, s11;
	[dreg:$0x1d] =	wrdreg s0  }
0x21: {  	s12 =	smax.u32 s7, $0x1;
	s11 =	sadd.s32 s6, s11;
	[dreg:$0x1b] =	wrdreg s13  }
0x22: {  	s7 =	sadd.s32 s3, s6;
	s19 =	simm.s32 $0x880;
	[dreg:$0x1c] =	wrdreg s11  }
0x23: {  	s9 =	sadd.s32 s3, s5;
	s11 =	simm.s32 $0x280;
	[dreg:$0x12] =	wrdreg s19  }
0x24: {  	s16 =	simm.s32 $0x3;
	s13 =	simm.s32 $0x600;
	[dreg:$0xb] =	wrdreg s11  }
0x25: {  	s0 =	simm.s32 $0x0;
	s19 =	simm.s32 $0xC00;
	[dreg:$0xc] =	wrdreg s13  }
.LBB2_1:
0x26: {  	s3 =	rddreg [dreg:$0x1a]  }
0x27: {  	[spmem:s15], [sflag:s8] =	dma.local [hbm:s3], $0x2780  }
0x28: {  	_ =	swait.ge [sflag:s16], $0x2780  }
0x29: {  	[sflag:s16] =	ssyncset.done $0x0  }
0x2a: {  	s14 =	rddreg [dreg:$0x1b];
	[sflag:s16] =	ssyncadd.s32 $0xFFFFD880  }
0x2b: {  	[tilespmem:s4], [sflag:$0x3] =	stream.linear.gather [hbm4b:s14+s4], $0x400, $0x38;
	[tilespmem:$0x1CC00] =	vst v63  }
0x2c: {  	_ =	swait.ge [sflag:s16], $0x400  }
0x2d: {  	[sflag:s16] =	ssyncset.done $0x0  }
0x2e: {  	s10 =	rddreg [dreg:$0x1c];
	[sflag:s16] =	ssyncadd.s32 $0xFFFFFC00  }
0x2f: {  	[tilespmem:s17], [sflag:$0x3] =	stream.linear.gather [hbm4b:s10+s4], $0x400, $0x38;
	[tilespmem:$0x1CC00] =	vst v63  }
0x30: {  	_ =	swait.ge [sflag:s16], $0x400  }
0x31: {  	[sflag:s16] =	ssyncset.done $0x0  }
0x32: {  	[sflag:s16] =	ssyncadd.s32 $0xFFFFFC00  }
0x33: {  	[bflag:$0x0] =	sbarrier.arrive $0xFFFF  }
0x34: {  	[tilespmem:s18], [sflag:$0x2] =	stream.linear.gather [hbm4b:s9+s4], $0x400, $0x38;
	[tilespmem:$0x1CC00] =	vst v63  }
0x35: {  	_ = 	snop  }
0x36: {  	[tilespmem:s19], [sflag:$0x2] =	stream.linear.gather [hbm4b:s7+s4], $0x400, $0x38;
	[tilespmem:$0x1CC00] =	vst v63  }
0x37: {  	_ = 	snop  }
0x38: {  	[tilespmem:s21], [sflag:$0x1] =	stream.indirect.gather [hbm4b:s1+s20], $0x80, s4, s20, $0xb8;
	[tilespmem:$0x1CC00] =	vst v63  }
0x39: {  	_ = 	snop  }
0x3a: {  	[tilespmem:s22], [sflag:$0x1] =	stream.indirect.gather [hbm4b:s1+s20], $0x80, s20, s20, $0xb8;
	[tilespmem:$0x1CC00] =	vst v63  }
0x3b: {  	_ =	swait.ge [sflag:s23], $0x4000  }
0x3c: {  	[sflag:s23] =	ssyncset.done $0x0  }
0x3d: {  	[sflag:s23] =	ssyncadd.s32 $0xFFFFC000  }
0x3e: {  	[spmem:s2] =	stream.indirect.scatter.add.f32 [tilespmem:s21], [sflag:$0x3], $0x80, s17, s20, $0xb8;
	[tilespmem:$0x1CC00] =	vst v63  }
0x3f: {  	_ =	swait.ge [sflag:s16], $0x4000  }
0x40: {  	[sflag:s16] =	ssyncset.done $0x0  }
0x41: {  	s11 =	rddreg [dreg:$0x5];
	[sflag:s16] =	ssyncadd.s32 $0xFFFFC000  }
0x42: {  	[tilespmem:s21], [sflag:$0x1] =	stream.indirect.gather [hbm4b:s1+s20], $0x80, s11, s20, $0xb8;
	[tilespmem:$0x1CC00] =	vst v63  }
0x43: {  	_ =	swait.ge [sflag:s23], $0x4000  }
0x44: {  	[sflag:s23] =	ssyncset.done $0x0  }
0x45: {  	s13 =	rddreg [dreg:$0x6];
	[sflag:s23] =	ssyncadd.s32 $0xFFFFC000  }
0x46: {  	[spmem:s2] =	stream.indirect.scatter.add.f32 [tilespmem:s22], [sflag:$0x3], $0x80, s13, s20, $0xb8;
	[tilespmem:$0x1CC00] =	vst v63  }
0x47: {  	_ =	swait.ge [sflag:s16], $0x4000  }
0x48: {  	[sflag:s16] =	ssyncset.done $0x0  }
0x49: {  	s14 =	rddreg [dreg:$0x7];
	[sflag:s16] =	ssyncadd.s32 $0xFFFFC000  }
0x4a: {  	[tilespmem:s22], [sflag:$0x1] =	stream.indirect.gather [hbm4b:s1+s20], $0x80, s14, s20, $0xb8;
	[tilespmem:$0x1CC00] =	vst v63  }
0x4b: {  	_ =	swait.ge [sflag:s23], $0x4000  }
0x4c: {  	[sflag:s23] =	ssyncset.done $0x0  }
0x4d: {  	s10 =	rddreg [dreg:$0x8];
	[sflag:s23] =	ssyncadd.s32 $0xFFFFC000  }
0x4e: {  	[spmem:s2] =	stream.indirect.scatter.add.f32 [tilespmem:s21], [sflag:$0x3], $0x80, s10, s20, $0xb8;
	[tilespmem:$0x1CC00] =	vst v63  }
0x4f: {  	_ =	swait.ge [sflag:s16], $0x4000  }
0x50: {  	[sflag:s16] =	ssyncset.done $0x0  }
0x51: {  	s11 =	rddreg [dreg:$0x9];
	[sflag:s16] =	ssyncadd.s32 $0xFFFFC000  }
0x52: {  	[tilespmem:s21], [sflag:$0x1] =	stream.indirect.gather [hbm4b:s1+s20], $0x80, s11, s20, $0xb8;
	[tilespmem:$0x1CC00] =	vst v63  }
0x53: {  	_ =	swait.ge [sflag:s23], $0x4000  }
0x54: {  	[sflag:s23] =	ssyncset.done $0x0  }
0x55: {  	s13 =	rddreg [dreg:$0xa];
	[sflag:s23] =	ssyncadd.s32 $0xFFFFC000  }
0x56: {  	[spmem:s2] =	stream.indirect.scatter.add.f32 [tilespmem:s22], [sflag:$0x3], $0x80, s13, s20, $0xb8;
	[tilespmem:$0x1CC00] =	vst v63  }
0x57: {  	_ =	swait.ge [sflag:s16], $0x4000  }
0x58: {  	[sflag:s16] =	ssyncset.done $0x0  }
0x59: {  	s14 =	rddreg [dreg:$0xb];
	[sflag:s16] =	ssyncadd.s32 $0xFFFFC000  }
0x5a: {  	[tilespmem:s22], [sflag:$0x1] =	stream.indirect.gather [hbm4b:s1+s20], $0x80, s14, s20, $0xb8;
	[tilespmem:$0x1CC00] =	vst v63  }
0x5b: {  	_ =	swait.ge [sflag:s23], $0x4000  }
0x5c: {  	[sflag:s23] =	ssyncset.done $0x0  }
0x5d: {  	s10 =	rddreg [dreg:$0xc];
	[sflag:s23] =	ssyncadd.s32 $0xFFFFC000  }
0x5e: {  	[spmem:s2] =	stream.indirect.scatter.add.f32 [tilespmem:s21], [sflag:$0x3], $0x80, s10, s20, $0xb8;
	[tilespmem:$0x1CC00] =	vst v63  }
0x5f: {  	_ =	swait.ge [sflag:s16], $0x4000  }
0x60: {  	[sflag:s16] =	ssyncset.done $0x0  }
0x61: {  	s11 =	rddreg [dreg:$0xd];
	[sflag:s16] =	ssyncadd.s32 $0xFFFFC000  }
0x62: {  	[tilespmem:s21], [sflag:$0x1] =	stream.indirect.gather [hbm4b:s1+s20], $0x80, s11, s20, $0xb8;
	[tilespmem:$0x1CC00] =	vst v63  }
0x63: {  	_ =	swait.ge [sflag:s23], $0x4000  }
0x64: {  	[sflag:s23] =	ssyncset.done $0x0  }
0x65: {  	s13 =	rddreg [dreg:$0xe];
	[sflag:s23] =	ssyncadd.s32 $0xFFFFC000  }
0x66: {  	[spmem:s2] =	stream.indirect.scatter.add.f32 [tilespmem:s22], [sflag:$0x3], $0x80, s13, s20, $0xb8;
	[tilespmem:$0x1CC00] =	vst v63  }
0x67: {  	_ =	swait.ge [sflag:s16], $0x4000  }
0x68: {  	[sflag:s16] =	ssyncset.done $0x0  }
0x69: {  	s14 =	rddreg [dreg:$0xf];
	[sflag:s16] =	ssyncadd.s32 $0xFFFFC000  }
0x6a: {  	[tilespmem:s22], [sflag:$0x1] =	stream.indirect.gather [hbm4b:s1+s20], $0x80, s14, s20, $0xb8;
	[tilespmem:$0x1CC00] =	vst v63  }
0x6b: {  	_ =	swait.ge [sflag:s23], $0x4000  }
0x6c: {  	[sflag:s23] =	ssyncset.done $0x0  }
0x6d: {  	s10 =	rddreg [dreg:$0x10];
	[sflag:s23] =	ssyncadd.s32 $0xFFFFC000  }
0x6e: {  	[spmem:s2] =	stream.indirect.scatter.add.f32 [tilespmem:s21], [sflag:$0x3], $0x80, s10, s20, $0xb8;
	[tilespmem:$0x1CC00] =	vst v63  }
0x6f: {  	_ =	swait.ge [sflag:s16], $0x4000  }
0x70: {  	[sflag:s16] =	ssyncset.done $0x0  }
0x71: {  	[sflag:s16] =	ssyncadd.s32 $0xFFFFC000  }
0x72: {  	_ =	swait.ge [sflag:s23], $0x4000  }
0x73: {  	[sflag:s23] =	ssyncset.done $0x0  }
0x74: {  	s11 =	rddreg [dreg:$0x11];
	[sflag:s23] =	ssyncadd.s32 $0xFFFFC000  }
0x75: {  	[spmem:s2] =	stream.indirect.scatter.add.f32 [tilespmem:s22], [sflag:$0x3], $0x80, s11, s20, $0xb8;
	[tilespmem:$0x1CC00] =	vst v63  }
0x76: {  	_ =	swait.ge [sflag:s16], $0x4000  }
0x77: {  	[sflag:s16] =	ssyncset.done $0x0  }
0x78: {  	[sflag:s16] =	ssyncadd.s32 $0xFFFFC000  }
0x79: {  	_ =	swait.ge [sflag:s24], $0x400  }
0x7a: {  	[sflag:s24] =	ssyncset.done $0x0  }
0x7b: {  	[sflag:s24] =	ssyncadd.s32 $0xFFFFFC00  }
0x7c: {  	s10 =	smin.u32 s4, $0x7;
	_ =	swait.ge [sflag:s24], $0x400  }
0x7d: {  	s10 =	sshll.u32 s10, $0xA;
	s13 =	rddreg [dreg:$0x4]  }
0x7e: {  	s3 =	sadd.s32 s10, s13  }
0x7f: {  	[sflag:s24] =	ssyncset.done $0x0;
	s3 =	sshrl.u32 s3, $0x3  }
0x80: {  	[sflag:s24] =	ssyncadd.s32 $0xFFFFFC00;
	s14 =	sadd.s32 s5, s3  }
0x81: {  	[tilespmem:s4], [sflag:$0x2] =	stream.linear.gather [hbm4b:s14+s4], $0x400, $0x38;
	[tilespmem:$0x1CC00] =	vst v63  }
0x82: {  	s3 =	sadd.s32 s6, s3  }
0x83: {  	[tilespmem:s17], [sflag:$0x2] =	stream.linear.gather [hbm4b:s3+s4], $0x400, $0x38;
	[tilespmem:$0x1CC00] =	vst v63  }
0x84: {  	_ = 	snop  }
0x85: {  	[tilespmem:s21], [sflag:$0x1] =	stream.indirect.gather [hbm4b:s1+s20], $0x80, s18, s20, $0xb8;
	[tilespmem:$0x1CC00] =	vst v63  }
0x86: {  	s10 =	rddreg [dreg:$0x12]  }
0x87: {  	[tilespmem:s22], [sflag:$0x1] =	stream.indirect.gather [hbm4b:s1+s20], $0x80, s10, s20, $0xb8;
	[tilespmem:$0x1CC00] =	vst v63  }
0x88: {  	_ =	swait.ge [sflag:s23], $0x4000  }
0x89: {  	[sflag:s23] =	ssyncset.done $0x0  }
0x8a: {  	[sflag:s23] =	ssyncadd.s32 $0xFFFFC000  }
0x8b: {  	[spmem:s2] =	stream.indirect.scatter.add.f32 [tilespmem:s21], [sflag:$0x3], $0x80, s19, s20, $0xb8;
	[tilespmem:$0x1CC00] =	vst v63  }
0x8c: {  	_ =	swait.ge [sflag:s16], $0x4000  }
0x8d: {  	[sflag:s16] =	ssyncset.done $0x0  }
0x8e: {  	s11 =	rddreg [dreg:$0x13];
	[sflag:s16] =	ssyncadd.s32 $0xFFFFC000  }
0x8f: {  	[tilespmem:s21], [sflag:$0x1] =	stream.indirect.gather [hbm4b:s1+s20], $0x80, s11, s20, $0xb8;
	[tilespmem:$0x1CC00] =	vst v63  }
0x90: {  	_ =	swait.ge [sflag:s23], $0x4000  }
0x91: {  	[sflag:s23] =	ssyncset.done $0x0  }
0x92: {  	s13 =	rddreg [dreg:$0x14];
	[sflag:s23] =	ssyncadd.s32 $0xFFFFC000  }
0x93: {  	[spmem:s2] =	stream.indirect.scatter.add.f32 [tilespmem:s22], [sflag:$0x3], $0x80, s13, s20, $0xb8;
	[tilespmem:$0x1CC00] =	vst v63  }
0x94: {  	_ =	swait.ge [sflag:s16], $0x4000  }
0x95: {  	[sflag:s16] =	ssyncset.done $0x0  }
0x96: {  	s14 =	rddreg [dreg:$0x15];
	[sflag:s16] =	ssyncadd.s32 $0xFFFFC000  }
0x97: {  	[tilespmem:s22], [sflag:$0x1] =	stream.indirect.gather [hbm4b:s1+s20], $0x80, s14, s20, $0xb8;
	[tilespmem:$0x1CC00] =	vst v63  }
0x98: {  	_ =	swait.ge [sflag:s23], $0x4000  }
0x99: {  	[sflag:s23] =	ssyncset.done $0x0  }
0x9a: {  	s10 =	rddreg [dreg:$0x16];
	[sflag:s23] =	ssyncadd.s32 $0xFFFFC000  }
0x9b: {  	[spmem:s2] =	stream.indirect.scatter.add.f32 [tilespmem:s21], [sflag:$0x3], $0x80, s10, s20, $0xb8;
	[tilespmem:$0x1CC00] =	vst v63  }
0x9c: {  	_ =	swait.ge [sflag:s16], $0x4000  }
0x9d: {  	[sflag:s16] =	ssyncset.done $0x0  }
0x9e: {  	s11 =	rddreg [dreg:$0x17];
	[sflag:s16] =	ssyncadd.s32 $0xFFFFC000  }
0x9f: {  	[tilespmem:s21], [sflag:$0x1] =	stream.indirect.gather [hbm4b:s1+s20], $0x80, s11, s20, $0xb8;
	[tilespmem:$0x1CC00] =	vst v63  }
0xa0: {  	_ =	swait.ge [sflag:s23], $0x4000  }
0xa1: {  	[sflag:s23] =	ssyncset.done $0x0  }
0xa2: {  	s13 =	rddreg [dreg:$0x18];
	[sflag:s23] =	ssyncadd.s32 $0xFFFFC000  }
0xa3: {  	[spmem:s2] =	stream.indirect.scatter.add.f32 [tilespmem:s22], [sflag:$0x3], $0x80, s13, s20, $0xb8;
	[tilespmem:$0x1CC00] =	vst v63  }
0xa4: {  	_ =	swait.ge [sflag:s16], $0x4000  }
0xa5: {  	[sflag:s16] =	ssyncset.done $0x0  }
0xa6: {  	s14 =	rddreg [dreg:$0x19];
	[sflag:s16] =	ssyncadd.s32 $0xFFFFC000  }
0xa7: {  	[tilespmem:s22], [sflag:$0x1] =	stream.indirect.gather [hbm4b:s1+s20], $0x80, s14, s20, $0xb8;
	[tilespmem:$0x1CC00] =	vst v63  }
0xa8: {  	_ =	swait.ge [sflag:s23], $0x4000  }
0xa9: {  	[sflag:s23] =	ssyncset.done $0x0  }
0xaa: {  	[sflag:s23] =	ssyncadd.s32 $0xFFFFC000  }
0xab: {  	[spmem:s2] =	stream.indirect.scatter.add.f32 [tilespmem:s21], [sflag:$0x3], $0x80, s25, s20, $0xb8;
	[tilespmem:$0x1CC00] =	vst v63  }
0xac: {  	_ =	swait.ge [sflag:s16], $0x4000  }
0xad: {  	[sflag:s16] =	ssyncset.done $0x0  }
0xae: {  	[sflag:s16] =	ssyncadd.s32 $0xFFFFC000  }
0xaf: {  	[tilespmem:s21], [sflag:$0x1] =	stream.indirect.gather [hbm4b:s1+s20], $0x80, s26, s20, $0xb8;
	[tilespmem:$0x1CC00] =	vst v63  }
0xb0: {  	_ =	swait.ge [sflag:s23], $0x4000  }
0xb1: {  	[sflag:s23] =	ssyncset.done $0x0  }
0xb2: {  	[sflag:s23] =	ssyncadd.s32 $0xFFFFC000  }
0xb3: {  	[spmem:s2] =	stream.indirect.scatter.add.f32 [tilespmem:s22], [sflag:$0x3], $0x80, s28, s20, $0xb8;
	[tilespmem:$0x1CC00] =	vst v63  }
0xb4: {  	_ =	swait.ge [sflag:s16], $0x4000  }
0xb5: {  	[sflag:s16] =	ssyncset.done $0x0  }
0xb6: {  	[sflag:s16] =	ssyncadd.s32 $0xFFFFC000  }
0xb7: {  	[tilespmem:s22], [sflag:$0x1] =	stream.indirect.gather [hbm4b:s1+s20], $0x80, s29, s20, $0xb8;
	[tilespmem:$0x1CC00] =	vst v63  }
0xb8: {  	_ =	swait.ge [sflag:s23], $0x4000  }
0xb9: {  	[sflag:s23] =	ssyncset.done $0x0  }
0xba: {  	[sflag:s23] =	ssyncadd.s32 $0xFFFFC000  }
0xbb: {  	[spmem:s2] =	stream.indirect.scatter.add.f32 [tilespmem:s21], [sflag:$0x3], $0x80, s30, s20, $0xb8;
	[tilespmem:$0x1CC00] =	vst v63  }
0xbc: {  	_ =	swait.ge [sflag:s16], $0x4000  }
0xbd: {  	[sflag:s16] =	ssyncset.done $0x0  }
0xbe: {  	[sflag:s16] =	ssyncadd.s32 $0xFFFFC000  }
0xbf: {  	_ =	swait.ge [sflag:s23], $0x4000  }
0xc0: {  	[sflag:s23] =	ssyncset.done $0x0  }
0xc1: {  	[sflag:s23] =	ssyncadd.s32 $0xFFFFC000  }
0xc2: {  	[spmem:s2] =	stream.indirect.scatter.add.f32 [tilespmem:s22], [sflag:$0x3], $0x80, s31, s20, $0xb8;
	[tilespmem:$0x1CC00] =	vst v63  }
0xc3: {  	_ =	swait.ge [sflag:s16], $0x4000  }
0xc4: {  	[sflag:s16] =	ssyncset.done $0x0  }
0xc5: {  	[sflag:s16] =	ssyncadd.s32 $0xFFFFC000  }
0xc6: {  	_ =	swait.ge [sflag:s24], $0x400  }
0xc7: {  	[sflag:s24] =	ssyncset.done $0x0  }
0xc8: {  	[sflag:s24] =	ssyncadd.s32 $0xFFFFFC00  }
0xc9: {  	s3 =	simm.s32 $0x2;
	_ =	swait.ge [sflag:s24], $0x400  }
0xca: {  	s13 =	smov.u32 s7;
	s14 =	smov.u32 s9;
	[sflag:s24] =	ssyncset.done $0x0  }
.LBB2_2:
0xcb: {  	[sflag:s24] =	ssyncadd.s32 $0xFFFFFC00;
	s14 =	sadd.s32 $0x100, s14  }
0xcc: {  	[tilespmem:s18], [sflag:$0x2] =	stream.linear.gather [hbm4b:s14+s4], $0x400, $0x38;
	[tilespmem:$0x1CC00] =	vst v63  }
0xcd: {  	s13 =	sadd.s32 $0x100, s13  }
0xce: {  	[tilespmem:s19], [sflag:$0x2] =	stream.linear.gather [hbm4b:s13+s4], $0x400, $0x38;
	[tilespmem:$0x1CC00] =	vst v63  }
0xcf: {  	_ = 	snop  }
0xd0: {  	[tilespmem:s21], [sflag:$0x1] =	stream.indirect.gather [hbm4b:s1+s20], $0x80, s4, s20, $0xb8;
	[tilespmem:$0x1CC00] =	vst v63  }
0xd1: {  	_ = 	snop  }
0xd2: {  	[tilespmem:s22], [sflag:$0x1] =	stream.indirect.gather [hbm4b:s1+s20], $0x80, s20, s20, $0xb8;
	[tilespmem:$0x1CC00] =	vst v63  }
0xd3: {  	_ =	swait.ge [sflag:s23], $0x4000  }
0xd4: {  	[sflag:s23] =	ssyncset.done $0x0  }
0xd5: {  	[sflag:s23] =	ssyncadd.s32 $0xFFFFC000  }
0xd6: {  	[spmem:s2] =	stream.indirect.scatter.add.f32 [tilespmem:s21], [sflag:$0x3], $0x80, s17, s20, $0xb8;
	[tilespmem:$0x1CC00] =	vst v63  }
0xd7: {  	_ =	swait.ge [sflag:s16], $0x4000  }
0xd8: {  	[sflag:s16] =	ssyncset.done $0x0  }
0xd9: {  	s11 =	rddreg [dreg:$0x5];
	[sflag:s16] =	ssyncadd.s32 $0xFFFFC000  }
0xda: {  	[tilespmem:s21], [sflag:$0x1] =	stream.indirect.gather [hbm4b:s1+s20], $0x80, s11, s20, $0xb8;
	[tilespmem:$0x1CC00] =	vst v63  }
0xdb: {  	_ =	swait.ge [sflag:s23], $0x4000  }
0xdc: {  	[sflag:s23] =	ssyncset.done $0x0  }
0xdd: {  	s11 =	rddreg [dreg:$0x6];
	[sflag:s23] =	ssyncadd.s32 $0xFFFFC000  }
0xde: {  	[spmem:s2] =	stream.indirect.scatter.add.f32 [tilespmem:s22], [sflag:$0x3], $0x80, s11, s20, $0xb8;
	[tilespmem:$0x1CC00] =	vst v63  }
0xdf: {  	_ =	swait.ge [sflag:s16], $0x4000  }
0xe0: {  	[sflag:s16] =	ssyncset.done $0x0  }
0xe1: {  	s11 =	rddreg [dreg:$0x7];
	[sflag:s16] =	ssyncadd.s32 $0xFFFFC000  }
0xe2: {  	[tilespmem:s22], [sflag:$0x1] =	stream.indirect.gather [hbm4b:s1+s20], $0x80, s11, s20, $0xb8;
	[tilespmem:$0x1CC00] =	vst v63  }
0xe3: {  	_ =	swait.ge [sflag:s23], $0x4000  }
0xe4: {  	[sflag:s23] =	ssyncset.done $0x0  }
0xe5: {  	s11 =	rddreg [dreg:$0x8];
	[sflag:s23] =	ssyncadd.s32 $0xFFFFC000  }
0xe6: {  	[spmem:s2] =	stream.indirect.scatter.add.f32 [tilespmem:s21], [sflag:$0x3], $0x80, s11, s20, $0xb8;
	[tilespmem:$0x1CC00] =	vst v63  }
0xe7: {  	_ =	swait.ge [sflag:s16], $0x4000  }
0xe8: {  	[sflag:s16] =	ssyncset.done $0x0  }
0xe9: {  	s11 =	rddreg [dreg:$0x9];
	[sflag:s16] =	ssyncadd.s32 $0xFFFFC000  }
0xea: {  	[tilespmem:s21], [sflag:$0x1] =	stream.indirect.gather [hbm4b:s1+s20], $0x80, s11, s20, $0xb8;
	[tilespmem:$0x1CC00] =	vst v63  }
0xeb: {  	_ =	swait.ge [sflag:s23], $0x4000  }
0xec: {  	[sflag:s23] =	ssyncset.done $0x0  }
0xed: {  	s11 =	rddreg [dreg:$0xa];
	[sflag:s23] =	ssyncadd.s32 $0xFFFFC000  }
0xee: {  	[spmem:s2] =	stream.indirect.scatter.add.f32 [tilespmem:s22], [sflag:$0x3], $0x80, s11, s20, $0xb8;
	[tilespmem:$0x1CC00] =	vst v63  }
0xef: {  	_ =	swait.ge [sflag:s16], $0x4000  }
0xf0: {  	[sflag:s16] =	ssyncset.done $0x0  }
0xf1: {  	s11 =	rddreg [dreg:$0xb];
	[sflag:s16] =	ssyncadd.s32 $0xFFFFC000  }
0xf2: {  	[tilespmem:s22], [sflag:$0x1] =	stream.indirect.gather [hbm4b:s1+s20], $0x80, s11, s20, $0xb8;
	[tilespmem:$0x1CC00] =	vst v63  }
0xf3: {  	_ =	swait.ge [sflag:s23], $0x4000  }
0xf4: {  	[sflag:s23] =	ssyncset.done $0x0  }
0xf5: {  	s11 =	rddreg [dreg:$0xc];
	[sflag:s23] =	ssyncadd.s32 $0xFFFFC000  }
0xf6: {  	[spmem:s2] =	stream.indirect.scatter.add.f32 [tilespmem:s21], [sflag:$0x3], $0x80, s11, s20, $0xb8;
	[tilespmem:$0x1CC00] =	vst v63  }
0xf7: {  	_ =	swait.ge [sflag:s16], $0x4000  }
0xf8: {  	[sflag:s16] =	ssyncset.done $0x0  }
0xf9: {  	s11 =	rddreg [dreg:$0xd];
	[sflag:s16] =	ssyncadd.s32 $0xFFFFC000  }
0xfa: {  	[tilespmem:s21], [sflag:$0x1] =	stream.indirect.gather [hbm4b:s1+s20], $0x80, s11, s20, $0xb8;
	[tilespmem:$0x1CC00] =	vst v63  }
0xfb: {  	_ =	swait.ge [sflag:s23], $0x4000  }
0xfc: {  	[sflag:s23] =	ssyncset.done $0x0  }
0xfd: {  	s11 =	rddreg [dreg:$0xe];
	[sflag:s23] =	ssyncadd.s32 $0xFFFFC000  }
0xfe: {  	[spmem:s2] =	stream.indirect.scatter.add.f32 [tilespmem:s22], [sflag:$0x3], $0x80, s11, s20, $0xb8;
	[tilespmem:$0x1CC00] =	vst v63  }
0xff: {  	_ =	swait.ge [sflag:s16], $0x4000  }
0x100: {  	[sflag:s16] =	ssyncset.done $0x0  }
0x101: {  	s11 =	rddreg [dreg:$0xf];
	[sflag:s16] =	ssyncadd.s32 $0xFFFFC000  }
0x102: {  	[tilespmem:s22], [sflag:$0x1] =	stream.indirect.gather [hbm4b:s1+s20], $0x80, s11, s20, $0xb8;
	[tilespmem:$0x1CC00] =	vst v63  }
0x103: {  	_ =	swait.ge [sflag:s23], $0x4000  }
0x104: {  	[sflag:s23] =	ssyncset.done $0x0  }
0x105: {  	s11 =	rddreg [dreg:$0x10];
	[sflag:s23] =	ssyncadd.s32 $0xFFFFC000  }
0x106: {  	[spmem:s2] =	stream.indirect.scatter.add.f32 [tilespmem:s21], [sflag:$0x3], $0x80, s11, s20, $0xb8;
	[tilespmem:$0x1CC00] =	vst v63  }
0x107: {  	_ =	swait.ge [sflag:s16], $0x4000  }
0x108: {  	[sflag:s16] =	ssyncset.done $0x0  }
0x109: {  	[sflag:s16] =	ssyncadd.s32 $0xFFFFC000  }
0x10a: {  	_ =	swait.ge [sflag:s23], $0x4000  }
0x10b: {  	[sflag:s23] =	ssyncset.done $0x0  }
0x10c: {  	s11 =	rddreg [dreg:$0x11];
	[sflag:s23] =	ssyncadd.s32 $0xFFFFC000  }
0x10d: {  	[spmem:s2] =	stream.indirect.scatter.add.f32 [tilespmem:s22], [sflag:$0x3], $0x80, s11, s20, $0xb8;
	[tilespmem:$0x1CC00] =	vst v63  }
0x10e: {  	_ =	swait.ge [sflag:s16], $0x4000  }
0x10f: {  	[sflag:s16] =	ssyncset.done $0x0  }
0x110: {  	[sflag:s16] =	ssyncadd.s32 $0xFFFFC000  }
0x111: {  	_ =	swait.ge [sflag:s24], $0x400  }
0x112: {  	[sflag:s24] =	ssyncset.done $0x0  }
0x113: {  	s10 =	smov.u32 s3;
	[sflag:s24] =	ssyncadd.s32 $0xFFFFFC00  }
0x114: {  	s10 =	smin.u32 s10, $0x7;
	_ =	swait.ge [sflag:s24], $0x400  }
0x115: {  	s10 =	sshll.u32 s10, $0xA;
	s11 =	rddreg [dreg:$0x4]  }
0x116: {  	s10 =	sadd.s32 s10, s11  }
0x117: {  	[sflag:s24] =	ssyncset.done $0x0;
	s10 =	sshrl.u32 s10, $0x3  }
0x118: {  	[sflag:s24] =	ssyncadd.s32 $0xFFFFFC00;
	s11 =	sadd.s32 s5, s10  }
0x119: {  	[tilespmem:s4], [sflag:$0x2] =	stream.linear.gather [hbm4b:s11+s4], $0x400, $0x38;
	[tilespmem:$0x1CC00] =	vst v63  }
0x11a: {  	s10 =	sadd.s32 s6, s10  }
0x11b: {  	[tilespmem:s17], [sflag:$0x2] =	stream.linear.gather [hbm4b:s10+s4], $0x400, $0x38;
	[tilespmem:$0x1CC00] =	vst v63  }
0x11c: {  	_ = 	snop  }
0x11d: {  	[tilespmem:s21], [sflag:$0x1] =	stream.indirect.gather [hbm4b:s1+s20], $0x80, s18, s20, $0xb8;
	[tilespmem:$0x1CC00] =	vst v63  }
0x11e: {  	s11 =	rddreg [dreg:$0x12]  }
0x11f: {  	[tilespmem:s22], [sflag:$0x1] =	stream.indirect.gather [hbm4b:s1+s20], $0x80, s11, s20, $0xb8;
	[tilespmem:$0x1CC00] =	vst v63  }
0x120: {  	_ =	swait.ge [sflag:s23], $0x4000  }
0x121: {  	[sflag:s23] =	ssyncset.done $0x0  }
0x122: {  	[sflag:s23] =	ssyncadd.s32 $0xFFFFC000  }
0x123: {  	[spmem:s2] =	stream.indirect.scatter.add.f32 [tilespmem:s21], [sflag:$0x3], $0x80, s19, s20, $0xb8;
	[tilespmem:$0x1CC00] =	vst v63  }
0x124: {  	_ =	swait.ge [sflag:s16], $0x4000  }
0x125: {  	[sflag:s16] =	ssyncset.done $0x0  }
0x126: {  	s11 =	rddreg [dreg:$0x13];
	[sflag:s16] =	ssyncadd.s32 $0xFFFFC000  }
0x127: {  	[tilespmem:s21], [sflag:$0x1] =	stream.indirect.gather [hbm4b:s1+s20], $0x80, s11, s20, $0xb8;
	[tilespmem:$0x1CC00] =	vst v63  }
0x128: {  	_ =	swait.ge [sflag:s23], $0x4000  }
0x129: {  	[sflag:s23] =	ssyncset.done $0x0  }
0x12a: {  	s11 =	rddreg [dreg:$0x14];
	[sflag:s23] =	ssyncadd.s32 $0xFFFFC000  }
0x12b: {  	[spmem:s2] =	stream.indirect.scatter.add.f32 [tilespmem:s22], [sflag:$0x3], $0x80, s11, s20, $0xb8;
	[tilespmem:$0x1CC00] =	vst v63  }
0x12c: {  	_ =	swait.ge [sflag:s16], $0x4000  }
0x12d: {  	[sflag:s16] =	ssyncset.done $0x0  }
0x12e: {  	s11 =	rddreg [dreg:$0x15];
	[sflag:s16] =	ssyncadd.s32 $0xFFFFC000  }
0x12f: {  	[tilespmem:s22], [sflag:$0x1] =	stream.indirect.gather [hbm4b:s1+s20], $0x80, s11, s20, $0xb8;
	[tilespmem:$0x1CC00] =	vst v63  }
0x130: {  	_ =	swait.ge [sflag:s23], $0x4000  }
0x131: {  	[sflag:s23] =	ssyncset.done $0x0  }
0x132: {  	s11 =	rddreg [dreg:$0x16];
	[sflag:s23] =	ssyncadd.s32 $0xFFFFC000  }
0x133: {  	[spmem:s2] =	stream.indirect.scatter.add.f32 [tilespmem:s21], [sflag:$0x3], $0x80, s11, s20, $0xb8;
	[tilespmem:$0x1CC00] =	vst v63  }
0x134: {  	_ =	swait.ge [sflag:s16], $0x4000  }
0x135: {  	[sflag:s16] =	ssyncset.done $0x0  }
0x136: {  	s11 =	rddreg [dreg:$0x17];
	[sflag:s16] =	ssyncadd.s32 $0xFFFFC000  }
0x137: {  	[tilespmem:s21], [sflag:$0x1] =	stream.indirect.gather [hbm4b:s1+s20], $0x80, s11, s20, $0xb8;
	[tilespmem:$0x1CC00] =	vst v63  }
0x138: {  	_ =	swait.ge [sflag:s23], $0x4000  }
0x139: {  	[sflag:s23] =	ssyncset.done $0x0  }
0x13a: {  	s11 =	rddreg [dreg:$0x18];
	[sflag:s23] =	ssyncadd.s32 $0xFFFFC000  }
0x13b: {  	[spmem:s2] =	stream.indirect.scatter.add.f32 [tilespmem:s22], [sflag:$0x3], $0x80, s11, s20, $0xb8;
	[tilespmem:$0x1CC00] =	vst v63  }
0x13c: {  	_ =	swait.ge [sflag:s16], $0x4000  }
0x13d: {  	[sflag:s16] =	ssyncset.done $0x0  }
0x13e: {  	s11 =	rddreg [dreg:$0x19];
	[sflag:s16] =	ssyncadd.s32 $0xFFFFC000  }
0x13f: {  	[tilespmem:s22], [sflag:$0x1] =	stream.indirect.gather [hbm4b:s1+s20], $0x80, s11, s20, $0xb8;
	[tilespmem:$0x1CC00] =	vst v63  }
0x140: {  	_ =	swait.ge [sflag:s23], $0x4000  }
0x141: {  	[sflag:s23] =	ssyncset.done $0x0  }
0x142: {  	[sflag:s23] =	ssyncadd.s32 $0xFFFFC000  }
0x143: {  	[spmem:s2] =	stream.indirect.scatter.add.f32 [tilespmem:s21], [sflag:$0x3], $0x80, s25, s20, $0xb8;
	[tilespmem:$0x1CC00] =	vst v63  }
0x144: {  	_ =	swait.ge [sflag:s16], $0x4000  }
0x145: {  	[sflag:s16] =	ssyncset.done $0x0  }
0x146: {  	[sflag:s16] =	ssyncadd.s32 $0xFFFFC000  }
0x147: {  	[tilespmem:s21], [sflag:$0x1] =	stream.indirect.gather [hbm4b:s1+s20], $0x80, s26, s20, $0xb8;
	[tilespmem:$0x1CC00] =	vst v63  }
0x148: {  	_ =	swait.ge [sflag:s23], $0x4000  }
0x149: {  	[sflag:s23] =	ssyncset.done $0x0  }
0x14a: {  	[sflag:s23] =	ssyncadd.s32 $0xFFFFC000  }
0x14b: {  	[spmem:s2] =	stream.indirect.scatter.add.f32 [tilespmem:s22], [sflag:$0x3], $0x80, s28, s20, $0xb8;
	[tilespmem:$0x1CC00] =	vst v63  }
0x14c: {  	_ =	swait.ge [sflag:s16], $0x4000  }
0x14d: {  	[sflag:s16] =	ssyncset.done $0x0  }
0x14e: {  	[sflag:s16] =	ssyncadd.s32 $0xFFFFC000  }
0x14f: {  	[tilespmem:s22], [sflag:$0x1] =	stream.indirect.gather [hbm4b:s1+s20], $0x80, s29, s20, $0xb8;
	[tilespmem:$0x1CC00] =	vst v63  }
0x150: {  	_ =	swait.ge [sflag:s23], $0x4000  }
0x151: {  	[sflag:s23] =	ssyncset.done $0x0  }
0x152: {  	[sflag:s23] =	ssyncadd.s32 $0xFFFFC000  }
0x153: {  	[spmem:s2] =	stream.indirect.scatter.add.f32 [tilespmem:s21], [sflag:$0x3], $0x80, s30, s20, $0xb8;
	[tilespmem:$0x1CC00] =	vst v63  }
0x154: {  	_ =	swait.ge [sflag:s16], $0x4000  }
0x155: {  	[sflag:s16] =	ssyncset.done $0x0  }
0x156: {  	[sflag:s16] =	ssyncadd.s32 $0xFFFFC000  }
0x157: {  	_ =	swait.ge [sflag:s23], $0x4000  }
0x158: {  	[sflag:s23] =	ssyncset.done $0x0  }
0x159: {  	[sflag:s23] =	ssyncadd.s32 $0xFFFFC000  }
0x15a: {  	[spmem:s2] =	stream.indirect.scatter.add.f32 [tilespmem:s22], [sflag:$0x3], $0x80, s31, s20, $0xb8;
	[tilespmem:$0x1CC00] =	vst v63  }
0x15b: {  	_ =	swait.ge [sflag:s16], $0x4000  }
0x15c: {  	[sflag:s16] =	ssyncset.done $0x0  }
0x15d: {  	p0 =	sne.s32 s3, $0x8;
	[sflag:s16] =	ssyncadd.s32 $0xFFFFC000  }
.Ltmp0:
0x15e: {  	_ =	swait.ge [sflag:s24], $0x400;
	(pc) =	sbr.rel @p0 .LBB2_2-.Ltmp0, $4  }
0x15f: {  	[sflag:s24] =	ssyncset.done $0x0  }
0x160: {  	[sflag:s24] =	ssyncadd.s32 $0xFFFFFC00  }
0x161: {  	_ =	swait.ge [sflag:s24], $0x400  }
0x162: {  	s3 =	sadd.s32 $0x2, s3;
	[sflag:s24] =	ssyncset.done $0x0  }
0x163: {  	[sflag:s24] =	ssyncadd.s32 $0xFFFFFC00;
	s0 =	sadd.s32 $0x1, s0  }
0x164: {  	[bflag:$0x0] =	sbarrier.arrive $0xFFFF;
	p0 =	sne.s32 s0, s12  }
.Ltmp1:
0x165: {  	s3 =	rddreg [dreg:$0x1d];
	(pc) =	sbr.rel @p0 .LBB2_1-.Ltmp1, $4  }
0x166: {  	[hbm:s3], [sflag:s8] =	dma.local [spmem:s15], $0x2780  }
0x167: {  	_ =	swait.ge [sflag:s16], $0x2780  }
0x168: {  	[sflag:s16] =	ssyncset.done $0x0  }
0x169: {  	[sflag:s16] =	ssyncadd.s32 $0xFFFFD880  }
0x16a: {  	_ =	sfence.sel $0x180000  }
0x16b: {  	[bflag:$0x0] =	sbarrier.arrive $0xFFFF  }
0x16c: {  	_ =	strace $0x90000047  }
0x16d: {  	s0 =	stileid.u32;
	[bflag:$0x2] =	sbarrier.arrive $0xFFFF  }
0x16e: {  	p0 =	sne.s32 s0, $0x0;
	s0 =	rddreg [dreg:$0x3]  }
0x16f: {  	s0 =	sadd.s32 @!p0 $0x100000, s0  }
0x170: {  	[sflag:s0] =	ssyncadd.tile.s32 @!p0 $0x1;
	_ =	shalt  }
.Lfunc_end2:
_tile_overlayer_lowered:
.L_overlay_start_2:
0x171: {  	(tag) =	ssettag $0x2  }
0x172: {  	s0 =	rddreg [dreg:$0x0];
	s2 =	stileid.u32  }
0x173: {  	s1 =	rddreg [dreg:$0x1];
	p0 =	sne.s32 s2, $0x0  }
0x174: {  	s3 =	rddreg [dreg:$0x2];
	[bflag:$0x3] =	sbarrier.arrive $0xFFFF;
	s2 =	simm.s32 @!p0 $0x1C03  }
0x175: {  	[timem:s3], [sflag:s2] =	dma.local @!p0 [hbm:s0], s1  }
0x176: {  	s0 =	simm.s32 @!p0 $0x3  }
0x177: {  	_ =	swait.ge @!p0 [sflag:s0], s1  }
0x178: {  	s1 =	ssub.s32 @!p0 $0x0, s1;
	[sflag:s0] =	ssyncset.done @!p0 $0x0  }
0x179: {  	[sflag:s0] =	ssyncadd.s32 @!p0 s1  }
0x17a: {  	[bflag:$0x3] =	sbarrier.arrive $0xFFFF  }
0x17b: {  	_ =	shalt  }

// kernel: kernel.15.cloned.1.call-start
scs
__scs_entry_jumppad:
0x0: {  	(pc) =	sbr.rel $0x88, $3  }
0x1: {  	(tag) =	ssettag $0x0;
	lr =	simm.s32 $0x1  }
0x2: {  	[smem:$0x3F93] =	sst lr;
	_ =	strace $0xD0000000  }
0x3: {  	_ = 	snop  }
0x4: {  	_ = 	snop  }
0x5: {  	_ = 	snop  }
0x6: {  	_ = 	snop  }
0x7: {  	_ = 	snop  }
__scs_overlays_trampoline_lowered:
0x8: {  	[smem:$0x3FA2] =	sst s0  }
0x9: {  	[smem:$0x3FA3] =	sst s1  }
0xa: {  	[smem:$0x3FA4] =	sst s2  }
0xb: {  	[smem:$0x3FA5] =	sst s3  }
0xc: {  	[smem:$0x3FA6] =	sst s4  }
0xd: {  	[smem:$0x3FA7] =	sst s5  }
0xe: {  	[smem:$0x3FA8] =	sst s6  }
0xf: {  	[smem:$0x3FA9] =	sst s7  }
0x10: {  	[smem:$0x3FAA] =	sst s8  }
0x11: {  	[smem:$0x3FAB] =	sst s9;
	s0 =	simm.s32 @!p0 $0x0  }
0x12: {  	s1 =	sld [smem:$0x3F91];
	s0 =	simm.s32 @p0 $0x1  }
0x13: {  	[smem:$0x3FAC] =	sst s0;
	s0 =	simm.s32 @!p1 $0x0  }
0x14: {  	s2 =	sld [smem:$0x3F90];
	s0 =	simm.s32 @p1 $0x1  }
0x15: {  	[smem:$0x3FAD] =	sst s0;
	s0 =	simm.s32 @!p2 $0x0  }
0x16: {  	s3 =	sld [smem:$0x3FDB];
	s0 =	simm.s32 @p2 $0x1  }
0x17: {  	s4 =	simm.s32 $0x1BF5;
	[smem:$0x3FAF] =	sst s0  }
0x18: {  	s0 =	sld [smem:$0x3F92];
	_ =	swait.ge [sflag:s4], $0x0  }
0x19: {  	s7 =	sld [smem:$0x3F93]  }
0x1a: {  	s8 =	sadd.s32 $0xFFFFE003, lr  }
0x1b: {  	s9 =	sadd.s32 $0xFFFFFEF7, lr;
	s5 =	simm.s32 $0xFFFFFFFF;
	p2 =	slt.u32 s8, $0xFFFFF086  }
0x1c: {  	p1 =	slt.u32 s9, $0xF7A;
	s5 =	simm.s32 @!p2 $0x0  }
0x1d: {  	s5 =	simm.s32 @p1 $0x1;
	p0 =	seq.s32 s7, s2  }
0x1e: {  	s7 =	smul.u32 @!p0 $0xF7A, s2;
	p2 =	seq.s32 @!p0 s5, $0x0  }
0x1f: {  	s9 =	smul.u32 $0xF7A, s1;
	s8 =	simm.s32 @!p0 $0x1BF5;
	p2 =	por !p2, p0  }
0x20: {  	[sflag:s8] =	ssyncset.s32 @!p0 $0xFFFFF086;
	s6 =	sadd.s32 @!p0 s3, s7;
	s7 =	simm.s32 @!p0 $0x108  }
0x21: {  	s3 =	sadd.s32 s3, s9;
	s6 =	sadd.s32 @!p0 $0x88, s6;
	s7 =	simm.s32 @p2 $0x1082  }
0x22: {  	[simem:s7], [sflag:s8] =	dma.local @!p0 [hbm:s6], $0xF7A  }
0x23: {  	s9 =	sor.u32 $0xD0000000, s2;
	s6 =	simm.s32 $0x108;
	_ =	swait.ge @!p0 [sflag:s8], $0x0  }
0x24: {  	s3 =	sadd.s32 $0x88, s3;
	s6 =	simm.s32 @!p1 $0x1082;
	[sflag:s4] =	ssyncset.s32 $0xFFFFF086  }
0x25: {  	[simem:s6], [sflag:s4] =	dma.local [hbm:s3], $0xF7A  }
0x26: {  	[smem:$0x3F93] =	sst s1;
	(tag) =	ssettag s2;
	_ =	strace s9  }
0x27: {  	s1 =	sld [smem:$0x3FA3]  }
0x28: {  	s2 =	sld [smem:$0x3FA4]  }
0x29: {  	s4 =	sld [smem:$0x3FA6]  }
0x2a: {  	p0 =	seq.s32 s5, $0x0;
	s5 =	sld [smem:$0x3FA7]  }
0x2b: {  	s6 =	sld [smem:$0x3FA8]  }
0x2c: {  	s7 =	sld [smem:$0x3FA9]  }
0x2d: {  	s3 =	simm.s32 $0x108;
	s8 =	sld [smem:$0x3FAA]  }
0x2e: {  	s3 =	simm.s32 @!p0 $0x1082;
	s9 =	sld [smem:$0x3FAB]  }
0x2f: {  	lr =	sadd.s32 s0, s3;
	s0 =	sld [smem:$0x3FA2]  }
0x30: {  	s3 =	sld [smem:$0x3FA5]  }
0x31: {  	[smem:$0x3FAE] =	sst s10  }
0x32: {  	s10 =	sld [smem:$0x3FAC];
	_ =	sdelay $0x3  }
0x33: {  	p0 =	seq.s32 s10, $0x1;
	s10 =	sld [smem:$0x3FAE];
	_ =	sdelay $0x3  }
0x34: {  	[smem:$0x3FAE] =	sst s10  }
0x35: {  	s10 =	sld [smem:$0x3FAD];
	_ =	sdelay $0x3  }
0x36: {  	p1 =	seq.s32 s10, $0x1;
	s10 =	sld [smem:$0x3FAE];
	_ =	sdelay $0x3  }
0x37: {  	[smem:$0x3FAE] =	sst s10  }
0x38: {  	s10 =	sld [smem:$0x3FAF]  }
0x39: {  	_ = 	snop;
	(pc) =	sbr.ind lr, $3  }
0x3a: {  	_ = 	snop  }
0x3b: {  	_ = 	snop  }
0x3c: {  	p2 =	seq.s32 s10, $0x1;
	s10 =	sld [smem:$0x3FAE]  }
0x3d: {  	_ =	shalt  }
0x3e: {  	_ =	shalt  }
0x3f: {  	_ =	shalt  }
0x40: {  	_ =	shalt  }
0x41: {  	_ =	shalt  }
0x42: {  	_ =	shalt  }
0x43: {  	_ =	shalt  }
0x44: {  	_ =	shalt  }
0x45: {  	_ =	shalt  }
0x46: {  	_ =	shalt  }
0x47: {  	_ =	shalt  }
0x48: {  	_ =	shalt  }
0x49: {  	_ =	shalt  }
0x4a: {  	_ =	shalt  }
0x4b: {  	_ =	shalt  }
0x4c: {  	_ =	shalt  }
0x4d: {  	_ =	shalt  }
0x4e: {  	_ =	shalt  }
0x4f: {  	_ =	shalt  }
0x50: {  	_ =	shalt  }
0x51: {  	_ =	shalt  }
0x52: {  	_ =	shalt  }
0x53: {  	_ =	shalt  }
0x54: {  	_ =	shalt  }
0x55: {  	_ =	shalt  }
0x56: {  	_ =	shalt  }
0x57: {  	_ =	shalt  }
0x58: {  	_ =	shalt  }
0x59: {  	_ =	shalt  }
0x5a: {  	_ =	shalt  }
0x5b: {  	_ =	shalt  }
0x5c: {  	_ =	shalt  }
0x5d: {  	_ =	shalt  }
0x5e: {  	_ =	shalt  }
0x5f: {  	_ =	shalt  }
0x60: {  	_ =	shalt  }
0x61: {  	_ =	shalt  }
0x62: {  	_ =	shalt  }
0x63: {  	_ =	shalt  }
0x64: {  	_ =	shalt  }
0x65: {  	_ =	shalt  }
0x66: {  	_ =	shalt  }
0x67: {  	_ =	shalt  }
0x68: {  	_ =	shalt  }
0x69: {  	_ =	shalt  }
0x6a: {  	_ =	shalt  }
0x6b: {  	_ =	shalt  }
0x6c: {  	_ =	shalt  }
0x6d: {  	_ =	shalt  }
0x6e: {  	_ =	shalt  }
0x6f: {  	_ =	shalt  }
0x70: {  	_ =	shalt  }
0x71: {  	_ =	shalt  }
0x72: {  	_ =	shalt  }
0x73: {  	_ =	shalt  }
0x74: {  	_ =	shalt  }
0x75: {  	_ =	shalt  }
0x76: {  	_ =	shalt  }
0x77: {  	_ =	shalt  }
0x78: {  	_ =	shalt  }
0x79: {  	_ =	shalt  }
0x7a: {  	_ =	shalt  }
0x7b: {  	_ =	shalt  }
0x7c: {  	_ =	shalt  }
0x7d: {  	_ =	shalt  }
0x7e: {  	_ =	shalt  }
0x7f: {  	_ =	shalt  }
0x80: {  	_ =	shalt  }
0x81: {  	_ =	shalt  }
0x82: {  	_ =	shalt  }
0x83: {  	_ =	shalt  }
0x84: {  	_ =	shalt  }
0x85: {  	_ =	shalt  }
0x86: {  	_ =	shalt  }
0x87: {  	_ =	shalt  }
.Lfunc_end0:
.L_simem_size_0:
called_computation.2_lowered:
.L_overlay_start_0:
0x88: {  	s2 =	sld [smem:$0x3FD9]  }
0x89: {  	s3 =	sld [smem:$0x3FFE];
	_ =	sdelay $0x1  }
0x8a: {  	s1 =	srdreg.scid  }
0x8b: {  	s0 =	sand.u32 $0x1, s1  }
0x8c: {  	s16 =	sshll.u32 s0, $0xA;
	s2 =	sadd.s32 s3, s2  }
0x8d: {  	s2 =	sadd.s32 s2, s16  }
0x8e: {  	[smem:$0x3FBA] =	sst s2  }
0x8f: {  	_ = 	snop  }
0x90: {  	(tm) =	ssettm $0x1  }
0x91: {  	s17 =	sld [smem:$0x3FFB];
	_ =	sdelay $0x3  }
0x92: {  	_ =	strace s17  }
0x93: {  	s2 =	sld [smem:$0x3FFC];
	_ =	sdelay $0x3  }
0x94: {  	_ =	strace s2  }
0x95: {  	s2 =	sld [smem:$0x3FFD];
	_ =	sdelay $0x3  }
0x96: {  	_ =	strace s2  }
0x97: {  	_ =	strace $0x8FFFFFFF  }
0x98: {  	s18 =	sld [smem:$0x3FDB];
	_ =	sdelay $0x1  }
0x99: {  	s19 =	simm.s32 $_scs_section_size  }
0x9a: {  	s4 =	simm.s32 $_size__tile_overlayer_lowered;
	s5 =	simm.s32 $_tile_overlayer_lowered  }
0x9b: {  	s22 =	simm.s32 $0x1BFF;
	s21 =	sshll.u32 s5, $0x1;
	s2 =	sadd.s32 s19, s18  }
0x9c: {  	s6 =	simm.s32 $0x0;
	s20 =	sshll.u32 s4, $0x1;
	s4 =	sadd.s32 s21, s2  }
0x9d: {  	[timem:s6], [sflag:s22] =	dma.local [hbm:s4], s20  }
0x9e: {  	_ =	swait.ge [sflag:s22], s20  }
0x9f: {  	s3 =	ssub.s32 $0x0, s20;
	[sflag:s22] =	ssyncset.done $0x0  }
0xa0: {  	[sflag:s22] =	ssyncadd.s32 s3;
	_ =	sdelay $0x1  }
0xa1: {  	s23 =	simm.s32 $0x1B8B  }
0xa2: {  	_ =	swait.ge [sflag:s23], $0x1  }
0xa3: {  	[sflag:s23] =	ssyncset.done $0x0  }
0xa4: {  	s25 =	simm.s32 $0x1B8E;
	s24 =	sld [smem:$0x3FFE];
	[sflag:s23] =	ssyncadd.s32 $0xFFFFFFFF  }
0xa5: {  	s26 =	simm.s32 $execute0_lowered;
	[smem:$0x3FD2] =	sst s25  }
0xa6: {  	s4 =	sshll.u32 s26, $0x1;
	_ =	strace $0x8000004C;
	[dreg:$0x1] =	wrdreg $0xFFFFFFFF  }
0xa7: {  	s28 =	simm.s32 $_size_execute0_lowered;
	s2 =	sadd.s32 s2, s4;
	[dreg:$0x0] =	wrdreg $0x0  }
0xa8: {  	s4 =	sshll.u32 s28, $0x1;
	[dreg:$0x2] =	wrdreg s2  }
0xa9: {  	[dreg:$0x3] =	wrdreg s4  }
0xaa: {  	[dreg:$0x4] =	wrdreg $0xC0  }
0xab: {  	_ =	task [dreg:s6], $0x5FFFF  }
0xac: {  	[dreg:$0x1] =	wrdreg $0xFFFFFFFF  }
0xad: {  	[dreg:$0x0] =	wrdreg $0x60  }
0xae: {  	[dreg:$0x2] =	wrdreg s24  }
0xaf: {  	[dreg:$0x3] =	wrdreg $0x90000  }
0xb0: {  	[dreg:$0x4] =	wrdreg $0x9  }
0xb1: {  	_ =	task.clear_ibuf [dreg:s6], $0x5FFFF;
	_ =	strace $0x9000004C  }
0xb2: {  	s29 =	simm.s32 $0x9;
	_ =	strace $0x8000004E  }
0xb3: {  	_ =	swait.ge [sflag:s29], $0x1  }
0xb4: {  	[sflag:s29] =	ssyncadd.s32 $0xFFFFFFFF  }
0xb5: {  	_ =	strace $0x9000004E  }
0xb6: {  	_ =	sfence  }
0xb7: {  	s30 =	sld [smem:$0x0];
	_ =	sdelay $0x2  }
0xb8: {  	s31 =	sshll.u32 s1, $0xD;
	s1 =	sshrl.u32 s1, $0x2  }
0xb9: {  	s3 =	sand.u32 $0x4000, s31;
	s1 =	sadd.s32 s1, s30  }
0xba: {  	s0 =	sor.u32 s3, s0;
	s1 =	sshll.u32 s1, $0x11  }
0xbb: {  	s0 =	sor.u32 s1, s0  }
0xbc: {  	s0 =	sadd.s32 $0x8F2B, s0  }
0xbd: {  	[sflag:s0] =	ssyncadd.remote.s32 $0x1  }
0xbe: {  	_ =	sfence.sel $0xFFFF  }
0xbf: {  	[dreg:$0x0] =	wrdreg $0xFFFFFFFF;
	(pc) =	sbr.abs _section_cstart, $3  }
0xc0: {  	[dreg:$0x1] =	wrdreg $0xFFFFFFFF  }
0xc1: {  	_ =	task.clear_ibuf [dreg:s6], $0x2FFFF;
	_ =	strace $0x9FFFFFFF  }
0xc2: {  	(tm) =	ssettm $0x7FFFFFFF  }
0xc3: {  	_ =	shalt  }
tec
execute0_lowered:
.L_overlay_start_1:
0x0: {  	(tag) =	ssettag $0x1  }
0x1: {  	s0 =	rddreg [dreg:$0x0]  }
0x2: {  	s1 =	rddreg [dreg:$0x1];
	s2 =	srdreg.scid  }
0x3: {  	s3 =	simm.s32 $0x0;
	s12 =	stileid.u32;
	s20 =	simm.s32 $0x100  }
0x4: {  	s21 =	simm.s32 $0x480;
	s22 =	simm.s32 $0x180;
	s23 =	simm.s32 $0x500  }
0x5: {  	s24 =	simm.s32 $0x200;
	s26 =	simm.s32 $0x580;
	s28 =	simm.s32 $0xE80  }
0x6: {  	s29 =	simm.s32 $0xB80;
	s30 =	simm.s32 $0xF00;
	s31 =	simm.s32 $0xF80  }
0x7: {  	s2 =	sand.u32 $0x1, s2;
	[smem:$0x7FF] =	sst s3;
	s14 =	sadd.s32 $0x17800, s0  }
0x8: {  	s8 =	smul.u32 $0x13C00, s12;
	_ =	strace $0x8000004D;
	[dreg:$0x19] =	wrdreg s14  }
0x9: {  	s4 =	sadd.s32 $0x1A000, s0;
	s5 =	sadd.s32 $0x3800, s0;
	[dreg:$0x4] =	wrdreg s20  }
0xa: {  	s6 =	sadd.s32 $0xD800, s0;
	s10 =	smul.u32 $0x4F000, s12;
	[dreg:$0x5] =	wrdreg s21  }
0xb: {  	s18 =	sshll.u32 s12, $0x6;
	s25 =	smul.u32 $0x2800, s12;
	[dreg:$0x6] =	wrdreg s22  }
0xc: {  	s7 =	smul.u32 $0x13C000, s2;
	s15 =	sshll.u32 s2, $0x4;
	[dreg:$0x7] =	wrdreg s23  }
0xd: {  	s9 =	ssub.s32 $0x2, s2;
	s2 =	smul.u32 $0x28000, s2;
	[dreg:$0x8] =	wrdreg s24  }
0xe: {  	[dreg:$0x9] =	wrdreg s26;
	s14 =	simm.s32 $0x300;
	s20 =	simm.s32 $0x900  }
0xf: {  	s21 =	simm.s32 $0xC80;
	s22 =	simm.s32 $0x980;
	[dreg:$0xc] =	wrdreg s14  }
0x10: {  	s23 =	simm.s32 $0xD00;
	s24 =	simm.s32 $0xA00;
	[dreg:$0x12] =	wrdreg s20  }
0x11: {  	s26 =	simm.s32 $0xA80;
	s16 =	sshrl.u32 s9, $0x1;
	[dreg:$0x13] =	wrdreg s21  }
0x12: {  	s17 =	sshrl.u32 s10, $0x2;
	s20 =	simm.s32 $0x80;
	[dreg:$0x14] =	wrdreg s22  }
0x13: {  	s21 =	simm.s32 $0x1000;
	[dreg:$0x15] =	wrdreg s23;
	s22 =	simm.s32 $0x5000  }
0x14: {  	[dreg:$0x16] =	wrdreg s24;
	s23 =	simm.s32 $0x1;
	s24 =	simm.s32 $0x2  }
0x15: {  	[dreg:$0x18] =	wrdreg s26;
	s26 =	simm.s32 $0xB00;
	s7 =	sadd.s32 s8, s7  }
0x16: {  	s8 =	sor.u32 s12, s15;
	s10 =	sadd.s32 s17, s1;
	s2 =	sadd.s32 s25, s2  }
0x17: {  	s15 =	simm.s32 $0x680;
	s17 =	simm.s32 $0x700;
	s25 =	simm.s32 $0xD80  }
0x18: {  	s7 =	sshrl.u32 s7, $0x3;
	s11 =	smul.u32 $0x2800, s8;
	s8 =	sor.u32 $0x1C03, s18  }
0x19: {  	s2 =	sor.u32 $0x400, s2;
	[dreg:$0xd] =	wrdreg s15;
	s15 =	sshrl.u32 s10, $0x3  }
0x1a: {  	[dreg:$0xf] =	wrdreg s17;
	s18 =	simm.s32 $0x780;
	s17 =	simm.s32 $0x400  }
0x1b: {  	[dreg:$0x17] =	wrdreg s25;
	s25 =	simm.s32 $0xE00;
	s0 =	sadd.s32 s7, s0  }
0x1c: {  	s7 =	ssub.s32 s9, s16;
	s16 =	simm.s32 $0x380;
	[dreg:$0x10] =	wrdreg s18  }
0x1d: {  	s2 =	sshrl.u32 s2, $0x3;
	s19 =	sadd.s32 $0x800, s11;
	[dreg:$0xe] =	wrdreg s16  }
0x1e: {  	s11 =	sshrl.u32 s11, $0x3;
	s0 =	sadd.s32 $0xB8800, s0;
	[dreg:$0x3] =	wrdreg s19  }
0x1f: {  	s18 =	simm.s32 $0x800;
	s13 =	sadd.s32 s5, s11;
	[dreg:$0x1c] =	wrdreg s0  }
0x20: {  	s12 =	smax.u32 s7, $0x1;
	s11 =	sadd.s32 s6, s11;
	[dreg:$0x1a] =	wrdreg s13  }
0x21: {  	s7 =	sadd.s32 s2, s6;
	s19 =	simm.s32 $0x880;
	[dreg:$0x1b] =	wrdreg s11  }
0x22: {  	s9 =	sadd.s32 s2, s5;
	s11 =	simm.s32 $0x280;
	[dreg:$0x11] =	wrdreg s19  }
0x23: {  	s16 =	simm.s32 $0x3;
	s13 =	simm.s32 $0x600;
	[dreg:$0xa] =	wrdreg s11  }
0x24: {  	s0 =	simm.s32 $0x0;
	s19 =	simm.s32 $0xC00;
	[dreg:$0xb] =	wrdreg s13  }
.LBB2_1:
0x25: {  	s2 =	rddreg [dreg:$0x19]  }
0x26: {  	[spmem:s15], [sflag:s8] =	dma.local [hbm:s2], $0x2780  }
0x27: {  	_ =	swait.ge [sflag:s16], $0x2780  }
0x28: {  	[sflag:s16] =	ssyncset.done $0x0  }
0x29: {  	s14 =	rddreg [dreg:$0x1a];
	[sflag:s16] =	ssyncadd.s32 $0xFFFFD880  }
0x2a: {  	[tilespmem:s3], [sflag:$0x3] =	stream.linear.gather [hbm4b:s14+s3], $0x400, $0x38;
	[tilespmem:$0x1CC00] =	vst v63  }
0x2b: {  	_ =	swait.ge [sflag:s16], $0x400  }
0x2c: {  	[sflag:s16] =	ssyncset.done $0x0  }
0x2d: {  	s10 =	rddreg [dreg:$0x1b];
	[sflag:s16] =	ssyncadd.s32 $0xFFFFFC00  }
0x2e: {  	[tilespmem:s17], [sflag:$0x3] =	stream.linear.gather [hbm4b:s10+s3], $0x400, $0x38;
	[tilespmem:$0x1CC00] =	vst v63  }
0x2f: {  	_ =	swait.ge [sflag:s16], $0x400  }
0x30: {  	[sflag:s16] =	ssyncset.done $0x0  }
0x31: {  	[sflag:s16] =	ssyncadd.s32 $0xFFFFFC00  }
0x32: {  	[bflag:$0x0] =	sbarrier.arrive $0xFFFF  }
0x33: {  	[tilespmem:s18], [sflag:$0x2] =	stream.linear.gather [hbm4b:s9+s3], $0x400, $0x38;
	[tilespmem:$0x1CC00] =	vst v63  }
0x34: {  	_ = 	snop  }
0x35: {  	[tilespmem:s19], [sflag:$0x2] =	stream.linear.gather [hbm4b:s7+s3], $0x400, $0x38;
	[tilespmem:$0x1CC00] =	vst v63  }
0x36: {  	_ = 	snop  }
0x37: {  	[tilespmem:s21], [sflag:$0x1] =	stream.indirect.gather [hbm4b:s4+s20], $0x80, s3, s20, $0xb8;
	[tilespmem:$0x1CC00] =	vst v63  }
0x38: {  	_ = 	snop  }
0x39: {  	[tilespmem:s22], [sflag:$0x1] =	stream.indirect.gather [hbm4b:s4+s20], $0x80, s20, s20, $0xb8;
	[tilespmem:$0x1CC00] =	vst v63  }
0x3a: {  	_ =	swait.ge [sflag:s23], $0x4000  }
0x3b: {  	[sflag:s23] =	ssyncset.done $0x0  }
0x3c: {  	[sflag:s23] =	ssyncadd.s32 $0xFFFFC000  }
0x3d: {  	[spmem:s1] =	stream.indirect.scatter.add.f32 [tilespmem:s21], [sflag:$0x3], $0x80, s17, s20, $0xb8;
	[tilespmem:$0x1CC00] =	vst v63  }
0x3e: {  	_ =	swait.ge [sflag:s16], $0x4000  }
0x3f: {  	[sflag:s16] =	ssyncset.done $0x0  }
0x40: {  	s11 =	rddreg [dreg:$0x4];
	[sflag:s16] =	ssyncadd.s32 $0xFFFFC000  }
0x41: {  	[tilespmem:s21], [sflag:$0x1] =	stream.indirect.gather [hbm4b:s4+s20], $0x80, s11, s20, $0xb8;
	[tilespmem:$0x1CC00] =	vst v63  }
0x42: {  	_ =	swait.ge [sflag:s23], $0x4000  }
0x43: {  	[sflag:s23] =	ssyncset.done $0x0  }
0x44: {  	s13 =	rddreg [dreg:$0x5];
	[sflag:s23] =	ssyncadd.s32 $0xFFFFC000  }
0x45: {  	[spmem:s1] =	stream.indirect.scatter.add.f32 [tilespmem:s22], [sflag:$0x3], $0x80, s13, s20, $0xb8;
	[tilespmem:$0x1CC00] =	vst v63  }
0x46: {  	_ =	swait.ge [sflag:s16], $0x4000  }
0x47: {  	[sflag:s16] =	ssyncset.done $0x0  }
0x48: {  	s14 =	rddreg [dreg:$0x6];
	[sflag:s16] =	ssyncadd.s32 $0xFFFFC000  }
0x49: {  	[tilespmem:s22], [sflag:$0x1] =	stream.indirect.gather [hbm4b:s4+s20], $0x80, s14, s20, $0xb8;
	[tilespmem:$0x1CC00] =	vst v63  }
0x4a: {  	_ =	swait.ge [sflag:s23], $0x4000  }
0x4b: {  	[sflag:s23] =	ssyncset.done $0x0  }
0x4c: {  	s10 =	rddreg [dreg:$0x7];
	[sflag:s23] =	ssyncadd.s32 $0xFFFFC000  }
0x4d: {  	[spmem:s1] =	stream.indirect.scatter.add.f32 [tilespmem:s21], [sflag:$0x3], $0x80, s10, s20, $0xb8;
	[tilespmem:$0x1CC00] =	vst v63  }
0x4e: {  	_ =	swait.ge [sflag:s16], $0x4000  }
0x4f: {  	[sflag:s16] =	ssyncset.done $0x0  }
0x50: {  	s11 =	rddreg [dreg:$0x8];
	[sflag:s16] =	ssyncadd.s32 $0xFFFFC000  }
0x51: {  	[tilespmem:s21], [sflag:$0x1] =	stream.indirect.gather [hbm4b:s4+s20], $0x80, s11, s20, $0xb8;
	[tilespmem:$0x1CC00] =	vst v63  }
0x52: {  	_ =	swait.ge [sflag:s23], $0x4000  }
0x53: {  	[sflag:s23] =	ssyncset.done $0x0  }
0x54: {  	s13 =	rddreg [dreg:$0x9];
	[sflag:s23] =	ssyncadd.s32 $0xFFFFC000  }
0x55: {  	[spmem:s1] =	stream.indirect.scatter.add.f32 [tilespmem:s22], [sflag:$0x3], $0x80, s13, s20, $0xb8;
	[tilespmem:$0x1CC00] =	vst v63  }
0x56: {  	_ =	swait.ge [sflag:s16], $0x4000  }
0x57: {  	[sflag:s16] =	ssyncset.done $0x0  }
0x58: {  	s14 =	rddreg [dreg:$0xa];
	[sflag:s16] =	ssyncadd.s32 $0xFFFFC000  }
0x59: {  	[tilespmem:s22], [sflag:$0x1] =	stream.indirect.gather [hbm4b:s4+s20], $0x80, s14, s20, $0xb8;
	[tilespmem:$0x1CC00] =	vst v63  }
0x5a: {  	_ =	swait.ge [sflag:s23], $0x4000  }
0x5b: {  	[sflag:s23] =	ssyncset.done $0x0  }
0x5c: {  	s10 =	rddreg [dreg:$0xb];
	[sflag:s23] =	ssyncadd.s32 $0xFFFFC000  }
0x5d: {  	[spmem:s1] =	stream.indirect.scatter.add.f32 [tilespmem:s21], [sflag:$0x3], $0x80, s10, s20, $0xb8;
	[tilespmem:$0x1CC00] =	vst v63  }
0x5e: {  	_ =	swait.ge [sflag:s16], $0x4000  }
0x5f: {  	[sflag:s16] =	ssyncset.done $0x0  }
0x60: {  	s11 =	rddreg [dreg:$0xc];
	[sflag:s16] =	ssyncadd.s32 $0xFFFFC000  }
0x61: {  	[tilespmem:s21], [sflag:$0x1] =	stream.indirect.gather [hbm4b:s4+s20], $0x80, s11, s20, $0xb8;
	[tilespmem:$0x1CC00] =	vst v63  }
0x62: {  	_ =	swait.ge [sflag:s23], $0x4000  }
0x63: {  	[sflag:s23] =	ssyncset.done $0x0  }
0x64: {  	s13 =	rddreg [dreg:$0xd];
	[sflag:s23] =	ssyncadd.s32 $0xFFFFC000  }
0x65: {  	[spmem:s1] =	stream.indirect.scatter.add.f32 [tilespmem:s22], [sflag:$0x3], $0x80, s13, s20, $0xb8;
	[tilespmem:$0x1CC00] =	vst v63  }
0x66: {  	_ =	swait.ge [sflag:s16], $0x4000  }
0x67: {  	[sflag:s16] =	ssyncset.done $0x0  }
0x68: {  	s14 =	rddreg [dreg:$0xe];
	[sflag:s16] =	ssyncadd.s32 $0xFFFFC000  }
0x69: {  	[tilespmem:s22], [sflag:$0x1] =	stream.indirect.gather [hbm4b:s4+s20], $0x80, s14, s20, $0xb8;
	[tilespmem:$0x1CC00] =	vst v63  }
0x6a: {  	_ =	swait.ge [sflag:s23], $0x4000  }
0x6b: {  	[sflag:s23] =	ssyncset.done $0x0  }
0x6c: {  	s10 =	rddreg [dreg:$0xf];
	[sflag:s23] =	ssyncadd.s32 $0xFFFFC000  }
0x6d: {  	[spmem:s1] =	stream.indirect.scatter.add.f32 [tilespmem:s21], [sflag:$0x3], $0x80, s10, s20, $0xb8;
	[tilespmem:$0x1CC00] =	vst v63  }
0x6e: {  	_ =	swait.ge [sflag:s16], $0x4000  }
0x6f: {  	[sflag:s16] =	ssyncset.done $0x0  }
0x70: {  	[sflag:s16] =	ssyncadd.s32 $0xFFFFC000  }
0x71: {  	_ =	swait.ge [sflag:s23], $0x4000  }
0x72: {  	[sflag:s23] =	ssyncset.done $0x0  }
0x73: {  	s11 =	rddreg [dreg:$0x10];
	[sflag:s23] =	ssyncadd.s32 $0xFFFFC000  }
0x74: {  	[spmem:s1] =	stream.indirect.scatter.add.f32 [tilespmem:s22], [sflag:$0x3], $0x80, s11, s20, $0xb8;
	[tilespmem:$0x1CC00] =	vst v63  }
0x75: {  	_ =	swait.ge [sflag:s16], $0x4000  }
0x76: {  	[sflag:s16] =	ssyncset.done $0x0  }
0x77: {  	[sflag:s16] =	ssyncadd.s32 $0xFFFFC000  }
0x78: {  	_ =	swait.ge [sflag:s24], $0x400  }
0x79: {  	[sflag:s24] =	ssyncset.done $0x0  }
0x7a: {  	[sflag:s24] =	ssyncadd.s32 $0xFFFFFC00  }
0x7b: {  	s10 =	smin.u32 s3, $0x7;
	_ =	swait.ge [sflag:s24], $0x400  }
0x7c: {  	s10 =	sshll.u32 s10, $0xA;
	s13 =	rddreg [dreg:$0x3]  }
0x7d: {  	s2 =	sadd.s32 s10, s13  }
0x7e: {  	[sflag:s24] =	ssyncset.done $0x0;
	s2 =	sshrl.u32 s2, $0x3  }
0x7f: {  	[sflag:s24] =	ssyncadd.s32 $0xFFFFFC00;
	s14 =	sadd.s32 s5, s2  }
0x80: {  	[tilespmem:s3], [sflag:$0x2] =	stream.linear.gather [hbm4b:s14+s3], $0x400, $0x38;
	[tilespmem:$0x1CC00] =	vst v63  }
0x81: {  	s2 =	sadd.s32 s6, s2  }
0x82: {  	[tilespmem:s17], [sflag:$0x2] =	stream.linear.gather [hbm4b:s2+s3], $0x400, $0x38;
	[tilespmem:$0x1CC00] =	vst v63  }
0x83: {  	_ = 	snop  }
0x84: {  	[tilespmem:s21], [sflag:$0x1] =	stream.indirect.gather [hbm4b:s4+s20], $0x80, s18, s20, $0xb8;
	[tilespmem:$0x1CC00] =	vst v63  }
0x85: {  	s10 =	rddreg [dreg:$0x11]  }
0x86: {  	[tilespmem:s22], [sflag:$0x1] =	stream.indirect.gather [hbm4b:s4+s20], $0x80, s10, s20, $0xb8;
	[tilespmem:$0x1CC00] =	vst v63  }
0x87: {  	_ =	swait.ge [sflag:s23], $0x4000  }
0x88: {  	[sflag:s23] =	ssyncset.done $0x0  }
0x89: {  	[sflag:s23] =	ssyncadd.s32 $0xFFFFC000  }
0x8a: {  	[spmem:s1] =	stream.indirect.scatter.add.f32 [tilespmem:s21], [sflag:$0x3], $0x80, s19, s20, $0xb8;
	[tilespmem:$0x1CC00] =	vst v63  }
0x8b: {  	_ =	swait.ge [sflag:s16], $0x4000  }
0x8c: {  	[sflag:s16] =	ssyncset.done $0x0  }
0x8d: {  	s11 =	rddreg [dreg:$0x12];
	[sflag:s16] =	ssyncadd.s32 $0xFFFFC000  }
0x8e: {  	[tilespmem:s21], [sflag:$0x1] =	stream.indirect.gather [hbm4b:s4+s20], $0x80, s11, s20, $0xb8;
	[tilespmem:$0x1CC00] =	vst v63  }
0x8f: {  	_ =	swait.ge [sflag:s23], $0x4000  }
0x90: {  	[sflag:s23] =	ssyncset.done $0x0  }
0x91: {  	s13 =	rddreg [dreg:$0x13];
	[sflag:s23] =	ssyncadd.s32 $0xFFFFC000  }
0x92: {  	[spmem:s1] =	stream.indirect.scatter.add.f32 [tilespmem:s22], [sflag:$0x3], $0x80, s13, s20, $0xb8;
	[tilespmem:$0x1CC00] =	vst v63  }
0x93: {  	_ =	swait.ge [sflag:s16], $0x4000  }
0x94: {  	[sflag:s16] =	ssyncset.done $0x0  }
0x95: {  	s14 =	rddreg [dreg:$0x14];
	[sflag:s16] =	ssyncadd.s32 $0xFFFFC000  }
0x96: {  	[tilespmem:s22], [sflag:$0x1] =	stream.indirect.gather [hbm4b:s4+s20], $0x80, s14, s20, $0xb8;
	[tilespmem:$0x1CC00] =	vst v63  }
0x97: {  	_ =	swait.ge [sflag:s23], $0x4000  }
0x98: {  	[sflag:s23] =	ssyncset.done $0x0  }
0x99: {  	s10 =	rddreg [dreg:$0x15];
	[sflag:s23] =	ssyncadd.s32 $0xFFFFC000  }
0x9a: {  	[spmem:s1] =	stream.indirect.scatter.add.f32 [tilespmem:s21], [sflag:$0x3], $0x80, s10, s20, $0xb8;
	[tilespmem:$0x1CC00] =	vst v63  }
0x9b: {  	_ =	swait.ge [sflag:s16], $0x4000  }
0x9c: {  	[sflag:s16] =	ssyncset.done $0x0  }
0x9d: {  	s11 =	rddreg [dreg:$0x16];
	[sflag:s16] =	ssyncadd.s32 $0xFFFFC000  }
0x9e: {  	[tilespmem:s21], [sflag:$0x1] =	stream.indirect.gather [hbm4b:s4+s20], $0x80, s11, s20, $0xb8;
	[tilespmem:$0x1CC00] =	vst v63  }
0x9f: {  	_ =	swait.ge [sflag:s23], $0x4000  }
0xa0: {  	[sflag:s23] =	ssyncset.done $0x0  }
0xa1: {  	s13 =	rddreg [dreg:$0x17];
	[sflag:s23] =	ssyncadd.s32 $0xFFFFC000  }
0xa2: {  	[spmem:s1] =	stream.indirect.scatter.add.f32 [tilespmem:s22], [sflag:$0x3], $0x80, s13, s20, $0xb8;
	[tilespmem:$0x1CC00] =	vst v63  }
0xa3: {  	_ =	swait.ge [sflag:s16], $0x4000  }
0xa4: {  	[sflag:s16] =	ssyncset.done $0x0  }
0xa5: {  	s14 =	rddreg [dreg:$0x18];
	[sflag:s16] =	ssyncadd.s32 $0xFFFFC000  }
0xa6: {  	[tilespmem:s22], [sflag:$0x1] =	stream.indirect.gather [hbm4b:s4+s20], $0x80, s14, s20, $0xb8;
	[tilespmem:$0x1CC00] =	vst v63  }
0xa7: {  	_ =	swait.ge [sflag:s23], $0x4000  }
0xa8: {  	[sflag:s23] =	ssyncset.done $0x0  }
0xa9: {  	[sflag:s23] =	ssyncadd.s32 $0xFFFFC000  }
0xaa: {  	[spmem:s1] =	stream.indirect.scatter.add.f32 [tilespmem:s21], [sflag:$0x3], $0x80, s25, s20, $0xb8;
	[tilespmem:$0x1CC00] =	vst v63  }
0xab: {  	_ =	swait.ge [sflag:s16], $0x4000  }
0xac: {  	[sflag:s16] =	ssyncset.done $0x0  }
0xad: {  	[sflag:s16] =	ssyncadd.s32 $0xFFFFC000  }
0xae: {  	[tilespmem:s21], [sflag:$0x1] =	stream.indirect.gather [hbm4b:s4+s20], $0x80, s26, s20, $0xb8;
	[tilespmem:$0x1CC00] =	vst v63  }
0xaf: {  	_ =	swait.ge [sflag:s23], $0x4000  }
0xb0: {  	[sflag:s23] =	ssyncset.done $0x0  }
0xb1: {  	[sflag:s23] =	ssyncadd.s32 $0xFFFFC000  }
0xb2: {  	[spmem:s1] =	stream.indirect.scatter.add.f32 [tilespmem:s22], [sflag:$0x3], $0x80, s28, s20, $0xb8;
	[tilespmem:$0x1CC00] =	vst v63  }
0xb3: {  	_ =	swait.ge [sflag:s16], $0x4000  }
0xb4: {  	[sflag:s16] =	ssyncset.done $0x0  }
0xb5: {  	[sflag:s16] =	ssyncadd.s32 $0xFFFFC000  }
0xb6: {  	[tilespmem:s22], [sflag:$0x1] =	stream.indirect.gather [hbm4b:s4+s20], $0x80, s29, s20, $0xb8;
	[tilespmem:$0x1CC00] =	vst v63  }
0xb7: {  	_ =	swait.ge [sflag:s23], $0x4000  }
0xb8: {  	[sflag:s23] =	ssyncset.done $0x0  }
0xb9: {  	[sflag:s23] =	ssyncadd.s32 $0xFFFFC000  }
0xba: {  	[spmem:s1] =	stream.indirect.scatter.add.f32 [tilespmem:s21], [sflag:$0x3], $0x80, s30, s20, $0xb8;
	[tilespmem:$0x1CC00] =	vst v63  }
0xbb: {  	_ =	swait.ge [sflag:s16], $0x4000  }
0xbc: {  	[sflag:s16] =	ssyncset.done $0x0  }
0xbd: {  	[sflag:s16] =	ssyncadd.s32 $0xFFFFC000  }
0xbe: {  	_ =	swait.ge [sflag:s23], $0x4000  }
0xbf: {  	[sflag:s23] =	ssyncset.done $0x0  }
0xc0: {  	[sflag:s23] =	ssyncadd.s32 $0xFFFFC000  }
0xc1: {  	[spmem:s1] =	stream.indirect.scatter.add.f32 [tilespmem:s22], [sflag:$0x3], $0x80, s31, s20, $0xb8;
	[tilespmem:$0x1CC00] =	vst v63  }
0xc2: {  	_ =	swait.ge [sflag:s16], $0x4000  }
0xc3: {  	[sflag:s16] =	ssyncset.done $0x0  }
0xc4: {  	[sflag:s16] =	ssyncadd.s32 $0xFFFFC000  }
0xc5: {  	_ =	swait.ge [sflag:s24], $0x400  }
0xc6: {  	[sflag:s24] =	ssyncset.done $0x0  }
0xc7: {  	[sflag:s24] =	ssyncadd.s32 $0xFFFFFC00  }
0xc8: {  	s2 =	simm.s32 $0x2;
	_ =	swait.ge [sflag:s24], $0x400  }
0xc9: {  	s13 =	smov.u32 s7;
	s14 =	smov.u32 s9;
	[sflag:s24] =	ssyncset.done $0x0  }
.LBB2_2:
0xca: {  	[sflag:s24] =	ssyncadd.s32 $0xFFFFFC00;
	s14 =	sadd.s32 $0x100, s14  }
0xcb: {  	[tilespmem:s18], [sflag:$0x2] =	stream.linear.gather [hbm4b:s14+s3], $0x400, $0x38;
	[tilespmem:$0x1CC00] =	vst v63  }
0xcc: {  	s13 =	sadd.s32 $0x100, s13  }
0xcd: {  	[tilespmem:s19], [sflag:$0x2] =	stream.linear.gather [hbm4b:s13+s3], $0x400, $0x38;
	[tilespmem:$0x1CC00] =	vst v63  }
0xce: {  	_ = 	snop  }
0xcf: {  	[tilespmem:s21], [sflag:$0x1] =	stream.indirect.gather [hbm4b:s4+s20], $0x80, s3, s20, $0xb8;
	[tilespmem:$0x1CC00] =	vst v63  }
0xd0: {  	_ = 	snop  }
0xd1: {  	[tilespmem:s22], [sflag:$0x1] =	stream.indirect.gather [hbm4b:s4+s20], $0x80, s20, s20, $0xb8;
	[tilespmem:$0x1CC00] =	vst v63  }
0xd2: {  	_ =	swait.ge [sflag:s23], $0x4000  }
0xd3: {  	[sflag:s23] =	ssyncset.done $0x0  }
0xd4: {  	[sflag:s23] =	ssyncadd.s32 $0xFFFFC000  }
0xd5: {  	[spmem:s1] =	stream.indirect.scatter.add.f32 [tilespmem:s21], [sflag:$0x3], $0x80, s17, s20, $0xb8;
	[tilespmem:$0x1CC00] =	vst v63  }
0xd6: {  	_ =	swait.ge [sflag:s16], $0x4000  }
0xd7: {  	[sflag:s16] =	ssyncset.done $0x0  }
0xd8: {  	s11 =	rddreg [dreg:$0x4];
	[sflag:s16] =	ssyncadd.s32 $0xFFFFC000  }
0xd9: {  	[tilespmem:s21], [sflag:$0x1] =	stream.indirect.gather [hbm4b:s4+s20], $0x80, s11, s20, $0xb8;
	[tilespmem:$0x1CC00] =	vst v63  }
0xda: {  	_ =	swait.ge [sflag:s23], $0x4000  }
0xdb: {  	[sflag:s23] =	ssyncset.done $0x0  }
0xdc: {  	s11 =	rddreg [dreg:$0x5];
	[sflag:s23] =	ssyncadd.s32 $0xFFFFC000  }
0xdd: {  	[spmem:s1] =	stream.indirect.scatter.add.f32 [tilespmem:s22], [sflag:$0x3], $0x80, s11, s20, $0xb8;
	[tilespmem:$0x1CC00] =	vst v63  }
0xde: {  	_ =	swait.ge [sflag:s16], $0x4000  }
0xdf: {  	[sflag:s16] =	ssyncset.done $0x0  }
0xe0: {  	s11 =	rddreg [dreg:$0x6];
	[sflag:s16] =	ssyncadd.s32 $0xFFFFC000  }
0xe1: {  	[tilespmem:s22], [sflag:$0x1] =	stream.indirect.gather [hbm4b:s4+s20], $0x80, s11, s20, $0xb8;
	[tilespmem:$0x1CC00] =	vst v63  }
0xe2: {  	_ =	swait.ge [sflag:s23], $0x4000  }
0xe3: {  	[sflag:s23] =	ssyncset.done $0x0  }
0xe4: {  	s11 =	rddreg [dreg:$0x7];
	[sflag:s23] =	ssyncadd.s32 $0xFFFFC000  }
0xe5: {  	[spmem:s1] =	stream.indirect.scatter.add.f32 [tilespmem:s21], [sflag:$0x3], $0x80, s11, s20, $0xb8;
	[tilespmem:$0x1CC00] =	vst v63  }
0xe6: {  	_ =	swait.ge [sflag:s16], $0x4000  }
0xe7: {  	[sflag:s16] =	ssyncset.done $0x0  }
0xe8: {  	s11 =	rddreg [dreg:$0x8];
	[sflag:s16] =	ssyncadd.s32 $0xFFFFC000  }
0xe9: {  	[tilespmem:s21], [sflag:$0x1] =	stream.indirect.gather [hbm4b:s4+s20], $0x80, s11, s20, $0xb8;
	[tilespmem:$0x1CC00] =	vst v63  }
0xea: {  	_ =	swait.ge [sflag:s23], $0x4000  }
0xeb: {  	[sflag:s23] =	ssyncset.done $0x0  }
0xec: {  	s11 =	rddreg [dreg:$0x9];
	[sflag:s23] =	ssyncadd.s32 $0xFFFFC000  }
0xed: {  	[spmem:s1] =	stream.indirect.scatter.add.f32 [tilespmem:s22], [sflag:$0x3], $0x80, s11, s20, $0xb8;
	[tilespmem:$0x1CC00] =	vst v63  }
0xee: {  	_ =	swait.ge [sflag:s16], $0x4000  }
0xef: {  	[sflag:s16] =	ssyncset.done $0x0  }
0xf0: {  	s11 =	rddreg [dreg:$0xa];
	[sflag:s16] =	ssyncadd.s32 $0xFFFFC000  }
0xf1: {  	[tilespmem:s22], [sflag:$0x1] =	stream.indirect.gather [hbm4b:s4+s20], $0x80, s11, s20, $0xb8;
	[tilespmem:$0x1CC00] =	vst v63  }
0xf2: {  	_ =	swait.ge [sflag:s23], $0x4000  }
0xf3: {  	[sflag:s23] =	ssyncset.done $0x0  }
0xf4: {  	s11 =	rddreg [dreg:$0xb];
	[sflag:s23] =	ssyncadd.s32 $0xFFFFC000  }
0xf5: {  	[spmem:s1] =	stream.indirect.scatter.add.f32 [tilespmem:s21], [sflag:$0x3], $0x80, s11, s20, $0xb8;
	[tilespmem:$0x1CC00] =	vst v63  }
0xf6: {  	_ =	swait.ge [sflag:s16], $0x4000  }
0xf7: {  	[sflag:s16] =	ssyncset.done $0x0  }
0xf8: {  	s11 =	rddreg [dreg:$0xc];
	[sflag:s16] =	ssyncadd.s32 $0xFFFFC000  }
0xf9: {  	[tilespmem:s21], [sflag:$0x1] =	stream.indirect.gather [hbm4b:s4+s20], $0x80, s11, s20, $0xb8;
	[tilespmem:$0x1CC00] =	vst v63  }
0xfa: {  	_ =	swait.ge [sflag:s23], $0x4000  }
0xfb: {  	[sflag:s23] =	ssyncset.done $0x0  }
0xfc: {  	s11 =	rddreg [dreg:$0xd];
	[sflag:s23] =	ssyncadd.s32 $0xFFFFC000  }
0xfd: {  	[spmem:s1] =	stream.indirect.scatter.add.f32 [tilespmem:s22], [sflag:$0x3], $0x80, s11, s20, $0xb8;
	[tilespmem:$0x1CC00] =	vst v63  }
0xfe: {  	_ =	swait.ge [sflag:s16], $0x4000  }
0xff: {  	[sflag:s16] =	ssyncset.done $0x0  }
0x100: {  	s11 =	rddreg [dreg:$0xe];
	[sflag:s16] =	ssyncadd.s32 $0xFFFFC000  }
0x101: {  	[tilespmem:s22], [sflag:$0x1] =	stream.indirect.gather [hbm4b:s4+s20], $0x80, s11, s20, $0xb8;
	[tilespmem:$0x1CC00] =	vst v63  }
0x102: {  	_ =	swait.ge [sflag:s23], $0x4000  }
0x103: {  	[sflag:s23] =	ssyncset.done $0x0  }
0x104: {  	s11 =	rddreg [dreg:$0xf];
	[sflag:s23] =	ssyncadd.s32 $0xFFFFC000  }
0x105: {  	[spmem:s1] =	stream.indirect.scatter.add.f32 [tilespmem:s21], [sflag:$0x3], $0x80, s11, s20, $0xb8;
	[tilespmem:$0x1CC00] =	vst v63  }
0x106: {  	_ =	swait.ge [sflag:s16], $0x4000  }
0x107: {  	[sflag:s16] =	ssyncset.done $0x0  }
0x108: {  	[sflag:s16] =	ssyncadd.s32 $0xFFFFC000  }
0x109: {  	_ =	swait.ge [sflag:s23], $0x4000  }
0x10a: {  	[sflag:s23] =	ssyncset.done $0x0  }
0x10b: {  	s11 =	rddreg [dreg:$0x10];
	[sflag:s23] =	ssyncadd.s32 $0xFFFFC000  }
0x10c: {  	[spmem:s1] =	stream.indirect.scatter.add.f32 [tilespmem:s22], [sflag:$0x3], $0x80, s11, s20, $0xb8;
	[tilespmem:$0x1CC00] =	vst v63  }
0x10d: {  	_ =	swait.ge [sflag:s16], $0x4000  }
0x10e: {  	[sflag:s16] =	ssyncset.done $0x0  }
0x10f: {  	[sflag:s16] =	ssyncadd.s32 $0xFFFFC000  }
0x110: {  	_ =	swait.ge [sflag:s24], $0x400  }
0x111: {  	[sflag:s24] =	ssyncset.done $0x0  }
0x112: {  	s10 =	smov.u32 s2;
	[sflag:s24] =	ssyncadd.s32 $0xFFFFFC00  }
0x113: {  	s10 =	smin.u32 s10, $0x7;
	_ =	swait.ge [sflag:s24], $0x400  }
0x114: {  	s10 =	sshll.u32 s10, $0xA;
	s11 =	rddreg [dreg:$0x3]  }
0x115: {  	s10 =	sadd.s32 s10, s11  }
0x116: {  	[sflag:s24] =	ssyncset.done $0x0;
	s10 =	sshrl.u32 s10, $0x3  }
0x117: {  	[sflag:s24] =	ssyncadd.s32 $0xFFFFFC00;
	s11 =	sadd.s32 s5, s10  }
0x118: {  	[tilespmem:s3], [sflag:$0x2] =	stream.linear.gather [hbm4b:s11+s3], $0x400, $0x38;
	[tilespmem:$0x1CC00] =	vst v63  }
0x119: {  	s10 =	sadd.s32 s6, s10  }
0x11a: {  	[tilespmem:s17], [sflag:$0x2] =	stream.linear.gather [hbm4b:s10+s3], $0x400, $0x38;
	[tilespmem:$0x1CC00] =	vst v63  }
0x11b: {  	_ = 	snop  }
0x11c: {  	[tilespmem:s21], [sflag:$0x1] =	stream.indirect.gather [hbm4b:s4+s20], $0x80, s18, s20, $0xb8;
	[tilespmem:$0x1CC00] =	vst v63  }
0x11d: {  	s11 =	rddreg [dreg:$0x11]  }
0x11e: {  	[tilespmem:s22], [sflag:$0x1] =	stream.indirect.gather [hbm4b:s4+s20], $0x80, s11, s20, $0xb8;
	[tilespmem:$0x1CC00] =	vst v63  }
0x11f: {  	_ =	swait.ge [sflag:s23], $0x4000  }
0x120: {  	[sflag:s23] =	ssyncset.done $0x0  }
0x121: {  	[sflag:s23] =	ssyncadd.s32 $0xFFFFC000  }
0x122: {  	[spmem:s1] =	stream.indirect.scatter.add.f32 [tilespmem:s21], [sflag:$0x3], $0x80, s19, s20, $0xb8;
	[tilespmem:$0x1CC00] =	vst v63  }
0x123: {  	_ =	swait.ge [sflag:s16], $0x4000  }
0x124: {  	[sflag:s16] =	ssyncset.done $0x0  }
0x125: {  	s11 =	rddreg [dreg:$0x12];
	[sflag:s16] =	ssyncadd.s32 $0xFFFFC000  }
0x126: {  	[tilespmem:s21], [sflag:$0x1] =	stream.indirect.gather [hbm4b:s4+s20], $0x80, s11, s20, $0xb8;
	[tilespmem:$0x1CC00] =	vst v63  }
0x127: {  	_ =	swait.ge [sflag:s23], $0x4000  }
0x128: {  	[sflag:s23] =	ssyncset.done $0x0  }
0x129: {  	s11 =	rddreg [dreg:$0x13];
	[sflag:s23] =	ssyncadd.s32 $0xFFFFC000  }
0x12a: {  	[spmem:s1] =	stream.indirect.scatter.add.f32 [tilespmem:s22], [sflag:$0x3], $0x80, s11, s20, $0xb8;
	[tilespmem:$0x1CC00] =	vst v63  }
0x12b: {  	_ =	swait.ge [sflag:s16], $0x4000  }
0x12c: {  	[sflag:s16] =	ssyncset.done $0x0  }
0x12d: {  	s11 =	rddreg [dreg:$0x14];
	[sflag:s16] =	ssyncadd.s32 $0xFFFFC000  }
0x12e: {  	[tilespmem:s22], [sflag:$0x1] =	stream.indirect.gather [hbm4b:s4+s20], $0x80, s11, s20, $0xb8;
	[tilespmem:$0x1CC00] =	vst v63  }
0x12f: {  	_ =	swait.ge [sflag:s23], $0x4000  }
0x130: {  	[sflag:s23] =	ssyncset.done $0x0  }
0x131: {  	s11 =	rddreg [dreg:$0x15];
	[sflag:s23] =	ssyncadd.s32 $0xFFFFC000  }
0x132: {  	[spmem:s1] =	stream.indirect.scatter.add.f32 [tilespmem:s21], [sflag:$0x3], $0x80, s11, s20, $0xb8;
	[tilespmem:$0x1CC00] =	vst v63  }
0x133: {  	_ =	swait.ge [sflag:s16], $0x4000  }
0x134: {  	[sflag:s16] =	ssyncset.done $0x0  }
0x135: {  	s11 =	rddreg [dreg:$0x16];
	[sflag:s16] =	ssyncadd.s32 $0xFFFFC000  }
0x136: {  	[tilespmem:s21], [sflag:$0x1] =	stream.indirect.gather [hbm4b:s4+s20], $0x80, s11, s20, $0xb8;
	[tilespmem:$0x1CC00] =	vst v63  }
0x137: {  	_ =	swait.ge [sflag:s23], $0x4000  }
0x138: {  	[sflag:s23] =	ssyncset.done $0x0  }
0x139: {  	s11 =	rddreg [dreg:$0x17];
	[sflag:s23] =	ssyncadd.s32 $0xFFFFC000  }
0x13a: {  	[spmem:s1] =	stream.indirect.scatter.add.f32 [tilespmem:s22], [sflag:$0x3], $0x80, s11, s20, $0xb8;
	[tilespmem:$0x1CC00] =	vst v63  }
0x13b: {  	_ =	swait.ge [sflag:s16], $0x4000  }
0x13c: {  	[sflag:s16] =	ssyncset.done $0x0  }
0x13d: {  	s11 =	rddreg [dreg:$0x18];
	[sflag:s16] =	ssyncadd.s32 $0xFFFFC000  }
0x13e: {  	[tilespmem:s22], [sflag:$0x1] =	stream.indirect.gather [hbm4b:s4+s20], $0x80, s11, s20, $0xb8;
	[tilespmem:$0x1CC00] =	vst v63  }
0x13f: {  	_ =	swait.ge [sflag:s23], $0x4000  }
0x140: {  	[sflag:s23] =	ssyncset.done $0x0  }
0x141: {  	[sflag:s23] =	ssyncadd.s32 $0xFFFFC000  }
0x142: {  	[spmem:s1] =	stream.indirect.scatter.add.f32 [tilespmem:s21], [sflag:$0x3], $0x80, s25, s20, $0xb8;
	[tilespmem:$0x1CC00] =	vst v63  }
0x143: {  	_ =	swait.ge [sflag:s16], $0x4000  }
0x144: {  	[sflag:s16] =	ssyncset.done $0x0  }
0x145: {  	[sflag:s16] =	ssyncadd.s32 $0xFFFFC000  }
0x146: {  	[tilespmem:s21], [sflag:$0x1] =	stream.indirect.gather [hbm4b:s4+s20], $0x80, s26, s20, $0xb8;
	[tilespmem:$0x1CC00] =	vst v63  }
0x147: {  	_ =	swait.ge [sflag:s23], $0x4000  }
0x148: {  	[sflag:s23] =	ssyncset.done $0x0  }
0x149: {  	[sflag:s23] =	ssyncadd.s32 $0xFFFFC000  }
0x14a: {  	[spmem:s1] =	stream.indirect.scatter.add.f32 [tilespmem:s22], [sflag:$0x3], $0x80, s28, s20, $0xb8;
	[tilespmem:$0x1CC00] =	vst v63  }
0x14b: {  	_ =	swait.ge [sflag:s16], $0x4000  }
0x14c: {  	[sflag:s16] =	ssyncset.done $0x0  }
0x14d: {  	[sflag:s16] =	ssyncadd.s32 $0xFFFFC000  }
0x14e: {  	[tilespmem:s22], [sflag:$0x1] =	stream.indirect.gather [hbm4b:s4+s20], $0x80, s29, s20, $0xb8;
	[tilespmem:$0x1CC00] =	vst v63  }
0x14f: {  	_ =	swait.ge [sflag:s23], $0x4000  }
0x150: {  	[sflag:s23] =	ssyncset.done $0x0  }
0x151: {  	[sflag:s23] =	ssyncadd.s32 $0xFFFFC000  }
0x152: {  	[spmem:s1] =	stream.indirect.scatter.add.f32 [tilespmem:s21], [sflag:$0x3], $0x80, s30, s20, $0xb8;
	[tilespmem:$0x1CC00] =	vst v63  }
0x153: {  	_ =	swait.ge [sflag:s16], $0x4000  }
0x154: {  	[sflag:s16] =	ssyncset.done $0x0  }
0x155: {  	[sflag:s16] =	ssyncadd.s32 $0xFFFFC000  }
0x156: {  	_ =	swait.ge [sflag:s23], $0x4000  }
0x157: {  	[sflag:s23] =	ssyncset.done $0x0  }
0x158: {  	[sflag:s23] =	ssyncadd.s32 $0xFFFFC000  }
0x159: {  	[spmem:s1] =	stream.indirect.scatter.add.f32 [tilespmem:s22], [sflag:$0x3], $0x80, s31, s20, $0xb8;
	[tilespmem:$0x1CC00] =	vst v63  }
0x15a: {  	_ =	swait.ge [sflag:s16], $0x4000  }
0x15b: {  	[sflag:s16] =	ssyncset.done $0x0  }
0x15c: {  	p0 =	sne.s32 s2, $0x8;
	[sflag:s16] =	ssyncadd.s32 $0xFFFFC000  }
.Ltmp0:
0x15d: {  	_ =	swait.ge [sflag:s24], $0x400;
	(pc) =	sbr.rel @p0 .LBB2_2-.Ltmp0, $4  }
0x15e: {  	[sflag:s24] =	ssyncset.done $0x0  }
0x15f: {  	[sflag:s24] =	ssyncadd.s32 $0xFFFFFC00  }
0x160: {  	_ =	swait.ge [sflag:s24], $0x400  }
0x161: {  	s2 =	sadd.s32 $0x2, s2;
	[sflag:s24] =	ssyncset.done $0x0  }
0x162: {  	[sflag:s24] =	ssyncadd.s32 $0xFFFFFC00;
	s0 =	sadd.s32 $0x1, s0  }
0x163: {  	[bflag:$0x0] =	sbarrier.arrive $0xFFFF;
	p0 =	sne.s32 s0, s12  }
.Ltmp1:
0x164: {  	s2 =	rddreg [dreg:$0x1c];
	(pc) =	sbr.rel @p0 .LBB2_1-.Ltmp1, $4  }
0x165: {  	[hbm:s2], [sflag:s8] =	dma.local [spmem:s15], $0x2780  }
0x166: {  	_ =	swait.ge [sflag:s16], $0x2780  }
0x167: {  	[sflag:s16] =	ssyncset.done $0x0  }
0x168: {  	[sflag:s16] =	ssyncadd.s32 $0xFFFFD880  }
0x169: {  	_ =	sfence.sel $0x180000  }
0x16a: {  	[bflag:$0x0] =	sbarrier.arrive $0xFFFF  }
0x16b: {  	_ =	strace $0x9000004D  }
0x16c: {  	s0 =	stileid.u32;
	[bflag:$0x2] =	sbarrier.arrive $0xFFFF  }
0x16d: {  	p0 =	sne.s32 s0, $0x0;
	s0 =	rddreg [dreg:$0x2]  }
0x16e: {  	s0 =	sadd.s32 @!p0 $0x100000, s0  }
0x16f: {  	[sflag:s0] =	ssyncadd.tile.s32 @!p0 $0x1;
	_ =	shalt  }
.Lfunc_end2:
_tile_overlayer_lowered:
.L_overlay_start_2:
0x170: {  	(tag) =	ssettag $0x2  }
0x171: {  	s0 =	rddreg [dreg:$0x0];
	s2 =	stileid.u32  }
0x172: {  	s1 =	rddreg [dreg:$0x1];
	p0 =	sne.s32 s2, $0x0  }
0x173: {  	s3 =	rddreg [dreg:$0x2];
	[bflag:$0x3] =	sbarrier.arrive $0xFFFF;
	s2 =	simm.s32 @!p0 $0x1C03  }
0x174: {  	[timem:s3], [sflag:s2] =	dma.local @!p0 [hbm:s0], s1  }
0x175: {  	s0 =	simm.s32 @!p0 $0x3  }
0x176: {  	_ =	swait.ge @!p0 [sflag:s0], s1  }
0x177: {  	s1 =	ssub.s32 @!p0 $0x0, s1;
	[sflag:s0] =	ssyncset.done @!p0 $0x0  }
0x178: {  	[sflag:s0] =	ssyncadd.s32 @!p0 s1  }
0x179: {  	[bflag:$0x3] =	sbarrier.arrive $0xFFFF  }
0x17a: {  	_ =	shalt  }

// kernel: kernel.18.cloned.1.call-start
scs
__scs_entry_jumppad:
0x0: {  	(pc) =	sbr.rel $0x88, $3  }
0x1: {  	(tag) =	ssettag $0x0;
	lr =	simm.s32 $0x1  }
0x2: {  	[smem:$0x3F93] =	sst lr;
	_ =	strace $0xD0000000  }
0x3: {  	_ = 	snop  }
0x4: {  	_ = 	snop  }
0x5: {  	_ = 	snop  }
0x6: {  	_ = 	snop  }
0x7: {  	_ = 	snop  }
__scs_overlays_trampoline_lowered:
0x8: {  	[smem:$0x3FA2] =	sst s0  }
0x9: {  	[smem:$0x3FA3] =	sst s1  }
0xa: {  	[smem:$0x3FA4] =	sst s2  }
0xb: {  	[smem:$0x3FA5] =	sst s3  }
0xc: {  	[smem:$0x3FA6] =	sst s4  }
0xd: {  	[smem:$0x3FA7] =	sst s5  }
0xe: {  	[smem:$0x3FA8] =	sst s6  }
0xf: {  	[smem:$0x3FA9] =	sst s7  }
0x10: {  	[smem:$0x3FAA] =	sst s8  }
0x11: {  	[smem:$0x3FAB] =	sst s9;
	s0 =	simm.s32 @!p0 $0x0  }
0x12: {  	s1 =	sld [smem:$0x3F91];
	s0 =	simm.s32 @p0 $0x1  }
0x13: {  	[smem:$0x3FAC] =	sst s0;
	s0 =	simm.s32 @!p1 $0x0  }
0x14: {  	s2 =	sld [smem:$0x3F90];
	s0 =	simm.s32 @p1 $0x1  }
0x15: {  	[smem:$0x3FAD] =	sst s0;
	s0 =	simm.s32 @!p2 $0x0  }
0x16: {  	s3 =	sld [smem:$0x3FDB];
	s0 =	simm.s32 @p2 $0x1  }
0x17: {  	s4 =	simm.s32 $0x1BF5;
	[smem:$0x3FAF] =	sst s0  }
0x18: {  	s0 =	sld [smem:$0x3F92];
	_ =	swait.ge [sflag:s4], $0x0  }
0x19: {  	s7 =	sld [smem:$0x3F93]  }
0x1a: {  	s8 =	sadd.s32 $0xFFFFE003, lr  }
0x1b: {  	s9 =	sadd.s32 $0xFFFFFEF7, lr;
	s5 =	simm.s32 $0xFFFFFFFF;
	p2 =	slt.u32 s8, $0xFFFFF086  }
0x1c: {  	p1 =	slt.u32 s9, $0xF7A;
	s5 =	simm.s32 @!p2 $0x0  }
0x1d: {  	s5 =	simm.s32 @p1 $0x1;
	p0 =	seq.s32 s7, s2  }
0x1e: {  	s7 =	smul.u32 @!p0 $0xF7A, s2;
	p2 =	seq.s32 @!p0 s5, $0x0  }
0x1f: {  	s9 =	smul.u32 $0xF7A, s1;
	s8 =	simm.s32 @!p0 $0x1BF5;
	p2 =	por !p2, p0  }
0x20: {  	[sflag:s8] =	ssyncset.s32 @!p0 $0xFFFFF086;
	s6 =	sadd.s32 @!p0 s3, s7;
	s7 =	simm.s32 @!p0 $0x108  }
0x21: {  	s3 =	sadd.s32 s3, s9;
	s6 =	sadd.s32 @!p0 $0x88, s6;
	s7 =	simm.s32 @p2 $0x1082  }
0x22: {  	[simem:s7], [sflag:s8] =	dma.local @!p0 [hbm:s6], $0xF7A  }
0x23: {  	s9 =	sor.u32 $0xD0000000, s2;
	s6 =	simm.s32 $0x108;
	_ =	swait.ge @!p0 [sflag:s8], $0x0  }
0x24: {  	s3 =	sadd.s32 $0x88, s3;
	s6 =	simm.s32 @!p1 $0x1082;
	[sflag:s4] =	ssyncset.s32 $0xFFFFF086  }
0x25: {  	[simem:s6], [sflag:s4] =	dma.local [hbm:s3], $0xF7A  }
0x26: {  	[smem:$0x3F93] =	sst s1;
	(tag) =	ssettag s2;
	_ =	strace s9  }
0x27: {  	s1 =	sld [smem:$0x3FA3]  }
0x28: {  	s2 =	sld [smem:$0x3FA4]  }
0x29: {  	s4 =	sld [smem:$0x3FA6]  }
0x2a: {  	p0 =	seq.s32 s5, $0x0;
	s5 =	sld [smem:$0x3FA7]  }
0x2b: {  	s6 =	sld [smem:$0x3FA8]  }
0x2c: {  	s7 =	sld [smem:$0x3FA9]  }
0x2d: {  	s3 =	simm.s32 $0x108;
	s8 =	sld [smem:$0x3FAA]  }
0x2e: {  	s3 =	simm.s32 @!p0 $0x1082;
	s9 =	sld [smem:$0x3FAB]  }
0x2f: {  	lr =	sadd.s32 s0, s3;
	s0 =	sld [smem:$0x3FA2]  }
0x30: {  	s3 =	sld [smem:$0x3FA5]  }
0x31: {  	[smem:$0x3FAE] =	sst s10  }
0x32: {  	s10 =	sld [smem:$0x3FAC];
	_ =	sdelay $0x3  }
0x33: {  	p0 =	seq.s32 s10, $0x1;
	s10 =	sld [smem:$0x3FAE];
	_ =	sdelay $0x3  }
0x34: {  	[smem:$0x3FAE] =	sst s10  }
0x35: {  	s10 =	sld [smem:$0x3FAD];
	_ =	sdelay $0x3  }
0x36: {  	p1 =	seq.s32 s10, $0x1;
	s10 =	sld [smem:$0x3FAE];
	_ =	sdelay $0x3  }
0x37: {  	[smem:$0x3FAE] =	sst s10  }
0x38: {  	s10 =	sld [smem:$0x3FAF]  }
0x39: {  	_ = 	snop;
	(pc) =	sbr.ind lr, $3  }
0x3a: {  	_ = 	snop  }
0x3b: {  	_ = 	snop  }
0x3c: {  	p2 =	seq.s32 s10, $0x1;
	s10 =	sld [smem:$0x3FAE]  }
0x3d: {  	_ =	shalt  }
0x3e: {  	_ =	shalt  }
0x3f: {  	_ =	shalt  }
0x40: {  	_ =	shalt  }
0x41: {  	_ =	shalt  }
0x42: {  	_ =	shalt  }
0x43: {  	_ =	shalt  }
0x44: {  	_ =	shalt  }
0x45: {  	_ =	shalt  }
0x46: {  	_ =	shalt  }
0x47: {  	_ =	shalt  }
0x48: {  	_ =	shalt  }
0x49: {  	_ =	shalt  }
0x4a: {  	_ =	shalt  }
0x4b: {  	_ =	shalt  }
0x4c: {  	_ =	shalt  }
0x4d: {  	_ =	shalt  }
0x4e: {  	_ =	shalt  }
0x4f: {  	_ =	shalt  }
0x50: {  	_ =	shalt  }
0x51: {  	_ =	shalt  }
0x52: {  	_ =	shalt  }
0x53: {  	_ =	shalt  }
0x54: {  	_ =	shalt  }
0x55: {  	_ =	shalt  }
0x56: {  	_ =	shalt  }
0x57: {  	_ =	shalt  }
0x58: {  	_ =	shalt  }
0x59: {  	_ =	shalt  }
0x5a: {  	_ =	shalt  }
0x5b: {  	_ =	shalt  }
0x5c: {  	_ =	shalt  }
0x5d: {  	_ =	shalt  }
0x5e: {  	_ =	shalt  }
0x5f: {  	_ =	shalt  }
0x60: {  	_ =	shalt  }
0x61: {  	_ =	shalt  }
0x62: {  	_ =	shalt  }
0x63: {  	_ =	shalt  }
0x64: {  	_ =	shalt  }
0x65: {  	_ =	shalt  }
0x66: {  	_ =	shalt  }
0x67: {  	_ =	shalt  }
0x68: {  	_ =	shalt  }
0x69: {  	_ =	shalt  }
0x6a: {  	_ =	shalt  }
0x6b: {  	_ =	shalt  }
0x6c: {  	_ =	shalt  }
0x6d: {  	_ =	shalt  }
0x6e: {  	_ =	shalt  }
0x6f: {  	_ =	shalt  }
0x70: {  	_ =	shalt  }
0x71: {  	_ =	shalt  }
0x72: {  	_ =	shalt  }
0x73: {  	_ =	shalt  }
0x74: {  	_ =	shalt  }
0x75: {  	_ =	shalt  }
0x76: {  	_ =	shalt  }
0x77: {  	_ =	shalt  }
0x78: {  	_ =	shalt  }
0x79: {  	_ =	shalt  }
0x7a: {  	_ =	shalt  }
0x7b: {  	_ =	shalt  }
0x7c: {  	_ =	shalt  }
0x7d: {  	_ =	shalt  }
0x7e: {  	_ =	shalt  }
0x7f: {  	_ =	shalt  }
0x80: {  	_ =	shalt  }
0x81: {  	_ =	shalt  }
0x82: {  	_ =	shalt  }
0x83: {  	_ =	shalt  }
0x84: {  	_ =	shalt  }
0x85: {  	_ =	shalt  }
0x86: {  	_ =	shalt  }
0x87: {  	_ =	shalt  }
.Lfunc_end0:
.L_simem_size_0:
called_computation.3_lowered:
.L_overlay_start_0:
0x88: {  	s2 =	sld [smem:$0x3FD9]  }
0x89: {  	s3 =	sld [smem:$0x3FFE];
	_ =	sdelay $0x1  }
0x8a: {  	s1 =	srdreg.scid  }
0x8b: {  	s0 =	sand.u32 $0x1, s1  }
0x8c: {  	s16 =	sshll.u32 s0, $0xA;
	s2 =	sadd.s32 s3, s2  }
0x8d: {  	s2 =	sadd.s32 s2, s16  }
0x8e: {  	[smem:$0x3FBA] =	sst s2  }
0x8f: {  	_ = 	snop  }
0x90: {  	(tm) =	ssettm $0x1  }
0x91: {  	s17 =	sld [smem:$0x3FFB];
	_ =	sdelay $0x3  }
0x92: {  	_ =	strace s17  }
0x93: {  	s2 =	sld [smem:$0x3FFC];
	_ =	sdelay $0x3  }
0x94: {  	_ =	strace s2  }
0x95: {  	s2 =	sld [smem:$0x3FFD];
	_ =	sdelay $0x3  }
0x96: {  	_ =	strace s2  }
0x97: {  	_ =	strace $0x8FFFFFFF  }
0x98: {  	s18 =	sld [smem:$0x3FDB];
	_ =	sdelay $0x1  }
0x99: {  	s19 =	simm.s32 $_scs_section_size  }
0x9a: {  	s4 =	simm.s32 $_size__tile_overlayer_lowered;
	s5 =	simm.s32 $_tile_overlayer_lowered  }
0x9b: {  	s22 =	simm.s32 $0x1BFF;
	s21 =	sshll.u32 s5, $0x1;
	s2 =	sadd.s32 s19, s18  }
0x9c: {  	s6 =	simm.s32 $0x0;
	s20 =	sshll.u32 s4, $0x1;
	s4 =	sadd.s32 s21, s2  }
0x9d: {  	[timem:s6], [sflag:s22] =	dma.local [hbm:s4], s20  }
0x9e: {  	_ =	swait.ge [sflag:s22], s20  }
0x9f: {  	s3 =	ssub.s32 $0x0, s20;
	[sflag:s22] =	ssyncset.done $0x0  }
0xa0: {  	[sflag:s22] =	ssyncadd.s32 s3;
	_ =	sdelay $0x1  }
0xa1: {  	s23 =	simm.s32 $0x1B8B  }
0xa2: {  	_ =	swait.ge [sflag:s23], $0x1  }
0xa3: {  	[sflag:s23] =	ssyncset.done $0x0  }
0xa4: {  	s25 =	simm.s32 $0x1B8E;
	s24 =	sld [smem:$0x3FFE];
	[sflag:s23] =	ssyncadd.s32 $0xFFFFFFFF  }
0xa5: {  	s26 =	simm.s32 $execute0_lowered;
	[smem:$0x3FD2] =	sst s25  }
0xa6: {  	s4 =	sshll.u32 s26, $0x1;
	_ =	strace $0x8000004F;
	[dreg:$0x1] =	wrdreg $0xFFFFFFFF  }
0xa7: {  	s28 =	simm.s32 $_size_execute0_lowered;
	s2 =	sadd.s32 s2, s4;
	[dreg:$0x0] =	wrdreg $0x0  }
0xa8: {  	s4 =	sshll.u32 s28, $0x1;
	[dreg:$0x2] =	wrdreg s2  }
0xa9: {  	[dreg:$0x3] =	wrdreg s4  }
0xaa: {  	[dreg:$0x4] =	wrdreg $0xC0  }
0xab: {  	_ =	task [dreg:s6], $0x5FFFF  }
0xac: {  	[dreg:$0x1] =	wrdreg $0xFFFFFFFF  }
0xad: {  	[dreg:$0x0] =	wrdreg $0x60  }
0xae: {  	[dreg:$0x2] =	wrdreg s24  }
0xaf: {  	[dreg:$0x3] =	wrdreg $0x90000  }
0xb0: {  	[dreg:$0x4] =	wrdreg $0x9  }
0xb1: {  	_ =	task.clear_ibuf [dreg:s6], $0x5FFFF;
	_ =	strace $0x9000004F  }
0xb2: {  	s29 =	simm.s32 $0x9;
	_ =	strace $0x80000051  }
0xb3: {  	_ =	swait.ge [sflag:s29], $0x1  }
0xb4: {  	[sflag:s29] =	ssyncadd.s32 $0xFFFFFFFF  }
0xb5: {  	_ =	strace $0x90000051  }
0xb6: {  	_ =	sfence  }
0xb7: {  	s30 =	sld [smem:$0x0];
	_ =	sdelay $0x2  }
0xb8: {  	s31 =	sshll.u32 s1, $0xD;
	s1 =	sshrl.u32 s1, $0x2  }
0xb9: {  	s3 =	sand.u32 $0x4000, s31;
	s1 =	sadd.s32 s1, s30  }
0xba: {  	s0 =	sor.u32 s3, s0;
	s1 =	sshll.u32 s1, $0x11  }
0xbb: {  	s0 =	sor.u32 s1, s0  }
0xbc: {  	s0 =	sadd.s32 $0x8F2B, s0  }
0xbd: {  	[sflag:s0] =	ssyncadd.remote.s32 $0x1  }
0xbe: {  	_ =	sfence.sel $0xFFFF  }
0xbf: {  	[dreg:$0x0] =	wrdreg $0xFFFFFFFF;
	(pc) =	sbr.abs _section_cstart, $3  }
0xc0: {  	[dreg:$0x1] =	wrdreg $0xFFFFFFFF  }
0xc1: {  	_ =	task.clear_ibuf [dreg:s6], $0x2FFFF;
	_ =	strace $0x9FFFFFFF  }
0xc2: {  	(tm) =	ssettm $0x7FFFFFFF  }
0xc3: {  	_ =	shalt  }
tec
execute0_lowered:
.L_overlay_start_1:
0x0: {  	(tag) =	ssettag $0x1  }
0x1: {  	s0 =	rddreg [dreg:$0x0]  }
0x2: {  	s1 =	rddreg [dreg:$0x1];
	s2 =	srdreg.scid  }
0x3: {  	s3 =	simm.s32 $0x0;
	s12 =	stileid.u32;
	s20 =	simm.s32 $0x100  }
0x4: {  	s21 =	simm.s32 $0x480;
	s22 =	simm.s32 $0x180;
	s23 =	simm.s32 $0x500  }
0x5: {  	s24 =	simm.s32 $0x200;
	s26 =	simm.s32 $0x580;
	s28 =	simm.s32 $0xE80  }
0x6: {  	s29 =	simm.s32 $0xB80;
	s30 =	simm.s32 $0xF00;
	s31 =	simm.s32 $0xF80  }
0x7: {  	s2 =	sand.u32 $0x1, s2;
	[smem:$0x7FF] =	sst s3;
	s14 =	sadd.s32 $0x17800, s0  }
0x8: {  	s8 =	smul.u32 $0x13C00, s12;
	_ =	strace $0x80000050;
	[dreg:$0x19] =	wrdreg s14  }
0x9: {  	s4 =	sadd.s32 $0x1A000, s0;
	s5 =	sadd.s32 $0x3800, s0;
	[dreg:$0x4] =	wrdreg s20  }
0xa: {  	s6 =	sadd.s32 $0xD800, s0;
	s10 =	smul.u32 $0x4F000, s12;
	[dreg:$0x5] =	wrdreg s21  }
0xb: {  	s18 =	sshll.u32 s12, $0x6;
	s25 =	smul.u32 $0x2800, s12;
	[dreg:$0x6] =	wrdreg s22  }
0xc: {  	s7 =	smul.u32 $0x13C000, s2;
	s15 =	sshll.u32 s2, $0x4;
	[dreg:$0x7] =	wrdreg s23  }
0xd: {  	s9 =	ssub.s32 $0x2, s2;
	s2 =	smul.u32 $0x28000, s2;
	[dreg:$0x8] =	wrdreg s24  }
0xe: {  	[dreg:$0x9] =	wrdreg s26;
	s14 =	simm.s32 $0x300;
	s20 =	simm.s32 $0x900  }
0xf: {  	s21 =	simm.s32 $0xC80;
	s22 =	simm.s32 $0x980;
	[dreg:$0xc] =	wrdreg s14  }
0x10: {  	s23 =	simm.s32 $0xD00;
	s24 =	simm.s32 $0xA00;
	[dreg:$0x12] =	wrdreg s20  }
0x11: {  	s26 =	simm.s32 $0xA80;
	s16 =	sshrl.u32 s9, $0x1;
	[dreg:$0x13] =	wrdreg s21  }
0x12: {  	s17 =	sshrl.u32 s10, $0x2;
	s20 =	simm.s32 $0x80;
	[dreg:$0x14] =	wrdreg s22  }
0x13: {  	s21 =	simm.s32 $0x1000;
	[dreg:$0x15] =	wrdreg s23;
	s22 =	simm.s32 $0x5000  }
0x14: {  	[dreg:$0x16] =	wrdreg s24;
	s23 =	simm.s32 $0x1;
	s24 =	simm.s32 $0x2  }
0x15: {  	[dreg:$0x18] =	wrdreg s26;
	s26 =	simm.s32 $0xB00;
	s7 =	sadd.s32 s8, s7  }
0x16: {  	s8 =	sor.u32 s12, s15;
	s10 =	sadd.s32 s17, s1;
	s2 =	sadd.s32 s25, s2  }
0x17: {  	s15 =	simm.s32 $0x680;
	s17 =	simm.s32 $0x700;
	s25 =	simm.s32 $0xD80  }
0x18: {  	s7 =	sshrl.u32 s7, $0x3;
	s11 =	smul.u32 $0x2800, s8;
	s8 =	sor.u32 $0x1C03, s18  }
0x19: {  	s2 =	sor.u32 $0x400, s2;
	[dreg:$0xd] =	wrdreg s15;
	s15 =	sshrl.u32 s10, $0x3  }
0x1a: {  	[dreg:$0xf] =	wrdreg s17;
	s18 =	simm.s32 $0x780;
	s17 =	simm.s32 $0x400  }
0x1b: {  	[dreg:$0x17] =	wrdreg s25;
	s25 =	simm.s32 $0xE00;
	s0 =	sadd.s32 s7, s0  }
0x1c: {  	s7 =	ssub.s32 s9, s16;
	s16 =	simm.s32 $0x380;
	[dreg:$0x10] =	wrdreg s18  }
0x1d: {  	s2 =	sshrl.u32 s2, $0x3;
	s19 =	sadd.s32 $0x800, s11;
	[dreg:$0xe] =	wrdreg s16  }
0x1e: {  	s11 =	sshrl.u32 s11, $0x3;
	s0 =	sadd.s32 $0xB8800, s0;
	[dreg:$0x3] =	wrdreg s19  }
0x1f: {  	s18 =	simm.s32 $0x800;
	s13 =	sadd.s32 s5, s11;
	[dreg:$0x1c] =	wrdreg s0  }
0x20: {  	s12 =	smax.u32 s7, $0x1;
	s11 =	sadd.s32 s6, s11;
	[dreg:$0x1a] =	wrdreg s13  }
0x21: {  	s7 =	sadd.s32 s2, s6;
	s19 =	simm.s32 $0x880;
	[dreg:$0x1b] =	wrdreg s11  }
0x22: {  	s9 =	sadd.s32 s2, s5;
	s11 =	simm.s32 $0x280;
	[dreg:$0x11] =	wrdreg s19  }
0x23: {  	s16 =	simm.s32 $0x3;
	s13 =	simm.s32 $0x600;
	[dreg:$0xa] =	wrdreg s11  }
0x24: {  	s0 =	simm.s32 $0x0;
	s19 =	simm.s32 $0xC00;
	[dreg:$0xb] =	wrdreg s13  }
.LBB2_1:
0x25: {  	s2 =	rddreg [dreg:$0x19]  }
0x26: {  	[spmem:s15], [sflag:s8] =	dma.local [hbm:s2], $0x2780  }
0x27: {  	_ =	swait.ge [sflag:s16], $0x2780  }
0x28: {  	[sflag:s16] =	ssyncset.done $0x0  }
0x29: {  	s14 =	rddreg [dreg:$0x1a];
	[sflag:s16] =	ssyncadd.s32 $0xFFFFD880  }
0x2a: {  	[tilespmem:s3], [sflag:$0x3] =	stream.linear.gather [hbm4b:s14+s3], $0x400, $0x38;
	[tilespmem:$0x1CC00] =	vst v63  }
0x2b: {  	_ =	swait.ge [sflag:s16], $0x400  }
0x2c: {  	[sflag:s16] =	ssyncset.done $0x0  }
0x2d: {  	s10 =	rddreg [dreg:$0x1b];
	[sflag:s16] =	ssyncadd.s32 $0xFFFFFC00  }
0x2e: {  	[tilespmem:s17], [sflag:$0x3] =	stream.linear.gather [hbm4b:s10+s3], $0x400, $0x38;
	[tilespmem:$0x1CC00] =	vst v63  }
0x2f: {  	_ =	swait.ge [sflag:s16], $0x400  }
0x30: {  	[sflag:s16] =	ssyncset.done $0x0  }
0x31: {  	[sflag:s16] =	ssyncadd.s32 $0xFFFFFC00  }
0x32: {  	[bflag:$0x0] =	sbarrier.arrive $0xFFFF  }
0x33: {  	[tilespmem:s18], [sflag:$0x2] =	stream.linear.gather [hbm4b:s9+s3], $0x400, $0x38;
	[tilespmem:$0x1CC00] =	vst v63  }
0x34: {  	_ = 	snop  }
0x35: {  	[tilespmem:s19], [sflag:$0x2] =	stream.linear.gather [hbm4b:s7+s3], $0x400, $0x38;
	[tilespmem:$0x1CC00] =	vst v63  }
0x36: {  	_ = 	snop  }
0x37: {  	[tilespmem:s21], [sflag:$0x1] =	stream.indirect.gather [hbm4b:s4+s20], $0x80, s3, s20, $0xb8;
	[tilespmem:$0x1CC00] =	vst v63  }
0x38: {  	_ = 	snop  }
0x39: {  	[tilespmem:s22], [sflag:$0x1] =	stream.indirect.gather [hbm4b:s4+s20], $0x80, s20, s20, $0xb8;
	[tilespmem:$0x1CC00] =	vst v63  }
0x3a: {  	_ =	swait.ge [sflag:s23], $0x4000  }
0x3b: {  	[sflag:s23] =	ssyncset.done $0x0  }
0x3c: {  	[sflag:s23] =	ssyncadd.s32 $0xFFFFC000  }
0x3d: {  	[spmem:s1] =	stream.indirect.scatter.add.f32 [tilespmem:s21], [sflag:$0x3], $0x80, s17, s20, $0xb8;
	[tilespmem:$0x1CC00] =	vst v63  }
0x3e: {  	_ =	swait.ge [sflag:s16], $0x4000  }
0x3f: {  	[sflag:s16] =	ssyncset.done $0x0  }
0x40: {  	s11 =	rddreg [dreg:$0x4];
	[sflag:s16] =	ssyncadd.s32 $0xFFFFC000  }
0x41: {  	[tilespmem:s21], [sflag:$0x1] =	stream.indirect.gather [hbm4b:s4+s20], $0x80, s11, s20, $0xb8;
	[tilespmem:$0x1CC00] =	vst v63  }
0x42: {  	_ =	swait.ge [sflag:s23], $0x4000  }
0x43: {  	[sflag:s23] =	ssyncset.done $0x0  }
0x44: {  	s13 =	rddreg [dreg:$0x5];
	[sflag:s23] =	ssyncadd.s32 $0xFFFFC000  }
0x45: {  	[spmem:s1] =	stream.indirect.scatter.add.f32 [tilespmem:s22], [sflag:$0x3], $0x80, s13, s20, $0xb8;
	[tilespmem:$0x1CC00] =	vst v63  }
0x46: {  	_ =	swait.ge [sflag:s16], $0x4000  }
0x47: {  	[sflag:s16] =	ssyncset.done $0x0  }
0x48: {  	s14 =	rddreg [dreg:$0x6];
	[sflag:s16] =	ssyncadd.s32 $0xFFFFC000  }
0x49: {  	[tilespmem:s22], [sflag:$0x1] =	stream.indirect.gather [hbm4b:s4+s20], $0x80, s14, s20, $0xb8;
	[tilespmem:$0x1CC00] =	vst v63  }
0x4a: {  	_ =	swait.ge [sflag:s23], $0x4000  }
0x4b: {  	[sflag:s23] =	ssyncset.done $0x0  }
0x4c: {  	s10 =	rddreg [dreg:$0x7];
	[sflag:s23] =	ssyncadd.s32 $0xFFFFC000  }
0x4d: {  	[spmem:s1] =	stream.indirect.scatter.add.f32 [tilespmem:s21], [sflag:$0x3], $0x80, s10, s20, $0xb8;
	[tilespmem:$0x1CC00] =	vst v63  }
0x4e: {  	_ =	swait.ge [sflag:s16], $0x4000  }
0x4f: {  	[sflag:s16] =	ssyncset.done $0x0  }
0x50: {  	s11 =	rddreg [dreg:$0x8];
	[sflag:s16] =	ssyncadd.s32 $0xFFFFC000  }
0x51: {  	[tilespmem:s21], [sflag:$0x1] =	stream.indirect.gather [hbm4b:s4+s20], $0x80, s11, s20, $0xb8;
	[tilespmem:$0x1CC00] =	vst v63  }
0x52: {  	_ =	swait.ge [sflag:s23], $0x4000  }
0x53: {  	[sflag:s23] =	ssyncset.done $0x0  }
0x54: {  	s13 =	rddreg [dreg:$0x9];
	[sflag:s23] =	ssyncadd.s32 $0xFFFFC000  }
0x55: {  	[spmem:s1] =	stream.indirect.scatter.add.f32 [tilespmem:s22], [sflag:$0x3], $0x80, s13, s20, $0xb8;
	[tilespmem:$0x1CC00] =	vst v63  }
0x56: {  	_ =	swait.ge [sflag:s16], $0x4000  }
0x57: {  	[sflag:s16] =	ssyncset.done $0x0  }
0x58: {  	s14 =	rddreg [dreg:$0xa];
	[sflag:s16] =	ssyncadd.s32 $0xFFFFC000  }
0x59: {  	[tilespmem:s22], [sflag:$0x1] =	stream.indirect.gather [hbm4b:s4+s20], $0x80, s14, s20, $0xb8;
	[tilespmem:$0x1CC00] =	vst v63  }
0x5a: {  	_ =	swait.ge [sflag:s23], $0x4000  }
0x5b: {  	[sflag:s23] =	ssyncset.done $0x0  }
0x5c: {  	s10 =	rddreg [dreg:$0xb];
	[sflag:s23] =	ssyncadd.s32 $0xFFFFC000  }
0x5d: {  	[spmem:s1] =	stream.indirect.scatter.add.f32 [tilespmem:s21], [sflag:$0x3], $0x80, s10, s20, $0xb8;
	[tilespmem:$0x1CC00] =	vst v63  }
0x5e: {  	_ =	swait.ge [sflag:s16], $0x4000  }
0x5f: {  	[sflag:s16] =	ssyncset.done $0x0  }
0x60: {  	s11 =	rddreg [dreg:$0xc];
	[sflag:s16] =	ssyncadd.s32 $0xFFFFC000  }
0x61: {  	[tilespmem:s21], [sflag:$0x1] =	stream.indirect.gather [hbm4b:s4+s20], $0x80, s11, s20, $0xb8;
	[tilespmem:$0x1CC00] =	vst v63  }
0x62: {  	_ =	swait.ge [sflag:s23], $0x4000  }
0x63: {  	[sflag:s23] =	ssyncset.done $0x0  }
0x64: {  	s13 =	rddreg [dreg:$0xd];
	[sflag:s23] =	ssyncadd.s32 $0xFFFFC000  }
0x65: {  	[spmem:s1] =	stream.indirect.scatter.add.f32 [tilespmem:s22], [sflag:$0x3], $0x80, s13, s20, $0xb8;
	[tilespmem:$0x1CC00] =	vst v63  }
0x66: {  	_ =	swait.ge [sflag:s16], $0x4000  }
0x67: {  	[sflag:s16] =	ssyncset.done $0x0  }
0x68: {  	s14 =	rddreg [dreg:$0xe];
	[sflag:s16] =	ssyncadd.s32 $0xFFFFC000  }
0x69: {  	[tilespmem:s22], [sflag:$0x1] =	stream.indirect.gather [hbm4b:s4+s20], $0x80, s14, s20, $0xb8;
	[tilespmem:$0x1CC00] =	vst v63  }
0x6a: {  	_ =	swait.ge [sflag:s23], $0x4000  }
0x6b: {  	[sflag:s23] =	ssyncset.done $0x0  }
0x6c: {  	s10 =	rddreg [dreg:$0xf];
	[sflag:s23] =	ssyncadd.s32 $0xFFFFC000  }
0x6d: {  	[spmem:s1] =	stream.indirect.scatter.add.f32 [tilespmem:s21], [sflag:$0x3], $0x80, s10, s20, $0xb8;
	[tilespmem:$0x1CC00] =	vst v63  }
0x6e: {  	_ =	swait.ge [sflag:s16], $0x4000  }
0x6f: {  	[sflag:s16] =	ssyncset.done $0x0  }
0x70: {  	[sflag:s16] =	ssyncadd.s32 $0xFFFFC000  }
0x71: {  	_ =	swait.ge [sflag:s23], $0x4000  }
0x72: {  	[sflag:s23] =	ssyncset.done $0x0  }
0x73: {  	s11 =	rddreg [dreg:$0x10];
	[sflag:s23] =	ssyncadd.s32 $0xFFFFC000  }
0x74: {  	[spmem:s1] =	stream.indirect.scatter.add.f32 [tilespmem:s22], [sflag:$0x3], $0x80, s11, s20, $0xb8;
	[tilespmem:$0x1CC00] =	vst v63  }
0x75: {  	_ =	swait.ge [sflag:s16], $0x4000  }
0x76: {  	[sflag:s16] =	ssyncset.done $0x0  }
0x77: {  	[sflag:s16] =	ssyncadd.s32 $0xFFFFC000  }
0x78: {  	_ =	swait.ge [sflag:s24], $0x400  }
0x79: {  	[sflag:s24] =	ssyncset.done $0x0  }
0x7a: {  	[sflag:s24] =	ssyncadd.s32 $0xFFFFFC00  }
0x7b: {  	s10 =	smin.u32 s3, $0x7;
	_ =	swait.ge [sflag:s24], $0x400  }
0x7c: {  	s10 =	sshll.u32 s10, $0xA;
	s13 =	rddreg [dreg:$0x3]  }
0x7d: {  	s2 =	sadd.s32 s10, s13  }
0x7e: {  	[sflag:s24] =	ssyncset.done $0x0;
	s2 =	sshrl.u32 s2, $0x3  }
0x7f: {  	[sflag:s24] =	ssyncadd.s32 $0xFFFFFC00;
	s14 =	sadd.s32 s5, s2  }
0x80: {  	[tilespmem:s3], [sflag:$0x2] =	stream.linear.gather [hbm4b:s14+s3], $0x400, $0x38;
	[tilespmem:$0x1CC00] =	vst v63  }
0x81: {  	s2 =	sadd.s32 s6, s2  }
0x82: {  	[tilespmem:s17], [sflag:$0x2] =	stream.linear.gather [hbm4b:s2+s3], $0x400, $0x38;
	[tilespmem:$0x1CC00] =	vst v63  }
0x83: {  	_ = 	snop  }
0x84: {  	[tilespmem:s21], [sflag:$0x1] =	stream.indirect.gather [hbm4b:s4+s20], $0x80, s18, s20, $0xb8;
	[tilespmem:$0x1CC00] =	vst v63  }
0x85: {  	s10 =	rddreg [dreg:$0x11]  }
0x86: {  	[tilespmem:s22], [sflag:$0x1] =	stream.indirect.gather [hbm4b:s4+s20], $0x80, s10, s20, $0xb8;
	[tilespmem:$0x1CC00] =	vst v63  }
0x87: {  	_ =	swait.ge [sflag:s23], $0x4000  }
0x88: {  	[sflag:s23] =	ssyncset.done $0x0  }
0x89: {  	[sflag:s23] =	ssyncadd.s32 $0xFFFFC000  }
0x8a: {  	[spmem:s1] =	stream.indirect.scatter.add.f32 [tilespmem:s21], [sflag:$0x3], $0x80, s19, s20, $0xb8;
	[tilespmem:$0x1CC00] =	vst v63  }
0x8b: {  	_ =	swait.ge [sflag:s16], $0x4000  }
0x8c: {  	[sflag:s16] =	ssyncset.done $0x0  }
0x8d: {  	s11 =	rddreg [dreg:$0x12];
	[sflag:s16] =	ssyncadd.s32 $0xFFFFC000  }
0x8e: {  	[tilespmem:s21], [sflag:$0x1] =	stream.indirect.gather [hbm4b:s4+s20], $0x80, s11, s20, $0xb8;
	[tilespmem:$0x1CC00] =	vst v63  }
0x8f: {  	_ =	swait.ge [sflag:s23], $0x4000  }
0x90: {  	[sflag:s23] =	ssyncset.done $0x0  }
0x91: {  	s13 =	rddreg [dreg:$0x13];
	[sflag:s23] =	ssyncadd.s32 $0xFFFFC000  }
0x92: {  	[spmem:s1] =	stream.indirect.scatter.add.f32 [tilespmem:s22], [sflag:$0x3], $0x80, s13, s20, $0xb8;
	[tilespmem:$0x1CC00] =	vst v63  }
0x93: {  	_ =	swait.ge [sflag:s16], $0x4000  }
0x94: {  	[sflag:s16] =	ssyncset.done $0x0  }
0x95: {  	s14 =	rddreg [dreg:$0x14];
	[sflag:s16] =	ssyncadd.s32 $0xFFFFC000  }
0x96: {  	[tilespmem:s22], [sflag:$0x1] =	stream.indirect.gather [hbm4b:s4+s20], $0x80, s14, s20, $0xb8;
	[tilespmem:$0x1CC00] =	vst v63  }
0x97: {  	_ =	swait.ge [sflag:s23], $0x4000  }
0x98: {  	[sflag:s23] =	ssyncset.done $0x0  }
0x99: {  	s10 =	rddreg [dreg:$0x15];
	[sflag:s23] =	ssyncadd.s32 $0xFFFFC000  }
0x9a: {  	[spmem:s1] =	stream.indirect.scatter.add.f32 [tilespmem:s21], [sflag:$0x3], $0x80, s10, s20, $0xb8;
	[tilespmem:$0x1CC00] =	vst v63  }
0x9b: {  	_ =	swait.ge [sflag:s16], $0x4000  }
0x9c: {  	[sflag:s16] =	ssyncset.done $0x0  }
0x9d: {  	s11 =	rddreg [dreg:$0x16];
	[sflag:s16] =	ssyncadd.s32 $0xFFFFC000  }
0x9e: {  	[tilespmem:s21], [sflag:$0x1] =	stream.indirect.gather [hbm4b:s4+s20], $0x80, s11, s20, $0xb8;
	[tilespmem:$0x1CC00] =	vst v63  }
0x9f: {  	_ =	swait.ge [sflag:s23], $0x4000  }
0xa0: {  	[sflag:s23] =	ssyncset.done $0x0  }
0xa1: {  	s13 =	rddreg [dreg:$0x17];
	[sflag:s23] =	ssyncadd.s32 $0xFFFFC000  }
0xa2: {  	[spmem:s1] =	stream.indirect.scatter.add.f32 [tilespmem:s22], [sflag:$0x3], $0x80, s13, s20, $0xb8;
	[tilespmem:$0x1CC00] =	vst v63  }
0xa3: {  	_ =	swait.ge [sflag:s16], $0x4000  }
0xa4: {  	[sflag:s16] =	ssyncset.done $0x0  }
0xa5: {  	s14 =	rddreg [dreg:$0x18];
	[sflag:s16] =	ssyncadd.s32 $0xFFFFC000  }
0xa6: {  	[tilespmem:s22], [sflag:$0x1] =	stream.indirect.gather [hbm4b:s4+s20], $0x80, s14, s20, $0xb8;
	[tilespmem:$0x1CC00] =	vst v63  }
0xa7: {  	_ =	swait.ge [sflag:s23], $0x4000  }
0xa8: {  	[sflag:s23] =	ssyncset.done $0x0  }
0xa9: {  	[sflag:s23] =	ssyncadd.s32 $0xFFFFC000  }
0xaa: {  	[spmem:s1] =	stream.indirect.scatter.add.f32 [tilespmem:s21], [sflag:$0x3], $0x80, s25, s20, $0xb8;
	[tilespmem:$0x1CC00] =	vst v63  }
0xab: {  	_ =	swait.ge [sflag:s16], $0x4000  }
0xac: {  	[sflag:s16] =	ssyncset.done $0x0  }
0xad: {  	[sflag:s16] =	ssyncadd.s32 $0xFFFFC000  }
0xae: {  	[tilespmem:s21], [sflag:$0x1] =	stream.indirect.gather [hbm4b:s4+s20], $0x80, s26, s20, $0xb8;
	[tilespmem:$0x1CC00] =	vst v63  }
0xaf: {  	_ =	swait.ge [sflag:s23], $0x4000  }
0xb0: {  	[sflag:s23] =	ssyncset.done $0x0  }
0xb1: {  	[sflag:s23] =	ssyncadd.s32 $0xFFFFC000  }
0xb2: {  	[spmem:s1] =	stream.indirect.scatter.add.f32 [tilespmem:s22], [sflag:$0x3], $0x80, s28, s20, $0xb8;
	[tilespmem:$0x1CC00] =	vst v63  }
0xb3: {  	_ =	swait.ge [sflag:s16], $0x4000  }
0xb4: {  	[sflag:s16] =	ssyncset.done $0x0  }
0xb5: {  	[sflag:s16] =	ssyncadd.s32 $0xFFFFC000  }
0xb6: {  	[tilespmem:s22], [sflag:$0x1] =	stream.indirect.gather [hbm4b:s4+s20], $0x80, s29, s20, $0xb8;
	[tilespmem:$0x1CC00] =	vst v63  }
0xb7: {  	_ =	swait.ge [sflag:s23], $0x4000  }
0xb8: {  	[sflag:s23] =	ssyncset.done $0x0  }
0xb9: {  	[sflag:s23] =	ssyncadd.s32 $0xFFFFC000  }
0xba: {  	[spmem:s1] =	stream.indirect.scatter.add.f32 [tilespmem:s21], [sflag:$0x3], $0x80, s30, s20, $0xb8;
	[tilespmem:$0x1CC00] =	vst v63  }
0xbb: {  	_ =	swait.ge [sflag:s16], $0x4000  }
0xbc: {  	[sflag:s16] =	ssyncset.done $0x0  }
0xbd: {  	[sflag:s16] =	ssyncadd.s32 $0xFFFFC000  }
0xbe: {  	_ =	swait.ge [sflag:s23], $0x4000  }
0xbf: {  	[sflag:s23] =	ssyncset.done $0x0  }
0xc0: {  	[sflag:s23] =	ssyncadd.s32 $0xFFFFC000  }
0xc1: {  	[spmem:s1] =	stream.indirect.scatter.add.f32 [tilespmem:s22], [sflag:$0x3], $0x80, s31, s20, $0xb8;
	[tilespmem:$0x1CC00] =	vst v63  }
0xc2: {  	_ =	swait.ge [sflag:s16], $0x4000  }
0xc3: {  	[sflag:s16] =	ssyncset.done $0x0  }
0xc4: {  	[sflag:s16] =	ssyncadd.s32 $0xFFFFC000  }
0xc5: {  	_ =	swait.ge [sflag:s24], $0x400  }
0xc6: {  	[sflag:s24] =	ssyncset.done $0x0  }
0xc7: {  	[sflag:s24] =	ssyncadd.s32 $0xFFFFFC00  }
0xc8: {  	s2 =	simm.s32 $0x2;
	_ =	swait.ge [sflag:s24], $0x400  }
0xc9: {  	s13 =	smov.u32 s7;
	s14 =	smov.u32 s9;
	[sflag:s24] =	ssyncset.done $0x0  }
.LBB2_2:
0xca: {  	[sflag:s24] =	ssyncadd.s32 $0xFFFFFC00;
	s14 =	sadd.s32 $0x100, s14  }
0xcb: {  	[tilespmem:s18], [sflag:$0x2] =	stream.linear.gather [hbm4b:s14+s3], $0x400, $0x38;
	[tilespmem:$0x1CC00] =	vst v63  }
0xcc: {  	s13 =	sadd.s32 $0x100, s13  }
0xcd: {  	[tilespmem:s19], [sflag:$0x2] =	stream.linear.gather [hbm4b:s13+s3], $0x400, $0x38;
	[tilespmem:$0x1CC00] =	vst v63  }
0xce: {  	_ = 	snop  }
0xcf: {  	[tilespmem:s21], [sflag:$0x1] =	stream.indirect.gather [hbm4b:s4+s20], $0x80, s3, s20, $0xb8;
	[tilespmem:$0x1CC00] =	vst v63  }
0xd0: {  	_ = 	snop  }
0xd1: {  	[tilespmem:s22], [sflag:$0x1] =	stream.indirect.gather [hbm4b:s4+s20], $0x80, s20, s20, $0xb8;
	[tilespmem:$0x1CC00] =	vst v63  }
0xd2: {  	_ =	swait.ge [sflag:s23], $0x4000  }
0xd3: {  	[sflag:s23] =	ssyncset.done $0x0  }
0xd4: {  	[sflag:s23] =	ssyncadd.s32 $0xFFFFC000  }
0xd5: {  	[spmem:s1] =	stream.indirect.scatter.add.f32 [tilespmem:s21], [sflag:$0x3], $0x80, s17, s20, $0xb8;
	[tilespmem:$0x1CC00] =	vst v63  }
0xd6: {  	_ =	swait.ge [sflag:s16], $0x4000  }
0xd7: {  	[sflag:s16] =	ssyncset.done $0x0  }
0xd8: {  	s11 =	rddreg [dreg:$0x4];
	[sflag:s16] =	ssyncadd.s32 $0xFFFFC000  }
0xd9: {  	[tilespmem:s21], [sflag:$0x1] =	stream.indirect.gather [hbm4b:s4+s20], $0x80, s11, s20, $0xb8;
	[tilespmem:$0x1CC00] =	vst v63  }
0xda: {  	_ =	swait.ge [sflag:s23], $0x4000  }
0xdb: {  	[sflag:s23] =	ssyncset.done $0x0  }
0xdc: {  	s11 =	rddreg [dreg:$0x5];
	[sflag:s23] =	ssyncadd.s32 $0xFFFFC000  }
0xdd: {  	[spmem:s1] =	stream.indirect.scatter.add.f32 [tilespmem:s22], [sflag:$0x3], $0x80, s11, s20, $0xb8;
	[tilespmem:$0x1CC00] =	vst v63  }
0xde: {  	_ =	swait.ge [sflag:s16], $0x4000  }
0xdf: {  	[sflag:s16] =	ssyncset.done $0x0  }
0xe0: {  	s11 =	rddreg [dreg:$0x6];
	[sflag:s16] =	ssyncadd.s32 $0xFFFFC000  }
0xe1: {  	[tilespmem:s22], [sflag:$0x1] =	stream.indirect.gather [hbm4b:s4+s20], $0x80, s11, s20, $0xb8;
	[tilespmem:$0x1CC00] =	vst v63  }
0xe2: {  	_ =	swait.ge [sflag:s23], $0x4000  }
0xe3: {  	[sflag:s23] =	ssyncset.done $0x0  }
0xe4: {  	s11 =	rddreg [dreg:$0x7];
	[sflag:s23] =	ssyncadd.s32 $0xFFFFC000  }
0xe5: {  	[spmem:s1] =	stream.indirect.scatter.add.f32 [tilespmem:s21], [sflag:$0x3], $0x80, s11, s20, $0xb8;
	[tilespmem:$0x1CC00] =	vst v63  }
0xe6: {  	_ =	swait.ge [sflag:s16], $0x4000  }
0xe7: {  	[sflag:s16] =	ssyncset.done $0x0  }
0xe8: {  	s11 =	rddreg [dreg:$0x8];
	[sflag:s16] =	ssyncadd.s32 $0xFFFFC000  }
0xe9: {  	[tilespmem:s21], [sflag:$0x1] =	stream.indirect.gather [hbm4b:s4+s20], $0x80, s11, s20, $0xb8;
	[tilespmem:$0x1CC00] =	vst v63  }
0xea: {  	_ =	swait.ge [sflag:s23], $0x4000  }
0xeb: {  	[sflag:s23] =	ssyncset.done $0x0  }
0xec: {  	s11 =	rddreg [dreg:$0x9];
	[sflag:s23] =	ssyncadd.s32 $0xFFFFC000  }
0xed: {  	[spmem:s1] =	stream.indirect.scatter.add.f32 [tilespmem:s22], [sflag:$0x3], $0x80, s11, s20, $0xb8;
	[tilespmem:$0x1CC00] =	vst v63  }
0xee: {  	_ =	swait.ge [sflag:s16], $0x4000  }
0xef: {  	[sflag:s16] =	ssyncset.done $0x0  }
0xf0: {  	s11 =	rddreg [dreg:$0xa];
	[sflag:s16] =	ssyncadd.s32 $0xFFFFC000  }
0xf1: {  	[tilespmem:s22], [sflag:$0x1] =	stream.indirect.gather [hbm4b:s4+s20], $0x80, s11, s20, $0xb8;
	[tilespmem:$0x1CC00] =	vst v63  }
0xf2: {  	_ =	swait.ge [sflag:s23], $0x4000  }
0xf3: {  	[sflag:s23] =	ssyncset.done $0x0  }
0xf4: {  	s11 =	rddreg [dreg:$0xb];
	[sflag:s23] =	ssyncadd.s32 $0xFFFFC000  }
0xf5: {  	[spmem:s1] =	stream.indirect.scatter.add.f32 [tilespmem:s21], [sflag:$0x3], $0x80, s11, s20, $0xb8;
	[tilespmem:$0x1CC00] =	vst v63  }
0xf6: {  	_ =	swait.ge [sflag:s16], $0x4000  }
0xf7: {  	[sflag:s16] =	ssyncset.done $0x0  }
0xf8: {  	s11 =	rddreg [dreg:$0xc];
	[sflag:s16] =	ssyncadd.s32 $0xFFFFC000  }
0xf9: {  	[tilespmem:s21], [sflag:$0x1] =	stream.indirect.gather [hbm4b:s4+s20], $0x80, s11, s20, $0xb8;
	[tilespmem:$0x1CC00] =	vst v63  }
0xfa: {  	_ =	swait.ge [sflag:s23], $0x4000  }
0xfb: {  	[sflag:s23] =	ssyncset.done $0x0  }
0xfc: {  	s11 =	rddreg [dreg:$0xd];
	[sflag:s23] =	ssyncadd.s32 $0xFFFFC000  }
0xfd: {  	[spmem:s1] =	stream.indirect.scatter.add.f32 [tilespmem:s22], [sflag:$0x3], $0x80, s11, s20, $0xb8;
	[tilespmem:$0x1CC00] =	vst v63  }
0xfe: {  	_ =	swait.ge [sflag:s16], $0x4000  }
0xff: {  	[sflag:s16] =	ssyncset.done $0x0  }
0x100: {  	s11 =	rddreg [dreg:$0xe];
	[sflag:s16] =	ssyncadd.s32 $0xFFFFC000  }
0x101: {  	[tilespmem:s22], [sflag:$0x1] =	stream.indirect.gather [hbm4b:s4+s20], $0x80, s11, s20, $0xb8;
	[tilespmem:$0x1CC00] =	vst v63  }
0x102: {  	_ =	swait.ge [sflag:s23], $0x4000  }
0x103: {  	[sflag:s23] =	ssyncset.done $0x0  }
0x104: {  	s11 =	rddreg [dreg:$0xf];
	[sflag:s23] =	ssyncadd.s32 $0xFFFFC000  }
0x105: {  	[spmem:s1] =	stream.indirect.scatter.add.f32 [tilespmem:s21], [sflag:$0x3], $0x80, s11, s20, $0xb8;
	[tilespmem:$0x1CC00] =	vst v63  }
0x106: {  	_ =	swait.ge [sflag:s16], $0x4000  }
0x107: {  	[sflag:s16] =	ssyncset.done $0x0  }
0x108: {  	[sflag:s16] =	ssyncadd.s32 $0xFFFFC000  }
0x109: {  	_ =	swait.ge [sflag:s23], $0x4000  }
0x10a: {  	[sflag:s23] =	ssyncset.done $0x0  }
0x10b: {  	s11 =	rddreg [dreg:$0x10];
	[sflag:s23] =	ssyncadd.s32 $0xFFFFC000  }
0x10c: {  	[spmem:s1] =	stream.indirect.scatter.add.f32 [tilespmem:s22], [sflag:$0x3], $0x80, s11, s20, $0xb8;
	[tilespmem:$0x1CC00] =	vst v63  }
0x10d: {  	_ =	swait.ge [sflag:s16], $0x4000  }
0x10e: {  	[sflag:s16] =	ssyncset.done $0x0  }
0x10f: {  	[sflag:s16] =	ssyncadd.s32 $0xFFFFC000  }
0x110: {  	_ =	swait.ge [sflag:s24], $0x400  }
0x111: {  	[sflag:s24] =	ssyncset.done $0x0  }
0x112: {  	s10 =	smov.u32 s2;
	[sflag:s24] =	ssyncadd.s32 $0xFFFFFC00  }
0x113: {  	s10 =	smin.u32 s10, $0x7;
	_ =	swait.ge [sflag:s24], $0x400  }
0x114: {  	s10 =	sshll.u32 s10, $0xA;
	s11 =	rddreg [dreg:$0x3]  }
0x115: {  	s10 =	sadd.s32 s10, s11  }
0x116: {  	[sflag:s24] =	ssyncset.done $0x0;
	s10 =	sshrl.u32 s10, $0x3  }
0x117: {  	[sflag:s24] =	ssyncadd.s32 $0xFFFFFC00;
	s11 =	sadd.s32 s5, s10  }
0x118: {  	[tilespmem:s3], [sflag:$0x2] =	stream.linear.gather [hbm4b:s11+s3], $0x400, $0x38;
	[tilespmem:$0x1CC00] =	vst v63  }
0x119: {  	s10 =	sadd.s32 s6, s10  }
0x11a: {  	[tilespmem:s17], [sflag:$0x2] =	stream.linear.gather [hbm4b:s10+s3], $0x400, $0x38;
	[tilespmem:$0x1CC00] =	vst v63  }
0x11b: {  	_ = 	snop  }
0x11c: {  	[tilespmem:s21], [sflag:$0x1] =	stream.indirect.gather [hbm4b:s4+s20], $0x80, s18, s20, $0xb8;
	[tilespmem:$0x1CC00] =	vst v63  }
0x11d: {  	s11 =	rddreg [dreg:$0x11]  }
0x11e: {  	[tilespmem:s22], [sflag:$0x1] =	stream.indirect.gather [hbm4b:s4+s20], $0x80, s11, s20, $0xb8;
	[tilespmem:$0x1CC00] =	vst v63  }
0x11f: {  	_ =	swait.ge [sflag:s23], $0x4000  }
0x120: {  	[sflag:s23] =	ssyncset.done $0x0  }
0x121: {  	[sflag:s23] =	ssyncadd.s32 $0xFFFFC000  }
0x122: {  	[spmem:s1] =	stream.indirect.scatter.add.f32 [tilespmem:s21], [sflag:$0x3], $0x80, s19, s20, $0xb8;
	[tilespmem:$0x1CC00] =	vst v63  }
0x123: {  	_ =	swait.ge [sflag:s16], $0x4000  }
0x124: {  	[sflag:s16] =	ssyncset.done $0x0  }
0x125: {  	s11 =	rddreg [dreg:$0x12];
	[sflag:s16] =	ssyncadd.s32 $0xFFFFC000  }
0x126: {  	[tilespmem:s21], [sflag:$0x1] =	stream.indirect.gather [hbm4b:s4+s20], $0x80, s11, s20, $0xb8;
	[tilespmem:$0x1CC00] =	vst v63  }
0x127: {  	_ =	swait.ge [sflag:s23], $0x4000  }
0x128: {  	[sflag:s23] =	ssyncset.done $0x0  }
0x129: {  	s11 =	rddreg [dreg:$0x13];
	[sflag:s23] =	ssyncadd.s32 $0xFFFFC000  }
0x12a: {  	[spmem:s1] =	stream.indirect.scatter.add.f32 [tilespmem:s22], [sflag:$0x3], $0x80, s11, s20, $0xb8;
	[tilespmem:$0x1CC00] =	vst v63  }
0x12b: {  	_ =	swait.ge [sflag:s16], $0x4000  }
0x12c: {  	[sflag:s16] =	ssyncset.done $0x0  }
0x12d: {  	s11 =	rddreg [dreg:$0x14];
	[sflag:s16] =	ssyncadd.s32 $0xFFFFC000  }
0x12e: {  	[tilespmem:s22], [sflag:$0x1] =	stream.indirect.gather [hbm4b:s4+s20], $0x80, s11, s20, $0xb8;
	[tilespmem:$0x1CC00] =	vst v63  }
0x12f: {  	_ =	swait.ge [sflag:s23], $0x4000  }
0x130: {  	[sflag:s23] =	ssyncset.done $0x0  }
0x131: {  	s11 =	rddreg [dreg:$0x15];
	[sflag:s23] =	ssyncadd.s32 $0xFFFFC000  }
0x132: {  	[spmem:s1] =	stream.indirect.scatter.add.f32 [tilespmem:s21], [sflag:$0x3], $0x80, s11, s20, $0xb8;
	[tilespmem:$0x1CC00] =	vst v63  }
0x133: {  	_ =	swait.ge [sflag:s16], $0x4000  }
0x134: {  	[sflag:s16] =	ssyncset.done $0x0  }
0x135: {  	s11 =	rddreg [dreg:$0x16];
	[sflag:s16] =	ssyncadd.s32 $0xFFFFC000  }
0x136: {  	[tilespmem:s21], [sflag:$0x1] =	stream.indirect.gather [hbm4b:s4+s20], $0x80, s11, s20, $0xb8;
	[tilespmem:$0x1CC00] =	vst v63  }
0x137: {  	_ =	swait.ge [sflag:s23], $0x4000  }
0x138: {  	[sflag:s23] =	ssyncset.done $0x0  }
0x139: {  	s11 =	rddreg [dreg:$0x17];
	[sflag:s23] =	ssyncadd.s32 $0xFFFFC000  }
0x13a: {  	[spmem:s1] =	stream.indirect.scatter.add.f32 [tilespmem:s22], [sflag:$0x3], $0x80, s11, s20, $0xb8;
	[tilespmem:$0x1CC00] =	vst v63  }
0x13b: {  	_ =	swait.ge [sflag:s16], $0x4000  }
0x13c: {  	[sflag:s16] =	ssyncset.done $0x0  }
0x13d: {  	s11 =	rddreg [dreg:$0x18];
	[sflag:s16] =	ssyncadd.s32 $0xFFFFC000  }
0x13e: {  	[tilespmem:s22], [sflag:$0x1] =	stream.indirect.gather [hbm4b:s4+s20], $0x80, s11, s20, $0xb8;
	[tilespmem:$0x1CC00] =	vst v63  }
0x13f: {  	_ =	swait.ge [sflag:s23], $0x4000  }
0x140: {  	[sflag:s23] =	ssyncset.done $0x0  }
0x141: {  	[sflag:s23] =	ssyncadd.s32 $0xFFFFC000  }
0x142: {  	[spmem:s1] =	stream.indirect.scatter.add.f32 [tilespmem:s21], [sflag:$0x3], $0x80, s25, s20, $0xb8;
	[tilespmem:$0x1CC00] =	vst v63  }
0x143: {  	_ =	swait.ge [sflag:s16], $0x4000  }
0x144: {  	[sflag:s16] =	ssyncset.done $0x0  }
0x145: {  	[sflag:s16] =	ssyncadd.s32 $0xFFFFC000  }
0x146: {  	[tilespmem:s21], [sflag:$0x1] =	stream.indirect.gather [hbm4b:s4+s20], $0x80, s26, s20, $0xb8;
	[tilespmem:$0x1CC00] =	vst v63  }
0x147: {  	_ =	swait.ge [sflag:s23], $0x4000  }
0x148: {  	[sflag:s23] =	ssyncset.done $0x0  }
0x149: {  	[sflag:s23] =	ssyncadd.s32 $0xFFFFC000  }
0x14a: {  	[spmem:s1] =	stream.indirect.scatter.add.f32 [tilespmem:s22], [sflag:$0x3], $0x80, s28, s20, $0xb8;
	[tilespmem:$0x1CC00] =	vst v63  }
0x14b: {  	_ =	swait.ge [sflag:s16], $0x4000  }
0x14c: {  	[sflag:s16] =	ssyncset.done $0x0  }
0x14d: {  	[sflag:s16] =	ssyncadd.s32 $0xFFFFC000  }
0x14e: {  	[tilespmem:s22], [sflag:$0x1] =	stream.indirect.gather [hbm4b:s4+s20], $0x80, s29, s20, $0xb8;
	[tilespmem:$0x1CC00] =	vst v63  }
0x14f: {  	_ =	swait.ge [sflag:s23], $0x4000  }
0x150: {  	[sflag:s23] =	ssyncset.done $0x0  }
0x151: {  	[sflag:s23] =	ssyncadd.s32 $0xFFFFC000  }
0x152: {  	[spmem:s1] =	stream.indirect.scatter.add.f32 [tilespmem:s21], [sflag:$0x3], $0x80, s30, s20, $0xb8;
	[tilespmem:$0x1CC00] =	vst v63  }
0x153: {  	_ =	swait.ge [sflag:s16], $0x4000  }
0x154: {  	[sflag:s16] =	ssyncset.done $0x0  }
0x155: {  	[sflag:s16] =	ssyncadd.s32 $0xFFFFC000  }
0x156: {  	_ =	swait.ge [sflag:s23], $0x4000  }
0x157: {  	[sflag:s23] =	ssyncset.done $0x0  }
0x158: {  	[sflag:s23] =	ssyncadd.s32 $0xFFFFC000  }
0x159: {  	[spmem:s1] =	stream.indirect.scatter.add.f32 [tilespmem:s22], [sflag:$0x3], $0x80, s31, s20, $0xb8;
	[tilespmem:$0x1CC00] =	vst v63  }
0x15a: {  	_ =	swait.ge [sflag:s16], $0x4000  }
0x15b: {  	[sflag:s16] =	ssyncset.done $0x0  }
0x15c: {  	p0 =	sne.s32 s2, $0x8;
	[sflag:s16] =	ssyncadd.s32 $0xFFFFC000  }
.Ltmp0:
0x15d: {  	_ =	swait.ge [sflag:s24], $0x400;
	(pc) =	sbr.rel @p0 .LBB2_2-.Ltmp0, $4  }
0x15e: {  	[sflag:s24] =	ssyncset.done $0x0  }
0x15f: {  	[sflag:s24] =	ssyncadd.s32 $0xFFFFFC00  }
0x160: {  	_ =	swait.ge [sflag:s24], $0x400  }
0x161: {  	s2 =	sadd.s32 $0x2, s2;
	[sflag:s24] =	ssyncset.done $0x0  }
0x162: {  	[sflag:s24] =	ssyncadd.s32 $0xFFFFFC00;
	s0 =	sadd.s32 $0x1, s0  }
0x163: {  	[bflag:$0x0] =	sbarrier.arrive $0xFFFF;
	p0 =	sne.s32 s0, s12  }
.Ltmp1:
0x164: {  	s2 =	rddreg [dreg:$0x1c];
	(pc) =	sbr.rel @p0 .LBB2_1-.Ltmp1, $4  }
0x165: {  	[hbm:s2], [sflag:s8] =	dma.local [spmem:s15], $0x2780  }
0x166: {  	_ =	swait.ge [sflag:s16], $0x2780  }
0x167: {  	[sflag:s16] =	ssyncset.done $0x0  }
0x168: {  	[sflag:s16] =	ssyncadd.s32 $0xFFFFD880  }
0x169: {  	_ =	sfence.sel $0x180000  }
0x16a: {  	[bflag:$0x0] =	sbarrier.arrive $0xFFFF  }
0x16b: {  	_ =	strace $0x90000050  }
0x16c: {  	s0 =	stileid.u32;
	[bflag:$0x2] =	sbarrier.arrive $0xFFFF  }
0x16d: {  	p0 =	sne.s32 s0, $0x0;
	s0 =	rddreg [dreg:$0x2]  }
0x16e: {  	s0 =	sadd.s32 @!p0 $0x100000, s0  }
0x16f: {  	[sflag:s0] =	ssyncadd.tile.s32 @!p0 $0x1;
	_ =	shalt  }
.Lfunc_end2:
_tile_overlayer_lowered:
.L_overlay_start_2:
0x170: {  	(tag) =	ssettag $0x2  }
0x171: {  	s0 =	rddreg [dreg:$0x0];
	s2 =	stileid.u32  }
0x172: {  	s1 =	rddreg [dreg:$0x1];
	p0 =	sne.s32 s2, $0x0  }
0x173: {  	s3 =	rddreg [dreg:$0x2];
	[bflag:$0x3] =	sbarrier.arrive $0xFFFF;
	s2 =	simm.s32 @!p0 $0x1C03  }
0x174: {  	[timem:s3], [sflag:s2] =	dma.local @!p0 [hbm:s0], s1  }
0x175: {  	s0 =	simm.s32 @!p0 $0x3  }
0x176: {  	_ =	swait.ge @!p0 [sflag:s0], s1  }
0x177: {  	s1 =	ssub.s32 @!p0 $0x0, s1;
	[sflag:s0] =	ssyncset.done @!p0 $0x0  }
0x178: {  	[sflag:s0] =	ssyncadd.s32 @!p0 s1  }
0x179: {  	[bflag:$0x3] =	sbarrier.arrive $0xFFFF  }
0x17a: {  	_ =	shalt  }

// kernel: kernel.9.cloned.1.call-start
scs
__scs_entry_jumppad:
0x0: {  	(pc) =	sbr.rel $0x88, $3  }
0x1: {  	(tag) =	ssettag $0x0;
	lr =	simm.s32 $0x1  }
0x2: {  	[smem:$0x3F93] =	sst lr;
	_ =	strace $0xD0000000  }
0x3: {  	_ = 	snop  }
0x4: {  	_ = 	snop  }
0x5: {  	_ = 	snop  }
0x6: {  	_ = 	snop  }
0x7: {  	_ = 	snop  }
__scs_overlays_trampoline_lowered:
0x8: {  	[smem:$0x3FA2] =	sst s0  }
0x9: {  	[smem:$0x3FA3] =	sst s1  }
0xa: {  	[smem:$0x3FA4] =	sst s2  }
0xb: {  	[smem:$0x3FA5] =	sst s3  }
0xc: {  	[smem:$0x3FA6] =	sst s4  }
0xd: {  	[smem:$0x3FA7] =	sst s5  }
0xe: {  	[smem:$0x3FA8] =	sst s6  }
0xf: {  	[smem:$0x3FA9] =	sst s7  }
0x10: {  	[smem:$0x3FAA] =	sst s8  }
0x11: {  	[smem:$0x3FAB] =	sst s9;
	s0 =	simm.s32 @!p0 $0x0  }
0x12: {  	s1 =	sld [smem:$0x3F91];
	s0 =	simm.s32 @p0 $0x1  }
0x13: {  	[smem:$0x3FAC] =	sst s0;
	s0 =	simm.s32 @!p1 $0x0  }
0x14: {  	s2 =	sld [smem:$0x3F90];
	s0 =	simm.s32 @p1 $0x1  }
0x15: {  	[smem:$0x3FAD] =	sst s0;
	s0 =	simm.s32 @!p2 $0x0  }
0x16: {  	s3 =	sld [smem:$0x3FDB];
	s0 =	simm.s32 @p2 $0x1  }
0x17: {  	s4 =	simm.s32 $0x1BF5;
	[smem:$0x3FAF] =	sst s0  }
0x18: {  	s0 =	sld [smem:$0x3F92];
	_ =	swait.ge [sflag:s4], $0x0  }
0x19: {  	s7 =	sld [smem:$0x3F93]  }
0x1a: {  	s8 =	sadd.s32 $0xFFFFE003, lr  }
0x1b: {  	s9 =	sadd.s32 $0xFFFFFEF7, lr;
	s5 =	simm.s32 $0xFFFFFFFF;
	p2 =	slt.u32 s8, $0xFFFFF086  }
0x1c: {  	p1 =	slt.u32 s9, $0xF7A;
	s5 =	simm.s32 @!p2 $0x0  }
0x1d: {  	s5 =	simm.s32 @p1 $0x1;
	p0 =	seq.s32 s7, s2  }
0x1e: {  	s7 =	smul.u32 @!p0 $0xF7A, s2;
	p2 =	seq.s32 @!p0 s5, $0x0  }
0x1f: {  	s9 =	smul.u32 $0xF7A, s1;
	s8 =	simm.s32 @!p0 $0x1BF5;
	p2 =	por !p2, p0  }
0x20: {  	[sflag:s8] =	ssyncset.s32 @!p0 $0xFFFFF086;
	s6 =	sadd.s32 @!p0 s3, s7;
	s7 =	simm.s32 @!p0 $0x108  }
0x21: {  	s3 =	sadd.s32 s3, s9;
	s6 =	sadd.s32 @!p0 $0x88, s6;
	s7 =	simm.s32 @p2 $0x1082  }
0x22: {  	[simem:s7], [sflag:s8] =	dma.local @!p0 [hbm:s6], $0xF7A  }
0x23: {  	s9 =	sor.u32 $0xD0000000, s2;
	s6 =	simm.s32 $0x108;
	_ =	swait.ge @!p0 [sflag:s8], $0x0  }
0x24: {  	s3 =	sadd.s32 $0x88, s3;
	s6 =	simm.s32 @!p1 $0x1082;
	[sflag:s4] =	ssyncset.s32 $0xFFFFF086  }
0x25: {  	[simem:s6], [sflag:s4] =	dma.local [hbm:s3], $0xF7A  }
0x26: {  	[smem:$0x3F93] =	sst s1;
	(tag) =	ssettag s2;
	_ =	strace s9  }
0x27: {  	s1 =	sld [smem:$0x3FA3]  }
0x28: {  	s2 =	sld [smem:$0x3FA4]  }
0x29: {  	s4 =	sld [smem:$0x3FA6]  }
0x2a: {  	p0 =	seq.s32 s5, $0x0;
	s5 =	sld [smem:$0x3FA7]  }
0x2b: {  	s6 =	sld [smem:$0x3FA8]  }
0x2c: {  	s7 =	sld [smem:$0x3FA9]  }
0x2d: {  	s3 =	simm.s32 $0x108;
	s8 =	sld [smem:$0x3FAA]  }
0x2e: {  	s3 =	simm.s32 @!p0 $0x1082;
	s9 =	sld [smem:$0x3FAB]  }
0x2f: {  	lr =	sadd.s32 s0, s3;
	s0 =	sld [smem:$0x3FA2]  }
0x30: {  	s3 =	sld [smem:$0x3FA5]  }
0x31: {  	[smem:$0x3FAE] =	sst s10  }
0x32: {  	s10 =	sld [smem:$0x3FAC];
	_ =	sdelay $0x3  }
0x33: {  	p0 =	seq.s32 s10, $0x1;
	s10 =	sld [smem:$0x3FAE];
	_ =	sdelay $0x3  }
0x34: {  	[smem:$0x3FAE] =	sst s10  }
0x35: {  	s10 =	sld [smem:$0x3FAD];
	_ =	sdelay $0x3  }
0x36: {  	p1 =	seq.s32 s10, $0x1;
	s10 =	sld [smem:$0x3FAE];
	_ =	sdelay $0x3  }
0x37: {  	[smem:$0x3FAE] =	sst s10  }
0x38: {  	s10 =	sld [smem:$0x3FAF]  }
0x39: {  	_ = 	snop;
	(pc) =	sbr.ind lr, $3  }
0x3a: {  	_ = 	snop  }
0x3b: {  	_ = 	snop  }
0x3c: {  	p2 =	seq.s32 s10, $0x1;
	s10 =	sld [smem:$0x3FAE]  }
0x3d: {  	_ =	shalt  }
0x3e: {  	_ =	shalt  }
0x3f: {  	_ =	shalt  }
0x40: {  	_ =	shalt  }
0x41: {  	_ =	shalt  }
0x42: {  	_ =	shalt  }
0x43: {  	_ =	shalt  }
0x44: {  	_ =	shalt  }
0x45: {  	_ =	shalt  }
0x46: {  	_ =	shalt  }
0x47: {  	_ =	shalt  }
0x48: {  	_ =	shalt  }
0x49: {  	_ =	shalt  }
0x4a: {  	_ =	shalt  }
0x4b: {  	_ =	shalt  }
0x4c: {  	_ =	shalt  }
0x4d: {  	_ =	shalt  }
0x4e: {  	_ =	shalt  }
0x4f: {  	_ =	shalt  }
0x50: {  	_ =	shalt  }
0x51: {  	_ =	shalt  }
0x52: {  	_ =	shalt  }
0x53: {  	_ =	shalt  }
0x54: {  	_ =	shalt  }
0x55: {  	_ =	shalt  }
0x56: {  	_ =	shalt  }
0x57: {  	_ =	shalt  }
0x58: {  	_ =	shalt  }
0x59: {  	_ =	shalt  }
0x5a: {  	_ =	shalt  }
0x5b: {  	_ =	shalt  }
0x5c: {  	_ =	shalt  }
0x5d: {  	_ =	shalt  }
0x5e: {  	_ =	shalt  }
0x5f: {  	_ =	shalt  }
0x60: {  	_ =	shalt  }
0x61: {  	_ =	shalt  }
0x62: {  	_ =	shalt  }
0x63: {  	_ =	shalt  }
0x64: {  	_ =	shalt  }
0x65: {  	_ =	shalt  }
0x66: {  	_ =	shalt  }
0x67: {  	_ =	shalt  }
0x68: {  	_ =	shalt  }
0x69: {  	_ =	shalt  }
0x6a: {  	_ =	shalt  }
0x6b: {  	_ =	shalt  }
0x6c: {  	_ =	shalt  }
0x6d: {  	_ =	shalt  }
0x6e: {  	_ =	shalt  }
0x6f: {  	_ =	shalt  }
0x70: {  	_ =	shalt  }
0x71: {  	_ =	shalt  }
0x72: {  	_ =	shalt  }
0x73: {  	_ =	shalt  }
0x74: {  	_ =	shalt  }
0x75: {  	_ =	shalt  }
0x76: {  	_ =	shalt  }
0x77: {  	_ =	shalt  }
0x78: {  	_ =	shalt  }
0x79: {  	_ =	shalt  }
0x7a: {  	_ =	shalt  }
0x7b: {  	_ =	shalt  }
0x7c: {  	_ =	shalt  }
0x7d: {  	_ =	shalt  }
0x7e: {  	_ =	shalt  }
0x7f: {  	_ =	shalt  }
0x80: {  	_ =	shalt  }
0x81: {  	_ =	shalt  }
0x82: {  	_ =	shalt  }
0x83: {  	_ =	shalt  }
0x84: {  	_ =	shalt  }
0x85: {  	_ =	shalt  }
0x86: {  	_ =	shalt  }
0x87: {  	_ =	shalt  }
.Lfunc_end0:
.L_simem_size_0:
called_computation_lowered:
.L_overlay_start_0:
0x88: {  	s2 =	sld [smem:$0x3FD9]  }
0x89: {  	s3 =	sld [smem:$0x3FFE];
	_ =	sdelay $0x1  }
0x8a: {  	s1 =	srdreg.scid  }
0x8b: {  	s0 =	sand.u32 $0x1, s1  }
0x8c: {  	s17 =	sshll.u32 s0, $0xA;
	s2 =	sadd.s32 s3, s2  }
0x8d: {  	s2 =	sadd.s32 s2, s17  }
0x8e: {  	[smem:$0x3FBA] =	sst s2  }
0x8f: {  	_ = 	snop  }
0x90: {  	(tm) =	ssettm $0x1  }
0x91: {  	s18 =	sld [smem:$0x3FFB];
	_ =	sdelay $0x3  }
0x92: {  	_ =	strace s18  }
0x93: {  	s2 =	sld [smem:$0x3FFC];
	_ =	sdelay $0x3  }
0x94: {  	_ =	strace s2  }
0x95: {  	s2 =	sld [smem:$0x3FFD];
	_ =	sdelay $0x3  }
0x96: {  	_ =	strace s2  }
0x97: {  	_ =	strace $0x8FFFFFFF  }
0x98: {  	s19 =	sld [smem:$0x3FDB];
	_ =	sdelay $0x1  }
0x99: {  	s20 =	simm.s32 $_scs_section_size  }
0x9a: {  	s4 =	simm.s32 $_size__tile_overlayer_lowered;
	s5 =	simm.s32 $_tile_overlayer_lowered  }
0x9b: {  	s6 =	simm.s32 $0x1BFF;
	s21 =	sshll.u32 s5, $0x1;
	s3 =	sadd.s32 s20, s19  }
0x9c: {  	s22 =	simm.s32 $0x0;
	s4 =	sshll.u32 s4, $0x1;
	s5 =	sadd.s32 s21, s3  }
0x9d: {  	[timem:s22], [sflag:s6] =	dma.local [hbm:s5], s4  }
0x9e: {  	_ =	swait.ge [sflag:s6], s4  }
0x9f: {  	s4 =	ssub.s32 $0x0, s4;
	[sflag:s6] =	ssyncset.done $0x0  }
0xa0: {  	[sflag:s6] =	ssyncadd.s32 s4;
	_ =	sdelay $0x1  }
0xa1: {  	s23 =	simm.s32 $0x1B8B  }
0xa2: {  	_ =	swait.ge [sflag:s23], $0x1  }
0xa3: {  	[sflag:s23] =	ssyncset.done $0x0  }
0xa4: {  	[sflag:s23] =	ssyncadd.s32 $0xFFFFFFFF  }
0xa5: {  	s4 =	sld [smem:$0x0]  }
0xa6: {  	s5 =	sand.u32 $0xFFFFFFFE, s1  }
0xa7: {  	p0 =	sne.s32 s1, s5  }
0xa8: {  	s5 =	sshll.u32 @p0 s5, $0xE  }
0xa9: {  	s5 =	sadd.s32 @p0 $0x11B8D, s5;
	s6 =	sshll.u32 @p0 s4, $0x11  }
0xaa: {  	s5 =	sor.u32 @p0 s6, s5  }
0xab: {  	[sflag:s5] =	ssyncadd.remote.s32 @p0 $0x1;
	_ =	sdelay $0x1  }
0xac: {  	s5 =	simm.s32 @p0 $0x1B8D  }
0xad: {  	_ =	swait.eq @p0 [sflag:s5], $0x1  }
0xae: {  	[sflag:s5] =	ssyncadd.s32 @p0 $0xFFFFFFFF  }
0xaf: {  	s6 =	sshll.u32 @!p0 s1, $0xE  }
0xb0: {  	s6 =	sor.u32 @!p0 $0x4000, s6;
	s5 =	simm.s32 @!p0 $0x1B8D  }
0xb1: {  	s4 =	sshll.u32 @!p0 s4, $0x11;
	s6 =	sadd.s32 @!p0 $0x11B8D, s6;
	_ =	swait.eq @!p0 [sflag:s5], $0x1  }
0xb2: {  	s4 =	sor.u32 @!p0 s4, s6;
	[sflag:s5] =	ssyncadd.s32 @!p0 $0xFFFFFFFF  }
0xb3: {  	s25 =	simm.s32 $0x1B8E;
	s24 =	sld [smem:$0x3FFE];
	[sflag:s4] =	ssyncadd.remote.s32 @!p0 $0x1  }
0xb4: {  	s26 =	simm.s32 $execute0_lowered;
	[smem:$0x3FD2] =	sst s25  }
0xb5: {  	s5 =	sshll.u32 s26, $0x1;
	_ =	strace $0x80000049;
	[dreg:$0x1] =	wrdreg $0xFFFFFFFF  }
0xb6: {  	s28 =	simm.s32 $_size_execute0_lowered;
	s3 =	sadd.s32 s3, s5;
	[dreg:$0x0] =	wrdreg $0x0  }
0xb7: {  	s5 =	sshll.u32 s28, $0x1;
	[dreg:$0x2] =	wrdreg s3  }
0xb8: {  	[dreg:$0x3] =	wrdreg s5  }
0xb9: {  	[dreg:$0x4] =	wrdreg $0xC0  }
0xba: {  	_ =	task [dreg:s22], $0x5FFFF  }
0xbb: {  	[dreg:$0x1] =	wrdreg $0xFFFFFFFF  }
0xbc: {  	[dreg:$0x0] =	wrdreg $0x60  }
0xbd: {  	[dreg:$0x2] =	wrdreg s24  }
0xbe: {  	[dreg:$0x3] =	wrdreg $0x48000  }
0xbf: {  	[dreg:$0x4] =	wrdreg $0x9  }
0xc0: {  	_ =	task.clear_ibuf [dreg:s22], $0x5FFFF;
	_ =	strace $0x90000049  }
0xc1: {  	s29 =	simm.s32 $0x9;
	_ =	strace $0x8000004B  }
0xc2: {  	_ =	swait.ge [sflag:s29], $0x1  }
0xc3: {  	[sflag:s29] =	ssyncadd.s32 $0xFFFFFFFF  }
0xc4: {  	_ =	strace $0x9000004B  }
0xc5: {  	_ =	sfence  }
0xc6: {  	s30 =	sld [smem:$0x0];
	_ =	sdelay $0x2  }
0xc7: {  	s31 =	sshll.u32 s1, $0xD;
	s1 =	sshrl.u32 s1, $0x2  }
0xc8: {  	s4 =	sand.u32 $0x4000, s31;
	s1 =	sadd.s32 s1, s30  }
0xc9: {  	s0 =	sor.u32 s4, s0;
	s1 =	sshll.u32 s1, $0x11  }
0xca: {  	s0 =	sor.u32 s1, s0  }
0xcb: {  	s0 =	sadd.s32 $0x8F2B, s0  }
0xcc: {  	[sflag:s0] =	ssyncadd.remote.s32 $0x1  }
0xcd: {  	_ =	sfence.sel $0xFFFF  }
0xce: {  	[dreg:$0x0] =	wrdreg $0xFFFFFFFF;
	(pc) =	sbr.abs _section_cstart, $3  }
0xcf: {  	[dreg:$0x1] =	wrdreg $0xFFFFFFFF  }
0xd0: {  	_ =	task.clear_ibuf [dreg:s22], $0x2FFFF;
	_ =	strace $0x9FFFFFFF  }
0xd1: {  	(tm) =	ssettm $0x7FFFFFFF  }
tec
execute0_lowered:
.L_overlay_start_1:
0x0: {  	(tag) =	ssettag $0x1  }
0x1: {  	s0 =	rddreg [dreg:$0x0]  }
0x2: {  	s1 =	rddreg [dreg:$0x1];
	s3 =	simm.s32 $0x0;
	s2 =	srdreg.scid  }
0x3: {  	s10 =	stileid.u32;
	s14 =	simm.s32 $0x2;
	s15 =	simm.s32 $0x800  }
0x4: {  	s16 =	simm.s32 $0x400;
	s28 =	simm.s32 $0x580;
	s29 =	simm.s32 $0x600  }
0x5: {  	s30 =	simm.s32 $0x680;
	s31 =	simm.s32 $0x700;
	s6 =	smul.u32 $0x13C00, s10  }
0x6: {  	[smem:$0x7FF] =	sst s3;
	s2 =	sand.u32 $0x1, s2;
	s19 =	smul.u32 $0x4F000, s10  }
0x7: {  	s4 =	sadd.s32 $0xD800, s0;
	s7 =	sadd.s32 $0x17800, s0;
	s9 =	smul.u32 $0x2800, s10  }
0x8: {  	s8 =	sadd.s32 $0x69000, s0;
	s23 =	sshll.u32 s10, $0x6;
	s5 =	smul.u32 $0x13C000, s2  }
0x9: {  	_ =	strace $0x8000004A;
	[dreg:$0x3] =	wrdreg s7;
	s17 =	sshll.u32 s2, $0x4  }
0xa: {  	[dreg:$0x4] =	wrdreg s8;
	s20 =	ssub.s32 $0x2, s2;
	s2 =	smul.u32 $0x28000, s2  }
0xb: {  	s18 =	sor.u32 s10, s17;
	s21 =	sshrl.u32 s20, $0x1;
	s7 =	sshrl.u32 s19, $0x2  }
0xc: {  	s17 =	simm.s32 $0x80;
	s19 =	simm.s32 $0x180;
	s5 =	sadd.s32 s6, s5  }
0xd: {  	s6 =	smul.u32 $0x2800, s18;
	s22 =	sadd.s32 s7, s1;
	s7 =	sor.u32 $0x1C02, s23  }
0xe: {  	s2 =	sadd.s32 s9, s2;
	s18 =	simm.s32 $0x100;
	s23 =	simm.s32 $0x380  }
0xf: {  	s5 =	sshrl.u32 s5, $0x3;
	s2 =	sor.u32 $0x400, s2;
	s13 =	sshrl.u32 s22, $0x3  }
0x10: {  	s22 =	simm.s32 $0x300;
	s0 =	sadd.s32 s5, s0;
	s5 =	ssub.s32 s20, s21  }
0x11: {  	s24 =	sshrl.u32 s6, $0x3;
	s9 =	sadd.s32 $0x800, s6;
	s26 =	sshrl.u32 s2, $0x3  }
0x12: {  	s20 =	simm.s32 $0x200;
	s21 =	simm.s32 $0x280;
	s2 =	simm.s32 $0x0  }
0x13: {  	s25 =	sadd.s32 s4, s24;
	s10 =	sadd.s32 $0x69800, s0;
	s11 =	smax.u32 s5, $0x1  }
0x14: {  	s6 =	sadd.s32 s26, s4;
	s24 =	simm.s32 $0x1;
	s26 =	simm.s32 $0x500  }
0x15: {  	s0 =	simm.s32 $0x780;
	[dreg:$0x5] =	wrdreg s25;
	s25 =	simm.s32 $0x480  }
.LBB2_1:
0x16: {  	s5 =	rddreg [dreg:$0x3]  }
0x17: {  	[spmem:s13], [sflag:s7] =	dma.local [hbm:s5], $0x2780  }
0x18: {  	_ =	swait.ge [sflag:s14], $0x2780  }
0x19: {  	[sflag:s14] =	ssyncset.done $0x0  }
0x1a: {  	s12 =	rddreg [dreg:$0x4];
	[sflag:s14] =	ssyncadd.s32 $0xFFFFD880  }
0x1b: {  	[tilespmem:s15], [sflag:$0x2] =	stream.linear.gather [hbm4b:s12+s3], $0x4000, $0x38;
	[tilespmem:$0x18400] =	vst v63  }
0x1c: {  	_ =	swait.ge [sflag:s14], $0x4000  }
0x1d: {  	[sflag:s14] =	ssyncset.done $0x0  }
0x1e: {  	s8 =	rddreg [dreg:$0x5];
	[sflag:s14] =	ssyncadd.s32 $0xFFFFC000  }
0x1f: {  	[tilespmem:s3], [sflag:$0x2] =	stream.linear.gather [hbm4b:s8+s3], $0x400, $0x38;
	[tilespmem:$0x18400] =	vst v63  }
0x20: {  	_ =	swait.ge [sflag:s14], $0x400  }
0x21: {  	[sflag:s14] =	ssyncset.done $0x0  }
0x22: {  	[sflag:s14] =	ssyncadd.s32 $0xFFFFFC00  }
0x23: {  	[bflag:$0x0] =	sbarrier.arrive $0xFFFF  }
0x24: {  	[tilespmem:s16], [sflag:$0x1] =	stream.linear.gather [hbm4b:s6+s3], $0x400, $0x38;
	[tilespmem:$0x18400] =	vst v63  }
0x25: {  	_ = 	snop  }
0x26: {  	[spmem:s1] =	stream.indirect.scatter.add.f32 [tilespmem:s15], [sflag:$0x2], $0x80, s3, s17, $0xb8;
	[tilespmem:$0x18400] =	vst v63  }
0x27: {  	_ =	swait.ge [sflag:s14], $0x4000  }
0x28: {  	[sflag:s14] =	ssyncset.done $0x0  }
0x29: {  	[sflag:s14] =	ssyncadd.s32 $0xFFFFC000  }
0x2a: {  	[spmem:s1] =	stream.indirect.scatter.add.f32 [tilespmem:s15], [sflag:$0x2], $0x80, s17, s17, $0xb8;
	[tilespmem:$0x18400] =	vst v63  }
0x2b: {  	_ =	swait.ge [sflag:s14], $0x4000  }
0x2c: {  	[sflag:s14] =	ssyncset.done $0x0  }
0x2d: {  	[sflag:s14] =	ssyncadd.s32 $0xFFFFC000  }
0x2e: {  	[spmem:s1] =	stream.indirect.scatter.add.f32 [tilespmem:s15], [sflag:$0x2], $0x80, s18, s17, $0xb8;
	[tilespmem:$0x18400] =	vst v63  }
0x2f: {  	_ =	swait.ge [sflag:s14], $0x4000  }
0x30: {  	[sflag:s14] =	ssyncset.done $0x0  }
0x31: {  	[sflag:s14] =	ssyncadd.s32 $0xFFFFC000  }
0x32: {  	[spmem:s1] =	stream.indirect.scatter.add.f32 [tilespmem:s15], [sflag:$0x2], $0x80, s19, s17, $0xb8;
	[tilespmem:$0x18400] =	vst v63  }
0x33: {  	_ =	swait.ge [sflag:s14], $0x4000  }
0x34: {  	[sflag:s14] =	ssyncset.done $0x0  }
0x35: {  	[sflag:s14] =	ssyncadd.s32 $0xFFFFC000  }
0x36: {  	[spmem:s1] =	stream.indirect.scatter.add.f32 [tilespmem:s15], [sflag:$0x2], $0x80, s20, s17, $0xb8;
	[tilespmem:$0x18400] =	vst v63  }
0x37: {  	_ =	swait.ge [sflag:s14], $0x4000  }
0x38: {  	[sflag:s14] =	ssyncset.done $0x0  }
0x39: {  	[sflag:s14] =	ssyncadd.s32 $0xFFFFC000  }
0x3a: {  	[spmem:s1] =	stream.indirect.scatter.add.f32 [tilespmem:s15], [sflag:$0x2], $0x80, s21, s17, $0xb8;
	[tilespmem:$0x18400] =	vst v63  }
0x3b: {  	_ =	swait.ge [sflag:s14], $0x4000  }
0x3c: {  	[sflag:s14] =	ssyncset.done $0x0  }
0x3d: {  	[sflag:s14] =	ssyncadd.s32 $0xFFFFC000  }
0x3e: {  	[spmem:s1] =	stream.indirect.scatter.add.f32 [tilespmem:s15], [sflag:$0x2], $0x80, s22, s17, $0xb8;
	[tilespmem:$0x18400] =	vst v63  }
0x3f: {  	_ =	swait.ge [sflag:s14], $0x4000  }
0x40: {  	[sflag:s14] =	ssyncset.done $0x0  }
0x41: {  	[sflag:s14] =	ssyncadd.s32 $0xFFFFC000  }
0x42: {  	[spmem:s1] =	stream.indirect.scatter.add.f32 [tilespmem:s15], [sflag:$0x2], $0x80, s23, s17, $0xb8;
	[tilespmem:$0x18400] =	vst v63  }
0x43: {  	_ =	swait.ge [sflag:s14], $0x4000  }
0x44: {  	s12 =	smin.u32 s3, $0x7;
	[sflag:s14] =	ssyncset.done $0x0  }
0x45: {  	s5 =	sshll.u32 s12, $0xA;
	[sflag:s14] =	ssyncadd.s32 $0xFFFFC000  }
0x46: {  	s5 =	sadd.s32 s5, s9;
	_ =	swait.ge [sflag:s24], $0x400  }
0x47: {  	s5 =	sshrl.u32 s5, $0x3;
	[sflag:s24] =	ssyncset.done $0x0  }
0x48: {  	s5 =	sadd.s32 s4, s5;
	[sflag:s24] =	ssyncadd.s32 $0xFFFFFC00  }
0x49: {  	[tilespmem:s3], [sflag:$0x1] =	stream.linear.gather [hbm4b:s5+s3], $0x400, $0x38;
	[tilespmem:$0x18400] =	vst v63  }
0x4a: {  	_ = 	snop  }
0x4b: {  	[spmem:s1] =	stream.indirect.scatter.add.f32 [tilespmem:s15], [sflag:$0x2], $0x80, s16, s17, $0xb8;
	[tilespmem:$0x18400] =	vst v63  }
0x4c: {  	_ =	swait.ge [sflag:s14], $0x4000  }
0x4d: {  	[sflag:s14] =	ssyncset.done $0x0  }
0x4e: {  	[sflag:s14] =	ssyncadd.s32 $0xFFFFC000  }
0x4f: {  	[spmem:s1] =	stream.indirect.scatter.add.f32 [tilespmem:s15], [sflag:$0x2], $0x80, s25, s17, $0xb8;
	[tilespmem:$0x18400] =	vst v63  }
0x50: {  	_ =	swait.ge [sflag:s14], $0x4000  }
0x51: {  	[sflag:s14] =	ssyncset.done $0x0  }
0x52: {  	[sflag:s14] =	ssyncadd.s32 $0xFFFFC000  }
0x53: {  	[spmem:s1] =	stream.indirect.scatter.add.f32 [tilespmem:s15], [sflag:$0x2], $0x80, s26, s17, $0xb8;
	[tilespmem:$0x18400] =	vst v63  }
0x54: {  	_ =	swait.ge [sflag:s14], $0x4000  }
0x55: {  	[sflag:s14] =	ssyncset.done $0x0  }
0x56: {  	[sflag:s14] =	ssyncadd.s32 $0xFFFFC000  }
0x57: {  	[spmem:s1] =	stream.indirect.scatter.add.f32 [tilespmem:s15], [sflag:$0x2], $0x80, s28, s17, $0xb8;
	[tilespmem:$0x18400] =	vst v63  }
0x58: {  	_ =	swait.ge [sflag:s14], $0x4000  }
0x59: {  	[sflag:s14] =	ssyncset.done $0x0  }
0x5a: {  	[sflag:s14] =	ssyncadd.s32 $0xFFFFC000  }
0x5b: {  	[spmem:s1] =	stream.indirect.scatter.add.f32 [tilespmem:s15], [sflag:$0x2], $0x80, s29, s17, $0xb8;
	[tilespmem:$0x18400] =	vst v63  }
0x5c: {  	_ =	swait.ge [sflag:s14], $0x4000  }
0x5d: {  	[sflag:s14] =	ssyncset.done $0x0  }
0x5e: {  	[sflag:s14] =	ssyncadd.s32 $0xFFFFC000  }
0x5f: {  	[spmem:s1] =	stream.indirect.scatter.add.f32 [tilespmem:s15], [sflag:$0x2], $0x80, s30, s17, $0xb8;
	[tilespmem:$0x18400] =	vst v63  }
0x60: {  	_ =	swait.ge [sflag:s14], $0x4000  }
0x61: {  	[sflag:s14] =	ssyncset.done $0x0  }
0x62: {  	[sflag:s14] =	ssyncadd.s32 $0xFFFFC000  }
0x63: {  	[spmem:s1] =	stream.indirect.scatter.add.f32 [tilespmem:s15], [sflag:$0x2], $0x80, s31, s17, $0xb8;
	[tilespmem:$0x18400] =	vst v63  }
0x64: {  	_ =	swait.ge [sflag:s14], $0x4000  }
0x65: {  	[sflag:s14] =	ssyncset.done $0x0  }
0x66: {  	[sflag:s14] =	ssyncadd.s32 $0xFFFFC000  }
0x67: {  	[spmem:s1] =	stream.indirect.scatter.add.f32 [tilespmem:s15], [sflag:$0x2], $0x80, s0, s17, $0xb8;
	[tilespmem:$0x18400] =	vst v63  }
0x68: {  	_ =	swait.ge [sflag:s14], $0x4000  }
0x69: {  	[sflag:s14] =	ssyncset.done $0x0  }
0x6a: {  	[sflag:s14] =	ssyncadd.s32 $0xFFFFC000  }
0x6b: {  	_ =	swait.ge [sflag:s24], $0x400  }
0x6c: {  	s12 =	smov.u32 s6;
	s5 =	simm.s32 $0x2;
	[sflag:s24] =	ssyncset.done $0x0  }
.LBB2_2:
0x6d: {  	p0 =	sne.s32 s5, $0x8;
	[sflag:s24] =	ssyncadd.s32 $0xFFFFFC00;
	s12 =	sadd.s32 $0x100, s12  }
0x6e: {  	[tilespmem:s16], [sflag:$0x1] =	stream.linear.gather [hbm4b:s12+s3], $0x400, $0x38;
	[tilespmem:$0x18400] =	vst v63  }
0x6f: {  	s8 =	smov.u32 s5;
	s5 =	sadd.s32 $0x2, s5  }
0x70: {  	[spmem:s1] =	stream.indirect.scatter.add.f32 [tilespmem:s15], [sflag:$0x2], $0x80, s3, s17, $0xb8;
	[tilespmem:$0x18400] =	vst v63  }
0x71: {  	_ =	swait.ge [sflag:s14], $0x4000  }
0x72: {  	[sflag:s14] =	ssyncset.done $0x0  }
0x73: {  	[sflag:s14] =	ssyncadd.s32 $0xFFFFC000  }
0x74: {  	[spmem:s1] =	stream.indirect.scatter.add.f32 [tilespmem:s15], [sflag:$0x2], $0x80, s17, s17, $0xb8;
	[tilespmem:$0x18400] =	vst v63  }
0x75: {  	_ =	swait.ge [sflag:s14], $0x4000  }
0x76: {  	[sflag:s14] =	ssyncset.done $0x0  }
0x77: {  	[sflag:s14] =	ssyncadd.s32 $0xFFFFC000  }
0x78: {  	[spmem:s1] =	stream.indirect.scatter.add.f32 [tilespmem:s15], [sflag:$0x2], $0x80, s18, s17, $0xb8;
	[tilespmem:$0x18400] =	vst v63  }
0x79: {  	_ =	swait.ge [sflag:s14], $0x4000  }
0x7a: {  	[sflag:s14] =	ssyncset.done $0x0  }
0x7b: {  	[sflag:s14] =	ssyncadd.s32 $0xFFFFC000  }
0x7c: {  	[spmem:s1] =	stream.indirect.scatter.add.f32 [tilespmem:s15], [sflag:$0x2], $0x80, s19, s17, $0xb8;
	[tilespmem:$0x18400] =	vst v63  }
0x7d: {  	_ =	swait.ge [sflag:s14], $0x4000  }
0x7e: {  	[sflag:s14] =	ssyncset.done $0x0  }
0x7f: {  	[sflag:s14] =	ssyncadd.s32 $0xFFFFC000  }
0x80: {  	[spmem:s1] =	stream.indirect.scatter.add.f32 [tilespmem:s15], [sflag:$0x2], $0x80, s20, s17, $0xb8;
	[tilespmem:$0x18400] =	vst v63  }
0x81: {  	_ =	swait.ge [sflag:s14], $0x4000  }
0x82: {  	[sflag:s14] =	ssyncset.done $0x0  }
0x83: {  	[sflag:s14] =	ssyncadd.s32 $0xFFFFC000  }
0x84: {  	[spmem:s1] =	stream.indirect.scatter.add.f32 [tilespmem:s15], [sflag:$0x2], $0x80, s21, s17, $0xb8;
	[tilespmem:$0x18400] =	vst v63  }
0x85: {  	_ =	swait.ge [sflag:s14], $0x4000  }
0x86: {  	[sflag:s14] =	ssyncset.done $0x0  }
0x87: {  	[sflag:s14] =	ssyncadd.s32 $0xFFFFC000  }
0x88: {  	[spmem:s1] =	stream.indirect.scatter.add.f32 [tilespmem:s15], [sflag:$0x2], $0x80, s22, s17, $0xb8;
	[tilespmem:$0x18400] =	vst v63  }
0x89: {  	_ =	swait.ge [sflag:s14], $0x4000  }
0x8a: {  	[sflag:s14] =	ssyncset.done $0x0  }
0x8b: {  	[sflag:s14] =	ssyncadd.s32 $0xFFFFC000  }
0x8c: {  	[spmem:s1] =	stream.indirect.scatter.add.f32 [tilespmem:s15], [sflag:$0x2], $0x80, s23, s17, $0xb8;
	[tilespmem:$0x18400] =	vst v63  }
0x8d: {  	_ =	swait.ge [sflag:s14], $0x4000  }
0x8e: {  	s8 =	smin.u32 s8, $0x7;
	[sflag:s14] =	ssyncset.done $0x0  }
0x8f: {  	s8 =	sshll.u32 s8, $0xA;
	[sflag:s14] =	ssyncadd.s32 $0xFFFFC000  }
0x90: {  	s8 =	sadd.s32 s8, s9;
	_ =	swait.ge [sflag:s24], $0x400  }
0x91: {  	s8 =	sshrl.u32 s8, $0x3;
	[sflag:s24] =	ssyncset.done $0x0  }
0x92: {  	s8 =	sadd.s32 s4, s8;
	[sflag:s24] =	ssyncadd.s32 $0xFFFFFC00  }
0x93: {  	[tilespmem:s3], [sflag:$0x1] =	stream.linear.gather [hbm4b:s8+s3], $0x400, $0x38;
	[tilespmem:$0x18400] =	vst v63  }
0x94: {  	_ = 	snop  }
0x95: {  	[spmem:s1] =	stream.indirect.scatter.add.f32 [tilespmem:s15], [sflag:$0x2], $0x80, s16, s17, $0xb8;
	[tilespmem:$0x18400] =	vst v63  }
0x96: {  	_ =	swait.ge [sflag:s14], $0x4000  }
0x97: {  	[sflag:s14] =	ssyncset.done $0x0  }
0x98: {  	[sflag:s14] =	ssyncadd.s32 $0xFFFFC000  }
0x99: {  	[spmem:s1] =	stream.indirect.scatter.add.f32 [tilespmem:s15], [sflag:$0x2], $0x80, s25, s17, $0xb8;
	[tilespmem:$0x18400] =	vst v63  }
0x9a: {  	_ =	swait.ge [sflag:s14], $0x4000  }
0x9b: {  	[sflag:s14] =	ssyncset.done $0x0  }
0x9c: {  	[sflag:s14] =	ssyncadd.s32 $0xFFFFC000  }
0x9d: {  	[spmem:s1] =	stream.indirect.scatter.add.f32 [tilespmem:s15], [sflag:$0x2], $0x80, s26, s17, $0xb8;
	[tilespmem:$0x18400] =	vst v63  }
0x9e: {  	_ =	swait.ge [sflag:s14], $0x4000  }
0x9f: {  	[sflag:s14] =	ssyncset.done $0x0  }
0xa0: {  	[sflag:s14] =	ssyncadd.s32 $0xFFFFC000  }
0xa1: {  	[spmem:s1] =	stream.indirect.scatter.add.f32 [tilespmem:s15], [sflag:$0x2], $0x80, s28, s17, $0xb8;
	[tilespmem:$0x18400] =	vst v63  }
0xa2: {  	_ =	swait.ge [sflag:s14], $0x4000  }
0xa3: {  	[sflag:s14] =	ssyncset.done $0x0  }
0xa4: {  	[sflag:s14] =	ssyncadd.s32 $0xFFFFC000  }
0xa5: {  	[spmem:s1] =	stream.indirect.scatter.add.f32 [tilespmem:s15], [sflag:$0x2], $0x80, s29, s17, $0xb8;
	[tilespmem:$0x18400] =	vst v63  }
0xa6: {  	_ =	swait.ge [sflag:s14], $0x4000  }
0xa7: {  	[sflag:s14] =	ssyncset.done $0x0  }
0xa8: {  	[sflag:s14] =	ssyncadd.s32 $0xFFFFC000  }
0xa9: {  	[spmem:s1] =	stream.indirect.scatter.add.f32 [tilespmem:s15], [sflag:$0x2], $0x80, s30, s17, $0xb8;
	[tilespmem:$0x18400] =	vst v63  }
0xaa: {  	_ =	swait.ge [sflag:s14], $0x4000  }
0xab: {  	[sflag:s14] =	ssyncset.done $0x0  }
0xac: {  	[sflag:s14] =	ssyncadd.s32 $0xFFFFC000  }
0xad: {  	[spmem:s1] =	stream.indirect.scatter.add.f32 [tilespmem:s15], [sflag:$0x2], $0x80, s31, s17, $0xb8;
	[tilespmem:$0x18400] =	vst v63  }
0xae: {  	_ =	swait.ge [sflag:s14], $0x4000  }
0xaf: {  	[sflag:s14] =	ssyncset.done $0x0  }
0xb0: {  	[sflag:s14] =	ssyncadd.s32 $0xFFFFC000  }
0xb1: {  	[spmem:s1] =	stream.indirect.scatter.add.f32 [tilespmem:s15], [sflag:$0x2], $0x80, s0, s17, $0xb8;
	[tilespmem:$0x18400] =	vst v63  }
.Ltmp0:
0xb2: {  	_ =	swait.ge [sflag:s14], $0x4000;
	(pc) =	sbr.rel @p0 .LBB2_2-.Ltmp0, $4  }
0xb3: {  	[sflag:s14] =	ssyncset.done $0x0  }
0xb4: {  	[sflag:s14] =	ssyncadd.s32 $0xFFFFC000  }
0xb5: {  	_ =	swait.ge [sflag:s24], $0x400  }
0xb6: {  	[sflag:s24] =	ssyncset.done $0x0  }
0xb7: {  	s2 =	sadd.s32 $0x1, s2  }
0xb8: {  	[sflag:s24] =	ssyncadd.s32 $0xFFFFFC00;
	p0 =	sne.s32 s2, s11  }
.Ltmp1:
0xb9: {  	[bflag:$0x0] =	sbarrier.arrive $0xFFFF;
	(pc) =	sbr.rel @p0 .LBB2_1-.Ltmp1, $4  }
0xba: {  	[hbm:s10], [sflag:s7] =	dma.local [spmem:s13], $0x2780  }
0xbb: {  	_ =	swait.ge [sflag:s14], $0x2780  }
0xbc: {  	[sflag:s14] =	ssyncset.done $0x0  }
0xbd: {  	[sflag:s14] =	ssyncadd.s32 $0xFFFFD880  }
0xbe: {  	_ =	sfence.sel $0x180000  }
0xbf: {  	[bflag:$0x0] =	sbarrier.arrive $0xFFFF  }
0xc0: {  	_ =	strace $0x9000004A  }
0xc1: {  	s0 =	stileid.u32;
	[bflag:$0x2] =	sbarrier.arrive $0xFFFF  }
0xc2: {  	p0 =	sne.s32 s0, $0x0;
	s0 =	rddreg [dreg:$0x2]  }
0xc3: {  	s0 =	sadd.s32 @!p0 $0x100000, s0  }
0xc4: {  	[sflag:s0] =	ssyncadd.tile.s32 @!p0 $0x1;
	_ =	shalt  }
.Lfunc_end2:
_tile_overlayer_lowered:
.L_overlay_start_2:
0xc5: {  	(tag) =	ssettag $0x2  }
0xc6: {  	s0 =	rddreg [dreg:$0x0];
	s2 =	stileid.u32  }
0xc7: {  	s1 =	rddreg [dreg:$0x1];
	p0 =	sne.s32 s2, $0x0  }
0xc8: {  	s3 =	rddreg [dreg:$0x2];
	[bflag:$0x3] =	sbarrier.arrive $0xFFFF;
	s2 =	simm.s32 @!p0 $0x1C02  }
0xc9: {  	[timem:s3], [sflag:s2] =	dma.local @!p0 [hbm:s0], s1  }
0xca: {  	s0 =	simm.s32 @!p0 $0x2  }
0xcb: {  	_ =	swait.ge @!p0 [sflag:s0], s1  }
0xcc: {  	s1 =	ssub.s32 @!p0 $0x0, s1;
	[sflag:s0] =	ssyncset.done @!p0 $0x0  }
0xcd: {  	[sflag:s0] =	ssyncadd.s32 @!p0 s1  }
0xce: {  	[bflag:$0x3] =	sbarrier.arrive $0xFFFF  }
0xcf: {  	_ =	shalt  }

</sc_bundles>
